<compile_context>
chip_gen: v7x
topology: tpu7x:2x2x1
jax: 0.10.2.dev20260603
libtpu: 0.0.44.dev20260713+nightly
codegen_flags: <defaults>
</compile_context>

<pallas_src>
import functools

import jax
import jax.numpy as jnp
from jax import lax
from jax.experimental import pallas as pl
from jax.experimental.pallas import tpu as pltpu
from jax.experimental.pallas import tpu_sc as plsc

N_CLASSES = 1000000
EMBED_DIM = 32
BATCH = 16384
FIELDS = 100

NUM_CORES = 2
NUM_SUBCORES = 16
NW = NUM_CORES * NUM_SUBCORES
BPW = BATCH // NW
LANES = 16
ETILES = EMBED_DIM // 8
BTILES = BPW // 128
NBLK = FIELDS // 4

_mesh = plsc.VectorSubcoreMesh(
    core_axis_name="c", subcore_axis_name="s",
    num_cores=NUM_CORES, num_subcores=NUM_SUBCORES)


@functools.partial(
    pl.kernel,
    mesh=_mesh,
    out_type=jax.ShapeDtypeStruct(
        (FIELDS * ETILES * (BATCH // 128) * 8 * 128,), jnp.float32),
    scratch_types=[
        pltpu.VMEM((2, 4, BPW), jnp.int32),
        pltpu.VMEM((BPW, EMBED_DIM), jnp.float32),
        pltpu.VMEM((BPW, EMBED_DIM), jnp.float32),
        pltpu.VMEM((BPW, EMBED_DIM), jnp.float32),
        pltpu.VMEM((BPW, EMBED_DIM), jnp.float32),
        pltpu.VMEM((ETILES * BTILES * 8 * 128,), jnp.float32),
        pltpu.VMEM((ETILES * BTILES * 8 * 128,), jnp.float32),
        pltpu.SemaphoreType.DMA,
        pltpu.SemaphoreType.DMA,
        pltpu.SemaphoreType.DMA,
    ],
    compiler_params=pltpu.CompilerParams(
        use_tc_tiling_on_sc=False, needs_layout_passes=False),
)
def _emb_lookup(idx_hbm, table_hbm, out_hbm,
                idx_v, rows_0, rows_1, rows_2, rows_3, t_a, t_b,
                sem_i, sem_g, sem_o):
    wid = lax.axis_index("s") * NUM_CORES + lax.axis_index("c")
    base_b = wid * BPW
    bt0 = wid * BTILES
    ar16 = jnp.arange(LANES, dtype=jnp.int32)

    fe0_vec = ((ar16 & 24) << 9) | ((ar16 & 7) << 7)

    def idx_block_src(k):
        return idx_hbm.at[pl.ds(4 * k, 4), pl.ds(base_b, BPW)]

    def fire_idx(k, p):
        pltpu.async_copy(idx_block_src(k), idx_v.at[p], sem_i)

    def drain_idx(p):
        pltpu.make_async_copy(idx_block_src(0), idx_v.at[p], sem_i).wait()

    def fire_gather(p, i, rows_v):
        pltpu.async_copy(table_hbm.at[idx_v.at[p, i]], rows_v, sem_g)

    def drain_gather(rows_v):
        pltpu.make_async_copy(
            table_hbm.at[pl.ds(0, BPW)], rows_v, sem_g).wait()

    def transpose_into(rows_v, t_v):
        def g_body(g, c):
            q = g // 8
            b_ids = g * LANES + ar16
            base_qb = q * 1024 + (g % 8) * LANES + ar16
            for blk in range(EMBED_DIM // 8):
                vals = [
                    plsc.load_gather(
                        rows_v, [b_ids, jnp.bitwise_xor(ar16, blk * 8 + i)])
                    for i in range(8)
                ]
                for i in range(8):
                    e0 = blk * 8 + i
                    fe0 = ((e0 & 24) << 9) | ((e0 & 7) << 7)
                    addr = base_qb | jnp.bitwise_xor(fe0_vec, fe0)
                    plsc.store_scatter(t_v, [addr], jnp.abs(vals[i]))
            return c
        lax.fori_loop(0, BPW // LANES, g_body, 0)

    def fire_out(t_v, f):
        for e_t in range(ETILES):
            off = ((f * ETILES + e_t) * (BATCH // 128) + bt0) * 1024
            pltpu.async_copy(t_v.at[pl.ds(e_t * 4096, 4096)],
                             out_hbm.at[pl.ds(off, 4096)], sem_o)

    def drain_out():
        for e_t in range(ETILES):
            pltpu.make_async_copy(
                t_a.at[pl.ds(e_t * 4096, 4096)],
                out_hbm.at[pl.ds(bt0 * 1024, 4096)], sem_o).wait()

    pltpu.sync_copy(idx_block_src(0), idx_v.at[0])
    fire_gather(0, 0, rows_0)
    fire_gather(0, 1, rows_1)
    fire_gather(0, 2, rows_2)

    def blk_body(k, carry):
        p = k % 2
        f0 = 4 * k

        @pl.when(k + 1 < NBLK)
        def _():
            fire_idx(k + 1, 1 - p)
        drain_gather(rows_0)
        fire_gather(p, 3, rows_3)
        @pl.when(k >= 1)
        def _():
            drain_out()
        transpose_into(rows_0, t_a)
        fire_out(t_a, f0)

        @pl.when(k + 1 < NBLK)
        def _():
            drain_idx(1 - p)
        drain_gather(rows_1)
        @pl.when(k + 1 < NBLK)
        def _():
            fire_gather(1 - p, 0, rows_0)
        @pl.when(k >= 1)
        def _():
            drain_out()
        transpose_into(rows_1, t_b)
        fire_out(t_b, f0 + 1)

        drain_gather(rows_2)
        @pl.when(k + 1 < NBLK)
        def _():
            fire_gather(1 - p, 1, rows_1)
        drain_out()
        transpose_into(rows_2, t_a)
        fire_out(t_a, f0 + 2)

        drain_gather(rows_3)
        @pl.when(k + 1 < NBLK)
        def _():
            fire_gather(1 - p, 2, rows_2)
        drain_out()
        transpose_into(rows_3, t_b)
        fire_out(t_b, f0 + 3)
        return carry

    lax.fori_loop(0, NBLK, blk_body, 0)

    drain_out()
    drain_out()


def kernel(inputs, table):
    idx_t = inputs.T.astype(jnp.int32)
    out5 = _emb_lookup(idx_t, table).reshape(
        FIELDS, ETILES, BATCH // 128, 8, 128)
    return out5.transpose((2, 4, 0, 1, 3)).reshape(BATCH, FIELDS, EMBED_DIM)

# --- scband reference (transcript-rebuilt; emitter-appended) ---
"""Pipeline reference for scband-embedder-644245095196 (READ-ONLY COPY).

The authoritative reference and input builder live on the scoring server;
editing this copy changes nothing except your own understanding.
"""

import jax, jax.numpy as jnp
import numpy as np

N_CLASSES = 1000000
EMBED_DIM = 32
BATCH = 16384
FIELDS = 100

def setup_inputs(seed: int = 0) -> dict:
    key = jax.random.key(seed)
    k_idx, k_tab = jax.random.split(key)
    inputs = jax.random.randint(k_idx, (BATCH, FIELDS), 0, N_CLASSES, dtype=jnp.int64 if jax.config.jax_enable_x64 else jnp.int32)
    table = jax.random.normal(k_tab, (N_CLASSES, EMBED_DIM), dtype=jnp.float32)
    return {"inputs": inputs, "table": table}

def reference(inputs, table):
    # Embedder.forward with normalize='none': embeds = embedding(inputs); return abs(embeds)
    embeds = jnp.take(table, inputs, axis=0)
    return jnp.abs(embeds)

if __name__ == "__main__":
    import jax
    _d = setup_inputs()
    print(jax.jit(kernel)(*tuple(_d.values())))

</pallas_src>

<mosaic_0001>
#map = affine_map<(d0, d1) -> (0, 0)>
#map1 = affine_map<(d0, d1) -> (0)>
module attributes {stable_mosaic.version = 14 : i64} {
  func.func @_emb_lookup(%arg0: i32, %arg1: i32, %arg2: memref<100x16384xi32, #tpu.memory_space<hbm>>, %arg3: memref<1000000x32xf32, #tpu.memory_space<hbm>>, %arg4: memref<52428800xf32, #tpu.memory_space<hbm>>, %arg5: memref<2x4x512xi32, #tpu.memory_space<vmem>>, %arg6: memref<512x32xf32, #tpu.memory_space<vmem>>, %arg7: memref<512x32xf32, #tpu.memory_space<vmem>>, %arg8: memref<512x32xf32, #tpu.memory_space<vmem>>, %arg9: memref<512x32xf32, #tpu.memory_space<vmem>>, %arg10: memref<16384xf32, #tpu.memory_space<vmem>>, %arg11: memref<16384xf32, #tpu.memory_space<vmem>>, %arg12: memref<!tpu.dma_semaphore, #tpu.memory_space<semaphore_mem>>, %arg13: memref<!tpu.dma_semaphore, #tpu.memory_space<semaphore_mem>>, %arg14: memref<!tpu.dma_semaphore, #tpu.memory_space<semaphore_mem>>) attributes {dimension_semantics = [#tpu.dimension_semantics<core_parallel>, #tpu.dimension_semantics<subcore_parallel>], iteration_bounds = array<i64: 2, 16>, scalar_prefetch = 0 : i64, scratch_operands = 10 : i64, tpu.core_type = #tpu.core_type<sc_vector_subcore>, window_params = [{transform_indices = #map}, {transform_indices = #map}, {transform_indices = #map1}]} {
    %mul3A = arith.constant 2 : i32
    %mul3A_0 = arith.muli %arg1, %mul3A : i32
    %add3A = arith.addi %mul3A_0, %arg0 : i32
    %mul3A_1 = arith.constant 512 : i32
    %mul3A_2 = arith.muli %add3A, %mul3A_1 : i32
    %mul3A_3 = arith.constant 4 : i32
    %mul3A_4 = arith.muli %add3A, %mul3A_3 : i32
    %iota3A = tpu.iota {dimensions = array<i32: 0>} : vector<16xi32>
    %and3A = arith.constant 24 : i32
    %and3A_5 = vector.broadcast %and3A : i32 to vector<16xi32>
    %and3A_6 = arith.andi %iota3A, %and3A_5 : vector<16xi32>
    %shift_left3A = arith.constant 9 : i32
    %shift_left3A_7 = vector.broadcast %shift_left3A : i32 to vector<16xi32>
    %shift_left3A_8 = arith.shli %and3A_6, %shift_left3A_7 : vector<16xi32>
    %and3A_9 = arith.constant 7 : i32
    %and3A_10 = vector.broadcast %and3A_9 : i32 to vector<16xi32>
    %and3A_11 = arith.andi %iota3A, %and3A_10 : vector<16xi32>
    %shift_left3A_12 = arith.constant 7 : i32
    %shift_left3A_13 = vector.broadcast %shift_left3A_12 : i32 to vector<16xi32>
    %shift_left3A_14 = arith.shli %and3A_11, %shift_left3A_13 : vector<16xi32>
    %or3A = arith.ori %shift_left3A_8, %shift_left3A_14 : vector<16xi32>
    %run_scoped3A = arith.constant 0 : i32
    "tpu.region"() ({
      %run_scoped3A_106 = tpu.sem_alloc : memref<!tpu.dma_semaphore, #tpu.memory_space<semaphore_mem>>
      %dma_start3A_107 = arith.constant 0 : i32
      %dma_start3A_108 = arith.constant 0 : i32
      %dma_start3A_109 = tpu.memref_slice %arg5[%run_scoped3A, %dma_start3A_107, %dma_start3A_108] : memref<2x4x512xi32, #tpu.memory_space<vmem>> -> memref<1x4x512xi32, #tpu.memory_space<vmem>>
      %dma_start3A_110 = tpu.memref_squeeze %dma_start3A_109 : memref<1x4x512xi32, #tpu.memory_space<vmem>> -> memref<4x512xi32, #tpu.memory_space<vmem>>
      %dma_start3A_111 = arith.constant 0 : i32
      %dma_start3A_112 = tpu.memref_slice %arg2[%dma_start3A_111, %mul3A_2] : memref<100x16384xi32, #tpu.memory_space<hbm>> -> memref<4x512xi32, #tpu.memory_space<hbm>>
      %dma_start3A_113 = arith.constant 0 : i32
      %dma_start3A_114 = arith.constant 0 : i32
      %dma_start3A_115 = tpu.memref_slice %arg5[%run_scoped3A, %dma_start3A_113, %dma_start3A_114] : memref<2x4x512xi32, #tpu.memory_space<vmem>> -> memref<1x4x512xi32, #tpu.memory_space<vmem>>
      %dma_start3A_116 = tpu.memref_squeeze %dma_start3A_115 : memref<1x4x512xi32, #tpu.memory_space<vmem>> -> memref<4x512xi32, #tpu.memory_space<vmem>>
      %dma_start3A_117 = arith.constant 0 : i32
      %dma_start3A_118 = tpu.memref_slice %arg2[%dma_start3A_117, %mul3A_2] : memref<100x16384xi32, #tpu.memory_space<hbm>> -> memref<4x512xi32, #tpu.memory_space<hbm>>
      tpu.enqueue_dma source(%dma_start3A_118 : memref<4x512xi32, #tpu.memory_space<hbm>>) target(%dma_start3A_116 : memref<4x512xi32, #tpu.memory_space<vmem>>) target_semaphore(%run_scoped3A_106 : memref<!tpu.dma_semaphore, #tpu.memory_space<semaphore_mem>>)
      %dma_wait3A_119 = arith.constant 0 : i32
      %dma_wait3A_120 = arith.constant 0 : i32
      %dma_wait3A_121 = tpu.memref_slice %arg5[%run_scoped3A, %dma_wait3A_119, %dma_wait3A_120] : memref<2x4x512xi32, #tpu.memory_space<vmem>> -> memref<1x4x512xi32, #tpu.memory_space<vmem>>
      %dma_wait3A_122 = tpu.memref_squeeze %dma_wait3A_121 : memref<1x4x512xi32, #tpu.memory_space<vmem>> -> memref<4x512xi32, #tpu.memory_space<vmem>>
      %dma_wait3A_123 = arith.constant 0 : i32
      %dma_wait3A_124 = tpu.memref_slice %arg2[%dma_wait3A_123, %mul3A_2] : memref<100x16384xi32, #tpu.memory_space<hbm>> -> memref<4x512xi32, #tpu.memory_space<hbm>>
      %dma_wait3A_125 = arith.constant 0 : i32
      %dma_wait3A_126 = arith.constant 0 : i32
      %dma_wait3A_127 = tpu.memref_slice %arg5[%run_scoped3A, %dma_wait3A_125, %dma_wait3A_126] : memref<2x4x512xi32, #tpu.memory_space<vmem>> -> memref<1x4x512xi32, #tpu.memory_space<vmem>>
      %dma_wait3A_128 = tpu.memref_squeeze %dma_wait3A_127 : memref<1x4x512xi32, #tpu.memory_space<vmem>> -> memref<4x512xi32, #tpu.memory_space<vmem>>
      %dma_wait3A_129 = arith.constant 0 : i32
      %dma_wait3A_130 = tpu.memref_slice %arg2[%dma_wait3A_129, %mul3A_2] : memref<100x16384xi32, #tpu.memory_space<hbm>> -> memref<4x512xi32, #tpu.memory_space<hbm>>
      tpu.wait_dma2 semaphore(%run_scoped3A_106 : memref<!tpu.dma_semaphore, #tpu.memory_space<semaphore_mem>>) src(%dma_wait3A_130 : memref<4x512xi32, #tpu.memory_space<hbm>>) dst(%dma_wait3A_128 : memref<4x512xi32, #tpu.memory_space<vmem>>)
      tpu.yield
    }) : () -> ()
    %dma_start3A = arith.constant 0 : i32
    %dma_start3A_15 = arith.constant 0 : i32
    %dma_start3A_16 = arith.constant 0 : i32
    %dma_start3A_17 = tpu.memref_slice %arg5[%dma_start3A, %dma_start3A_15, %dma_start3A_16] : memref<2x4x512xi32, #tpu.memory_space<vmem>> -> memref<1x1x512xi32, #tpu.memory_space<vmem>>
    %dma_start3A_18 = tpu.memref_squeeze %dma_start3A_17 : memref<1x1x512xi32, #tpu.memory_space<vmem>> -> memref<512xi32, #tpu.memory_space<vmem>>
    %dma_start3A_19 = arith.constant 0 : i32
    %dma_start3A_20 = arith.constant 0 : i32
    %dma_start3A_21 = tpu.memref_slice %arg3[%dma_start3A_19, %dma_start3A_20] : memref<1000000x32xf32, #tpu.memory_space<hbm>> -> memref<1000000x32xf32, #tpu.memory_space<hbm>>
    tpu.enqueue_indirect_dma source(%dma_start3A_21 : memref<1000000x32xf32, #tpu.memory_space<hbm>>) target(%arg6 : memref<512x32xf32, #tpu.memory_space<vmem>>) offsets(%dma_start3A_18 : memref<512xi32, #tpu.memory_space<vmem>>) semaphore(%arg13 : memref<!tpu.dma_semaphore, #tpu.memory_space<semaphore_mem>>)
    %dma_start3A_22 = arith.constant 0 : i32
    %dma_start3A_23 = arith.constant 1 : i32
    %dma_start3A_24 = arith.constant 0 : i32
    %dma_start3A_25 = tpu.memref_slice %arg5[%dma_start3A_22, %dma_start3A_23, %dma_start3A_24] : memref<2x4x512xi32, #tpu.memory_space<vmem>> -> memref<1x1x512xi32, #tpu.memory_space<vmem>>
    %dma_start3A_26 = tpu.memref_squeeze %dma_start3A_25 : memref<1x1x512xi32, #tpu.memory_space<vmem>> -> memref<512xi32, #tpu.memory_space<vmem>>
    %dma_start3A_27 = arith.constant 0 : i32
    %dma_start3A_28 = arith.constant 0 : i32
    %dma_start3A_29 = tpu.memref_slice %arg3[%dma_start3A_27, %dma_start3A_28] : memref<1000000x32xf32, #tpu.memory_space<hbm>> -> memref<1000000x32xf32, #tpu.memory_space<hbm>>
    tpu.enqueue_indirect_dma source(%dma_start3A_29 : memref<1000000x32xf32, #tpu.memory_space<hbm>>) target(%arg7 : memref<512x32xf32, #tpu.memory_space<vmem>>) offsets(%dma_start3A_26 : memref<512xi32, #tpu.memory_space<vmem>>) semaphore(%arg13 : memref<!tpu.dma_semaphore, #tpu.memory_space<semaphore_mem>>)
    %dma_start3A_30 = arith.constant 0 : i32
    %dma_start3A_31 = arith.constant 2 : i32
    %dma_start3A_32 = arith.constant 0 : i32
    %dma_start3A_33 = tpu.memref_slice %arg5[%dma_start3A_30, %dma_start3A_31, %dma_start3A_32] : memref<2x4x512xi32, #tpu.memory_space<vmem>> -> memref<1x1x512xi32, #tpu.memory_space<vmem>>
    %dma_start3A_34 = tpu.memref_squeeze %dma_start3A_33 : memref<1x1x512xi32, #tpu.memory_space<vmem>> -> memref<512xi32, #tpu.memory_space<vmem>>
    %dma_start3A_35 = arith.constant 0 : i32
    %dma_start3A_36 = arith.constant 0 : i32
    %dma_start3A_37 = tpu.memref_slice %arg3[%dma_start3A_35, %dma_start3A_36] : memref<1000000x32xf32, #tpu.memory_space<hbm>> -> memref<1000000x32xf32, #tpu.memory_space<hbm>>
    tpu.enqueue_indirect_dma source(%dma_start3A_37 : memref<1000000x32xf32, #tpu.memory_space<hbm>>) target(%arg8 : memref<512x32xf32, #tpu.memory_space<vmem>>) offsets(%dma_start3A_34 : memref<512xi32, #tpu.memory_space<vmem>>) semaphore(%arg13 : memref<!tpu.dma_semaphore, #tpu.memory_space<semaphore_mem>>)
    %scan3A = arith.constant 0 : i32
    %scan3A_38 = arith.constant 0 : i32
    %scan3A_39 = arith.constant 25 : i32
    %scan3A_40 = arith.addi %scan3A_38, %scan3A_39 : i32
    %scan3A_41 = arith.constant 1 : i32
    scf.for %scan3A_106 = %scan3A_38 to %scan3A_40 step %scan3A_41  : i32 {
      %jit3A = arith.constant 2 : i32
      %eq3A = arith.constant 0 : i32
      %eq3A_107 = arith.cmpi eq, %jit3A, %eq3A : i32
      %jit3A_108 = arith.constant 1 : i32
      %select_n3A = arith.select %eq3A_107, %jit3A_108, %jit3A : i32
      %rem3A = arith.remsi %scan3A_106, %select_n3A : i32
      %ne3A = arith.constant 0 : i32
      %ne3A_109 = arith.cmpi ne, %rem3A, %ne3A : i32
      %lt3A = arith.constant 0 : i32
      %lt3A_110 = arith.cmpi slt, %rem3A, %lt3A : i32
      %lt3A_111 = arith.constant 0 : i32
      %lt3A_112 = arith.cmpi slt, %select_n3A, %lt3A_111 : i32
      %ne3A_113 = arith.xori %lt3A_110, %lt3A_112 : i1
      %and3A_114 = arith.andi %ne3A_113, %ne3A_109 : i1
      %add3A_115 = arith.addi %rem3A, %select_n3A : i32
      %select_n3A_116 = arith.select %and3A_114, %add3A_115, %rem3A : i32
      %mul3A_117 = arith.constant 4 : i32
      %mul3A_118 = arith.muli %mul3A_117, %scan3A_106 : i32
      %add3A_119 = arith.constant 1 : i32
      %add3A_120 = arith.addi %scan3A_106, %add3A_119 : i32
      %lt3A_121 = arith.constant 25 : i32
      %lt3A_122 = arith.cmpi slt, %add3A_120, %lt3A_121 : i32
      %convert_element_type3A = arith.extui %lt3A_122 : i1 to i32
      %cond3A = arith.constant 0 : i32
      %cond3A_123 = arith.cmpi ne, %convert_element_type3A, %cond3A : i32
      scf.if %cond3A_123 {
        %add3A_526 = arith.constant 1 : i32
        %add3A_527 = arith.addi %scan3A_106, %add3A_526 : i32
        %sub3A = arith.constant 1 : i32
        %sub3A_528 = arith.subi %sub3A, %select_n3A_116 : i32
        %mul3A_529 = arith.constant 4 : i32
        %mul3A_530 = arith.muli %mul3A_529, %add3A_527 : i32
        %dma_start3A_531 = arith.constant 0 : i32
        %dma_start3A_532 = arith.constant 0 : i32
        %dma_start3A_533 = tpu.memref_slice %arg5[%sub3A_528, %dma_start3A_531, %dma_start3A_532] : memref<2x4x512xi32, #tpu.memory_space<vmem>> -> memref<1x4x512xi32, #tpu.memory_space<vmem>>
        %dma_start3A_534 = tpu.memref_squeeze %dma_start3A_533 : memref<1x4x512xi32, #tpu.memory_space<vmem>> -> memref<4x512xi32, #tpu.memory_space<vmem>>
        %dma_start3A_535 = tpu.memref_slice %arg2[%mul3A_530, %mul3A_2] : memref<100x16384xi32, #tpu.memory_space<hbm>> -> memref<4x512xi32, #tpu.memory_space<hbm>>
        %dma_start3A_536 = arith.constant 0 : i32
        %dma_start3A_537 = arith.constant 0 : i32
        %dma_start3A_538 = tpu.memref_slice %arg5[%sub3A_528, %dma_start3A_536, %dma_start3A_537] : memref<2x4x512xi32, #tpu.memory_space<vmem>> -> memref<1x4x512xi32, #tpu.memory_space<vmem>>
        %dma_start3A_539 = tpu.memref_squeeze %dma_start3A_538 : memref<1x4x512xi32, #tpu.memory_space<vmem>> -> memref<4x512xi32, #tpu.memory_space<vmem>>
        %dma_start3A_540 = tpu.memref_slice %arg2[%mul3A_530, %mul3A_2] : memref<100x16384xi32, #tpu.memory_space<hbm>> -> memref<4x512xi32, #tpu.memory_space<hbm>>
        tpu.enqueue_dma source(%dma_start3A_540 : memref<4x512xi32, #tpu.memory_space<hbm>>) target(%dma_start3A_539 : memref<4x512xi32, #tpu.memory_space<vmem>>) target_semaphore(%arg12 : memref<!tpu.dma_semaphore, #tpu.memory_space<semaphore_mem>>)
      } else {
      }
      %dma_wait3A_124 = arith.constant 0 : i32
      %dma_wait3A_125 = arith.constant 0 : i32
      %dma_wait3A_126 = tpu.memref_slice %arg3[%dma_wait3A_124, %dma_wait3A_125] : memref<1000000x32xf32, #tpu.memory_space<hbm>> -> memref<512x32xf32, #tpu.memory_space<hbm>>
      %dma_wait3A_127 = arith.constant 0 : i32
      %dma_wait3A_128 = arith.constant 0 : i32
      %dma_wait3A_129 = tpu.memref_slice %arg3[%dma_wait3A_127, %dma_wait3A_128] : memref<1000000x32xf32, #tpu.memory_space<hbm>> -> memref<512x32xf32, #tpu.memory_space<hbm>>
      tpu.wait_dma2 semaphore(%arg13 : memref<!tpu.dma_semaphore, #tpu.memory_space<semaphore_mem>>) src(%dma_wait3A_129 : memref<512x32xf32, #tpu.memory_space<hbm>>) dst(%arg6 : memref<512x32xf32, #tpu.memory_space<vmem>>)
      %dma_start3A_130 = arith.constant 3 : i32
      %dma_start3A_131 = arith.constant 0 : i32
      %dma_start3A_132 = tpu.memref_slice %arg5[%select_n3A_116, %dma_start3A_130, %dma_start3A_131] : memref<2x4x512xi32, #tpu.memory_space<vmem>> -> memref<1x1x512xi32, #tpu.memory_space<vmem>>
      %dma_start3A_133 = tpu.memref_squeeze %dma_start3A_132 : memref<1x1x512xi32, #tpu.memory_space<vmem>> -> memref<512xi32, #tpu.memory_space<vmem>>
      %dma_start3A_134 = arith.constant 0 : i32
      %dma_start3A_135 = arith.constant 0 : i32
      %dma_start3A_136 = tpu.memref_slice %arg3[%dma_start3A_134, %dma_start3A_135] : memref<1000000x32xf32, #tpu.memory_space<hbm>> -> memref<1000000x32xf32, #tpu.memory_space<hbm>>
      tpu.enqueue_indirect_dma source(%dma_start3A_136 : memref<1000000x32xf32, #tpu.memory_space<hbm>>) target(%arg9 : memref<512x32xf32, #tpu.memory_space<vmem>>) offsets(%dma_start3A_133 : memref<512xi32, #tpu.memory_space<vmem>>) semaphore(%arg13 : memref<!tpu.dma_semaphore, #tpu.memory_space<semaphore_mem>>)
      %ge3A = arith.constant 1 : i32
      %ge3A_137 = arith.cmpi sge, %scan3A_106, %ge3A : i32
      %convert_element_type3A_138 = arith.extui %ge3A_137 : i1 to i32
      %cond3A_139 = arith.constant 0 : i32
      %cond3A_140 = arith.cmpi ne, %convert_element_type3A_138, %cond3A_139 : i32
      scf.if %cond3A_140 {
        %mul3A_526 = arith.constant 1024 : i32
        %mul3A_527 = arith.muli %mul3A_4, %mul3A_526 : i32
        %dma_wait3A_528 = arith.constant 0 : i32
        %dma_wait3A_529 = tpu.memref_slice %arg10[%dma_wait3A_528] : memref<16384xf32, #tpu.memory_space<vmem>> -> memref<4096xf32, #tpu.memory_space<vmem>>
        %dma_wait3A_530 = tpu.memref_slice %arg4[%mul3A_527] : memref<52428800xf32, #tpu.memory_space<hbm>> -> memref<4096xf32, #tpu.memory_space<hbm>>
        %dma_wait3A_531 = tpu.memref_slice %arg4[%mul3A_527] : memref<52428800xf32, #tpu.memory_space<hbm>> -> memref<4096xf32, #tpu.memory_space<hbm>>
        %dma_wait3A_532 = arith.constant 0 : i32
        %dma_wait3A_533 = tpu.memref_slice %arg10[%dma_wait3A_532] : memref<16384xf32, #tpu.memory_space<vmem>> -> memref<4096xf32, #tpu.memory_space<vmem>>
        tpu.wait_dma2 semaphore(%arg14 : memref<!tpu.dma_semaphore, #tpu.memory_space<semaphore_mem>>) src(%dma_wait3A_533 : memref<4096xf32, #tpu.memory_space<vmem>>) dst(%dma_wait3A_531 : memref<4096xf32, #tpu.memory_space<hbm>>)
        %mul3A_534 = arith.constant 1024 : i32
        %mul3A_535 = arith.muli %mul3A_4, %mul3A_534 : i32
        %dma_wait3A_536 = arith.constant 4096 : i32
        %dma_wait3A_537 = tpu.memref_slice %arg10[%dma_wait3A_536] : memref<16384xf32, #tpu.memory_space<vmem>> -> memref<4096xf32, #tpu.memory_space<vmem>>
        %dma_wait3A_538 = tpu.memref_slice %arg4[%mul3A_535] : memref<52428800xf32, #tpu.memory_space<hbm>> -> memref<4096xf32, #tpu.memory_space<hbm>>
        %dma_wait3A_539 = tpu.memref_slice %arg4[%mul3A_535] : memref<52428800xf32, #tpu.memory_space<hbm>> -> memref<4096xf32, #tpu.memory_space<hbm>>
        %dma_wait3A_540 = arith.constant 4096 : i32
        %dma_wait3A_541 = tpu.memref_slice %arg10[%dma_wait3A_540] : memref<16384xf32, #tpu.memory_space<vmem>> -> memref<4096xf32, #tpu.memory_space<vmem>>
        tpu.wait_dma2 semaphore(%arg14 : memref<!tpu.dma_semaphore, #tpu.memory_space<semaphore_mem>>) src(%dma_wait3A_541 : memref<4096xf32, #tpu.memory_space<vmem>>) dst(%dma_wait3A_539 : memref<4096xf32, #tpu.memory_space<hbm>>)
        %mul3A_542 = arith.constant 1024 : i32
        %mul3A_543 = arith.muli %mul3A_4, %mul3A_542 : i32
        %dma_wait3A_544 = arith.constant 8192 : i32
        %dma_wait3A_545 = tpu.memref_slice %arg10[%dma_wait3A_544] : memref<16384xf32, #tpu.memory_space<vmem>> -> memref<4096xf32, #tpu.memory_space<vmem>>
        %dma_wait3A_546 = tpu.memref_slice %arg4[%mul3A_543] : memref<52428800xf32, #tpu.memory_space<hbm>> -> memref<4096xf32, #tpu.memory_space<hbm>>
        %dma_wait3A_547 = tpu.memref_slice %arg4[%mul3A_543] : memref<52428800xf32, #tpu.memory_space<hbm>> -> memref<4096xf32, #tpu.memory_space<hbm>>
        %dma_wait3A_548 = arith.constant 8192 : i32
        %dma_wait3A_549 = tpu.memref_slice %arg10[%dma_wait3A_548] : memref<16384xf32, #tpu.memory_space<vmem>> -> memref<4096xf32, #tpu.memory_space<vmem>>
        tpu.wait_dma2 semaphore(%arg14 : memref<!tpu.dma_semaphore, #tpu.memory_space<semaphore_mem>>) src(%dma_wait3A_549 : memref<4096xf32, #tpu.memory_space<vmem>>) dst(%dma_wait3A_547 : memref<4096xf32, #tpu.memory_space<hbm>>)
        %mul3A_550 = arith.constant 1024 : i32
        %mul3A_551 = arith.muli %mul3A_4, %mul3A_550 : i32
        %dma_wait3A_552 = arith.constant 12288 : i32
        %dma_wait3A_553 = tpu.memref_slice %arg10[%dma_wait3A_552] : memref<16384xf32, #tpu.memory_space<vmem>> -> memref<4096xf32, #tpu.memory_space<vmem>>
        %dma_wait3A_554 = tpu.memref_slice %arg4[%mul3A_551] : memref<52428800xf32, #tpu.memory_space<hbm>> -> memref<4096xf32, #tpu.memory_space<hbm>>
        %dma_wait3A_555 = tpu.memref_slice %arg4[%mul3A_551] : memref<52428800xf32, #tpu.memory_space<hbm>> -> memref<4096xf32, #tpu.memory_space<hbm>>
        %dma_wait3A_556 = arith.constant 12288 : i32
        %dma_wait3A_557 = tpu.memref_slice %arg10[%dma_wait3A_556] : memref<16384xf32, #tpu.memory_space<vmem>> -> memref<4096xf32, #tpu.memory_space<vmem>>
        tpu.wait_dma2 semaphore(%arg14 : memref<!tpu.dma_semaphore, #tpu.memory_space<semaphore_mem>>) src(%dma_wait3A_557 : memref<4096xf32, #tpu.memory_space<vmem>>) dst(%dma_wait3A_555 : memref<4096xf32, #tpu.memory_space<hbm>>)
      } else {
      }
      %scan3A_141 = arith.constant 0 : i32
      %scan3A_142 = arith.constant 0 : i32
      %scan3A_143 = arith.constant 32 : i32
      %scan3A_144 = arith.addi %scan3A_142, %scan3A_143 : i32
      %scan3A_145 = arith.constant 1 : i32
      scf.for %scan3A_526 = %scan3A_142 to %scan3A_144 step %scan3A_145  : i32 {
        %jit3A_527 = arith.constant 8 : i32
        %div3A = arith.divsi %scan3A_526, %jit3A_527 : i32
        %sign3A = arith.constant 0 : i32
        %sign3A_528 = arith.cmpi sgt, %scan3A_526, %sign3A : i32
        %sign3A_529 = arith.extui %sign3A_528 : i1 to i32
        %sign3A_530 = arith.constant 0 : i32
        %sign3A_531 = arith.cmpi slt, %scan3A_526, %sign3A_530 : i32
        %sign3A_532 = arith.extui %sign3A_531 : i1 to i32
        %sign3A_533 = arith.subi %sign3A_529, %sign3A_532 : i32
        %sign3A_534 = arith.constant 0 : i32
        %sign3A_535 = arith.cmpi sgt, %jit3A_527, %sign3A_534 : i32
        %sign3A_536 = arith.extui %sign3A_535 : i1 to i32
        %sign3A_537 = arith.constant 0 : i32
        %sign3A_538 = arith.cmpi slt, %jit3A_527, %sign3A_537 : i32
        %sign3A_539 = arith.extui %sign3A_538 : i1 to i32
        %sign3A_540 = arith.subi %sign3A_536, %sign3A_539 : i32
        %ne3A_541 = arith.cmpi ne, %sign3A_533, %sign3A_540 : i32
        %rem3A_542 = arith.remsi %scan3A_526, %jit3A_527 : i32
        %ne3A_543 = arith.constant 0 : i32
        %ne3A_544 = arith.cmpi ne, %rem3A_542, %ne3A_543 : i32
        %and3A_545 = arith.andi %ne3A_541, %ne3A_544 : i1
        %sub3A = arith.constant 1 : i32
        %sub3A_546 = arith.subi %div3A, %sub3A : i32
        %select_n3A_547 = arith.select %and3A_545, %sub3A_546, %div3A : i32
        %mul3A_548 = arith.constant 16 : i32
        %mul3A_549 = arith.muli %scan3A_526, %mul3A_548 : i32
        %add3A_550 = vector.broadcast %mul3A_549 : i32 to vector<16xi32>
        %add3A_551 = arith.addi %add3A_550, %iota3A : vector<16xi32>
        %mul3A_552 = arith.constant 1024 : i32
        %mul3A_553 = arith.muli %select_n3A_547, %mul3A_552 : i32
        %jit3A_554 = arith.constant 8 : i32
        %eq3A_555 = arith.constant 0 : i32
        %eq3A_556 = arith.cmpi eq, %jit3A_554, %eq3A_555 : i32
        %jit3A_557 = arith.constant 1 : i32
        %select_n3A_558 = arith.select %eq3A_556, %jit3A_557, %jit3A_554 : i32
        %rem3A_559 = arith.remsi %scan3A_526, %select_n3A_558 : i32
        %ne3A_560 = arith.constant 0 : i32
        %ne3A_561 = arith.cmpi ne, %rem3A_559, %ne3A_560 : i32
        %lt3A_562 = arith.constant 0 : i32
        %lt3A_563 = arith.cmpi slt, %rem3A_559, %lt3A_562 : i32
        %lt3A_564 = arith.constant 0 : i32
        %lt3A_565 = arith.cmpi slt, %select_n3A_558, %lt3A_564 : i32
        %ne3A_566 = arith.xori %lt3A_563, %lt3A_565 : i1
        %and3A_567 = arith.andi %ne3A_566, %ne3A_561 : i1
        %add3A_568 = arith.addi %rem3A_559, %select_n3A_558 : i32
        %select_n3A_569 = arith.select %and3A_567, %add3A_568, %rem3A_559 : i32
        %mul3A_570 = arith.constant 16 : i32
        %mul3A_571 = arith.muli %select_n3A_569, %mul3A_570 : i32
        %add3A_572 = arith.addi %mul3A_553, %mul3A_571 : i32
        %add3A_573 = vector.broadcast %add3A_572 : i32 to vector<16xi32>
        %add3A_574 = arith.addi %add3A_573, %iota3A : vector<16xi32>
        %xor3A = arith.constant 0 : i32
        %xor3A_575 = vector.broadcast %xor3A : i32 to vector<16xi32>
        %xor3A_576 = arith.xori %iota3A, %xor3A_575 : vector<16xi32>
        %gather3A = tpu.vector_load_idx %arg6[%add3A_551, %xor3A_576] : memref<512x32xf32, #tpu.memory_space<vmem>>[vector<16xi32>, vector<16xi32>], vector<16xf32>,
        %xor3A_577 = arith.constant 1 : i32
        %xor3A_578 = vector.broadcast %xor3A_577 : i32 to vector<16xi32>
        %xor3A_579 = arith.xori %iota3A, %xor3A_578 : vector<16xi32>
        %gather3A_580 = tpu.vector_load_idx %arg6[%add3A_551, %xor3A_579] : memref<512x32xf32, #tpu.memory_space<vmem>>[vector<16xi32>, vector<16xi32>], vector<16xf32>,
        %xor3A_581 = arith.constant 2 : i32
        %xor3A_582 = vector.broadcast %xor3A_581 : i32 to vector<16xi32>
        %xor3A_583 = arith.xori %iota3A, %xor3A_582 : vector<16xi32>
        %gather3A_584 = tpu.vector_load_idx %arg6[%add3A_551, %xor3A_583] : memref<512x32xf32, #tpu.memory_space<vmem>>[vector<16xi32>, vector<16xi32>], vector<16xf32>,
        %xor3A_585 = arith.constant 3 : i32
        %xor3A_586 = vector.broadcast %xor3A_585 : i32 to vector<16xi32>
        %xor3A_587 = arith.xori %iota3A, %xor3A_586 : vector<16xi32>
        %gather3A_588 = tpu.vector_load_idx %arg6[%add3A_551, %xor3A_587] : memref<512x32xf32, #tpu.memory_space<vmem>>[vector<16xi32>, vector<16xi32>], vector<16xf32>,
        %xor3A_589 = arith.constant 4 : i32
        %xor3A_590 = vector.broadcast %xor3A_589 : i32 to vector<16xi32>
        %xor3A_591 = arith.xori %iota3A, %xor3A_590 : vector<16xi32>
        %gather3A_592 = tpu.vector_load_idx %arg6[%add3A_551, %xor3A_591] : memref<512x32xf32, #tpu.memory_space<vmem>>[vector<16xi32>, vector<16xi32>], vector<16xf32>,
        %xor3A_593 = arith.constant 5 : i32
        %xor3A_594 = vector.broadcast %xor3A_593 : i32 to vector<16xi32>
        %xor3A_595 = arith.xori %iota3A, %xor3A_594 : vector<16xi32>
        %gather3A_596 = tpu.vector_load_idx %arg6[%add3A_551, %xor3A_595] : memref<512x32xf32, #tpu.memory_space<vmem>>[vector<16xi32>, vector<16xi32>], vector<16xf32>,
        %xor3A_597 = arith.constant 6 : i32
        %xor3A_598 = vector.broadcast %xor3A_597 : i32 to vector<16xi32>
        %xor3A_599 = arith.xori %iota3A, %xor3A_598 : vector<16xi32>
        %gather3A_600 = tpu.vector_load_idx %arg6[%add3A_551, %xor3A_599] : memref<512x32xf32, #tpu.memory_space<vmem>>[vector<16xi32>, vector<16xi32>], vector<16xf32>,
        %xor3A_601 = arith.constant 7 : i32
        %xor3A_602 = vector.broadcast %xor3A_601 : i32 to vector<16xi32>
        %xor3A_603 = arith.xori %iota3A, %xor3A_602 : vector<16xi32>
        %gather3A_604 = tpu.vector_load_idx %arg6[%add3A_551, %xor3A_603] : memref<512x32xf32, #tpu.memory_space<vmem>>[vector<16xi32>, vector<16xi32>], vector<16xf32>,
        %xor3A_605 = arith.constant 0 : i32
        %xor3A_606 = vector.broadcast %xor3A_605 : i32 to vector<16xi32>
        %xor3A_607 = arith.xori %or3A, %xor3A_606 : vector<16xi32>
        %or3A_608 = arith.ori %add3A_574, %xor3A_607 : vector<16xi32>
        %abs3A = math.absf %gather3A : vector<16xf32>
        tpu.vector_store_idx %arg10[%or3A_608], %abs3A : memref<16384xf32, #tpu.memory_space<vmem>>[vector<16xi32>], vector<16xf32>,
        %xor3A_609 = arith.constant 128 : i32
        %xor3A_610 = vector.broadcast %xor3A_609 : i32 to vector<16xi32>
        %xor3A_611 = arith.xori %or3A, %xor3A_610 : vector<16xi32>
        %or3A_612 = arith.ori %add3A_574, %xor3A_611 : vector<16xi32>
        %abs3A_613 = math.absf %gather3A_580 : vector<16xf32>
        tpu.vector_store_idx %arg10[%or3A_612], %abs3A_613 : memref<16384xf32, #tpu.memory_space<vmem>>[vector<16xi32>], vector<16xf32>,
        %xor3A_614 = arith.constant 256 : i32
        %xor3A_615 = vector.broadcast %xor3A_614 : i32 to vector<16xi32>
        %xor3A_616 = arith.xori %or3A, %xor3A_615 : vector<16xi32>
        %or3A_617 = arith.ori %add3A_574, %xor3A_616 : vector<16xi32>
        %abs3A_618 = math.absf %gather3A_584 : vector<16xf32>
        tpu.vector_store_idx %arg10[%or3A_617], %abs3A_618 : memref<16384xf32, #tpu.memory_space<vmem>>[vector<16xi32>], vector<16xf32>,
        %xor3A_619 = arith.constant 384 : i32
        %xor3A_620 = vector.broadcast %xor3A_619 : i32 to vector<16xi32>
        %xor3A_621 = arith.xori %or3A, %xor3A_620 : vector<16xi32>
        %or3A_622 = arith.ori %add3A_574, %xor3A_621 : vector<16xi32>
        %abs3A_623 = math.absf %gather3A_588 : vector<16xf32>
        tpu.vector_store_idx %arg10[%or3A_622], %abs3A_623 : memref<16384xf32, #tpu.memory_space<vmem>>[vector<16xi32>], vector<16xf32>,
        %xor3A_624 = arith.constant 512 : i32
        %xor3A_625 = vector.broadcast %xor3A_624 : i32 to vector<16xi32>
        %xor3A_626 = arith.xori %or3A, %xor3A_625 : vector<16xi32>
        %or3A_627 = arith.ori %add3A_574, %xor3A_626 : vector<16xi32>
        %abs3A_628 = math.absf %gather3A_592 : vector<16xf32>
        tpu.vector_store_idx %arg10[%or3A_627], %abs3A_628 : memref<16384xf32, #tpu.memory_space<vmem>>[vector<16xi32>], vector<16xf32>,
        %xor3A_629 = arith.constant 640 : i32
        %xor3A_630 = vector.broadcast %xor3A_629 : i32 to vector<16xi32>
        %xor3A_631 = arith.xori %or3A, %xor3A_630 : vector<16xi32>
        %or3A_632 = arith.ori %add3A_574, %xor3A_631 : vector<16xi32>
        %abs3A_633 = math.absf %gather3A_596 : vector<16xf32>
        tpu.vector_store_idx %arg10[%or3A_632], %abs3A_633 : memref<16384xf32, #tpu.memory_space<vmem>>[vector<16xi32>], vector<16xf32>,
        %xor3A_634 = arith.constant 768 : i32
        %xor3A_635 = vector.broadcast %xor3A_634 : i32 to vector<16xi32>
        %xor3A_636 = arith.xori %or3A, %xor3A_635 : vector<16xi32>
        %or3A_637 = arith.ori %add3A_574, %xor3A_636 : vector<16xi32>
        %abs3A_638 = math.absf %gather3A_600 : vector<16xf32>
        tpu.vector_store_idx %arg10[%or3A_637], %abs3A_638 : memref<16384xf32, #tpu.memory_space<vmem>>[vector<16xi32>], vector<16xf32>,
        %xor3A_639 = arith.constant 896 : i32
        %xor3A_640 = vector.broadcast %xor3A_639 : i32 to vector<16xi32>
        %xor3A_641 = arith.xori %or3A, %xor3A_640 : vector<16xi32>
        %or3A_642 = arith.ori %add3A_574, %xor3A_641 : vector<16xi32>
        %abs3A_643 = math.absf %gather3A_604 : vector<16xf32>
        tpu.vector_store_idx %arg10[%or3A_642], %abs3A_643 : memref<16384xf32, #tpu.memory_space<vmem>>[vector<16xi32>], vector<16xf32>,
        %xor3A_644 = arith.constant 8 : i32
        %xor3A_645 = vector.broadcast %xor3A_644 : i32 to vector<16xi32>
        %xor3A_646 = arith.xori %iota3A, %xor3A_645 : vector<16xi32>
        %gather3A_647 = tpu.vector_load_idx %arg6[%add3A_551, %xor3A_646] : memref<512x32xf32, #tpu.memory_space<vmem>>[vector<16xi32>, vector<16xi32>], vector<16xf32>,
        %xor3A_648 = arith.constant 9 : i32
        %xor3A_649 = vector.broadcast %xor3A_648 : i32 to vector<16xi32>
        %xor3A_650 = arith.xori %iota3A, %xor3A_649 : vector<16xi32>
        %gather3A_651 = tpu.vector_load_idx %arg6[%add3A_551, %xor3A_650] : memref<512x32xf32, #tpu.memory_space<vmem>>[vector<16xi32>, vector<16xi32>], vector<16xf32>,
        %xor3A_652 = arith.constant 10 : i32
        %xor3A_653 = vector.broadcast %xor3A_652 : i32 to vector<16xi32>
        %xor3A_654 = arith.xori %iota3A, %xor3A_653 : vector<16xi32>
        %gather3A_655 = tpu.vector_load_idx %arg6[%add3A_551, %xor3A_654] : memref<512x32xf32, #tpu.memory_space<vmem>>[vector<16xi32>, vector<16xi32>], vector<16xf32>,
        %xor3A_656 = arith.constant 11 : i32
        %xor3A_657 = vector.broadcast %xor3A_656 : i32 to vector<16xi32>
        %xor3A_658 = arith.xori %iota3A, %xor3A_657 : vector<16xi32>
        %gather3A_659 = tpu.vector_load_idx %arg6[%add3A_551, %xor3A_658] : memref<512x32xf32, #tpu.memory_space<vmem>>[vector<16xi32>, vector<16xi32>], vector<16xf32>,
        %xor3A_660 = arith.constant 12 : i32
        %xor3A_661 = vector.broadcast %xor3A_660 : i32 to vector<16xi32>
        %xor3A_662 = arith.xori %iota3A, %xor3A_661 : vector<16xi32>
        %gather3A_663 = tpu.vector_load_idx %arg6[%add3A_551, %xor3A_662] : memref<512x32xf32, #tpu.memory_space<vmem>>[vector<16xi32>, vector<16xi32>], vector<16xf32>,
        %xor3A_664 = arith.constant 13 : i32
        %xor3A_665 = vector.broadcast %xor3A_664 : i32 to vector<16xi32>
        %xor3A_666 = arith.xori %iota3A, %xor3A_665 : vector<16xi32>
        %gather3A_667 = tpu.vector_load_idx %arg6[%add3A_551, %xor3A_666] : memref<512x32xf32, #tpu.memory_space<vmem>>[vector<16xi32>, vector<16xi32>], vector<16xf32>,
        %xor3A_668 = arith.constant 14 : i32
        %xor3A_669 = vector.broadcast %xor3A_668 : i32 to vector<16xi32>
        %xor3A_670 = arith.xori %iota3A, %xor3A_669 : vector<16xi32>
        %gather3A_671 = tpu.vector_load_idx %arg6[%add3A_551, %xor3A_670] : memref<512x32xf32, #tpu.memory_space<vmem>>[vector<16xi32>, vector<16xi32>], vector<16xf32>,
        %xor3A_672 = arith.constant 15 : i32
        %xor3A_673 = vector.broadcast %xor3A_672 : i32 to vector<16xi32>
        %xor3A_674 = arith.xori %iota3A, %xor3A_673 : vector<16xi32>
        %gather3A_675 = tpu.vector_load_idx %arg6[%add3A_551, %xor3A_674] : memref<512x32xf32, #tpu.memory_space<vmem>>[vector<16xi32>, vector<16xi32>], vector<16xf32>,
        %xor3A_676 = arith.constant 4096 : i32
        %xor3A_677 = vector.broadcast %xor3A_676 : i32 to vector<16xi32>
        %xor3A_678 = arith.xori %or3A, %xor3A_677 : vector<16xi32>
        %or3A_679 = arith.ori %add3A_574, %xor3A_678 : vector<16xi32>
        %abs3A_680 = math.absf %gather3A_647 : vector<16xf32>
        tpu.vector_store_idx %arg10[%or3A_679], %abs3A_680 : memref<16384xf32, #tpu.memory_space<vmem>>[vector<16xi32>], vector<16xf32>,
        %xor3A_681 = arith.constant 4224 : i32
        %xor3A_682 = vector.broadcast %xor3A_681 : i32 to vector<16xi32>
        %xor3A_683 = arith.xori %or3A, %xor3A_682 : vector<16xi32>
        %or3A_684 = arith.ori %add3A_574, %xor3A_683 : vector<16xi32>
        %abs3A_685 = math.absf %gather3A_651 : vector<16xf32>
        tpu.vector_store_idx %arg10[%or3A_684], %abs3A_685 : memref<16384xf32, #tpu.memory_space<vmem>>[vector<16xi32>], vector<16xf32>,
        %xor3A_686 = arith.constant 4352 : i32
        %xor3A_687 = vector.broadcast %xor3A_686 : i32 to vector<16xi32>
        %xor3A_688 = arith.xori %or3A, %xor3A_687 : vector<16xi32>
        %or3A_689 = arith.ori %add3A_574, %xor3A_688 : vector<16xi32>
        %abs3A_690 = math.absf %gather3A_655 : vector<16xf32>
        tpu.vector_store_idx %arg10[%or3A_689], %abs3A_690 : memref<16384xf32, #tpu.memory_space<vmem>>[vector<16xi32>], vector<16xf32>,
        %xor3A_691 = arith.constant 4480 : i32
        %xor3A_692 = vector.broadcast %xor3A_691 : i32 to vector<16xi32>
        %xor3A_693 = arith.xori %or3A, %xor3A_692 : vector<16xi32>
        %or3A_694 = arith.ori %add3A_574, %xor3A_693 : vector<16xi32>
        %abs3A_695 = math.absf %gather3A_659 : vector<16xf32>
        tpu.vector_store_idx %arg10[%or3A_694], %abs3A_695 : memref<16384xf32, #tpu.memory_space<vmem>>[vector<16xi32>], vector<16xf32>,
        %xor3A_696 = arith.constant 4608 : i32
        %xor3A_697 = vector.broadcast %xor3A_696 : i32 to vector<16xi32>
        %xor3A_698 = arith.xori %or3A, %xor3A_697 : vector<16xi32>
        %or3A_699 = arith.ori %add3A_574, %xor3A_698 : vector<16xi32>
        %abs3A_700 = math.absf %gather3A_663 : vector<16xf32>
        tpu.vector_store_idx %arg10[%or3A_699], %abs3A_700 : memref<16384xf32, #tpu.memory_space<vmem>>[vector<16xi32>], vector<16xf32>,
        %xor3A_701 = arith.constant 4736 : i32
        %xor3A_702 = vector.broadcast %xor3A_701 : i32 to vector<16xi32>
        %xor3A_703 = arith.xori %or3A, %xor3A_702 : vector<16xi32>
        %or3A_704 = arith.ori %add3A_574, %xor3A_703 : vector<16xi32>
        %abs3A_705 = math.absf %gather3A_667 : vector<16xf32>
        tpu.vector_store_idx %arg10[%or3A_704], %abs3A_705 : memref<16384xf32, #tpu.memory_space<vmem>>[vector<16xi32>], vector<16xf32>,
        %xor3A_706 = arith.constant 4864 : i32
        %xor3A_707 = vector.broadcast %xor3A_706 : i32 to vector<16xi32>
        %xor3A_708 = arith.xori %or3A, %xor3A_707 : vector<16xi32>
        %or3A_709 = arith.ori %add3A_574, %xor3A_708 : vector<16xi32>
        %abs3A_710 = math.absf %gather3A_671 : vector<16xf32>
        tpu.vector_store_idx %arg10[%or3A_709], %abs3A_710 : memref<16384xf32, #tpu.memory_space<vmem>>[vector<16xi32>], vector<16xf32>,
        %xor3A_711 = arith.constant 4992 : i32
        %xor3A_712 = vector.broadcast %xor3A_711 : i32 to vector<16xi32>
        %xor3A_713 = arith.xori %or3A, %xor3A_712 : vector<16xi32>
        %or3A_714 = arith.ori %add3A_574, %xor3A_713 : vector<16xi32>
        %abs3A_715 = math.absf %gather3A_675 : vector<16xf32>
        tpu.vector_store_idx %arg10[%or3A_714], %abs3A_715 : memref<16384xf32, #tpu.memory_space<vmem>>[vector<16xi32>], vector<16xf32>,
        %xor3A_716 = arith.constant 16 : i32
        %xor3A_717 = vector.broadcast %xor3A_716 : i32 to vector<16xi32>
        %xor3A_718 = arith.xori %iota3A, %xor3A_717 : vector<16xi32>
        %gather3A_719 = tpu.vector_load_idx %arg6[%add3A_551, %xor3A_718] : memref<512x32xf32, #tpu.memory_space<vmem>>[vector<16xi32>, vector<16xi32>], vector<16xf32>,
        %xor3A_720 = arith.constant 17 : i32
        %xor3A_721 = vector.broadcast %xor3A_720 : i32 to vector<16xi32>
        %xor3A_722 = arith.xori %iota3A, %xor3A_721 : vector<16xi32>
        %gather3A_723 = tpu.vector_load_idx %arg6[%add3A_551, %xor3A_722] : memref<512x32xf32, #tpu.memory_space<vmem>>[vector<16xi32>, vector<16xi32>], vector<16xf32>,
        %xor3A_724 = arith.constant 18 : i32
        %xor3A_725 = vector.broadcast %xor3A_724 : i32 to vector<16xi32>
        %xor3A_726 = arith.xori %iota3A, %xor3A_725 : vector<16xi32>
        %gather3A_727 = tpu.vector_load_idx %arg6[%add3A_551, %xor3A_726] : memref<512x32xf32, #tpu.memory_space<vmem>>[vector<16xi32>, vector<16xi32>], vector<16xf32>,
        %xor3A_728 = arith.constant 19 : i32
        %xor3A_729 = vector.broadcast %xor3A_728 : i32 to vector<16xi32>
        %xor3A_730 = arith.xori %iota3A, %xor3A_729 : vector<16xi32>
        %gather3A_731 = tpu.vector_load_idx %arg6[%add3A_551, %xor3A_730] : memref<512x32xf32, #tpu.memory_space<vmem>>[vector<16xi32>, vector<16xi32>], vector<16xf32>,
        %xor3A_732 = arith.constant 20 : i32
        %xor3A_733 = vector.broadcast %xor3A_732 : i32 to vector<16xi32>
        %xor3A_734 = arith.xori %iota3A, %xor3A_733 : vector<16xi32>
        %gather3A_735 = tpu.vector_load_idx %arg6[%add3A_551, %xor3A_734] : memref<512x32xf32, #tpu.memory_space<vmem>>[vector<16xi32>, vector<16xi32>], vector<16xf32>,
        %xor3A_736 = arith.constant 21 : i32
        %xor3A_737 = vector.broadcast %xor3A_736 : i32 to vector<16xi32>
        %xor3A_738 = arith.xori %iota3A, %xor3A_737 : vector<16xi32>
        %gather3A_739 = tpu.vector_load_idx %arg6[%add3A_551, %xor3A_738] : memref<512x32xf32, #tpu.memory_space<vmem>>[vector<16xi32>, vector<16xi32>], vector<16xf32>,
        %xor3A_740 = arith.constant 22 : i32
        %xor3A_741 = vector.broadcast %xor3A_740 : i32 to vector<16xi32>
        %xor3A_742 = arith.xori %iota3A, %xor3A_741 : vector<16xi32>
        %gather3A_743 = tpu.vector_load_idx %arg6[%add3A_551, %xor3A_742] : memref<512x32xf32, #tpu.memory_space<vmem>>[vector<16xi32>, vector<16xi32>], vector<16xf32>,
        %xor3A_744 = arith.constant 23 : i32
        %xor3A_745 = vector.broadcast %xor3A_744 : i32 to vector<16xi32>
        %xor3A_746 = arith.xori %iota3A, %xor3A_745 : vector<16xi32>
        %gather3A_747 = tpu.vector_load_idx %arg6[%add3A_551, %xor3A_746] : memref<512x32xf32, #tpu.memory_space<vmem>>[vector<16xi32>, vector<16xi32>], vector<16xf32>,
        %xor3A_748 = arith.constant 8192 : i32
        %xor3A_749 = vector.broadcast %xor3A_748 : i32 to vector<16xi32>
        %xor3A_750 = arith.xori %or3A, %xor3A_749 : vector<16xi32>
        %or3A_751 = arith.ori %add3A_574, %xor3A_750 : vector<16xi32>
        %abs3A_752 = math.absf %gather3A_719 : vector<16xf32>
        tpu.vector_store_idx %arg10[%or3A_751], %abs3A_752 : memref<16384xf32, #tpu.memory_space<vmem>>[vector<16xi32>], vector<16xf32>,
        %xor3A_753 = arith.constant 8320 : i32
        %xor3A_754 = vector.broadcast %xor3A_753 : i32 to vector<16xi32>
        %xor3A_755 = arith.xori %or3A, %xor3A_754 : vector<16xi32>
        %or3A_756 = arith.ori %add3A_574, %xor3A_755 : vector<16xi32>
        %abs3A_757 = math.absf %gather3A_723 : vector<16xf32>
        tpu.vector_store_idx %arg10[%or3A_756], %abs3A_757 : memref<16384xf32, #tpu.memory_space<vmem>>[vector<16xi32>], vector<16xf32>,
        %xor3A_758 = arith.constant 8448 : i32
        %xor3A_759 = vector.broadcast %xor3A_758 : i32 to vector<16xi32>
        %xor3A_760 = arith.xori %or3A, %xor3A_759 : vector<16xi32>
        %or3A_761 = arith.ori %add3A_574, %xor3A_760 : vector<16xi32>
        %abs3A_762 = math.absf %gather3A_727 : vector<16xf32>
        tpu.vector_store_idx %arg10[%or3A_761], %abs3A_762 : memref<16384xf32, #tpu.memory_space<vmem>>[vector<16xi32>], vector<16xf32>,
        %xor3A_763 = arith.constant 8576 : i32
        %xor3A_764 = vector.broadcast %xor3A_763 : i32 to vector<16xi32>
        %xor3A_765 = arith.xori %or3A, %xor3A_764 : vector<16xi32>
        %or3A_766 = arith.ori %add3A_574, %xor3A_765 : vector<16xi32>
        %abs3A_767 = math.absf %gather3A_731 : vector<16xf32>
        tpu.vector_store_idx %arg10[%or3A_766], %abs3A_767 : memref<16384xf32, #tpu.memory_space<vmem>>[vector<16xi32>], vector<16xf32>,
        %xor3A_768 = arith.constant 8704 : i32
        %xor3A_769 = vector.broadcast %xor3A_768 : i32 to vector<16xi32>
        %xor3A_770 = arith.xori %or3A, %xor3A_769 : vector<16xi32>
        %or3A_771 = arith.ori %add3A_574, %xor3A_770 : vector<16xi32>
        %abs3A_772 = math.absf %gather3A_735 : vector<16xf32>
        tpu.vector_store_idx %arg10[%or3A_771], %abs3A_772 : memref<16384xf32, #tpu.memory_space<vmem>>[vector<16xi32>], vector<16xf32>,
        %xor3A_773 = arith.constant 8832 : i32
        %xor3A_774 = vector.broadcast %xor3A_773 : i32 to vector<16xi32>
        %xor3A_775 = arith.xori %or3A, %xor3A_774 : vector<16xi32>
        %or3A_776 = arith.ori %add3A_574, %xor3A_775 : vector<16xi32>
        %abs3A_777 = math.absf %gather3A_739 : vector<16xf32>
        tpu.vector_store_idx %arg10[%or3A_776], %abs3A_777 : memref<16384xf32, #tpu.memory_space<vmem>>[vector<16xi32>], vector<16xf32>,
        %xor3A_778 = arith.constant 8960 : i32
        %xor3A_779 = vector.broadcast %xor3A_778 : i32 to vector<16xi32>
        %xor3A_780 = arith.xori %or3A, %xor3A_779 : vector<16xi32>
        %or3A_781 = arith.ori %add3A_574, %xor3A_780 : vector<16xi32>
        %abs3A_782 = math.absf %gather3A_743 : vector<16xf32>
        tpu.vector_store_idx %arg10[%or3A_781], %abs3A_782 : memref<16384xf32, #tpu.memory_space<vmem>>[vector<16xi32>], vector<16xf32>,
        %xor3A_783 = arith.constant 9088 : i32
        %xor3A_784 = vector.broadcast %xor3A_783 : i32 to vector<16xi32>
        %xor3A_785 = arith.xori %or3A, %xor3A_784 : vector<16xi32>
        %or3A_786 = arith.ori %add3A_574, %xor3A_785 : vector<16xi32>
        %abs3A_787 = math.absf %gather3A_747 : vector<16xf32>
        tpu.vector_store_idx %arg10[%or3A_786], %abs3A_787 : memref<16384xf32, #tpu.memory_space<vmem>>[vector<16xi32>], vector<16xf32>,
        %xor3A_788 = arith.constant 24 : i32
        %xor3A_789 = vector.broadcast %xor3A_788 : i32 to vector<16xi32>
        %xor3A_790 = arith.xori %iota3A, %xor3A_789 : vector<16xi32>
        %gather3A_791 = tpu.vector_load_idx %arg6[%add3A_551, %xor3A_790] : memref<512x32xf32, #tpu.memory_space<vmem>>[vector<16xi32>, vector<16xi32>], vector<16xf32>,
        %xor3A_792 = arith.constant 25 : i32
        %xor3A_793 = vector.broadcast %xor3A_792 : i32 to vector<16xi32>
        %xor3A_794 = arith.xori %iota3A, %xor3A_793 : vector<16xi32>
        %gather3A_795 = tpu.vector_load_idx %arg6[%add3A_551, %xor3A_794] : memref<512x32xf32, #tpu.memory_space<vmem>>[vector<16xi32>, vector<16xi32>], vector<16xf32>,
        %xor3A_796 = arith.constant 26 : i32
        %xor3A_797 = vector.broadcast %xor3A_796 : i32 to vector<16xi32>
        %xor3A_798 = arith.xori %iota3A, %xor3A_797 : vector<16xi32>
        %gather3A_799 = tpu.vector_load_idx %arg6[%add3A_551, %xor3A_798] : memref<512x32xf32, #tpu.memory_space<vmem>>[vector<16xi32>, vector<16xi32>], vector<16xf32>,
        %xor3A_800 = arith.constant 27 : i32
        %xor3A_801 = vector.broadcast %xor3A_800 : i32 to vector<16xi32>
        %xor3A_802 = arith.xori %iota3A, %xor3A_801 : vector<16xi32>
        %gather3A_803 = tpu.vector_load_idx %arg6[%add3A_551, %xor3A_802] : memref<512x32xf32, #tpu.memory_space<vmem>>[vector<16xi32>, vector<16xi32>], vector<16xf32>,
        %xor3A_804 = arith.constant 28 : i32
        %xor3A_805 = vector.broadcast %xor3A_804 : i32 to vector<16xi32>
        %xor3A_806 = arith.xori %iota3A, %xor3A_805 : vector<16xi32>
        %gather3A_807 = tpu.vector_load_idx %arg6[%add3A_551, %xor3A_806] : memref<512x32xf32, #tpu.memory_space<vmem>>[vector<16xi32>, vector<16xi32>], vector<16xf32>,
        %xor3A_808 = arith.constant 29 : i32
        %xor3A_809 = vector.broadcast %xor3A_808 : i32 to vector<16xi32>
        %xor3A_810 = arith.xori %iota3A, %xor3A_809 : vector<16xi32>
        %gather3A_811 = tpu.vector_load_idx %arg6[%add3A_551, %xor3A_810] : memref<512x32xf32, #tpu.memory_space<vmem>>[vector<16xi32>, vector<16xi32>], vector<16xf32>,
        %xor3A_812 = arith.constant 30 : i32
        %xor3A_813 = vector.broadcast %xor3A_812 : i32 to vector<16xi32>
        %xor3A_814 = arith.xori %iota3A, %xor3A_813 : vector<16xi32>
        %gather3A_815 = tpu.vector_load_idx %arg6[%add3A_551, %xor3A_814] : memref<512x32xf32, #tpu.memory_space<vmem>>[vector<16xi32>, vector<16xi32>], vector<16xf32>,
        %xor3A_816 = arith.constant 31 : i32
        %xor3A_817 = vector.broadcast %xor3A_816 : i32 to vector<16xi32>
        %xor3A_818 = arith.xori %iota3A, %xor3A_817 : vector<16xi32>
        %gather3A_819 = tpu.vector_load_idx %arg6[%add3A_551, %xor3A_818] : memref<512x32xf32, #tpu.memory_space<vmem>>[vector<16xi32>, vector<16xi32>], vector<16xf32>,
        %xor3A_820 = arith.constant 12288 : i32
        %xor3A_821 = vector.broadcast %xor3A_820 : i32 to vector<16xi32>
        %xor3A_822 = arith.xori %or3A, %xor3A_821 : vector<16xi32>
        %or3A_823 = arith.ori %add3A_574, %xor3A_822 : vector<16xi32>
        %abs3A_824 = math.absf %gather3A_791 : vector<16xf32>
        tpu.vector_store_idx %arg10[%or3A_823], %abs3A_824 : memref<16384xf32, #tpu.memory_space<vmem>>[vector<16xi32>], vector<16xf32>,
        %xor3A_825 = arith.constant 12416 : i32
        %xor3A_826 = vector.broadcast %xor3A_825 : i32 to vector<16xi32>
        %xor3A_827 = arith.xori %or3A, %xor3A_826 : vector<16xi32>
        %or3A_828 = arith.ori %add3A_574, %xor3A_827 : vector<16xi32>
        %abs3A_829 = math.absf %gather3A_795 : vector<16xf32>
        tpu.vector_store_idx %arg10[%or3A_828], %abs3A_829 : memref<16384xf32, #tpu.memory_space<vmem>>[vector<16xi32>], vector<16xf32>,
        %xor3A_830 = arith.constant 12544 : i32
        %xor3A_831 = vector.broadcast %xor3A_830 : i32 to vector<16xi32>
        %xor3A_832 = arith.xori %or3A, %xor3A_831 : vector<16xi32>
        %or3A_833 = arith.ori %add3A_574, %xor3A_832 : vector<16xi32>
        %abs3A_834 = math.absf %gather3A_799 : vector<16xf32>
        tpu.vector_store_idx %arg10[%or3A_833], %abs3A_834 : memref<16384xf32, #tpu.memory_space<vmem>>[vector<16xi32>], vector<16xf32>,
        %xor3A_835 = arith.constant 12672 : i32
        %xor3A_836 = vector.broadcast %xor3A_835 : i32 to vector<16xi32>
        %xor3A_837 = arith.xori %or3A, %xor3A_836 : vector<16xi32>
        %or3A_838 = arith.ori %add3A_574, %xor3A_837 : vector<16xi32>
        %abs3A_839 = math.absf %gather3A_803 : vector<16xf32>
        tpu.vector_store_idx %arg10[%or3A_838], %abs3A_839 : memref<16384xf32, #tpu.memory_space<vmem>>[vector<16xi32>], vector<16xf32>,
        %xor3A_840 = arith.constant 12800 : i32
        %xor3A_841 = vector.broadcast %xor3A_840 : i32 to vector<16xi32>
        %xor3A_842 = arith.xori %or3A, %xor3A_841 : vector<16xi32>
        %or3A_843 = arith.ori %add3A_574, %xor3A_842 : vector<16xi32>
        %abs3A_844 = math.absf %gather3A_807 : vector<16xf32>
        tpu.vector_store_idx %arg10[%or3A_843], %abs3A_844 : memref<16384xf32, #tpu.memory_space<vmem>>[vector<16xi32>], vector<16xf32>,
        %xor3A_845 = arith.constant 12928 : i32
        %xor3A_846 = vector.broadcast %xor3A_845 : i32 to vector<16xi32>
        %xor3A_847 = arith.xori %or3A, %xor3A_846 : vector<16xi32>
        %or3A_848 = arith.ori %add3A_574, %xor3A_847 : vector<16xi32>
        %abs3A_849 = math.absf %gather3A_811 : vector<16xf32>
        tpu.vector_store_idx %arg10[%or3A_848], %abs3A_849 : memref<16384xf32, #tpu.memory_space<vmem>>[vector<16xi32>], vector<16xf32>,
        %xor3A_850 = arith.constant 13056 : i32
        %xor3A_851 = vector.broadcast %xor3A_850 : i32 to vector<16xi32>
        %xor3A_852 = arith.xori %or3A, %xor3A_851 : vector<16xi32>
        %or3A_853 = arith.ori %add3A_574, %xor3A_852 : vector<16xi32>
        %abs3A_854 = math.absf %gather3A_815 : vector<16xf32>
        tpu.vector_store_idx %arg10[%or3A_853], %abs3A_854 : memref<16384xf32, #tpu.memory_space<vmem>>[vector<16xi32>], vector<16xf32>,
        %xor3A_855 = arith.constant 13184 : i32
        %xor3A_856 = vector.broadcast %xor3A_855 : i32 to vector<16xi32>
        %xor3A_857 = arith.xori %or3A, %xor3A_856 : vector<16xi32>
        %or3A_858 = arith.ori %add3A_574, %xor3A_857 : vector<16xi32>
        %abs3A_859 = math.absf %gather3A_819 : vector<16xf32>
        tpu.vector_store_idx %arg10[%or3A_858], %abs3A_859 : memref<16384xf32, #tpu.memory_space<vmem>>[vector<16xi32>], vector<16xf32>,
      }
      %scan3A_146 = arith.constant 32 : i32
      %mul3A_147 = arith.constant 4 : i32
      %mul3A_148 = arith.muli %mul3A_118, %mul3A_147 : i32
      %add3A_149 = arith.constant 0 : i32
      %add3A_150 = arith.addi %mul3A_148, %add3A_149 : i32
      %mul3A_151 = arith.constant 128 : i32
      %mul3A_152 = arith.muli %add3A_150, %mul3A_151 : i32
      %add3A_153 = arith.addi %mul3A_152, %mul3A_4 : i32
      %mul3A_154 = arith.constant 1024 : i32
      %mul3A_155 = arith.muli %add3A_153, %mul3A_154 : i32
      %dma_start3A_156 = arith.constant 0 : i32
      %dma_start3A_157 = tpu.memref_slice %arg10[%dma_start3A_156] : memref<16384xf32, #tpu.memory_space<vmem>> -> memref<4096xf32, #tpu.memory_space<vmem>>
      %dma_start3A_158 = tpu.memref_slice %arg4[%mul3A_155] : memref<52428800xf32, #tpu.memory_space<hbm>> -> memref<4096xf32, #tpu.memory_space<hbm>>
      %dma_start3A_159 = tpu.memref_slice %arg4[%mul3A_155] : memref<52428800xf32, #tpu.memory_space<hbm>> -> memref<4096xf32, #tpu.memory_space<hbm>>
      %dma_start3A_160 = arith.constant 0 : i32
      %dma_start3A_161 = tpu.memref_slice %arg10[%dma_start3A_160] : memref<16384xf32, #tpu.memory_space<vmem>> -> memref<4096xf32, #tpu.memory_space<vmem>>
      tpu.enqueue_dma source(%dma_start3A_161 : memref<4096xf32, #tpu.memory_space<vmem>>) target(%dma_start3A_159 : memref<4096xf32, #tpu.memory_space<hbm>>) target_semaphore(%arg14 : memref<!tpu.dma_semaphore, #tpu.memory_space<semaphore_mem>>)
      %mul3A_162 = arith.constant 4 : i32
      %mul3A_163 = arith.muli %mul3A_118, %mul3A_162 : i32
      %add3A_164 = arith.constant 1 : i32
      %add3A_165 = arith.addi %mul3A_163, %add3A_164 : i32
      %mul3A_166 = arith.constant 128 : i32
      %mul3A_167 = arith.muli %add3A_165, %mul3A_166 : i32
      %add3A_168 = arith.addi %mul3A_167, %mul3A_4 : i32
      %mul3A_169 = arith.constant 1024 : i32
      %mul3A_170 = arith.muli %add3A_168, %mul3A_169 : i32
      %dma_start3A_171 = arith.constant 4096 : i32
      %dma_start3A_172 = tpu.memref_slice %arg10[%dma_start3A_171] : memref<16384xf32, #tpu.memory_space<vmem>> -> memref<4096xf32, #tpu.memory_space<vmem>>
      %dma_start3A_173 = tpu.memref_slice %arg4[%mul3A_170] : memref<52428800xf32, #tpu.memory_space<hbm>> -> memref<4096xf32, #tpu.memory_space<hbm>>
      %dma_start3A_174 = tpu.memref_slice %arg4[%mul3A_170] : memref<52428800xf32, #tpu.memory_space<hbm>> -> memref<4096xf32, #tpu.memory_space<hbm>>
      %dma_start3A_175 = arith.constant 4096 : i32
      %dma_start3A_176 = tpu.memref_slice %arg10[%dma_start3A_175] : memref<16384xf32, #tpu.memory_space<vmem>> -> memref<4096xf32, #tpu.memory_space<vmem>>
      tpu.enqueue_dma source(%dma_start3A_176 : memref<4096xf32, #tpu.memory_space<vmem>>) target(%dma_start3A_174 : memref<4096xf32, #tpu.memory_space<hbm>>) target_semaphore(%arg14 : memref<!tpu.dma_semaphore, #tpu.memory_space<semaphore_mem>>)
      %mul3A_177 = arith.constant 4 : i32
      %mul3A_178 = arith.muli %mul3A_118, %mul3A_177 : i32
      %add3A_179 = arith.constant 2 : i32
      %add3A_180 = arith.addi %mul3A_178, %add3A_179 : i32
      %mul3A_181 = arith.constant 128 : i32
      %mul3A_182 = arith.muli %add3A_180, %mul3A_181 : i32
      %add3A_183 = arith.addi %mul3A_182, %mul3A_4 : i32
      %mul3A_184 = arith.constant 1024 : i32
      %mul3A_185 = arith.muli %add3A_183, %mul3A_184 : i32
      %dma_start3A_186 = arith.constant 8192 : i32
      %dma_start3A_187 = tpu.memref_slice %arg10[%dma_start3A_186] : memref<16384xf32, #tpu.memory_space<vmem>> -> memref<4096xf32, #tpu.memory_space<vmem>>
      %dma_start3A_188 = tpu.memref_slice %arg4[%mul3A_185] : memref<52428800xf32, #tpu.memory_space<hbm>> -> memref<4096xf32, #tpu.memory_space<hbm>>
      %dma_start3A_189 = tpu.memref_slice %arg4[%mul3A_185] : memref<52428800xf32, #tpu.memory_space<hbm>> -> memref<4096xf32, #tpu.memory_space<hbm>>
      %dma_start3A_190 = arith.constant 8192 : i32
      %dma_start3A_191 = tpu.memref_slice %arg10[%dma_start3A_190] : memref<16384xf32, #tpu.memory_space<vmem>> -> memref<4096xf32, #tpu.memory_space<vmem>>
      tpu.enqueue_dma source(%dma_start3A_191 : memref<4096xf32, #tpu.memory_space<vmem>>) target(%dma_start3A_189 : memref<4096xf32, #tpu.memory_space<hbm>>) target_semaphore(%arg14 : memref<!tpu.dma_semaphore, #tpu.memory_space<semaphore_mem>>)
      %mul3A_192 = arith.constant 4 : i32
      %mul3A_193 = arith.muli %mul3A_118, %mul3A_192 : i32
      %add3A_194 = arith.constant 3 : i32
      %add3A_195 = arith.addi %mul3A_193, %add3A_194 : i32
      %mul3A_196 = arith.constant 128 : i32
      %mul3A_197 = arith.muli %add3A_195, %mul3A_196 : i32
      %add3A_198 = arith.addi %mul3A_197, %mul3A_4 : i32
      %mul3A_199 = arith.constant 1024 : i32
      %mul3A_200 = arith.muli %add3A_198, %mul3A_199 : i32
      %dma_start3A_201 = arith.constant 12288 : i32
      %dma_start3A_202 = tpu.memref_slice %arg10[%dma_start3A_201] : memref<16384xf32, #tpu.memory_space<vmem>> -> memref<4096xf32, #tpu.memory_space<vmem>>
      %dma_start3A_203 = tpu.memref_slice %arg4[%mul3A_200] : memref<52428800xf32, #tpu.memory_space<hbm>> -> memref<4096xf32, #tpu.memory_space<hbm>>
      %dma_start3A_204 = tpu.memref_slice %arg4[%mul3A_200] : memref<52428800xf32, #tpu.memory_space<hbm>> -> memref<4096xf32, #tpu.memory_space<hbm>>
      %dma_start3A_205 = arith.constant 12288 : i32
      %dma_start3A_206 = tpu.memref_slice %arg10[%dma_start3A_205] : memref<16384xf32, #tpu.memory_space<vmem>> -> memref<4096xf32, #tpu.memory_space<vmem>>
      tpu.enqueue_dma source(%dma_start3A_206 : memref<4096xf32, #tpu.memory_space<vmem>>) target(%dma_start3A_204 : memref<4096xf32, #tpu.memory_space<hbm>>) target_semaphore(%arg14 : memref<!tpu.dma_semaphore, #tpu.memory_space<semaphore_mem>>)
      %add3A_207 = arith.constant 1 : i32
      %add3A_208 = arith.addi %scan3A_106, %add3A_207 : i32
      %lt3A_209 = arith.constant 25 : i32
      %lt3A_210 = arith.cmpi slt, %add3A_208, %lt3A_209 : i32
      %convert_element_type3A_211 = arith.extui %lt3A_210 : i1 to i32
      %cond3A_212 = arith.constant 0 : i32
      %cond3A_213 = arith.cmpi ne, %convert_element_type3A_211, %cond3A_212 : i32
      scf.if %cond3A_213 {
        %sub3A = arith.constant 1 : i32
        %sub3A_526 = arith.subi %sub3A, %select_n3A_116 : i32
        %dma_wait3A_527 = arith.constant 0 : i32
        %dma_wait3A_528 = arith.constant 0 : i32
        %dma_wait3A_529 = tpu.memref_slice %arg5[%sub3A_526, %dma_wait3A_527, %dma_wait3A_528] : memref<2x4x512xi32, #tpu.memory_space<vmem>> -> memref<1x4x512xi32, #tpu.memory_space<vmem>>
        %dma_wait3A_530 = tpu.memref_squeeze %dma_wait3A_529 : memref<1x4x512xi32, #tpu.memory_space<vmem>> -> memref<4x512xi32, #tpu.memory_space<vmem>>
        %dma_wait3A_531 = arith.constant 0 : i32
        %dma_wait3A_532 = tpu.memref_slice %arg2[%dma_wait3A_531, %mul3A_2] : memref<100x16384xi32, #tpu.memory_space<hbm>> -> memref<4x512xi32, #tpu.memory_space<hbm>>
        %dma_wait3A_533 = arith.constant 0 : i32
        %dma_wait3A_534 = arith.constant 0 : i32
        %dma_wait3A_535 = tpu.memref_slice %arg5[%sub3A_526, %dma_wait3A_533, %dma_wait3A_534] : memref<2x4x512xi32, #tpu.memory_space<vmem>> -> memref<1x4x512xi32, #tpu.memory_space<vmem>>
        %dma_wait3A_536 = tpu.memref_squeeze %dma_wait3A_535 : memref<1x4x512xi32, #tpu.memory_space<vmem>> -> memref<4x512xi32, #tpu.memory_space<vmem>>
        %dma_wait3A_537 = arith.constant 0 : i32
        %dma_wait3A_538 = tpu.memref_slice %arg2[%dma_wait3A_537, %mul3A_2] : memref<100x16384xi32, #tpu.memory_space<hbm>> -> memref<4x512xi32, #tpu.memory_space<hbm>>
        tpu.wait_dma2 semaphore(%arg12 : memref<!tpu.dma_semaphore, #tpu.memory_space<semaphore_mem>>) src(%dma_wait3A_538 : memref<4x512xi32, #tpu.memory_space<hbm>>) dst(%dma_wait3A_536 : memref<4x512xi32, #tpu.memory_space<vmem>>)
      } else {
      }
      %dma_wait3A_214 = arith.constant 0 : i32
      %dma_wait3A_215 = arith.constant 0 : i32
      %dma_wait3A_216 = tpu.memref_slice %arg3[%dma_wait3A_214, %dma_wait3A_215] : memref<1000000x32xf32, #tpu.memory_space<hbm>> -> memref<512x32xf32, #tpu.memory_space<hbm>>
      %dma_wait3A_217 = arith.constant 0 : i32
      %dma_wait3A_218 = arith.constant 0 : i32
      %dma_wait3A_219 = tpu.memref_slice %arg3[%dma_wait3A_217, %dma_wait3A_218] : memref<1000000x32xf32, #tpu.memory_space<hbm>> -> memref<512x32xf32, #tpu.memory_space<hbm>>
      tpu.wait_dma2 semaphore(%arg13 : memref<!tpu.dma_semaphore, #tpu.memory_space<semaphore_mem>>) src(%dma_wait3A_219 : memref<512x32xf32, #tpu.memory_space<hbm>>) dst(%arg7 : memref<512x32xf32, #tpu.memory_space<vmem>>)
      %add3A_220 = arith.constant 1 : i32
      %add3A_221 = arith.addi %scan3A_106, %add3A_220 : i32
      %lt3A_222 = arith.constant 25 : i32
      %lt3A_223 = arith.cmpi slt, %add3A_221, %lt3A_222 : i32
      %convert_element_type3A_224 = arith.extui %lt3A_223 : i1 to i32
      %cond3A_225 = arith.constant 0 : i32
      %cond3A_226 = arith.cmpi ne, %convert_element_type3A_224, %cond3A_225 : i32
      scf.if %cond3A_226 {
        %sub3A = arith.constant 1 : i32
        %sub3A_526 = arith.subi %sub3A, %select_n3A_116 : i32
        %dma_start3A_527 = arith.constant 0 : i32
        %dma_start3A_528 = arith.constant 0 : i32
        %dma_start3A_529 = tpu.memref_slice %arg5[%sub3A_526, %dma_start3A_527, %dma_start3A_528] : memref<2x4x512xi32, #tpu.memory_space<vmem>> -> memref<1x1x512xi32, #tpu.memory_space<vmem>>
        %dma_start3A_530 = tpu.memref_squeeze %dma_start3A_529 : memref<1x1x512xi32, #tpu.memory_space<vmem>> -> memref<512xi32, #tpu.memory_space<vmem>>
        %dma_start3A_531 = arith.constant 0 : i32
        %dma_start3A_532 = arith.constant 0 : i32
        %dma_start3A_533 = tpu.memref_slice %arg3[%dma_start3A_531, %dma_start3A_532] : memref<1000000x32xf32, #tpu.memory_space<hbm>> -> memref<1000000x32xf32, #tpu.memory_space<hbm>>
        tpu.enqueue_indirect_dma source(%dma_start3A_533 : memref<1000000x32xf32, #tpu.memory_space<hbm>>) target(%arg6 : memref<512x32xf32, #tpu.memory_space<vmem>>) offsets(%dma_start3A_530 : memref<512xi32, #tpu.memory_space<vmem>>) semaphore(%arg13 : memref<!tpu.dma_semaphore, #tpu.memory_space<semaphore_mem>>)
      } else {
      }
      %ge3A_227 = arith.constant 1 : i32
      %ge3A_228 = arith.cmpi sge, %scan3A_106, %ge3A_227 : i32
      %convert_element_type3A_229 = arith.extui %ge3A_228 : i1 to i32
      %cond3A_230 = arith.constant 0 : i32
      %cond3A_231 = arith.cmpi ne, %convert_element_type3A_229, %cond3A_230 : i32
      scf.if %cond3A_231 {
        %mul3A_526 = arith.constant 1024 : i32
        %mul3A_527 = arith.muli %mul3A_4, %mul3A_526 : i32
        %dma_wait3A_528 = arith.constant 0 : i32
        %dma_wait3A_529 = tpu.memref_slice %arg10[%dma_wait3A_528] : memref<16384xf32, #tpu.memory_space<vmem>> -> memref<4096xf32, #tpu.memory_space<vmem>>
        %dma_wait3A_530 = tpu.memref_slice %arg4[%mul3A_527] : memref<52428800xf32, #tpu.memory_space<hbm>> -> memref<4096xf32, #tpu.memory_space<hbm>>
        %dma_wait3A_531 = tpu.memref_slice %arg4[%mul3A_527] : memref<52428800xf32, #tpu.memory_space<hbm>> -> memref<4096xf32, #tpu.memory_space<hbm>>
        %dma_wait3A_532 = arith.constant 0 : i32
        %dma_wait3A_533 = tpu.memref_slice %arg10[%dma_wait3A_532] : memref<16384xf32, #tpu.memory_space<vmem>> -> memref<4096xf32, #tpu.memory_space<vmem>>
        tpu.wait_dma2 semaphore(%arg14 : memref<!tpu.dma_semaphore, #tpu.memory_space<semaphore_mem>>) src(%dma_wait3A_533 : memref<4096xf32, #tpu.memory_space<vmem>>) dst(%dma_wait3A_531 : memref<4096xf32, #tpu.memory_space<hbm>>)
        %mul3A_534 = arith.constant 1024 : i32
        %mul3A_535 = arith.muli %mul3A_4, %mul3A_534 : i32
        %dma_wait3A_536 = arith.constant 4096 : i32
        %dma_wait3A_537 = tpu.memref_slice %arg10[%dma_wait3A_536] : memref<16384xf32, #tpu.memory_space<vmem>> -> memref<4096xf32, #tpu.memory_space<vmem>>
        %dma_wait3A_538 = tpu.memref_slice %arg4[%mul3A_535] : memref<52428800xf32, #tpu.memory_space<hbm>> -> memref<4096xf32, #tpu.memory_space<hbm>>
        %dma_wait3A_539 = tpu.memref_slice %arg4[%mul3A_535] : memref<52428800xf32, #tpu.memory_space<hbm>> -> memref<4096xf32, #tpu.memory_space<hbm>>
        %dma_wait3A_540 = arith.constant 4096 : i32
        %dma_wait3A_541 = tpu.memref_slice %arg10[%dma_wait3A_540] : memref<16384xf32, #tpu.memory_space<vmem>> -> memref<4096xf32, #tpu.memory_space<vmem>>
        tpu.wait_dma2 semaphore(%arg14 : memref<!tpu.dma_semaphore, #tpu.memory_space<semaphore_mem>>) src(%dma_wait3A_541 : memref<4096xf32, #tpu.memory_space<vmem>>) dst(%dma_wait3A_539 : memref<4096xf32, #tpu.memory_space<hbm>>)
        %mul3A_542 = arith.constant 1024 : i32
        %mul3A_543 = arith.muli %mul3A_4, %mul3A_542 : i32
        %dma_wait3A_544 = arith.constant 8192 : i32
        %dma_wait3A_545 = tpu.memref_slice %arg10[%dma_wait3A_544] : memref<16384xf32, #tpu.memory_space<vmem>> -> memref<4096xf32, #tpu.memory_space<vmem>>
        %dma_wait3A_546 = tpu.memref_slice %arg4[%mul3A_543] : memref<52428800xf32, #tpu.memory_space<hbm>> -> memref<4096xf32, #tpu.memory_space<hbm>>
        %dma_wait3A_547 = tpu.memref_slice %arg4[%mul3A_543] : memref<52428800xf32, #tpu.memory_space<hbm>> -> memref<4096xf32, #tpu.memory_space<hbm>>
        %dma_wait3A_548 = arith.constant 8192 : i32
        %dma_wait3A_549 = tpu.memref_slice %arg10[%dma_wait3A_548] : memref<16384xf32, #tpu.memory_space<vmem>> -> memref<4096xf32, #tpu.memory_space<vmem>>
        tpu.wait_dma2 semaphore(%arg14 : memref<!tpu.dma_semaphore, #tpu.memory_space<semaphore_mem>>) src(%dma_wait3A_549 : memref<4096xf32, #tpu.memory_space<vmem>>) dst(%dma_wait3A_547 : memref<4096xf32, #tpu.memory_space<hbm>>)
        %mul3A_550 = arith.constant 1024 : i32
        %mul3A_551 = arith.muli %mul3A_4, %mul3A_550 : i32
        %dma_wait3A_552 = arith.constant 12288 : i32
        %dma_wait3A_553 = tpu.memref_slice %arg10[%dma_wait3A_552] : memref<16384xf32, #tpu.memory_space<vmem>> -> memref<4096xf32, #tpu.memory_space<vmem>>
        %dma_wait3A_554 = tpu.memref_slice %arg4[%mul3A_551] : memref<52428800xf32, #tpu.memory_space<hbm>> -> memref<4096xf32, #tpu.memory_space<hbm>>
        %dma_wait3A_555 = tpu.memref_slice %arg4[%mul3A_551] : memref<52428800xf32, #tpu.memory_space<hbm>> -> memref<4096xf32, #tpu.memory_space<hbm>>
        %dma_wait3A_556 = arith.constant 12288 : i32
        %dma_wait3A_557 = tpu.memref_slice %arg10[%dma_wait3A_556] : memref<16384xf32, #tpu.memory_space<vmem>> -> memref<4096xf32, #tpu.memory_space<vmem>>
        tpu.wait_dma2 semaphore(%arg14 : memref<!tpu.dma_semaphore, #tpu.memory_space<semaphore_mem>>) src(%dma_wait3A_557 : memref<4096xf32, #tpu.memory_space<vmem>>) dst(%dma_wait3A_555 : memref<4096xf32, #tpu.memory_space<hbm>>)
      } else {
      }
      %scan3A_232 = arith.constant 0 : i32
      %scan3A_233 = arith.constant 0 : i32
      %scan3A_234 = arith.constant 32 : i32
      %scan3A_235 = arith.addi %scan3A_233, %scan3A_234 : i32
      %scan3A_236 = arith.constant 1 : i32
      scf.for %scan3A_526 = %scan3A_233 to %scan3A_235 step %scan3A_236  : i32 {
        %jit3A_527 = arith.constant 8 : i32
        %div3A = arith.divsi %scan3A_526, %jit3A_527 : i32
        %sign3A = arith.constant 0 : i32
        %sign3A_528 = arith.cmpi sgt, %scan3A_526, %sign3A : i32
        %sign3A_529 = arith.extui %sign3A_528 : i1 to i32
        %sign3A_530 = arith.constant 0 : i32
        %sign3A_531 = arith.cmpi slt, %scan3A_526, %sign3A_530 : i32
        %sign3A_532 = arith.extui %sign3A_531 : i1 to i32
        %sign3A_533 = arith.subi %sign3A_529, %sign3A_532 : i32
        %sign3A_534 = arith.constant 0 : i32
        %sign3A_535 = arith.cmpi sgt, %jit3A_527, %sign3A_534 : i32
        %sign3A_536 = arith.extui %sign3A_535 : i1 to i32
        %sign3A_537 = arith.constant 0 : i32
        %sign3A_538 = arith.cmpi slt, %jit3A_527, %sign3A_537 : i32
        %sign3A_539 = arith.extui %sign3A_538 : i1 to i32
        %sign3A_540 = arith.subi %sign3A_536, %sign3A_539 : i32
        %ne3A_541 = arith.cmpi ne, %sign3A_533, %sign3A_540 : i32
        %rem3A_542 = arith.remsi %scan3A_526, %jit3A_527 : i32
        %ne3A_543 = arith.constant 0 : i32
        %ne3A_544 = arith.cmpi ne, %rem3A_542, %ne3A_543 : i32
        %and3A_545 = arith.andi %ne3A_541, %ne3A_544 : i1
        %sub3A = arith.constant 1 : i32
        %sub3A_546 = arith.subi %div3A, %sub3A : i32
        %select_n3A_547 = arith.select %and3A_545, %sub3A_546, %div3A : i32
        %mul3A_548 = arith.constant 16 : i32
        %mul3A_549 = arith.muli %scan3A_526, %mul3A_548 : i32
        %add3A_550 = vector.broadcast %mul3A_549 : i32 to vector<16xi32>
        %add3A_551 = arith.addi %add3A_550, %iota3A : vector<16xi32>
        %mul3A_552 = arith.constant 1024 : i32
        %mul3A_553 = arith.muli %select_n3A_547, %mul3A_552 : i32
        %jit3A_554 = arith.constant 8 : i32
        %eq3A_555 = arith.constant 0 : i32
        %eq3A_556 = arith.cmpi eq, %jit3A_554, %eq3A_555 : i32
        %jit3A_557 = arith.constant 1 : i32
        %select_n3A_558 = arith.select %eq3A_556, %jit3A_557, %jit3A_554 : i32
        %rem3A_559 = arith.remsi %scan3A_526, %select_n3A_558 : i32
        %ne3A_560 = arith.constant 0 : i32
        %ne3A_561 = arith.cmpi ne, %rem3A_559, %ne3A_560 : i32
        %lt3A_562 = arith.constant 0 : i32
        %lt3A_563 = arith.cmpi slt, %rem3A_559, %lt3A_562 : i32
        %lt3A_564 = arith.constant 0 : i32
        %lt3A_565 = arith.cmpi slt, %select_n3A_558, %lt3A_564 : i32
        %ne3A_566 = arith.xori %lt3A_563, %lt3A_565 : i1
        %and3A_567 = arith.andi %ne3A_566, %ne3A_561 : i1
        %add3A_568 = arith.addi %rem3A_559, %select_n3A_558 : i32
        %select_n3A_569 = arith.select %and3A_567, %add3A_568, %rem3A_559 : i32
        %mul3A_570 = arith.constant 16 : i32
        %mul3A_571 = arith.muli %select_n3A_569, %mul3A_570 : i32
        %add3A_572 = arith.addi %mul3A_553, %mul3A_571 : i32
        %add3A_573 = vector.broadcast %add3A_572 : i32 to vector<16xi32>
        %add3A_574 = arith.addi %add3A_573, %iota3A : vector<16xi32>
        %xor3A = arith.constant 0 : i32
        %xor3A_575 = vector.broadcast %xor3A : i32 to vector<16xi32>
        %xor3A_576 = arith.xori %iota3A, %xor3A_575 : vector<16xi32>
        %gather3A = tpu.vector_load_idx %arg7[%add3A_551, %xor3A_576] : memref<512x32xf32, #tpu.memory_space<vmem>>[vector<16xi32>, vector<16xi32>], vector<16xf32>,
        %xor3A_577 = arith.constant 1 : i32
        %xor3A_578 = vector.broadcast %xor3A_577 : i32 to vector<16xi32>
        %xor3A_579 = arith.xori %iota3A, %xor3A_578 : vector<16xi32>
        %gather3A_580 = tpu.vector_load_idx %arg7[%add3A_551, %xor3A_579] : memref<512x32xf32, #tpu.memory_space<vmem>>[vector<16xi32>, vector<16xi32>], vector<16xf32>,
        %xor3A_581 = arith.constant 2 : i32
        %xor3A_582 = vector.broadcast %xor3A_581 : i32 to vector<16xi32>
        %xor3A_583 = arith.xori %iota3A, %xor3A_582 : vector<16xi32>
        %gather3A_584 = tpu.vector_load_idx %arg7[%add3A_551, %xor3A_583] : memref<512x32xf32, #tpu.memory_space<vmem>>[vector<16xi32>, vector<16xi32>], vector<16xf32>,
        %xor3A_585 = arith.constant 3 : i32
        %xor3A_586 = vector.broadcast %xor3A_585 : i32 to vector<16xi32>
        %xor3A_587 = arith.xori %iota3A, %xor3A_586 : vector<16xi32>
        %gather3A_588 = tpu.vector_load_idx %arg7[%add3A_551, %xor3A_587] : memref<512x32xf32, #tpu.memory_space<vmem>>[vector<16xi32>, vector<16xi32>], vector<16xf32>,
        %xor3A_589 = arith.constant 4 : i32
        %xor3A_590 = vector.broadcast %xor3A_589 : i32 to vector<16xi32>
        %xor3A_591 = arith.xori %iota3A, %xor3A_590 : vector<16xi32>
        %gather3A_592 = tpu.vector_load_idx %arg7[%add3A_551, %xor3A_591] : memref<512x32xf32, #tpu.memory_space<vmem>>[vector<16xi32>, vector<16xi32>], vector<16xf32>,
        %xor3A_593 = arith.constant 5 : i32
        %xor3A_594 = vector.broadcast %xor3A_593 : i32 to vector<16xi32>
        %xor3A_595 = arith.xori %iota3A, %xor3A_594 : vector<16xi32>
        %gather3A_596 = tpu.vector_load_idx %arg7[%add3A_551, %xor3A_595] : memref<512x32xf32, #tpu.memory_space<vmem>>[vector<16xi32>, vector<16xi32>], vector<16xf32>,
        %xor3A_597 = arith.constant 6 : i32
        %xor3A_598 = vector.broadcast %xor3A_597 : i32 to vector<16xi32>
        %xor3A_599 = arith.xori %iota3A, %xor3A_598 : vector<16xi32>
        %gather3A_600 = tpu.vector_load_idx %arg7[%add3A_551, %xor3A_599] : memref<512x32xf32, #tpu.memory_space<vmem>>[vector<16xi32>, vector<16xi32>], vector<16xf32>,
        %xor3A_601 = arith.constant 7 : i32
        %xor3A_602 = vector.broadcast %xor3A_601 : i32 to vector<16xi32>
        %xor3A_603 = arith.xori %iota3A, %xor3A_602 : vector<16xi32>
        %gather3A_604 = tpu.vector_load_idx %arg7[%add3A_551, %xor3A_603] : memref<512x32xf32, #tpu.memory_space<vmem>>[vector<16xi32>, vector<16xi32>], vector<16xf32>,
        %xor3A_605 = arith.constant 0 : i32
        %xor3A_606 = vector.broadcast %xor3A_605 : i32 to vector<16xi32>
        %xor3A_607 = arith.xori %or3A, %xor3A_606 : vector<16xi32>
        %or3A_608 = arith.ori %add3A_574, %xor3A_607 : vector<16xi32>
        %abs3A = math.absf %gather3A : vector<16xf32>
        tpu.vector_store_idx %arg11[%or3A_608], %abs3A : memref<16384xf32, #tpu.memory_space<vmem>>[vector<16xi32>], vector<16xf32>,
        %xor3A_609 = arith.constant 128 : i32
        %xor3A_610 = vector.broadcast %xor3A_609 : i32 to vector<16xi32>
        %xor3A_611 = arith.xori %or3A, %xor3A_610 : vector<16xi32>
        %or3A_612 = arith.ori %add3A_574, %xor3A_611 : vector<16xi32>
        %abs3A_613 = math.absf %gather3A_580 : vector<16xf32>
        tpu.vector_store_idx %arg11[%or3A_612], %abs3A_613 : memref<16384xf32, #tpu.memory_space<vmem>>[vector<16xi32>], vector<16xf32>,
        %xor3A_614 = arith.constant 256 : i32
        %xor3A_615 = vector.broadcast %xor3A_614 : i32 to vector<16xi32>
        %xor3A_616 = arith.xori %or3A, %xor3A_615 : vector<16xi32>
        %or3A_617 = arith.ori %add3A_574, %xor3A_616 : vector<16xi32>
        %abs3A_618 = math.absf %gather3A_584 : vector<16xf32>
        tpu.vector_store_idx %arg11[%or3A_617], %abs3A_618 : memref<16384xf32, #tpu.memory_space<vmem>>[vector<16xi32>], vector<16xf32>,
        %xor3A_619 = arith.constant 384 : i32
        %xor3A_620 = vector.broadcast %xor3A_619 : i32 to vector<16xi32>
        %xor3A_621 = arith.xori %or3A, %xor3A_620 : vector<16xi32>
        %or3A_622 = arith.ori %add3A_574, %xor3A_621 : vector<16xi32>
        %abs3A_623 = math.absf %gather3A_588 : vector<16xf32>
        tpu.vector_store_idx %arg11[%or3A_622], %abs3A_623 : memref<16384xf32, #tpu.memory_space<vmem>>[vector<16xi32>], vector<16xf32>,
        %xor3A_624 = arith.constant 512 : i32
        %xor3A_625 = vector.broadcast %xor3A_624 : i32 to vector<16xi32>
        %xor3A_626 = arith.xori %or3A, %xor3A_625 : vector<16xi32>
        %or3A_627 = arith.ori %add3A_574, %xor3A_626 : vector<16xi32>
        %abs3A_628 = math.absf %gather3A_592 : vector<16xf32>
        tpu.vector_store_idx %arg11[%or3A_627], %abs3A_628 : memref<16384xf32, #tpu.memory_space<vmem>>[vector<16xi32>], vector<16xf32>,
        %xor3A_629 = arith.constant 640 : i32
        %xor3A_630 = vector.broadcast %xor3A_629 : i32 to vector<16xi32>
        %xor3A_631 = arith.xori %or3A, %xor3A_630 : vector<16xi32>
        %or3A_632 = arith.ori %add3A_574, %xor3A_631 : vector<16xi32>
        %abs3A_633 = math.absf %gather3A_596 : vector<16xf32>
        tpu.vector_store_idx %arg11[%or3A_632], %abs3A_633 : memref<16384xf32, #tpu.memory_space<vmem>>[vector<16xi32>], vector<16xf32>,
        %xor3A_634 = arith.constant 768 : i32
        %xor3A_635 = vector.broadcast %xor3A_634 : i32 to vector<16xi32>
        %xor3A_636 = arith.xori %or3A, %xor3A_635 : vector<16xi32>
        %or3A_637 = arith.ori %add3A_574, %xor3A_636 : vector<16xi32>
        %abs3A_638 = math.absf %gather3A_600 : vector<16xf32>
        tpu.vector_store_idx %arg11[%or3A_637], %abs3A_638 : memref<16384xf32, #tpu.memory_space<vmem>>[vector<16xi32>], vector<16xf32>,
        %xor3A_639 = arith.constant 896 : i32
        %xor3A_640 = vector.broadcast %xor3A_639 : i32 to vector<16xi32>
        %xor3A_641 = arith.xori %or3A, %xor3A_640 : vector<16xi32>
        %or3A_642 = arith.ori %add3A_574, %xor3A_641 : vector<16xi32>
        %abs3A_643 = math.absf %gather3A_604 : vector<16xf32>
        tpu.vector_store_idx %arg11[%or3A_642], %abs3A_643 : memref<16384xf32, #tpu.memory_space<vmem>>[vector<16xi32>], vector<16xf32>,
        %xor3A_644 = arith.constant 8 : i32
        %xor3A_645 = vector.broadcast %xor3A_644 : i32 to vector<16xi32>
        %xor3A_646 = arith.xori %iota3A, %xor3A_645 : vector<16xi32>
        %gather3A_647 = tpu.vector_load_idx %arg7[%add3A_551, %xor3A_646] : memref<512x32xf32, #tpu.memory_space<vmem>>[vector<16xi32>, vector<16xi32>], vector<16xf32>,
        %xor3A_648 = arith.constant 9 : i32
        %xor3A_649 = vector.broadcast %xor3A_648 : i32 to vector<16xi32>
        %xor3A_650 = arith.xori %iota3A, %xor3A_649 : vector<16xi32>
        %gather3A_651 = tpu.vector_load_idx %arg7[%add3A_551, %xor3A_650] : memref<512x32xf32, #tpu.memory_space<vmem>>[vector<16xi32>, vector<16xi32>], vector<16xf32>,
        %xor3A_652 = arith.constant 10 : i32
        %xor3A_653 = vector.broadcast %xor3A_652 : i32 to vector<16xi32>
        %xor3A_654 = arith.xori %iota3A, %xor3A_653 : vector<16xi32>
        %gather3A_655 = tpu.vector_load_idx %arg7[%add3A_551, %xor3A_654] : memref<512x32xf32, #tpu.memory_space<vmem>>[vector<16xi32>, vector<16xi32>], vector<16xf32>,
        %xor3A_656 = arith.constant 11 : i32
        %xor3A_657 = vector.broadcast %xor3A_656 : i32 to vector<16xi32>
        %xor3A_658 = arith.xori %iota3A, %xor3A_657 : vector<16xi32>
        %gather3A_659 = tpu.vector_load_idx %arg7[%add3A_551, %xor3A_658] : memref<512x32xf32, #tpu.memory_space<vmem>>[vector<16xi32>, vector<16xi32>], vector<16xf32>,
        %xor3A_660 = arith.constant 12 : i32
        %xor3A_661 = vector.broadcast %xor3A_660 : i32 to vector<16xi32>
        %xor3A_662 = arith.xori %iota3A, %xor3A_661 : vector<16xi32>
        %gather3A_663 = tpu.vector_load_idx %arg7[%add3A_551, %xor3A_662] : memref<512x32xf32, #tpu.memory_space<vmem>>[vector<16xi32>, vector<16xi32>], vector<16xf32>,
        %xor3A_664 = arith.constant 13 : i32
        %xor3A_665 = vector.broadcast %xor3A_664 : i32 to vector<16xi32>
        %xor3A_666 = arith.xori %iota3A, %xor3A_665 : vector<16xi32>
        %gather3A_667 = tpu.vector_load_idx %arg7[%add3A_551, %xor3A_666] : memref<512x32xf32, #tpu.memory_space<vmem>>[vector<16xi32>, vector<16xi32>], vector<16xf32>,
        %xor3A_668 = arith.constant 14 : i32
        %xor3A_669 = vector.broadcast %xor3A_668 : i32 to vector<16xi32>
        %xor3A_670 = arith.xori %iota3A, %xor3A_669 : vector<16xi32>
        %gather3A_671 = tpu.vector_load_idx %arg7[%add3A_551, %xor3A_670] : memref<512x32xf32, #tpu.memory_space<vmem>>[vector<16xi32>, vector<16xi32>], vector<16xf32>,
        %xor3A_672 = arith.constant 15 : i32
        %xor3A_673 = vector.broadcast %xor3A_672 : i32 to vector<16xi32>
        %xor3A_674 = arith.xori %iota3A, %xor3A_673 : vector<16xi32>
        %gather3A_675 = tpu.vector_load_idx %arg7[%add3A_551, %xor3A_674] : memref<512x32xf32, #tpu.memory_space<vmem>>[vector<16xi32>, vector<16xi32>], vector<16xf32>,
        %xor3A_676 = arith.constant 4096 : i32
        %xor3A_677 = vector.broadcast %xor3A_676 : i32 to vector<16xi32>
        %xor3A_678 = arith.xori %or3A, %xor3A_677 : vector<16xi32>
        %or3A_679 = arith.ori %add3A_574, %xor3A_678 : vector<16xi32>
        %abs3A_680 = math.absf %gather3A_647 : vector<16xf32>
        tpu.vector_store_idx %arg11[%or3A_679], %abs3A_680 : memref<16384xf32, #tpu.memory_space<vmem>>[vector<16xi32>], vector<16xf32>,
        %xor3A_681 = arith.constant 4224 : i32
        %xor3A_682 = vector.broadcast %xor3A_681 : i32 to vector<16xi32>
        %xor3A_683 = arith.xori %or3A, %xor3A_682 : vector<16xi32>
        %or3A_684 = arith.ori %add3A_574, %xor3A_683 : vector<16xi32>
        %abs3A_685 = math.absf %gather3A_651 : vector<16xf32>
        tpu.vector_store_idx %arg11[%or3A_684], %abs3A_685 : memref<16384xf32, #tpu.memory_space<vmem>>[vector<16xi32>], vector<16xf32>,
        %xor3A_686 = arith.constant 4352 : i32
        %xor3A_687 = vector.broadcast %xor3A_686 : i32 to vector<16xi32>
        %xor3A_688 = arith.xori %or3A, %xor3A_687 : vector<16xi32>
        %or3A_689 = arith.ori %add3A_574, %xor3A_688 : vector<16xi32>
        %abs3A_690 = math.absf %gather3A_655 : vector<16xf32>
        tpu.vector_store_idx %arg11[%or3A_689], %abs3A_690 : memref<16384xf32, #tpu.memory_space<vmem>>[vector<16xi32>], vector<16xf32>,
        %xor3A_691 = arith.constant 4480 : i32
        %xor3A_692 = vector.broadcast %xor3A_691 : i32 to vector<16xi32>
        %xor3A_693 = arith.xori %or3A, %xor3A_692 : vector<16xi32>
        %or3A_694 = arith.ori %add3A_574, %xor3A_693 : vector<16xi32>
        %abs3A_695 = math.absf %gather3A_659 : vector<16xf32>
        tpu.vector_store_idx %arg11[%or3A_694], %abs3A_695 : memref<16384xf32, #tpu.memory_space<vmem>>[vector<16xi32>], vector<16xf32>,
        %xor3A_696 = arith.constant 4608 : i32
        %xor3A_697 = vector.broadcast %xor3A_696 : i32 to vector<16xi32>
        %xor3A_698 = arith.xori %or3A, %xor3A_697 : vector<16xi32>
        %or3A_699 = arith.ori %add3A_574, %xor3A_698 : vector<16xi32>
        %abs3A_700 = math.absf %gather3A_663 : vector<16xf32>
        tpu.vector_store_idx %arg11[%or3A_699], %abs3A_700 : memref<16384xf32, #tpu.memory_space<vmem>>[vector<16xi32>], vector<16xf32>,
        %xor3A_701 = arith.constant 4736 : i32
        %xor3A_702 = vector.broadcast %xor3A_701 : i32 to vector<16xi32>
        %xor3A_703 = arith.xori %or3A, %xor3A_702 : vector<16xi32>
        %or3A_704 = arith.ori %add3A_574, %xor3A_703 : vector<16xi32>
        %abs3A_705 = math.absf %gather3A_667 : vector<16xf32>
        tpu.vector_store_idx %arg11[%or3A_704], %abs3A_705 : memref<16384xf32, #tpu.memory_space<vmem>>[vector<16xi32>], vector<16xf32>,
        %xor3A_706 = arith.constant 4864 : i32
        %xor3A_707 = vector.broadcast %xor3A_706 : i32 to vector<16xi32>
        %xor3A_708 = arith.xori %or3A, %xor3A_707 : vector<16xi32>
        %or3A_709 = arith.ori %add3A_574, %xor3A_708 : vector<16xi32>
        %abs3A_710 = math.absf %gather3A_671 : vector<16xf32>
        tpu.vector_store_idx %arg11[%or3A_709], %abs3A_710 : memref<16384xf32, #tpu.memory_space<vmem>>[vector<16xi32>], vector<16xf32>,
        %xor3A_711 = arith.constant 4992 : i32
        %xor3A_712 = vector.broadcast %xor3A_711 : i32 to vector<16xi32>
        %xor3A_713 = arith.xori %or3A, %xor3A_712 : vector<16xi32>
        %or3A_714 = arith.ori %add3A_574, %xor3A_713 : vector<16xi32>
        %abs3A_715 = math.absf %gather3A_675 : vector<16xf32>
        tpu.vector_store_idx %arg11[%or3A_714], %abs3A_715 : memref<16384xf32, #tpu.memory_space<vmem>>[vector<16xi32>], vector<16xf32>,
        %xor3A_716 = arith.constant 16 : i32
        %xor3A_717 = vector.broadcast %xor3A_716 : i32 to vector<16xi32>
        %xor3A_718 = arith.xori %iota3A, %xor3A_717 : vector<16xi32>
        %gather3A_719 = tpu.vector_load_idx %arg7[%add3A_551, %xor3A_718] : memref<512x32xf32, #tpu.memory_space<vmem>>[vector<16xi32>, vector<16xi32>], vector<16xf32>,
        %xor3A_720 = arith.constant 17 : i32
        %xor3A_721 = vector.broadcast %xor3A_720 : i32 to vector<16xi32>
        %xor3A_722 = arith.xori %iota3A, %xor3A_721 : vector<16xi32>
        %gather3A_723 = tpu.vector_load_idx %arg7[%add3A_551, %xor3A_722] : memref<512x32xf32, #tpu.memory_space<vmem>>[vector<16xi32>, vector<16xi32>], vector<16xf32>,
        %xor3A_724 = arith.constant 18 : i32
        %xor3A_725 = vector.broadcast %xor3A_724 : i32 to vector<16xi32>
        %xor3A_726 = arith.xori %iota3A, %xor3A_725 : vector<16xi32>
        %gather3A_727 = tpu.vector_load_idx %arg7[%add3A_551, %xor3A_726] : memref<512x32xf32, #tpu.memory_space<vmem>>[vector<16xi32>, vector<16xi32>], vector<16xf32>,
        %xor3A_728 = arith.constant 19 : i32
        %xor3A_729 = vector.broadcast %xor3A_728 : i32 to vector<16xi32>
        %xor3A_730 = arith.xori %iota3A, %xor3A_729 : vector<16xi32>
        %gather3A_731 = tpu.vector_load_idx %arg7[%add3A_551, %xor3A_730] : memref<512x32xf32, #tpu.memory_space<vmem>>[vector<16xi32>, vector<16xi32>], vector<16xf32>,
        %xor3A_732 = arith.constant 20 : i32
        %xor3A_733 = vector.broadcast %xor3A_732 : i32 to vector<16xi32>
        %xor3A_734 = arith.xori %iota3A, %xor3A_733 : vector<16xi32>
        %gather3A_735 = tpu.vector_load_idx %arg7[%add3A_551, %xor3A_734] : memref<512x32xf32, #tpu.memory_space<vmem>>[vector<16xi32>, vector<16xi32>], vector<16xf32>,
        %xor3A_736 = arith.constant 21 : i32
        %xor3A_737 = vector.broadcast %xor3A_736 : i32 to vector<16xi32>
        %xor3A_738 = arith.xori %iota3A, %xor3A_737 : vector<16xi32>
        %gather3A_739 = tpu.vector_load_idx %arg7[%add3A_551, %xor3A_738] : memref<512x32xf32, #tpu.memory_space<vmem>>[vector<16xi32>, vector<16xi32>], vector<16xf32>,
        %xor3A_740 = arith.constant 22 : i32
        %xor3A_741 = vector.broadcast %xor3A_740 : i32 to vector<16xi32>
        %xor3A_742 = arith.xori %iota3A, %xor3A_741 : vector<16xi32>
        %gather3A_743 = tpu.vector_load_idx %arg7[%add3A_551, %xor3A_742] : memref<512x32xf32, #tpu.memory_space<vmem>>[vector<16xi32>, vector<16xi32>], vector<16xf32>,
        %xor3A_744 = arith.constant 23 : i32
        %xor3A_745 = vector.broadcast %xor3A_744 : i32 to vector<16xi32>
        %xor3A_746 = arith.xori %iota3A, %xor3A_745 : vector<16xi32>
        %gather3A_747 = tpu.vector_load_idx %arg7[%add3A_551, %xor3A_746] : memref<512x32xf32, #tpu.memory_space<vmem>>[vector<16xi32>, vector<16xi32>], vector<16xf32>,
        %xor3A_748 = arith.constant 8192 : i32
        %xor3A_749 = vector.broadcast %xor3A_748 : i32 to vector<16xi32>
        %xor3A_750 = arith.xori %or3A, %xor3A_749 : vector<16xi32>
        %or3A_751 = arith.ori %add3A_574, %xor3A_750 : vector<16xi32>
        %abs3A_752 = math.absf %gather3A_719 : vector<16xf32>
        tpu.vector_store_idx %arg11[%or3A_751], %abs3A_752 : memref<16384xf32, #tpu.memory_space<vmem>>[vector<16xi32>], vector<16xf32>,
        %xor3A_753 = arith.constant 8320 : i32
        %xor3A_754 = vector.broadcast %xor3A_753 : i32 to vector<16xi32>
        %xor3A_755 = arith.xori %or3A, %xor3A_754 : vector<16xi32>
        %or3A_756 = arith.ori %add3A_574, %xor3A_755 : vector<16xi32>
        %abs3A_757 = math.absf %gather3A_723 : vector<16xf32>
        tpu.vector_store_idx %arg11[%or3A_756], %abs3A_757 : memref<16384xf32, #tpu.memory_space<vmem>>[vector<16xi32>], vector<16xf32>,
        %xor3A_758 = arith.constant 8448 : i32
        %xor3A_759 = vector.broadcast %xor3A_758 : i32 to vector<16xi32>
        %xor3A_760 = arith.xori %or3A, %xor3A_759 : vector<16xi32>
        %or3A_761 = arith.ori %add3A_574, %xor3A_760 : vector<16xi32>
        %abs3A_762 = math.absf %gather3A_727 : vector<16xf32>
        tpu.vector_store_idx %arg11[%or3A_761], %abs3A_762 : memref<16384xf32, #tpu.memory_space<vmem>>[vector<16xi32>], vector<16xf32>,
        %xor3A_763 = arith.constant 8576 : i32
        %xor3A_764 = vector.broadcast %xor3A_763 : i32 to vector<16xi32>
        %xor3A_765 = arith.xori %or3A, %xor3A_764 : vector<16xi32>
        %or3A_766 = arith.ori %add3A_574, %xor3A_765 : vector<16xi32>
        %abs3A_767 = math.absf %gather3A_731 : vector<16xf32>
        tpu.vector_store_idx %arg11[%or3A_766], %abs3A_767 : memref<16384xf32, #tpu.memory_space<vmem>>[vector<16xi32>], vector<16xf32>,
        %xor3A_768 = arith.constant 8704 : i32
        %xor3A_769 = vector.broadcast %xor3A_768 : i32 to vector<16xi32>
        %xor3A_770 = arith.xori %or3A, %xor3A_769 : vector<16xi32>
        %or3A_771 = arith.ori %add3A_574, %xor3A_770 : vector<16xi32>
        %abs3A_772 = math.absf %gather3A_735 : vector<16xf32>
        tpu.vector_store_idx %arg11[%or3A_771], %abs3A_772 : memref<16384xf32, #tpu.memory_space<vmem>>[vector<16xi32>], vector<16xf32>,
        %xor3A_773 = arith.constant 8832 : i32
        %xor3A_774 = vector.broadcast %xor3A_773 : i32 to vector<16xi32>
        %xor3A_775 = arith.xori %or3A, %xor3A_774 : vector<16xi32>
        %or3A_776 = arith.ori %add3A_574, %xor3A_775 : vector<16xi32>
        %abs3A_777 = math.absf %gather3A_739 : vector<16xf32>
        tpu.vector_store_idx %arg11[%or3A_776], %abs3A_777 : memref<16384xf32, #tpu.memory_space<vmem>>[vector<16xi32>], vector<16xf32>,
        %xor3A_778 = arith.constant 8960 : i32
        %xor3A_779 = vector.broadcast %xor3A_778 : i32 to vector<16xi32>
        %xor3A_780 = arith.xori %or3A, %xor3A_779 : vector<16xi32>
        %or3A_781 = arith.ori %add3A_574, %xor3A_780 : vector<16xi32>
        %abs3A_782 = math.absf %gather3A_743 : vector<16xf32>
        tpu.vector_store_idx %arg11[%or3A_781], %abs3A_782 : memref<16384xf32, #tpu.memory_space<vmem>>[vector<16xi32>], vector<16xf32>,
        %xor3A_783 = arith.constant 9088 : i32
        %xor3A_784 = vector.broadcast %xor3A_783 : i32 to vector<16xi32>
        %xor3A_785 = arith.xori %or3A, %xor3A_784 : vector<16xi32>
        %or3A_786 = arith.ori %add3A_574, %xor3A_785 : vector<16xi32>
        %abs3A_787 = math.absf %gather3A_747 : vector<16xf32>
        tpu.vector_store_idx %arg11[%or3A_786], %abs3A_787 : memref<16384xf32, #tpu.memory_space<vmem>>[vector<16xi32>], vector<16xf32>,
        %xor3A_788 = arith.constant 24 : i32
        %xor3A_789 = vector.broadcast %xor3A_788 : i32 to vector<16xi32>
        %xor3A_790 = arith.xori %iota3A, %xor3A_789 : vector<16xi32>
        %gather3A_791 = tpu.vector_load_idx %arg7[%add3A_551, %xor3A_790] : memref<512x32xf32, #tpu.memory_space<vmem>>[vector<16xi32>, vector<16xi32>], vector<16xf32>,
        %xor3A_792 = arith.constant 25 : i32
        %xor3A_793 = vector.broadcast %xor3A_792 : i32 to vector<16xi32>
        %xor3A_794 = arith.xori %iota3A, %xor3A_793 : vector<16xi32>
        %gather3A_795 = tpu.vector_load_idx %arg7[%add3A_551, %xor3A_794] : memref<512x32xf32, #tpu.memory_space<vmem>>[vector<16xi32>, vector<16xi32>], vector<16xf32>,
        %xor3A_796 = arith.constant 26 : i32
        %xor3A_797 = vector.broadcast %xor3A_796 : i32 to vector<16xi32>
        %xor3A_798 = arith.xori %iota3A, %xor3A_797 : vector<16xi32>
        %gather3A_799 = tpu.vector_load_idx %arg7[%add3A_551, %xor3A_798] : memref<512x32xf32, #tpu.memory_space<vmem>>[vector<16xi32>, vector<16xi32>], vector<16xf32>,
        %xor3A_800 = arith.constant 27 : i32
        %xor3A_801 = vector.broadcast %xor3A_800 : i32 to vector<16xi32>
        %xor3A_802 = arith.xori %iota3A, %xor3A_801 : vector<16xi32>
        %gather3A_803 = tpu.vector_load_idx %arg7[%add3A_551, %xor3A_802] : memref<512x32xf32, #tpu.memory_space<vmem>>[vector<16xi32>, vector<16xi32>], vector<16xf32>,
        %xor3A_804 = arith.constant 28 : i32
        %xor3A_805 = vector.broadcast %xor3A_804 : i32 to vector<16xi32>
        %xor3A_806 = arith.xori %iota3A, %xor3A_805 : vector<16xi32>
        %gather3A_807 = tpu.vector_load_idx %arg7[%add3A_551, %xor3A_806] : memref<512x32xf32, #tpu.memory_space<vmem>>[vector<16xi32>, vector<16xi32>], vector<16xf32>,
        %xor3A_808 = arith.constant 29 : i32
        %xor3A_809 = vector.broadcast %xor3A_808 : i32 to vector<16xi32>
        %xor3A_810 = arith.xori %iota3A, %xor3A_809 : vector<16xi32>
        %gather3A_811 = tpu.vector_load_idx %arg7[%add3A_551, %xor3A_810] : memref<512x32xf32, #tpu.memory_space<vmem>>[vector<16xi32>, vector<16xi32>], vector<16xf32>,
        %xor3A_812 = arith.constant 30 : i32
        %xor3A_813 = vector.broadcast %xor3A_812 : i32 to vector<16xi32>
        %xor3A_814 = arith.xori %iota3A, %xor3A_813 : vector<16xi32>
        %gather3A_815 = tpu.vector_load_idx %arg7[%add3A_551, %xor3A_814] : memref<512x32xf32, #tpu.memory_space<vmem>>[vector<16xi32>, vector<16xi32>], vector<16xf32>,
        %xor3A_816 = arith.constant 31 : i32
        %xor3A_817 = vector.broadcast %xor3A_816 : i32 to vector<16xi32>
        %xor3A_818 = arith.xori %iota3A, %xor3A_817 : vector<16xi32>
        %gather3A_819 = tpu.vector_load_idx %arg7[%add3A_551, %xor3A_818] : memref<512x32xf32, #tpu.memory_space<vmem>>[vector<16xi32>, vector<16xi32>], vector<16xf32>,
        %xor3A_820 = arith.constant 12288 : i32
        %xor3A_821 = vector.broadcast %xor3A_820 : i32 to vector<16xi32>
        %xor3A_822 = arith.xori %or3A, %xor3A_821 : vector<16xi32>
        %or3A_823 = arith.ori %add3A_574, %xor3A_822 : vector<16xi32>
        %abs3A_824 = math.absf %gather3A_791 : vector<16xf32>
        tpu.vector_store_idx %arg11[%or3A_823], %abs3A_824 : memref<16384xf32, #tpu.memory_space<vmem>>[vector<16xi32>], vector<16xf32>,
        %xor3A_825 = arith.constant 12416 : i32
        %xor3A_826 = vector.broadcast %xor3A_825 : i32 to vector<16xi32>
        %xor3A_827 = arith.xori %or3A, %xor3A_826 : vector<16xi32>
        %or3A_828 = arith.ori %add3A_574, %xor3A_827 : vector<16xi32>
        %abs3A_829 = math.absf %gather3A_795 : vector<16xf32>
        tpu.vector_store_idx %arg11[%or3A_828], %abs3A_829 : memref<16384xf32, #tpu.memory_space<vmem>>[vector<16xi32>], vector<16xf32>,
        %xor3A_830 = arith.constant 12544 : i32
        %xor3A_831 = vector.broadcast %xor3A_830 : i32 to vector<16xi32>
        %xor3A_832 = arith.xori %or3A, %xor3A_831 : vector<16xi32>
        %or3A_833 = arith.ori %add3A_574, %xor3A_832 : vector<16xi32>
        %abs3A_834 = math.absf %gather3A_799 : vector<16xf32>
        tpu.vector_store_idx %arg11[%or3A_833], %abs3A_834 : memref<16384xf32, #tpu.memory_space<vmem>>[vector<16xi32>], vector<16xf32>,
        %xor3A_835 = arith.constant 12672 : i32
        %xor3A_836 = vector.broadcast %xor3A_835 : i32 to vector<16xi32>
        %xor3A_837 = arith.xori %or3A, %xor3A_836 : vector<16xi32>
        %or3A_838 = arith.ori %add3A_574, %xor3A_837 : vector<16xi32>
        %abs3A_839 = math.absf %gather3A_803 : vector<16xf32>
        tpu.vector_store_idx %arg11[%or3A_838], %abs3A_839 : memref<16384xf32, #tpu.memory_space<vmem>>[vector<16xi32>], vector<16xf32>,
        %xor3A_840 = arith.constant 12800 : i32
        %xor3A_841 = vector.broadcast %xor3A_840 : i32 to vector<16xi32>
        %xor3A_842 = arith.xori %or3A, %xor3A_841 : vector<16xi32>
        %or3A_843 = arith.ori %add3A_574, %xor3A_842 : vector<16xi32>
        %abs3A_844 = math.absf %gather3A_807 : vector<16xf32>
        tpu.vector_store_idx %arg11[%or3A_843], %abs3A_844 : memref<16384xf32, #tpu.memory_space<vmem>>[vector<16xi32>], vector<16xf32>,
        %xor3A_845 = arith.constant 12928 : i32
        %xor3A_846 = vector.broadcast %xor3A_845 : i32 to vector<16xi32>
        %xor3A_847 = arith.xori %or3A, %xor3A_846 : vector<16xi32>
        %or3A_848 = arith.ori %add3A_574, %xor3A_847 : vector<16xi32>
        %abs3A_849 = math.absf %gather3A_811 : vector<16xf32>
        tpu.vector_store_idx %arg11[%or3A_848], %abs3A_849 : memref<16384xf32, #tpu.memory_space<vmem>>[vector<16xi32>], vector<16xf32>,
        %xor3A_850 = arith.constant 13056 : i32
        %xor3A_851 = vector.broadcast %xor3A_850 : i32 to vector<16xi32>
        %xor3A_852 = arith.xori %or3A, %xor3A_851 : vector<16xi32>
        %or3A_853 = arith.ori %add3A_574, %xor3A_852 : vector<16xi32>
        %abs3A_854 = math.absf %gather3A_815 : vector<16xf32>
        tpu.vector_store_idx %arg11[%or3A_853], %abs3A_854 : memref<16384xf32, #tpu.memory_space<vmem>>[vector<16xi32>], vector<16xf32>,
        %xor3A_855 = arith.constant 13184 : i32
        %xor3A_856 = vector.broadcast %xor3A_855 : i32 to vector<16xi32>
        %xor3A_857 = arith.xori %or3A, %xor3A_856 : vector<16xi32>
        %or3A_858 = arith.ori %add3A_574, %xor3A_857 : vector<16xi32>
        %abs3A_859 = math.absf %gather3A_819 : vector<16xf32>
        tpu.vector_store_idx %arg11[%or3A_858], %abs3A_859 : memref<16384xf32, #tpu.memory_space<vmem>>[vector<16xi32>], vector<16xf32>,
      }
      %scan3A_237 = arith.constant 32 : i32
      %add3A_238 = arith.constant 1 : i32
      %add3A_239 = arith.addi %mul3A_118, %add3A_238 : i32
      %mul3A_240 = arith.constant 4 : i32
      %mul3A_241 = arith.muli %add3A_239, %mul3A_240 : i32
      %add3A_242 = arith.constant 0 : i32
      %add3A_243 = arith.addi %mul3A_241, %add3A_242 : i32
      %mul3A_244 = arith.constant 128 : i32
      %mul3A_245 = arith.muli %add3A_243, %mul3A_244 : i32
      %add3A_246 = arith.addi %mul3A_245, %mul3A_4 : i32
      %mul3A_247 = arith.constant 1024 : i32
      %mul3A_248 = arith.muli %add3A_246, %mul3A_247 : i32
      %dma_start3A_249 = arith.constant 0 : i32
      %dma_start3A_250 = tpu.memref_slice %arg11[%dma_start3A_249] : memref<16384xf32, #tpu.memory_space<vmem>> -> memref<4096xf32, #tpu.memory_space<vmem>>
      %dma_start3A_251 = tpu.memref_slice %arg4[%mul3A_248] : memref<52428800xf32, #tpu.memory_space<hbm>> -> memref<4096xf32, #tpu.memory_space<hbm>>
      %dma_start3A_252 = tpu.memref_slice %arg4[%mul3A_248] : memref<52428800xf32, #tpu.memory_space<hbm>> -> memref<4096xf32, #tpu.memory_space<hbm>>
      %dma_start3A_253 = arith.constant 0 : i32
      %dma_start3A_254 = tpu.memref_slice %arg11[%dma_start3A_253] : memref<16384xf32, #tpu.memory_space<vmem>> -> memref<4096xf32, #tpu.memory_space<vmem>>
      tpu.enqueue_dma source(%dma_start3A_254 : memref<4096xf32, #tpu.memory_space<vmem>>) target(%dma_start3A_252 : memref<4096xf32, #tpu.memory_space<hbm>>) target_semaphore(%arg14 : memref<!tpu.dma_semaphore, #tpu.memory_space<semaphore_mem>>)
      %mul3A_255 = arith.constant 4 : i32
      %mul3A_256 = arith.muli %add3A_239, %mul3A_255 : i32
      %add3A_257 = arith.constant 1 : i32
      %add3A_258 = arith.addi %mul3A_256, %add3A_257 : i32
      %mul3A_259 = arith.constant 128 : i32
      %mul3A_260 = arith.muli %add3A_258, %mul3A_259 : i32
      %add3A_261 = arith.addi %mul3A_260, %mul3A_4 : i32
      %mul3A_262 = arith.constant 1024 : i32
      %mul3A_263 = arith.muli %add3A_261, %mul3A_262 : i32
      %dma_start3A_264 = arith.constant 4096 : i32
      %dma_start3A_265 = tpu.memref_slice %arg11[%dma_start3A_264] : memref<16384xf32, #tpu.memory_space<vmem>> -> memref<4096xf32, #tpu.memory_space<vmem>>
      %dma_start3A_266 = tpu.memref_slice %arg4[%mul3A_263] : memref<52428800xf32, #tpu.memory_space<hbm>> -> memref<4096xf32, #tpu.memory_space<hbm>>
      %dma_start3A_267 = tpu.memref_slice %arg4[%mul3A_263] : memref<52428800xf32, #tpu.memory_space<hbm>> -> memref<4096xf32, #tpu.memory_space<hbm>>
      %dma_start3A_268 = arith.constant 4096 : i32
      %dma_start3A_269 = tpu.memref_slice %arg11[%dma_start3A_268] : memref<16384xf32, #tpu.memory_space<vmem>> -> memref<4096xf32, #tpu.memory_space<vmem>>
      tpu.enqueue_dma source(%dma_start3A_269 : memref<4096xf32, #tpu.memory_space<vmem>>) target(%dma_start3A_267 : memref<4096xf32, #tpu.memory_space<hbm>>) target_semaphore(%arg14 : memref<!tpu.dma_semaphore, #tpu.memory_space<semaphore_mem>>)
      %mul3A_270 = arith.constant 4 : i32
      %mul3A_271 = arith.muli %add3A_239, %mul3A_270 : i32
      %add3A_272 = arith.constant 2 : i32
      %add3A_273 = arith.addi %mul3A_271, %add3A_272 : i32
      %mul3A_274 = arith.constant 128 : i32
      %mul3A_275 = arith.muli %add3A_273, %mul3A_274 : i32
      %add3A_276 = arith.addi %mul3A_275, %mul3A_4 : i32
      %mul3A_277 = arith.constant 1024 : i32
      %mul3A_278 = arith.muli %add3A_276, %mul3A_277 : i32
      %dma_start3A_279 = arith.constant 8192 : i32
      %dma_start3A_280 = tpu.memref_slice %arg11[%dma_start3A_279] : memref<16384xf32, #tpu.memory_space<vmem>> -> memref<4096xf32, #tpu.memory_space<vmem>>
      %dma_start3A_281 = tpu.memref_slice %arg4[%mul3A_278] : memref<52428800xf32, #tpu.memory_space<hbm>> -> memref<4096xf32, #tpu.memory_space<hbm>>
      %dma_start3A_282 = tpu.memref_slice %arg4[%mul3A_278] : memref<52428800xf32, #tpu.memory_space<hbm>> -> memref<4096xf32, #tpu.memory_space<hbm>>
      %dma_start3A_283 = arith.constant 8192 : i32
      %dma_start3A_284 = tpu.memref_slice %arg11[%dma_start3A_283] : memref<16384xf32, #tpu.memory_space<vmem>> -> memref<4096xf32, #tpu.memory_space<vmem>>
      tpu.enqueue_dma source(%dma_start3A_284 : memref<4096xf32, #tpu.memory_space<vmem>>) target(%dma_start3A_282 : memref<4096xf32, #tpu.memory_space<hbm>>) target_semaphore(%arg14 : memref<!tpu.dma_semaphore, #tpu.memory_space<semaphore_mem>>)
      %mul3A_285 = arith.constant 4 : i32
      %mul3A_286 = arith.muli %add3A_239, %mul3A_285 : i32
      %add3A_287 = arith.constant 3 : i32
      %add3A_288 = arith.addi %mul3A_286, %add3A_287 : i32
      %mul3A_289 = arith.constant 128 : i32
      %mul3A_290 = arith.muli %add3A_288, %mul3A_289 : i32
      %add3A_291 = arith.addi %mul3A_290, %mul3A_4 : i32
      %mul3A_292 = arith.constant 1024 : i32
      %mul3A_293 = arith.muli %add3A_291, %mul3A_292 : i32
      %dma_start3A_294 = arith.constant 12288 : i32
      %dma_start3A_295 = tpu.memref_slice %arg11[%dma_start3A_294] : memref<16384xf32, #tpu.memory_space<vmem>> -> memref<4096xf32, #tpu.memory_space<vmem>>
      %dma_start3A_296 = tpu.memref_slice %arg4[%mul3A_293] : memref<52428800xf32, #tpu.memory_space<hbm>> -> memref<4096xf32, #tpu.memory_space<hbm>>
      %dma_start3A_297 = tpu.memref_slice %arg4[%mul3A_293] : memref<52428800xf32, #tpu.memory_space<hbm>> -> memref<4096xf32, #tpu.memory_space<hbm>>
      %dma_start3A_298 = arith.constant 12288 : i32
      %dma_start3A_299 = tpu.memref_slice %arg11[%dma_start3A_298] : memref<16384xf32, #tpu.memory_space<vmem>> -> memref<4096xf32, #tpu.memory_space<vmem>>
      tpu.enqueue_dma source(%dma_start3A_299 : memref<4096xf32, #tpu.memory_space<vmem>>) target(%dma_start3A_297 : memref<4096xf32, #tpu.memory_space<hbm>>) target_semaphore(%arg14 : memref<!tpu.dma_semaphore, #tpu.memory_space<semaphore_mem>>)
      %dma_wait3A_300 = arith.constant 0 : i32
      %dma_wait3A_301 = arith.constant 0 : i32
      %dma_wait3A_302 = tpu.memref_slice %arg3[%dma_wait3A_300, %dma_wait3A_301] : memref<1000000x32xf32, #tpu.memory_space<hbm>> -> memref<512x32xf32, #tpu.memory_space<hbm>>
      %dma_wait3A_303 = arith.constant 0 : i32
      %dma_wait3A_304 = arith.constant 0 : i32
      %dma_wait3A_305 = tpu.memref_slice %arg3[%dma_wait3A_303, %dma_wait3A_304] : memref<1000000x32xf32, #tpu.memory_space<hbm>> -> memref<512x32xf32, #tpu.memory_space<hbm>>
      tpu.wait_dma2 semaphore(%arg13 : memref<!tpu.dma_semaphore, #tpu.memory_space<semaphore_mem>>) src(%dma_wait3A_305 : memref<512x32xf32, #tpu.memory_space<hbm>>) dst(%arg8 : memref<512x32xf32, #tpu.memory_space<vmem>>)
      %add3A_306 = arith.constant 1 : i32
      %add3A_307 = arith.addi %scan3A_106, %add3A_306 : i32
      %lt3A_308 = arith.constant 25 : i32
      %lt3A_309 = arith.cmpi slt, %add3A_307, %lt3A_308 : i32
      %convert_element_type3A_310 = arith.extui %lt3A_309 : i1 to i32
      %cond3A_311 = arith.constant 0 : i32
      %cond3A_312 = arith.cmpi ne, %convert_element_type3A_310, %cond3A_311 : i32
      scf.if %cond3A_312 {
        %sub3A = arith.constant 1 : i32
        %sub3A_526 = arith.subi %sub3A, %select_n3A_116 : i32
        %dma_start3A_527 = arith.constant 1 : i32
        %dma_start3A_528 = arith.constant 0 : i32
        %dma_start3A_529 = tpu.memref_slice %arg5[%sub3A_526, %dma_start3A_527, %dma_start3A_528] : memref<2x4x512xi32, #tpu.memory_space<vmem>> -> memref<1x1x512xi32, #tpu.memory_space<vmem>>
        %dma_start3A_530 = tpu.memref_squeeze %dma_start3A_529 : memref<1x1x512xi32, #tpu.memory_space<vmem>> -> memref<512xi32, #tpu.memory_space<vmem>>
        %dma_start3A_531 = arith.constant 0 : i32
        %dma_start3A_532 = arith.constant 0 : i32
        %dma_start3A_533 = tpu.memref_slice %arg3[%dma_start3A_531, %dma_start3A_532] : memref<1000000x32xf32, #tpu.memory_space<hbm>> -> memref<1000000x32xf32, #tpu.memory_space<hbm>>
        tpu.enqueue_indirect_dma source(%dma_start3A_533 : memref<1000000x32xf32, #tpu.memory_space<hbm>>) target(%arg7 : memref<512x32xf32, #tpu.memory_space<vmem>>) offsets(%dma_start3A_530 : memref<512xi32, #tpu.memory_space<vmem>>) semaphore(%arg13 : memref<!tpu.dma_semaphore, #tpu.memory_space<semaphore_mem>>)
      } else {
      }
      %mul3A_313 = arith.constant 1024 : i32
      %mul3A_314 = arith.muli %mul3A_4, %mul3A_313 : i32
      %dma_wait3A_315 = arith.constant 0 : i32
      %dma_wait3A_316 = tpu.memref_slice %arg10[%dma_wait3A_315] : memref<16384xf32, #tpu.memory_space<vmem>> -> memref<4096xf32, #tpu.memory_space<vmem>>
      %dma_wait3A_317 = tpu.memref_slice %arg4[%mul3A_314] : memref<52428800xf32, #tpu.memory_space<hbm>> -> memref<4096xf32, #tpu.memory_space<hbm>>
      %dma_wait3A_318 = tpu.memref_slice %arg4[%mul3A_314] : memref<52428800xf32, #tpu.memory_space<hbm>> -> memref<4096xf32, #tpu.memory_space<hbm>>
      %dma_wait3A_319 = arith.constant 0 : i32
      %dma_wait3A_320 = tpu.memref_slice %arg10[%dma_wait3A_319] : memref<16384xf32, #tpu.memory_space<vmem>> -> memref<4096xf32, #tpu.memory_space<vmem>>
      tpu.wait_dma2 semaphore(%arg14 : memref<!tpu.dma_semaphore, #tpu.memory_space<semaphore_mem>>) src(%dma_wait3A_320 : memref<4096xf32, #tpu.memory_space<vmem>>) dst(%dma_wait3A_318 : memref<4096xf32, #tpu.memory_space<hbm>>)
      %mul3A_321 = arith.constant 1024 : i32
      %mul3A_322 = arith.muli %mul3A_4, %mul3A_321 : i32
      %dma_wait3A_323 = arith.constant 4096 : i32
      %dma_wait3A_324 = tpu.memref_slice %arg10[%dma_wait3A_323] : memref<16384xf32, #tpu.memory_space<vmem>> -> memref<4096xf32, #tpu.memory_space<vmem>>
      %dma_wait3A_325 = tpu.memref_slice %arg4[%mul3A_322] : memref<52428800xf32, #tpu.memory_space<hbm>> -> memref<4096xf32, #tpu.memory_space<hbm>>
      %dma_wait3A_326 = tpu.memref_slice %arg4[%mul3A_322] : memref<52428800xf32, #tpu.memory_space<hbm>> -> memref<4096xf32, #tpu.memory_space<hbm>>
      %dma_wait3A_327 = arith.constant 4096 : i32
      %dma_wait3A_328 = tpu.memref_slice %arg10[%dma_wait3A_327] : memref<16384xf32, #tpu.memory_space<vmem>> -> memref<4096xf32, #tpu.memory_space<vmem>>
      tpu.wait_dma2 semaphore(%arg14 : memref<!tpu.dma_semaphore, #tpu.memory_space<semaphore_mem>>) src(%dma_wait3A_328 : memref<4096xf32, #tpu.memory_space<vmem>>) dst(%dma_wait3A_326 : memref<4096xf32, #tpu.memory_space<hbm>>)
      %mul3A_329 = arith.constant 1024 : i32
      %mul3A_330 = arith.muli %mul3A_4, %mul3A_329 : i32
      %dma_wait3A_331 = arith.constant 8192 : i32
      %dma_wait3A_332 = tpu.memref_slice %arg10[%dma_wait3A_331] : memref<16384xf32, #tpu.memory_space<vmem>> -> memref<4096xf32, #tpu.memory_space<vmem>>
      %dma_wait3A_333 = tpu.memref_slice %arg4[%mul3A_330] : memref<52428800xf32, #tpu.memory_space<hbm>> -> memref<4096xf32, #tpu.memory_space<hbm>>
      %dma_wait3A_334 = tpu.memref_slice %arg4[%mul3A_330] : memref<52428800xf32, #tpu.memory_space<hbm>> -> memref<4096xf32, #tpu.memory_space<hbm>>
      %dma_wait3A_335 = arith.constant 8192 : i32
      %dma_wait3A_336 = tpu.memref_slice %arg10[%dma_wait3A_335] : memref<16384xf32, #tpu.memory_space<vmem>> -> memref<4096xf32, #tpu.memory_space<vmem>>
      tpu.wait_dma2 semaphore(%arg14 : memref<!tpu.dma_semaphore, #tpu.memory_space<semaphore_mem>>) src(%dma_wait3A_336 : memref<4096xf32, #tpu.memory_space<vmem>>) dst(%dma_wait3A_334 : memref<4096xf32, #tpu.memory_space<hbm>>)
      %mul3A_337 = arith.constant 1024 : i32
      %mul3A_338 = arith.muli %mul3A_4, %mul3A_337 : i32
      %dma_wait3A_339 = arith.constant 12288 : i32
      %dma_wait3A_340 = tpu.memref_slice %arg10[%dma_wait3A_339] : memref<16384xf32, #tpu.memory_space<vmem>> -> memref<4096xf32, #tpu.memory_space<vmem>>
      %dma_wait3A_341 = tpu.memref_slice %arg4[%mul3A_338] : memref<52428800xf32, #tpu.memory_space<hbm>> -> memref<4096xf32, #tpu.memory_space<hbm>>
      %dma_wait3A_342 = tpu.memref_slice %arg4[%mul3A_338] : memref<52428800xf32, #tpu.memory_space<hbm>> -> memref<4096xf32, #tpu.memory_space<hbm>>
      %dma_wait3A_343 = arith.constant 12288 : i32
      %dma_wait3A_344 = tpu.memref_slice %arg10[%dma_wait3A_343] : memref<16384xf32, #tpu.memory_space<vmem>> -> memref<4096xf32, #tpu.memory_space<vmem>>
      tpu.wait_dma2 semaphore(%arg14 : memref<!tpu.dma_semaphore, #tpu.memory_space<semaphore_mem>>) src(%dma_wait3A_344 : memref<4096xf32, #tpu.memory_space<vmem>>) dst(%dma_wait3A_342 : memref<4096xf32, #tpu.memory_space<hbm>>)
      %scan3A_345 = arith.constant 0 : i32
      %scan3A_346 = arith.constant 0 : i32
      %scan3A_347 = arith.constant 32 : i32
      %scan3A_348 = arith.addi %scan3A_346, %scan3A_347 : i32
      %scan3A_349 = arith.constant 1 : i32
      scf.for %scan3A_526 = %scan3A_346 to %scan3A_348 step %scan3A_349  : i32 {
        %jit3A_527 = arith.constant 8 : i32
        %div3A = arith.divsi %scan3A_526, %jit3A_527 : i32
        %sign3A = arith.constant 0 : i32
        %sign3A_528 = arith.cmpi sgt, %scan3A_526, %sign3A : i32
        %sign3A_529 = arith.extui %sign3A_528 : i1 to i32
        %sign3A_530 = arith.constant 0 : i32
        %sign3A_531 = arith.cmpi slt, %scan3A_526, %sign3A_530 : i32
        %sign3A_532 = arith.extui %sign3A_531 : i1 to i32
        %sign3A_533 = arith.subi %sign3A_529, %sign3A_532 : i32
        %sign3A_534 = arith.constant 0 : i32
        %sign3A_535 = arith.cmpi sgt, %jit3A_527, %sign3A_534 : i32
        %sign3A_536 = arith.extui %sign3A_535 : i1 to i32
        %sign3A_537 = arith.constant 0 : i32
        %sign3A_538 = arith.cmpi slt, %jit3A_527, %sign3A_537 : i32
        %sign3A_539 = arith.extui %sign3A_538 : i1 to i32
        %sign3A_540 = arith.subi %sign3A_536, %sign3A_539 : i32
        %ne3A_541 = arith.cmpi ne, %sign3A_533, %sign3A_540 : i32
        %rem3A_542 = arith.remsi %scan3A_526, %jit3A_527 : i32
        %ne3A_543 = arith.constant 0 : i32
        %ne3A_544 = arith.cmpi ne, %rem3A_542, %ne3A_543 : i32
        %and3A_545 = arith.andi %ne3A_541, %ne3A_544 : i1
        %sub3A = arith.constant 1 : i32
        %sub3A_546 = arith.subi %div3A, %sub3A : i32
        %select_n3A_547 = arith.select %and3A_545, %sub3A_546, %div3A : i32
        %mul3A_548 = arith.constant 16 : i32
        %mul3A_549 = arith.muli %scan3A_526, %mul3A_548 : i32
        %add3A_550 = vector.broadcast %mul3A_549 : i32 to vector<16xi32>
        %add3A_551 = arith.addi %add3A_550, %iota3A : vector<16xi32>
        %mul3A_552 = arith.constant 1024 : i32
        %mul3A_553 = arith.muli %select_n3A_547, %mul3A_552 : i32
        %jit3A_554 = arith.constant 8 : i32
        %eq3A_555 = arith.constant 0 : i32
        %eq3A_556 = arith.cmpi eq, %jit3A_554, %eq3A_555 : i32
        %jit3A_557 = arith.constant 1 : i32
        %select_n3A_558 = arith.select %eq3A_556, %jit3A_557, %jit3A_554 : i32
        %rem3A_559 = arith.remsi %scan3A_526, %select_n3A_558 : i32
        %ne3A_560 = arith.constant 0 : i32
        %ne3A_561 = arith.cmpi ne, %rem3A_559, %ne3A_560 : i32
        %lt3A_562 = arith.constant 0 : i32
        %lt3A_563 = arith.cmpi slt, %rem3A_559, %lt3A_562 : i32
        %lt3A_564 = arith.constant 0 : i32
        %lt3A_565 = arith.cmpi slt, %select_n3A_558, %lt3A_564 : i32
        %ne3A_566 = arith.xori %lt3A_563, %lt3A_565 : i1
        %and3A_567 = arith.andi %ne3A_566, %ne3A_561 : i1
        %add3A_568 = arith.addi %rem3A_559, %select_n3A_558 : i32
        %select_n3A_569 = arith.select %and3A_567, %add3A_568, %rem3A_559 : i32
        %mul3A_570 = arith.constant 16 : i32
        %mul3A_571 = arith.muli %select_n3A_569, %mul3A_570 : i32
        %add3A_572 = arith.addi %mul3A_553, %mul3A_571 : i32
        %add3A_573 = vector.broadcast %add3A_572 : i32 to vector<16xi32>
        %add3A_574 = arith.addi %add3A_573, %iota3A : vector<16xi32>
        %xor3A = arith.constant 0 : i32
        %xor3A_575 = vector.broadcast %xor3A : i32 to vector<16xi32>
        %xor3A_576 = arith.xori %iota3A, %xor3A_575 : vector<16xi32>
        %gather3A = tpu.vector_load_idx %arg8[%add3A_551, %xor3A_576] : memref<512x32xf32, #tpu.memory_space<vmem>>[vector<16xi32>, vector<16xi32>], vector<16xf32>,
        %xor3A_577 = arith.constant 1 : i32
        %xor3A_578 = vector.broadcast %xor3A_577 : i32 to vector<16xi32>
        %xor3A_579 = arith.xori %iota3A, %xor3A_578 : vector<16xi32>
        %gather3A_580 = tpu.vector_load_idx %arg8[%add3A_551, %xor3A_579] : memref<512x32xf32, #tpu.memory_space<vmem>>[vector<16xi32>, vector<16xi32>], vector<16xf32>,
        %xor3A_581 = arith.constant 2 : i32
        %xor3A_582 = vector.broadcast %xor3A_581 : i32 to vector<16xi32>
        %xor3A_583 = arith.xori %iota3A, %xor3A_582 : vector<16xi32>
        %gather3A_584 = tpu.vector_load_idx %arg8[%add3A_551, %xor3A_583] : memref<512x32xf32, #tpu.memory_space<vmem>>[vector<16xi32>, vector<16xi32>], vector<16xf32>,
        %xor3A_585 = arith.constant 3 : i32
        %xor3A_586 = vector.broadcast %xor3A_585 : i32 to vector<16xi32>
        %xor3A_587 = arith.xori %iota3A, %xor3A_586 : vector<16xi32>
        %gather3A_588 = tpu.vector_load_idx %arg8[%add3A_551, %xor3A_587] : memref<512x32xf32, #tpu.memory_space<vmem>>[vector<16xi32>, vector<16xi32>], vector<16xf32>,
        %xor3A_589 = arith.constant 4 : i32
        %xor3A_590 = vector.broadcast %xor3A_589 : i32 to vector<16xi32>
        %xor3A_591 = arith.xori %iota3A, %xor3A_590 : vector<16xi32>
        %gather3A_592 = tpu.vector_load_idx %arg8[%add3A_551, %xor3A_591] : memref<512x32xf32, #tpu.memory_space<vmem>>[vector<16xi32>, vector<16xi32>], vector<16xf32>,
        %xor3A_593 = arith.constant 5 : i32
        %xor3A_594 = vector.broadcast %xor3A_593 : i32 to vector<16xi32>
        %xor3A_595 = arith.xori %iota3A, %xor3A_594 : vector<16xi32>
        %gather3A_596 = tpu.vector_load_idx %arg8[%add3A_551, %xor3A_595] : memref<512x32xf32, #tpu.memory_space<vmem>>[vector<16xi32>, vector<16xi32>], vector<16xf32>,
        %xor3A_597 = arith.constant 6 : i32
        %xor3A_598 = vector.broadcast %xor3A_597 : i32 to vector<16xi32>
        %xor3A_599 = arith.xori %iota3A, %xor3A_598 : vector<16xi32>
        %gather3A_600 = tpu.vector_load_idx %arg8[%add3A_551, %xor3A_599] : memref<512x32xf32, #tpu.memory_space<vmem>>[vector<16xi32>, vector<16xi32>], vector<16xf32>,
        %xor3A_601 = arith.constant 7 : i32
        %xor3A_602 = vector.broadcast %xor3A_601 : i32 to vector<16xi32>
        %xor3A_603 = arith.xori %iota3A, %xor3A_602 : vector<16xi32>
        %gather3A_604 = tpu.vector_load_idx %arg8[%add3A_551, %xor3A_603] : memref<512x32xf32, #tpu.memory_space<vmem>>[vector<16xi32>, vector<16xi32>], vector<16xf32>,
        %xor3A_605 = arith.constant 0 : i32
        %xor3A_606 = vector.broadcast %xor3A_605 : i32 to vector<16xi32>
        %xor3A_607 = arith.xori %or3A, %xor3A_606 : vector<16xi32>
        %or3A_608 = arith.ori %add3A_574, %xor3A_607 : vector<16xi32>
        %abs3A = math.absf %gather3A : vector<16xf32>
        tpu.vector_store_idx %arg10[%or3A_608], %abs3A : memref<16384xf32, #tpu.memory_space<vmem>>[vector<16xi32>], vector<16xf32>,
        %xor3A_609 = arith.constant 128 : i32
        %xor3A_610 = vector.broadcast %xor3A_609 : i32 to vector<16xi32>
        %xor3A_611 = arith.xori %or3A, %xor3A_610 : vector<16xi32>
        %or3A_612 = arith.ori %add3A_574, %xor3A_611 : vector<16xi32>
        %abs3A_613 = math.absf %gather3A_580 : vector<16xf32>
        tpu.vector_store_idx %arg10[%or3A_612], %abs3A_613 : memref<16384xf32, #tpu.memory_space<vmem>>[vector<16xi32>], vector<16xf32>,
        %xor3A_614 = arith.constant 256 : i32
        %xor3A_615 = vector.broadcast %xor3A_614 : i32 to vector<16xi32>
        %xor3A_616 = arith.xori %or3A, %xor3A_615 : vector<16xi32>
        %or3A_617 = arith.ori %add3A_574, %xor3A_616 : vector<16xi32>
        %abs3A_618 = math.absf %gather3A_584 : vector<16xf32>
        tpu.vector_store_idx %arg10[%or3A_617], %abs3A_618 : memref<16384xf32, #tpu.memory_space<vmem>>[vector<16xi32>], vector<16xf32>,
        %xor3A_619 = arith.constant 384 : i32
        %xor3A_620 = vector.broadcast %xor3A_619 : i32 to vector<16xi32>
        %xor3A_621 = arith.xori %or3A, %xor3A_620 : vector<16xi32>
        %or3A_622 = arith.ori %add3A_574, %xor3A_621 : vector<16xi32>
        %abs3A_623 = math.absf %gather3A_588 : vector<16xf32>
        tpu.vector_store_idx %arg10[%or3A_622], %abs3A_623 : memref<16384xf32, #tpu.memory_space<vmem>>[vector<16xi32>], vector<16xf32>,
        %xor3A_624 = arith.constant 512 : i32
        %xor3A_625 = vector.broadcast %xor3A_624 : i32 to vector<16xi32>
        %xor3A_626 = arith.xori %or3A, %xor3A_625 : vector<16xi32>
        %or3A_627 = arith.ori %add3A_574, %xor3A_626 : vector<16xi32>
        %abs3A_628 = math.absf %gather3A_592 : vector<16xf32>
        tpu.vector_store_idx %arg10[%or3A_627], %abs3A_628 : memref<16384xf32, #tpu.memory_space<vmem>>[vector<16xi32>], vector<16xf32>,
        %xor3A_629 = arith.constant 640 : i32
        %xor3A_630 = vector.broadcast %xor3A_629 : i32 to vector<16xi32>
        %xor3A_631 = arith.xori %or3A, %xor3A_630 : vector<16xi32>
        %or3A_632 = arith.ori %add3A_574, %xor3A_631 : vector<16xi32>
        %abs3A_633 = math.absf %gather3A_596 : vector<16xf32>
        tpu.vector_store_idx %arg10[%or3A_632], %abs3A_633 : memref<16384xf32, #tpu.memory_space<vmem>>[vector<16xi32>], vector<16xf32>,
        %xor3A_634 = arith.constant 768 : i32
        %xor3A_635 = vector.broadcast %xor3A_634 : i32 to vector<16xi32>
        %xor3A_636 = arith.xori %or3A, %xor3A_635 : vector<16xi32>
        %or3A_637 = arith.ori %add3A_574, %xor3A_636 : vector<16xi32>
        %abs3A_638 = math.absf %gather3A_600 : vector<16xf32>
        tpu.vector_store_idx %arg10[%or3A_637], %abs3A_638 : memref<16384xf32, #tpu.memory_space<vmem>>[vector<16xi32>], vector<16xf32>,
        %xor3A_639 = arith.constant 896 : i32
        %xor3A_640 = vector.broadcast %xor3A_639 : i32 to vector<16xi32>
        %xor3A_641 = arith.xori %or3A, %xor3A_640 : vector<16xi32>
        %or3A_642 = arith.ori %add3A_574, %xor3A_641 : vector<16xi32>
        %abs3A_643 = math.absf %gather3A_604 : vector<16xf32>
        tpu.vector_store_idx %arg10[%or3A_642], %abs3A_643 : memref<16384xf32, #tpu.memory_space<vmem>>[vector<16xi32>], vector<16xf32>,
        %xor3A_644 = arith.constant 8 : i32
        %xor3A_645 = vector.broadcast %xor3A_644 : i32 to vector<16xi32>
        %xor3A_646 = arith.xori %iota3A, %xor3A_645 : vector<16xi32>
        %gather3A_647 = tpu.vector_load_idx %arg8[%add3A_551, %xor3A_646] : memref<512x32xf32, #tpu.memory_space<vmem>>[vector<16xi32>, vector<16xi32>], vector<16xf32>,
        %xor3A_648 = arith.constant 9 : i32
        %xor3A_649 = vector.broadcast %xor3A_648 : i32 to vector<16xi32>
        %xor3A_650 = arith.xori %iota3A, %xor3A_649 : vector<16xi32>
        %gather3A_651 = tpu.vector_load_idx %arg8[%add3A_551, %xor3A_650] : memref<512x32xf32, #tpu.memory_space<vmem>>[vector<16xi32>, vector<16xi32>], vector<16xf32>,
        %xor3A_652 = arith.constant 10 : i32
        %xor3A_653 = vector.broadcast %xor3A_652 : i32 to vector<16xi32>
        %xor3A_654 = arith.xori %iota3A, %xor3A_653 : vector<16xi32>
        %gather3A_655 = tpu.vector_load_idx %arg8[%add3A_551, %xor3A_654] : memref<512x32xf32, #tpu.memory_space<vmem>>[vector<16xi32>, vector<16xi32>], vector<16xf32>,
        %xor3A_656 = arith.constant 11 : i32
        %xor3A_657 = vector.broadcast %xor3A_656 : i32 to vector<16xi32>
        %xor3A_658 = arith.xori %iota3A, %xor3A_657 : vector<16xi32>
        %gather3A_659 = tpu.vector_load_idx %arg8[%add3A_551, %xor3A_658] : memref<512x32xf32, #tpu.memory_space<vmem>>[vector<16xi32>, vector<16xi32>], vector<16xf32>,
        %xor3A_660 = arith.constant 12 : i32
        %xor3A_661 = vector.broadcast %xor3A_660 : i32 to vector<16xi32>
        %xor3A_662 = arith.xori %iota3A, %xor3A_661 : vector<16xi32>
        %gather3A_663 = tpu.vector_load_idx %arg8[%add3A_551, %xor3A_662] : memref<512x32xf32, #tpu.memory_space<vmem>>[vector<16xi32>, vector<16xi32>], vector<16xf32>,
        %xor3A_664 = arith.constant 13 : i32
        %xor3A_665 = vector.broadcast %xor3A_664 : i32 to vector<16xi32>
        %xor3A_666 = arith.xori %iota3A, %xor3A_665 : vector<16xi32>
        %gather3A_667 = tpu.vector_load_idx %arg8[%add3A_551, %xor3A_666] : memref<512x32xf32, #tpu.memory_space<vmem>>[vector<16xi32>, vector<16xi32>], vector<16xf32>,
        %xor3A_668 = arith.constant 14 : i32
        %xor3A_669 = vector.broadcast %xor3A_668 : i32 to vector<16xi32>
        %xor3A_670 = arith.xori %iota3A, %xor3A_669 : vector<16xi32>
        %gather3A_671 = tpu.vector_load_idx %arg8[%add3A_551, %xor3A_670] : memref<512x32xf32, #tpu.memory_space<vmem>>[vector<16xi32>, vector<16xi32>], vector<16xf32>,
        %xor3A_672 = arith.constant 15 : i32
        %xor3A_673 = vector.broadcast %xor3A_672 : i32 to vector<16xi32>
        %xor3A_674 = arith.xori %iota3A, %xor3A_673 : vector<16xi32>
        %gather3A_675 = tpu.vector_load_idx %arg8[%add3A_551, %xor3A_674] : memref<512x32xf32, #tpu.memory_space<vmem>>[vector<16xi32>, vector<16xi32>], vector<16xf32>,
        %xor3A_676 = arith.constant 4096 : i32
        %xor3A_677 = vector.broadcast %xor3A_676 : i32 to vector<16xi32>
        %xor3A_678 = arith.xori %or3A, %xor3A_677 : vector<16xi32>
        %or3A_679 = arith.ori %add3A_574, %xor3A_678 : vector<16xi32>
        %abs3A_680 = math.absf %gather3A_647 : vector<16xf32>
        tpu.vector_store_idx %arg10[%or3A_679], %abs3A_680 : memref<16384xf32, #tpu.memory_space<vmem>>[vector<16xi32>], vector<16xf32>,
        %xor3A_681 = arith.constant 4224 : i32
        %xor3A_682 = vector.broadcast %xor3A_681 : i32 to vector<16xi32>
        %xor3A_683 = arith.xori %or3A, %xor3A_682 : vector<16xi32>
        %or3A_684 = arith.ori %add3A_574, %xor3A_683 : vector<16xi32>
        %abs3A_685 = math.absf %gather3A_651 : vector<16xf32>
        tpu.vector_store_idx %arg10[%or3A_684], %abs3A_685 : memref<16384xf32, #tpu.memory_space<vmem>>[vector<16xi32>], vector<16xf32>,
        %xor3A_686 = arith.constant 4352 : i32
        %xor3A_687 = vector.broadcast %xor3A_686 : i32 to vector<16xi32>
        %xor3A_688 = arith.xori %or3A, %xor3A_687 : vector<16xi32>
        %or3A_689 = arith.ori %add3A_574, %xor3A_688 : vector<16xi32>
        %abs3A_690 = math.absf %gather3A_655 : vector<16xf32>
        tpu.vector_store_idx %arg10[%or3A_689], %abs3A_690 : memref<16384xf32, #tpu.memory_space<vmem>>[vector<16xi32>], vector<16xf32>,
        %xor3A_691 = arith.constant 4480 : i32
        %xor3A_692 = vector.broadcast %xor3A_691 : i32 to vector<16xi32>
        %xor3A_693 = arith.xori %or3A, %xor3A_692 : vector<16xi32>
        %or3A_694 = arith.ori %add3A_574, %xor3A_693 : vector<16xi32>
        %abs3A_695 = math.absf %gather3A_659 : vector<16xf32>
        tpu.vector_store_idx %arg10[%or3A_694], %abs3A_695 : memref<16384xf32, #tpu.memory_space<vmem>>[vector<16xi32>], vector<16xf32>,
        %xor3A_696 = arith.constant 4608 : i32
        %xor3A_697 = vector.broadcast %xor3A_696 : i32 to vector<16xi32>
        %xor3A_698 = arith.xori %or3A, %xor3A_697 : vector<16xi32>
        %or3A_699 = arith.ori %add3A_574, %xor3A_698 : vector<16xi32>
        %abs3A_700 = math.absf %gather3A_663 : vector<16xf32>
        tpu.vector_store_idx %arg10[%or3A_699], %abs3A_700 : memref<16384xf32, #tpu.memory_space<vmem>>[vector<16xi32>], vector<16xf32>,
        %xor3A_701 = arith.constant 4736 : i32
        %xor3A_702 = vector.broadcast %xor3A_701 : i32 to vector<16xi32>
        %xor3A_703 = arith.xori %or3A, %xor3A_702 : vector<16xi32>
        %or3A_704 = arith.ori %add3A_574, %xor3A_703 : vector<16xi32>
        %abs3A_705 = math.absf %gather3A_667 : vector<16xf32>
        tpu.vector_store_idx %arg10[%or3A_704], %abs3A_705 : memref<16384xf32, #tpu.memory_space<vmem>>[vector<16xi32>], vector<16xf32>,
        %xor3A_706 = arith.constant 4864 : i32
        %xor3A_707 = vector.broadcast %xor3A_706 : i32 to vector<16xi32>
        %xor3A_708 = arith.xori %or3A, %xor3A_707 : vector<16xi32>
        %or3A_709 = arith.ori %add3A_574, %xor3A_708 : vector<16xi32>
        %abs3A_710 = math.absf %gather3A_671 : vector<16xf32>
        tpu.vector_store_idx %arg10[%or3A_709], %abs3A_710 : memref<16384xf32, #tpu.memory_space<vmem>>[vector<16xi32>], vector<16xf32>,
        %xor3A_711 = arith.constant 4992 : i32
        %xor3A_712 = vector.broadcast %xor3A_711 : i32 to vector<16xi32>
        %xor3A_713 = arith.xori %or3A, %xor3A_712 : vector<16xi32>
        %or3A_714 = arith.ori %add3A_574, %xor3A_713 : vector<16xi32>
        %abs3A_715 = math.absf %gather3A_675 : vector<16xf32>
        tpu.vector_store_idx %arg10[%or3A_714], %abs3A_715 : memref<16384xf32, #tpu.memory_space<vmem>>[vector<16xi32>], vector<16xf32>,
        %xor3A_716 = arith.constant 16 : i32
        %xor3A_717 = vector.broadcast %xor3A_716 : i32 to vector<16xi32>
        %xor3A_718 = arith.xori %iota3A, %xor3A_717 : vector<16xi32>
        %gather3A_719 = tpu.vector_load_idx %arg8[%add3A_551, %xor3A_718] : memref<512x32xf32, #tpu.memory_space<vmem>>[vector<16xi32>, vector<16xi32>], vector<16xf32>,
        %xor3A_720 = arith.constant 17 : i32
        %xor3A_721 = vector.broadcast %xor3A_720 : i32 to vector<16xi32>
        %xor3A_722 = arith.xori %iota3A, %xor3A_721 : vector<16xi32>
        %gather3A_723 = tpu.vector_load_idx %arg8[%add3A_551, %xor3A_722] : memref<512x32xf32, #tpu.memory_space<vmem>>[vector<16xi32>, vector<16xi32>], vector<16xf32>,
        %xor3A_724 = arith.constant 18 : i32
        %xor3A_725 = vector.broadcast %xor3A_724 : i32 to vector<16xi32>
        %xor3A_726 = arith.xori %iota3A, %xor3A_725 : vector<16xi32>
        %gather3A_727 = tpu.vector_load_idx %arg8[%add3A_551, %xor3A_726] : memref<512x32xf32, #tpu.memory_space<vmem>>[vector<16xi32>, vector<16xi32>], vector<16xf32>,
        %xor3A_728 = arith.constant 19 : i32
        %xor3A_729 = vector.broadcast %xor3A_728 : i32 to vector<16xi32>
        %xor3A_730 = arith.xori %iota3A, %xor3A_729 : vector<16xi32>
        %gather3A_731 = tpu.vector_load_idx %arg8[%add3A_551, %xor3A_730] : memref<512x32xf32, #tpu.memory_space<vmem>>[vector<16xi32>, vector<16xi32>], vector<16xf32>,
        %xor3A_732 = arith.constant 20 : i32
        %xor3A_733 = vector.broadcast %xor3A_732 : i32 to vector<16xi32>
        %xor3A_734 = arith.xori %iota3A, %xor3A_733 : vector<16xi32>
        %gather3A_735 = tpu.vector_load_idx %arg8[%add3A_551, %xor3A_734] : memref<512x32xf32, #tpu.memory_space<vmem>>[vector<16xi32>, vector<16xi32>], vector<16xf32>,
        %xor3A_736 = arith.constant 21 : i32
        %xor3A_737 = vector.broadcast %xor3A_736 : i32 to vector<16xi32>
        %xor3A_738 = arith.xori %iota3A, %xor3A_737 : vector<16xi32>
        %gather3A_739 = tpu.vector_load_idx %arg8[%add3A_551, %xor3A_738] : memref<512x32xf32, #tpu.memory_space<vmem>>[vector<16xi32>, vector<16xi32>], vector<16xf32>,
        %xor3A_740 = arith.constant 22 : i32
        %xor3A_741 = vector.broadcast %xor3A_740 : i32 to vector<16xi32>
        %xor3A_742 = arith.xori %iota3A, %xor3A_741 : vector<16xi32>
        %gather3A_743 = tpu.vector_load_idx %arg8[%add3A_551, %xor3A_742] : memref<512x32xf32, #tpu.memory_space<vmem>>[vector<16xi32>, vector<16xi32>], vector<16xf32>,
        %xor3A_744 = arith.constant 23 : i32
        %xor3A_745 = vector.broadcast %xor3A_744 : i32 to vector<16xi32>
        %xor3A_746 = arith.xori %iota3A, %xor3A_745 : vector<16xi32>
        %gather3A_747 = tpu.vector_load_idx %arg8[%add3A_551, %xor3A_746] : memref<512x32xf32, #tpu.memory_space<vmem>>[vector<16xi32>, vector<16xi32>], vector<16xf32>,
        %xor3A_748 = arith.constant 8192 : i32
        %xor3A_749 = vector.broadcast %xor3A_748 : i32 to vector<16xi32>
        %xor3A_750 = arith.xori %or3A, %xor3A_749 : vector<16xi32>
        %or3A_751 = arith.ori %add3A_574, %xor3A_750 : vector<16xi32>
        %abs3A_752 = math.absf %gather3A_719 : vector<16xf32>
        tpu.vector_store_idx %arg10[%or3A_751], %abs3A_752 : memref<16384xf32, #tpu.memory_space<vmem>>[vector<16xi32>], vector<16xf32>,
        %xor3A_753 = arith.constant 8320 : i32
        %xor3A_754 = vector.broadcast %xor3A_753 : i32 to vector<16xi32>
        %xor3A_755 = arith.xori %or3A, %xor3A_754 : vector<16xi32>
        %or3A_756 = arith.ori %add3A_574, %xor3A_755 : vector<16xi32>
        %abs3A_757 = math.absf %gather3A_723 : vector<16xf32>
        tpu.vector_store_idx %arg10[%or3A_756], %abs3A_757 : memref<16384xf32, #tpu.memory_space<vmem>>[vector<16xi32>], vector<16xf32>,
        %xor3A_758 = arith.constant 8448 : i32
        %xor3A_759 = vector.broadcast %xor3A_758 : i32 to vector<16xi32>
        %xor3A_760 = arith.xori %or3A, %xor3A_759 : vector<16xi32>
        %or3A_761 = arith.ori %add3A_574, %xor3A_760 : vector<16xi32>
        %abs3A_762 = math.absf %gather3A_727 : vector<16xf32>
        tpu.vector_store_idx %arg10[%or3A_761], %abs3A_762 : memref<16384xf32, #tpu.memory_space<vmem>>[vector<16xi32>], vector<16xf32>,
        %xor3A_763 = arith.constant 8576 : i32
        %xor3A_764 = vector.broadcast %xor3A_763 : i32 to vector<16xi32>
        %xor3A_765 = arith.xori %or3A, %xor3A_764 : vector<16xi32>
        %or3A_766 = arith.ori %add3A_574, %xor3A_765 : vector<16xi32>
        %abs3A_767 = math.absf %gather3A_731 : vector<16xf32>
        tpu.vector_store_idx %arg10[%or3A_766], %abs3A_767 : memref<16384xf32, #tpu.memory_space<vmem>>[vector<16xi32>], vector<16xf32>,
        %xor3A_768 = arith.constant 8704 : i32
        %xor3A_769 = vector.broadcast %xor3A_768 : i32 to vector<16xi32>
        %xor3A_770 = arith.xori %or3A, %xor3A_769 : vector<16xi32>
        %or3A_771 = arith.ori %add3A_574, %xor3A_770 : vector<16xi32>
        %abs3A_772 = math.absf %gather3A_735 : vector<16xf32>
        tpu.vector_store_idx %arg10[%or3A_771], %abs3A_772 : memref<16384xf32, #tpu.memory_space<vmem>>[vector<16xi32>], vector<16xf32>,
        %xor3A_773 = arith.constant 8832 : i32
        %xor3A_774 = vector.broadcast %xor3A_773 : i32 to vector<16xi32>
        %xor3A_775 = arith.xori %or3A, %xor3A_774 : vector<16xi32>
        %or3A_776 = arith.ori %add3A_574, %xor3A_775 : vector<16xi32>
        %abs3A_777 = math.absf %gather3A_739 : vector<16xf32>
        tpu.vector_store_idx %arg10[%or3A_776], %abs3A_777 : memref<16384xf32, #tpu.memory_space<vmem>>[vector<16xi32>], vector<16xf32>,
        %xor3A_778 = arith.constant 8960 : i32
        %xor3A_779 = vector.broadcast %xor3A_778 : i32 to vector<16xi32>
        %xor3A_780 = arith.xori %or3A, %xor3A_779 : vector<16xi32>
        %or3A_781 = arith.ori %add3A_574, %xor3A_780 : vector<16xi32>
        %abs3A_782 = math.absf %gather3A_743 : vector<16xf32>
        tpu.vector_store_idx %arg10[%or3A_781], %abs3A_782 : memref<16384xf32, #tpu.memory_space<vmem>>[vector<16xi32>], vector<16xf32>,
        %xor3A_783 = arith.constant 9088 : i32
        %xor3A_784 = vector.broadcast %xor3A_783 : i32 to vector<16xi32>
        %xor3A_785 = arith.xori %or3A, %xor3A_784 : vector<16xi32>
        %or3A_786 = arith.ori %add3A_574, %xor3A_785 : vector<16xi32>
        %abs3A_787 = math.absf %gather3A_747 : vector<16xf32>
        tpu.vector_store_idx %arg10[%or3A_786], %abs3A_787 : memref<16384xf32, #tpu.memory_space<vmem>>[vector<16xi32>], vector<16xf32>,
        %xor3A_788 = arith.constant 24 : i32
        %xor3A_789 = vector.broadcast %xor3A_788 : i32 to vector<16xi32>
        %xor3A_790 = arith.xori %iota3A, %xor3A_789 : vector<16xi32>
        %gather3A_791 = tpu.vector_load_idx %arg8[%add3A_551, %xor3A_790] : memref<512x32xf32, #tpu.memory_space<vmem>>[vector<16xi32>, vector<16xi32>], vector<16xf32>,
        %xor3A_792 = arith.constant 25 : i32
        %xor3A_793 = vector.broadcast %xor3A_792 : i32 to vector<16xi32>
        %xor3A_794 = arith.xori %iota3A, %xor3A_793 : vector<16xi32>
        %gather3A_795 = tpu.vector_load_idx %arg8[%add3A_551, %xor3A_794] : memref<512x32xf32, #tpu.memory_space<vmem>>[vector<16xi32>, vector<16xi32>], vector<16xf32>,
        %xor3A_796 = arith.constant 26 : i32
        %xor3A_797 = vector.broadcast %xor3A_796 : i32 to vector<16xi32>
        %xor3A_798 = arith.xori %iota3A, %xor3A_797 : vector<16xi32>
        %gather3A_799 = tpu.vector_load_idx %arg8[%add3A_551, %xor3A_798] : memref<512x32xf32, #tpu.memory_space<vmem>>[vector<16xi32>, vector<16xi32>], vector<16xf32>,
        %xor3A_800 = arith.constant 27 : i32
        %xor3A_801 = vector.broadcast %xor3A_800 : i32 to vector<16xi32>
        %xor3A_802 = arith.xori %iota3A, %xor3A_801 : vector<16xi32>
        %gather3A_803 = tpu.vector_load_idx %arg8[%add3A_551, %xor3A_802] : memref<512x32xf32, #tpu.memory_space<vmem>>[vector<16xi32>, vector<16xi32>], vector<16xf32>,
        %xor3A_804 = arith.constant 28 : i32
        %xor3A_805 = vector.broadcast %xor3A_804 : i32 to vector<16xi32>
        %xor3A_806 = arith.xori %iota3A, %xor3A_805 : vector<16xi32>
        %gather3A_807 = tpu.vector_load_idx %arg8[%add3A_551, %xor3A_806] : memref<512x32xf32, #tpu.memory_space<vmem>>[vector<16xi32>, vector<16xi32>], vector<16xf32>,
        %xor3A_808 = arith.constant 29 : i32
        %xor3A_809 = vector.broadcast %xor3A_808 : i32 to vector<16xi32>
        %xor3A_810 = arith.xori %iota3A, %xor3A_809 : vector<16xi32>
        %gather3A_811 = tpu.vector_load_idx %arg8[%add3A_551, %xor3A_810] : memref<512x32xf32, #tpu.memory_space<vmem>>[vector<16xi32>, vector<16xi32>], vector<16xf32>,
        %xor3A_812 = arith.constant 30 : i32
        %xor3A_813 = vector.broadcast %xor3A_812 : i32 to vector<16xi32>
        %xor3A_814 = arith.xori %iota3A, %xor3A_813 : vector<16xi32>
        %gather3A_815 = tpu.vector_load_idx %arg8[%add3A_551, %xor3A_814] : memref<512x32xf32, #tpu.memory_space<vmem>>[vector<16xi32>, vector<16xi32>], vector<16xf32>,
        %xor3A_816 = arith.constant 31 : i32
        %xor3A_817 = vector.broadcast %xor3A_816 : i32 to vector<16xi32>
        %xor3A_818 = arith.xori %iota3A, %xor3A_817 : vector<16xi32>
        %gather3A_819 = tpu.vector_load_idx %arg8[%add3A_551, %xor3A_818] : memref<512x32xf32, #tpu.memory_space<vmem>>[vector<16xi32>, vector<16xi32>], vector<16xf32>,
        %xor3A_820 = arith.constant 12288 : i32
        %xor3A_821 = vector.broadcast %xor3A_820 : i32 to vector<16xi32>
        %xor3A_822 = arith.xori %or3A, %xor3A_821 : vector<16xi32>
        %or3A_823 = arith.ori %add3A_574, %xor3A_822 : vector<16xi32>
        %abs3A_824 = math.absf %gather3A_791 : vector<16xf32>
        tpu.vector_store_idx %arg10[%or3A_823], %abs3A_824 : memref<16384xf32, #tpu.memory_space<vmem>>[vector<16xi32>], vector<16xf32>,
        %xor3A_825 = arith.constant 12416 : i32
        %xor3A_826 = vector.broadcast %xor3A_825 : i32 to vector<16xi32>
        %xor3A_827 = arith.xori %or3A, %xor3A_826 : vector<16xi32>
        %or3A_828 = arith.ori %add3A_574, %xor3A_827 : vector<16xi32>
        %abs3A_829 = math.absf %gather3A_795 : vector<16xf32>
        tpu.vector_store_idx %arg10[%or3A_828], %abs3A_829 : memref<16384xf32, #tpu.memory_space<vmem>>[vector<16xi32>], vector<16xf32>,
        %xor3A_830 = arith.constant 12544 : i32
        %xor3A_831 = vector.broadcast %xor3A_830 : i32 to vector<16xi32>
        %xor3A_832 = arith.xori %or3A, %xor3A_831 : vector<16xi32>
        %or3A_833 = arith.ori %add3A_574, %xor3A_832 : vector<16xi32>
        %abs3A_834 = math.absf %gather3A_799 : vector<16xf32>
        tpu.vector_store_idx %arg10[%or3A_833], %abs3A_834 : memref<16384xf32, #tpu.memory_space<vmem>>[vector<16xi32>], vector<16xf32>,
        %xor3A_835 = arith.constant 12672 : i32
        %xor3A_836 = vector.broadcast %xor3A_835 : i32 to vector<16xi32>
        %xor3A_837 = arith.xori %or3A, %xor3A_836 : vector<16xi32>
        %or3A_838 = arith.ori %add3A_574, %xor3A_837 : vector<16xi32>
        %abs3A_839 = math.absf %gather3A_803 : vector<16xf32>
        tpu.vector_store_idx %arg10[%or3A_838], %abs3A_839 : memref<16384xf32, #tpu.memory_space<vmem>>[vector<16xi32>], vector<16xf32>,
        %xor3A_840 = arith.constant 12800 : i32
        %xor3A_841 = vector.broadcast %xor3A_840 : i32 to vector<16xi32>
        %xor3A_842 = arith.xori %or3A, %xor3A_841 : vector<16xi32>
        %or3A_843 = arith.ori %add3A_574, %xor3A_842 : vector<16xi32>
        %abs3A_844 = math.absf %gather3A_807 : vector<16xf32>
        tpu.vector_store_idx %arg10[%or3A_843], %abs3A_844 : memref<16384xf32, #tpu.memory_space<vmem>>[vector<16xi32>], vector<16xf32>,
        %xor3A_845 = arith.constant 12928 : i32
        %xor3A_846 = vector.broadcast %xor3A_845 : i32 to vector<16xi32>
        %xor3A_847 = arith.xori %or3A, %xor3A_846 : vector<16xi32>
        %or3A_848 = arith.ori %add3A_574, %xor3A_847 : vector<16xi32>
        %abs3A_849 = math.absf %gather3A_811 : vector<16xf32>
        tpu.vector_store_idx %arg10[%or3A_848], %abs3A_849 : memref<16384xf32, #tpu.memory_space<vmem>>[vector<16xi32>], vector<16xf32>,
        %xor3A_850 = arith.constant 13056 : i32
        %xor3A_851 = vector.broadcast %xor3A_850 : i32 to vector<16xi32>
        %xor3A_852 = arith.xori %or3A, %xor3A_851 : vector<16xi32>
        %or3A_853 = arith.ori %add3A_574, %xor3A_852 : vector<16xi32>
        %abs3A_854 = math.absf %gather3A_815 : vector<16xf32>
        tpu.vector_store_idx %arg10[%or3A_853], %abs3A_854 : memref<16384xf32, #tpu.memory_space<vmem>>[vector<16xi32>], vector<16xf32>,
        %xor3A_855 = arith.constant 13184 : i32
        %xor3A_856 = vector.broadcast %xor3A_855 : i32 to vector<16xi32>
        %xor3A_857 = arith.xori %or3A, %xor3A_856 : vector<16xi32>
        %or3A_858 = arith.ori %add3A_574, %xor3A_857 : vector<16xi32>
        %abs3A_859 = math.absf %gather3A_819 : vector<16xf32>
        tpu.vector_store_idx %arg10[%or3A_858], %abs3A_859 : memref<16384xf32, #tpu.memory_space<vmem>>[vector<16xi32>], vector<16xf32>,
      }
      %scan3A_350 = arith.constant 32 : i32
      %add3A_351 = arith.constant 2 : i32
      %add3A_352 = arith.addi %mul3A_118, %add3A_351 : i32
      %mul3A_353 = arith.constant 4 : i32
      %mul3A_354 = arith.muli %add3A_352, %mul3A_353 : i32
      %add3A_355 = arith.constant 0 : i32
      %add3A_356 = arith.addi %mul3A_354, %add3A_355 : i32
      %mul3A_357 = arith.constant 128 : i32
      %mul3A_358 = arith.muli %add3A_356, %mul3A_357 : i32
      %add3A_359 = arith.addi %mul3A_358, %mul3A_4 : i32
      %mul3A_360 = arith.constant 1024 : i32
      %mul3A_361 = arith.muli %add3A_359, %mul3A_360 : i32
      %dma_start3A_362 = arith.constant 0 : i32
      %dma_start3A_363 = tpu.memref_slice %arg10[%dma_start3A_362] : memref<16384xf32, #tpu.memory_space<vmem>> -> memref<4096xf32, #tpu.memory_space<vmem>>
      %dma_start3A_364 = tpu.memref_slice %arg4[%mul3A_361] : memref<52428800xf32, #tpu.memory_space<hbm>> -> memref<4096xf32, #tpu.memory_space<hbm>>
      %dma_start3A_365 = tpu.memref_slice %arg4[%mul3A_361] : memref<52428800xf32, #tpu.memory_space<hbm>> -> memref<4096xf32, #tpu.memory_space<hbm>>
      %dma_start3A_366 = arith.constant 0 : i32
      %dma_start3A_367 = tpu.memref_slice %arg10[%dma_start3A_366] : memref<16384xf32, #tpu.memory_space<vmem>> -> memref<4096xf32, #tpu.memory_space<vmem>>
      tpu.enqueue_dma source(%dma_start3A_367 : memref<4096xf32, #tpu.memory_space<vmem>>) target(%dma_start3A_365 : memref<4096xf32, #tpu.memory_space<hbm>>) target_semaphore(%arg14 : memref<!tpu.dma_semaphore, #tpu.memory_space<semaphore_mem>>)
      %mul3A_368 = arith.constant 4 : i32
      %mul3A_369 = arith.muli %add3A_352, %mul3A_368 : i32
      %add3A_370 = arith.constant 1 : i32
      %add3A_371 = arith.addi %mul3A_369, %add3A_370 : i32
      %mul3A_372 = arith.constant 128 : i32
      %mul3A_373 = arith.muli %add3A_371, %mul3A_372 : i32
      %add3A_374 = arith.addi %mul3A_373, %mul3A_4 : i32
      %mul3A_375 = arith.constant 1024 : i32
      %mul3A_376 = arith.muli %add3A_374, %mul3A_375 : i32
      %dma_start3A_377 = arith.constant 4096 : i32
      %dma_start3A_378 = tpu.memref_slice %arg10[%dma_start3A_377] : memref<16384xf32, #tpu.memory_space<vmem>> -> memref<4096xf32, #tpu.memory_space<vmem>>
      %dma_start3A_379 = tpu.memref_slice %arg4[%mul3A_376] : memref<52428800xf32, #tpu.memory_space<hbm>> -> memref<4096xf32, #tpu.memory_space<hbm>>
      %dma_start3A_380 = tpu.memref_slice %arg4[%mul3A_376] : memref<52428800xf32, #tpu.memory_space<hbm>> -> memref<4096xf32, #tpu.memory_space<hbm>>
      %dma_start3A_381 = arith.constant 4096 : i32
      %dma_start3A_382 = tpu.memref_slice %arg10[%dma_start3A_381] : memref<16384xf32, #tpu.memory_space<vmem>> -> memref<4096xf32, #tpu.memory_space<vmem>>
      tpu.enqueue_dma source(%dma_start3A_382 : memref<4096xf32, #tpu.memory_space<vmem>>) target(%dma_start3A_380 : memref<4096xf32, #tpu.memory_space<hbm>>) target_semaphore(%arg14 : memref<!tpu.dma_semaphore, #tpu.memory_space<semaphore_mem>>)
      %mul3A_383 = arith.constant 4 : i32
      %mul3A_384 = arith.muli %add3A_352, %mul3A_383 : i32
      %add3A_385 = arith.constant 2 : i32
      %add3A_386 = arith.addi %mul3A_384, %add3A_385 : i32
      %mul3A_387 = arith.constant 128 : i32
      %mul3A_388 = arith.muli %add3A_386, %mul3A_387 : i32
      %add3A_389 = arith.addi %mul3A_388, %mul3A_4 : i32
      %mul3A_390 = arith.constant 1024 : i32
      %mul3A_391 = arith.muli %add3A_389, %mul3A_390 : i32
      %dma_start3A_392 = arith.constant 8192 : i32
      %dma_start3A_393 = tpu.memref_slice %arg10[%dma_start3A_392] : memref<16384xf32, #tpu.memory_space<vmem>> -> memref<4096xf32, #tpu.memory_space<vmem>>
      %dma_start3A_394 = tpu.memref_slice %arg4[%mul3A_391] : memref<52428800xf32, #tpu.memory_space<hbm>> -> memref<4096xf32, #tpu.memory_space<hbm>>
      %dma_start3A_395 = tpu.memref_slice %arg4[%mul3A_391] : memref<52428800xf32, #tpu.memory_space<hbm>> -> memref<4096xf32, #tpu.memory_space<hbm>>
      %dma_start3A_396 = arith.constant 8192 : i32
      %dma_start3A_397 = tpu.memref_slice %arg10[%dma_start3A_396] : memref<16384xf32, #tpu.memory_space<vmem>> -> memref<4096xf32, #tpu.memory_space<vmem>>
      tpu.enqueue_dma source(%dma_start3A_397 : memref<4096xf32, #tpu.memory_space<vmem>>) target(%dma_start3A_395 : memref<4096xf32, #tpu.memory_space<hbm>>) target_semaphore(%arg14 : memref<!tpu.dma_semaphore, #tpu.memory_space<semaphore_mem>>)
      %mul3A_398 = arith.constant 4 : i32
      %mul3A_399 = arith.muli %add3A_352, %mul3A_398 : i32
      %add3A_400 = arith.constant 3 : i32
      %add3A_401 = arith.addi %mul3A_399, %add3A_400 : i32
      %mul3A_402 = arith.constant 128 : i32
      %mul3A_403 = arith.muli %add3A_401, %mul3A_402 : i32
      %add3A_404 = arith.addi %mul3A_403, %mul3A_4 : i32
      %mul3A_405 = arith.constant 1024 : i32
      %mul3A_406 = arith.muli %add3A_404, %mul3A_405 : i32
      %dma_start3A_407 = arith.constant 12288 : i32
      %dma_start3A_408 = tpu.memref_slice %arg10[%dma_start3A_407] : memref<16384xf32, #tpu.memory_space<vmem>> -> memref<4096xf32, #tpu.memory_space<vmem>>
      %dma_start3A_409 = tpu.memref_slice %arg4[%mul3A_406] : memref<52428800xf32, #tpu.memory_space<hbm>> -> memref<4096xf32, #tpu.memory_space<hbm>>
      %dma_start3A_410 = tpu.memref_slice %arg4[%mul3A_406] : memref<52428800xf32, #tpu.memory_space<hbm>> -> memref<4096xf32, #tpu.memory_space<hbm>>
      %dma_start3A_411 = arith.constant 12288 : i32
      %dma_start3A_412 = tpu.memref_slice %arg10[%dma_start3A_411] : memref<16384xf32, #tpu.memory_space<vmem>> -> memref<4096xf32, #tpu.memory_space<vmem>>
      tpu.enqueue_dma source(%dma_start3A_412 : memref<4096xf32, #tpu.memory_space<vmem>>) target(%dma_start3A_410 : memref<4096xf32, #tpu.memory_space<hbm>>) target_semaphore(%arg14 : memref<!tpu.dma_semaphore, #tpu.memory_space<semaphore_mem>>)
      %dma_wait3A_413 = arith.constant 0 : i32
      %dma_wait3A_414 = arith.constant 0 : i32
      %dma_wait3A_415 = tpu.memref_slice %arg3[%dma_wait3A_413, %dma_wait3A_414] : memref<1000000x32xf32, #tpu.memory_space<hbm>> -> memref<512x32xf32, #tpu.memory_space<hbm>>
      %dma_wait3A_416 = arith.constant 0 : i32
      %dma_wait3A_417 = arith.constant 0 : i32
      %dma_wait3A_418 = tpu.memref_slice %arg3[%dma_wait3A_416, %dma_wait3A_417] : memref<1000000x32xf32, #tpu.memory_space<hbm>> -> memref<512x32xf32, #tpu.memory_space<hbm>>
      tpu.wait_dma2 semaphore(%arg13 : memref<!tpu.dma_semaphore, #tpu.memory_space<semaphore_mem>>) src(%dma_wait3A_418 : memref<512x32xf32, #tpu.memory_space<hbm>>) dst(%arg9 : memref<512x32xf32, #tpu.memory_space<vmem>>)
      %add3A_419 = arith.constant 1 : i32
      %add3A_420 = arith.addi %scan3A_106, %add3A_419 : i32
      %lt3A_421 = arith.constant 25 : i32
      %lt3A_422 = arith.cmpi slt, %add3A_420, %lt3A_421 : i32
      %convert_element_type3A_423 = arith.extui %lt3A_422 : i1 to i32
      %cond3A_424 = arith.constant 0 : i32
      %cond3A_425 = arith.cmpi ne, %convert_element_type3A_423, %cond3A_424 : i32
      scf.if %cond3A_425 {
        %sub3A = arith.constant 1 : i32
        %sub3A_526 = arith.subi %sub3A, %select_n3A_116 : i32
        %dma_start3A_527 = arith.constant 2 : i32
        %dma_start3A_528 = arith.constant 0 : i32
        %dma_start3A_529 = tpu.memref_slice %arg5[%sub3A_526, %dma_start3A_527, %dma_start3A_528] : memref<2x4x512xi32, #tpu.memory_space<vmem>> -> memref<1x1x512xi32, #tpu.memory_space<vmem>>
        %dma_start3A_530 = tpu.memref_squeeze %dma_start3A_529 : memref<1x1x512xi32, #tpu.memory_space<vmem>> -> memref<512xi32, #tpu.memory_space<vmem>>
        %dma_start3A_531 = arith.constant 0 : i32
        %dma_start3A_532 = arith.constant 0 : i32
        %dma_start3A_533 = tpu.memref_slice %arg3[%dma_start3A_531, %dma_start3A_532] : memref<1000000x32xf32, #tpu.memory_space<hbm>> -> memref<1000000x32xf32, #tpu.memory_space<hbm>>
        tpu.enqueue_indirect_dma source(%dma_start3A_533 : memref<1000000x32xf32, #tpu.memory_space<hbm>>) target(%arg8 : memref<512x32xf32, #tpu.memory_space<vmem>>) offsets(%dma_start3A_530 : memref<512xi32, #tpu.memory_space<vmem>>) semaphore(%arg13 : memref<!tpu.dma_semaphore, #tpu.memory_space<semaphore_mem>>)
      } else {
      }
      %mul3A_426 = arith.constant 1024 : i32
      %mul3A_427 = arith.muli %mul3A_4, %mul3A_426 : i32
      %dma_wait3A_428 = arith.constant 0 : i32
      %dma_wait3A_429 = tpu.memref_slice %arg10[%dma_wait3A_428] : memref<16384xf32, #tpu.memory_space<vmem>> -> memref<4096xf32, #tpu.memory_space<vmem>>
      %dma_wait3A_430 = tpu.memref_slice %arg4[%mul3A_427] : memref<52428800xf32, #tpu.memory_space<hbm>> -> memref<4096xf32, #tpu.memory_space<hbm>>
      %dma_wait3A_431 = tpu.memref_slice %arg4[%mul3A_427] : memref<52428800xf32, #tpu.memory_space<hbm>> -> memref<4096xf32, #tpu.memory_space<hbm>>
      %dma_wait3A_432 = arith.constant 0 : i32
      %dma_wait3A_433 = tpu.memref_slice %arg10[%dma_wait3A_432] : memref<16384xf32, #tpu.memory_space<vmem>> -> memref<4096xf32, #tpu.memory_space<vmem>>
      tpu.wait_dma2 semaphore(%arg14 : memref<!tpu.dma_semaphore, #tpu.memory_space<semaphore_mem>>) src(%dma_wait3A_433 : memref<4096xf32, #tpu.memory_space<vmem>>) dst(%dma_wait3A_431 : memref<4096xf32, #tpu.memory_space<hbm>>)
      %mul3A_434 = arith.constant 1024 : i32
      %mul3A_435 = arith.muli %mul3A_4, %mul3A_434 : i32
      %dma_wait3A_436 = arith.constant 4096 : i32
      %dma_wait3A_437 = tpu.memref_slice %arg10[%dma_wait3A_436] : memref<16384xf32, #tpu.memory_space<vmem>> -> memref<4096xf32, #tpu.memory_space<vmem>>
      %dma_wait3A_438 = tpu.memref_slice %arg4[%mul3A_435] : memref<52428800xf32, #tpu.memory_space<hbm>> -> memref<4096xf32, #tpu.memory_space<hbm>>
      %dma_wait3A_439 = tpu.memref_slice %arg4[%mul3A_435] : memref<52428800xf32, #tpu.memory_space<hbm>> -> memref<4096xf32, #tpu.memory_space<hbm>>
      %dma_wait3A_440 = arith.constant 4096 : i32
      %dma_wait3A_441 = tpu.memref_slice %arg10[%dma_wait3A_440] : memref<16384xf32, #tpu.memory_space<vmem>> -> memref<4096xf32, #tpu.memory_space<vmem>>
      tpu.wait_dma2 semaphore(%arg14 : memref<!tpu.dma_semaphore, #tpu.memory_space<semaphore_mem>>) src(%dma_wait3A_441 : memref<4096xf32, #tpu.memory_space<vmem>>) dst(%dma_wait3A_439 : memref<4096xf32, #tpu.memory_space<hbm>>)
      %mul3A_442 = arith.constant 1024 : i32
      %mul3A_443 = arith.muli %mul3A_4, %mul3A_442 : i32
      %dma_wait3A_444 = arith.constant 8192 : i32
      %dma_wait3A_445 = tpu.memref_slice %arg10[%dma_wait3A_444] : memref<16384xf32, #tpu.memory_space<vmem>> -> memref<4096xf32, #tpu.memory_space<vmem>>
      %dma_wait3A_446 = tpu.memref_slice %arg4[%mul3A_443] : memref<52428800xf32, #tpu.memory_space<hbm>> -> memref<4096xf32, #tpu.memory_space<hbm>>
      %dma_wait3A_447 = tpu.memref_slice %arg4[%mul3A_443] : memref<52428800xf32, #tpu.memory_space<hbm>> -> memref<4096xf32, #tpu.memory_space<hbm>>
      %dma_wait3A_448 = arith.constant 8192 : i32
      %dma_wait3A_449 = tpu.memref_slice %arg10[%dma_wait3A_448] : memref<16384xf32, #tpu.memory_space<vmem>> -> memref<4096xf32, #tpu.memory_space<vmem>>
      tpu.wait_dma2 semaphore(%arg14 : memref<!tpu.dma_semaphore, #tpu.memory_space<semaphore_mem>>) src(%dma_wait3A_449 : memref<4096xf32, #tpu.memory_space<vmem>>) dst(%dma_wait3A_447 : memref<4096xf32, #tpu.memory_space<hbm>>)
      %mul3A_450 = arith.constant 1024 : i32
      %mul3A_451 = arith.muli %mul3A_4, %mul3A_450 : i32
      %dma_wait3A_452 = arith.constant 12288 : i32
      %dma_wait3A_453 = tpu.memref_slice %arg10[%dma_wait3A_452] : memref<16384xf32, #tpu.memory_space<vmem>> -> memref<4096xf32, #tpu.memory_space<vmem>>
      %dma_wait3A_454 = tpu.memref_slice %arg4[%mul3A_451] : memref<52428800xf32, #tpu.memory_space<hbm>> -> memref<4096xf32, #tpu.memory_space<hbm>>
      %dma_wait3A_455 = tpu.memref_slice %arg4[%mul3A_451] : memref<52428800xf32, #tpu.memory_space<hbm>> -> memref<4096xf32, #tpu.memory_space<hbm>>
      %dma_wait3A_456 = arith.constant 12288 : i32
      %dma_wait3A_457 = tpu.memref_slice %arg10[%dma_wait3A_456] : memref<16384xf32, #tpu.memory_space<vmem>> -> memref<4096xf32, #tpu.memory_space<vmem>>
      tpu.wait_dma2 semaphore(%arg14 : memref<!tpu.dma_semaphore, #tpu.memory_space<semaphore_mem>>) src(%dma_wait3A_457 : memref<4096xf32, #tpu.memory_space<vmem>>) dst(%dma_wait3A_455 : memref<4096xf32, #tpu.memory_space<hbm>>)
      %scan3A_458 = arith.constant 0 : i32
      %scan3A_459 = arith.constant 0 : i32
      %scan3A_460 = arith.constant 32 : i32
      %scan3A_461 = arith.addi %scan3A_459, %scan3A_460 : i32
      %scan3A_462 = arith.constant 1 : i32
      scf.for %scan3A_526 = %scan3A_459 to %scan3A_461 step %scan3A_462  : i32 {
        %jit3A_527 = arith.constant 8 : i32
        %div3A = arith.divsi %scan3A_526, %jit3A_527 : i32
        %sign3A = arith.constant 0 : i32
        %sign3A_528 = arith.cmpi sgt, %scan3A_526, %sign3A : i32
        %sign3A_529 = arith.extui %sign3A_528 : i1 to i32
        %sign3A_530 = arith.constant 0 : i32
        %sign3A_531 = arith.cmpi slt, %scan3A_526, %sign3A_530 : i32
        %sign3A_532 = arith.extui %sign3A_531 : i1 to i32
        %sign3A_533 = arith.subi %sign3A_529, %sign3A_532 : i32
        %sign3A_534 = arith.constant 0 : i32
        %sign3A_535 = arith.cmpi sgt, %jit3A_527, %sign3A_534 : i32
        %sign3A_536 = arith.extui %sign3A_535 : i1 to i32
        %sign3A_537 = arith.constant 0 : i32
        %sign3A_538 = arith.cmpi slt, %jit3A_527, %sign3A_537 : i32
        %sign3A_539 = arith.extui %sign3A_538 : i1 to i32
        %sign3A_540 = arith.subi %sign3A_536, %sign3A_539 : i32
        %ne3A_541 = arith.cmpi ne, %sign3A_533, %sign3A_540 : i32
        %rem3A_542 = arith.remsi %scan3A_526, %jit3A_527 : i32
        %ne3A_543 = arith.constant 0 : i32
        %ne3A_544 = arith.cmpi ne, %rem3A_542, %ne3A_543 : i32
        %and3A_545 = arith.andi %ne3A_541, %ne3A_544 : i1
        %sub3A = arith.constant 1 : i32
        %sub3A_546 = arith.subi %div3A, %sub3A : i32
        %select_n3A_547 = arith.select %and3A_545, %sub3A_546, %div3A : i32
        %mul3A_548 = arith.constant 16 : i32
        %mul3A_549 = arith.muli %scan3A_526, %mul3A_548 : i32
        %add3A_550 = vector.broadcast %mul3A_549 : i32 to vector<16xi32>
        %add3A_551 = arith.addi %add3A_550, %iota3A : vector<16xi32>
        %mul3A_552 = arith.constant 1024 : i32
        %mul3A_553 = arith.muli %select_n3A_547, %mul3A_552 : i32
        %jit3A_554 = arith.constant 8 : i32
        %eq3A_555 = arith.constant 0 : i32
        %eq3A_556 = arith.cmpi eq, %jit3A_554, %eq3A_555 : i32
        %jit3A_557 = arith.constant 1 : i32
        %select_n3A_558 = arith.select %eq3A_556, %jit3A_557, %jit3A_554 : i32
        %rem3A_559 = arith.remsi %scan3A_526, %select_n3A_558 : i32
        %ne3A_560 = arith.constant 0 : i32
        %ne3A_561 = arith.cmpi ne, %rem3A_559, %ne3A_560 : i32
        %lt3A_562 = arith.constant 0 : i32
        %lt3A_563 = arith.cmpi slt, %rem3A_559, %lt3A_562 : i32
        %lt3A_564 = arith.constant 0 : i32
        %lt3A_565 = arith.cmpi slt, %select_n3A_558, %lt3A_564 : i32
        %ne3A_566 = arith.xori %lt3A_563, %lt3A_565 : i1
        %and3A_567 = arith.andi %ne3A_566, %ne3A_561 : i1
        %add3A_568 = arith.addi %rem3A_559, %select_n3A_558 : i32
        %select_n3A_569 = arith.select %and3A_567, %add3A_568, %rem3A_559 : i32
        %mul3A_570 = arith.constant 16 : i32
        %mul3A_571 = arith.muli %select_n3A_569, %mul3A_570 : i32
        %add3A_572 = arith.addi %mul3A_553, %mul3A_571 : i32
        %add3A_573 = vector.broadcast %add3A_572 : i32 to vector<16xi32>
        %add3A_574 = arith.addi %add3A_573, %iota3A : vector<16xi32>
        %xor3A = arith.constant 0 : i32
        %xor3A_575 = vector.broadcast %xor3A : i32 to vector<16xi32>
        %xor3A_576 = arith.xori %iota3A, %xor3A_575 : vector<16xi32>
        %gather3A = tpu.vector_load_idx %arg9[%add3A_551, %xor3A_576] : memref<512x32xf32, #tpu.memory_space<vmem>>[vector<16xi32>, vector<16xi32>], vector<16xf32>,
        %xor3A_577 = arith.constant 1 : i32
        %xor3A_578 = vector.broadcast %xor3A_577 : i32 to vector<16xi32>
        %xor3A_579 = arith.xori %iota3A, %xor3A_578 : vector<16xi32>
        %gather3A_580 = tpu.vector_load_idx %arg9[%add3A_551, %xor3A_579] : memref<512x32xf32, #tpu.memory_space<vmem>>[vector<16xi32>, vector<16xi32>], vector<16xf32>,
        %xor3A_581 = arith.constant 2 : i32
        %xor3A_582 = vector.broadcast %xor3A_581 : i32 to vector<16xi32>
        %xor3A_583 = arith.xori %iota3A, %xor3A_582 : vector<16xi32>
        %gather3A_584 = tpu.vector_load_idx %arg9[%add3A_551, %xor3A_583] : memref<512x32xf32, #tpu.memory_space<vmem>>[vector<16xi32>, vector<16xi32>], vector<16xf32>,
        %xor3A_585 = arith.constant 3 : i32
        %xor3A_586 = vector.broadcast %xor3A_585 : i32 to vector<16xi32>
        %xor3A_587 = arith.xori %iota3A, %xor3A_586 : vector<16xi32>
        %gather3A_588 = tpu.vector_load_idx %arg9[%add3A_551, %xor3A_587] : memref<512x32xf32, #tpu.memory_space<vmem>>[vector<16xi32>, vector<16xi32>], vector<16xf32>,
        %xor3A_589 = arith.constant 4 : i32
        %xor3A_590 = vector.broadcast %xor3A_589 : i32 to vector<16xi32>
        %xor3A_591 = arith.xori %iota3A, %xor3A_590 : vector<16xi32>
        %gather3A_592 = tpu.vector_load_idx %arg9[%add3A_551, %xor3A_591] : memref<512x32xf32, #tpu.memory_space<vmem>>[vector<16xi32>, vector<16xi32>], vector<16xf32>,
        %xor3A_593 = arith.constant 5 : i32
        %xor3A_594 = vector.broadcast %xor3A_593 : i32 to vector<16xi32>
        %xor3A_595 = arith.xori %iota3A, %xor3A_594 : vector<16xi32>
        %gather3A_596 = tpu.vector_load_idx %arg9[%add3A_551, %xor3A_595] : memref<512x32xf32, #tpu.memory_space<vmem>>[vector<16xi32>, vector<16xi32>], vector<16xf32>,
        %xor3A_597 = arith.constant 6 : i32
        %xor3A_598 = vector.broadcast %xor3A_597 : i32 to vector<16xi32>
        %xor3A_599 = arith.xori %iota3A, %xor3A_598 : vector<16xi32>
        %gather3A_600 = tpu.vector_load_idx %arg9[%add3A_551, %xor3A_599] : memref<512x32xf32, #tpu.memory_space<vmem>>[vector<16xi32>, vector<16xi32>], vector<16xf32>,
        %xor3A_601 = arith.constant 7 : i32
        %xor3A_602 = vector.broadcast %xor3A_601 : i32 to vector<16xi32>
        %xor3A_603 = arith.xori %iota3A, %xor3A_602 : vector<16xi32>
        %gather3A_604 = tpu.vector_load_idx %arg9[%add3A_551, %xor3A_603] : memref<512x32xf32, #tpu.memory_space<vmem>>[vector<16xi32>, vector<16xi32>], vector<16xf32>,
        %xor3A_605 = arith.constant 0 : i32
        %xor3A_606 = vector.broadcast %xor3A_605 : i32 to vector<16xi32>
        %xor3A_607 = arith.xori %or3A, %xor3A_606 : vector<16xi32>
        %or3A_608 = arith.ori %add3A_574, %xor3A_607 : vector<16xi32>
        %abs3A = math.absf %gather3A : vector<16xf32>
        tpu.vector_store_idx %arg11[%or3A_608], %abs3A : memref<16384xf32, #tpu.memory_space<vmem>>[vector<16xi32>], vector<16xf32>,
        %xor3A_609 = arith.constant 128 : i32
        %xor3A_610 = vector.broadcast %xor3A_609 : i32 to vector<16xi32>
        %xor3A_611 = arith.xori %or3A, %xor3A_610 : vector<16xi32>
        %or3A_612 = arith.ori %add3A_574, %xor3A_611 : vector<16xi32>
        %abs3A_613 = math.absf %gather3A_580 : vector<16xf32>
        tpu.vector_store_idx %arg11[%or3A_612], %abs3A_613 : memref<16384xf32, #tpu.memory_space<vmem>>[vector<16xi32>], vector<16xf32>,
        %xor3A_614 = arith.constant 256 : i32
        %xor3A_615 = vector.broadcast %xor3A_614 : i32 to vector<16xi32>
        %xor3A_616 = arith.xori %or3A, %xor3A_615 : vector<16xi32>
        %or3A_617 = arith.ori %add3A_574, %xor3A_616 : vector<16xi32>
        %abs3A_618 = math.absf %gather3A_584 : vector<16xf32>
        tpu.vector_store_idx %arg11[%or3A_617], %abs3A_618 : memref<16384xf32, #tpu.memory_space<vmem>>[vector<16xi32>], vector<16xf32>,
        %xor3A_619 = arith.constant 384 : i32
        %xor3A_620 = vector.broadcast %xor3A_619 : i32 to vector<16xi32>
        %xor3A_621 = arith.xori %or3A, %xor3A_620 : vector<16xi32>
        %or3A_622 = arith.ori %add3A_574, %xor3A_621 : vector<16xi32>
        %abs3A_623 = math.absf %gather3A_588 : vector<16xf32>
        tpu.vector_store_idx %arg11[%or3A_622], %abs3A_623 : memref<16384xf32, #tpu.memory_space<vmem>>[vector<16xi32>], vector<16xf32>,
        %xor3A_624 = arith.constant 512 : i32
        %xor3A_625 = vector.broadcast %xor3A_624 : i32 to vector<16xi32>
        %xor3A_626 = arith.xori %or3A, %xor3A_625 : vector<16xi32>
        %or3A_627 = arith.ori %add3A_574, %xor3A_626 : vector<16xi32>
        %abs3A_628 = math.absf %gather3A_592 : vector<16xf32>
        tpu.vector_store_idx %arg11[%or3A_627], %abs3A_628 : memref<16384xf32, #tpu.memory_space<vmem>>[vector<16xi32>], vector<16xf32>,
        %xor3A_629 = arith.constant 640 : i32
        %xor3A_630 = vector.broadcast %xor3A_629 : i32 to vector<16xi32>
        %xor3A_631 = arith.xori %or3A, %xor3A_630 : vector<16xi32>
        %or3A_632 = arith.ori %add3A_574, %xor3A_631 : vector<16xi32>
        %abs3A_633 = math.absf %gather3A_596 : vector<16xf32>
        tpu.vector_store_idx %arg11[%or3A_632], %abs3A_633 : memref<16384xf32, #tpu.memory_space<vmem>>[vector<16xi32>], vector<16xf32>,
        %xor3A_634 = arith.constant 768 : i32
        %xor3A_635 = vector.broadcast %xor3A_634 : i32 to vector<16xi32>
        %xor3A_636 = arith.xori %or3A, %xor3A_635 : vector<16xi32>
        %or3A_637 = arith.ori %add3A_574, %xor3A_636 : vector<16xi32>
        %abs3A_638 = math.absf %gather3A_600 : vector<16xf32>
        tpu.vector_store_idx %arg11[%or3A_637], %abs3A_638 : memref<16384xf32, #tpu.memory_space<vmem>>[vector<16xi32>], vector<16xf32>,
        %xor3A_639 = arith.constant 896 : i32
        %xor3A_640 = vector.broadcast %xor3A_639 : i32 to vector<16xi32>
        %xor3A_641 = arith.xori %or3A, %xor3A_640 : vector<16xi32>
        %or3A_642 = arith.ori %add3A_574, %xor3A_641 : vector<16xi32>
        %abs3A_643 = math.absf %gather3A_604 : vector<16xf32>
        tpu.vector_store_idx %arg11[%or3A_642], %abs3A_643 : memref<16384xf32, #tpu.memory_space<vmem>>[vector<16xi32>], vector<16xf32>,
        %xor3A_644 = arith.constant 8 : i32
        %xor3A_645 = vector.broadcast %xor3A_644 : i32 to vector<16xi32>
        %xor3A_646 = arith.xori %iota3A, %xor3A_645 : vector<16xi32>
        %gather3A_647 = tpu.vector_load_idx %arg9[%add3A_551, %xor3A_646] : memref<512x32xf32, #tpu.memory_space<vmem>>[vector<16xi32>, vector<16xi32>], vector<16xf32>,
        %xor3A_648 = arith.constant 9 : i32
        %xor3A_649 = vector.broadcast %xor3A_648 : i32 to vector<16xi32>
        %xor3A_650 = arith.xori %iota3A, %xor3A_649 : vector<16xi32>
        %gather3A_651 = tpu.vector_load_idx %arg9[%add3A_551, %xor3A_650] : memref<512x32xf32, #tpu.memory_space<vmem>>[vector<16xi32>, vector<16xi32>], vector<16xf32>,
        %xor3A_652 = arith.constant 10 : i32
        %xor3A_653 = vector.broadcast %xor3A_652 : i32 to vector<16xi32>
        %xor3A_654 = arith.xori %iota3A, %xor3A_653 : vector<16xi32>
        %gather3A_655 = tpu.vector_load_idx %arg9[%add3A_551, %xor3A_654] : memref<512x32xf32, #tpu.memory_space<vmem>>[vector<16xi32>, vector<16xi32>], vector<16xf32>,
        %xor3A_656 = arith.constant 11 : i32
        %xor3A_657 = vector.broadcast %xor3A_656 : i32 to vector<16xi32>
        %xor3A_658 = arith.xori %iota3A, %xor3A_657 : vector<16xi32>
        %gather3A_659 = tpu.vector_load_idx %arg9[%add3A_551, %xor3A_658] : memref<512x32xf32, #tpu.memory_space<vmem>>[vector<16xi32>, vector<16xi32>], vector<16xf32>,
        %xor3A_660 = arith.constant 12 : i32
        %xor3A_661 = vector.broadcast %xor3A_660 : i32 to vector<16xi32>
        %xor3A_662 = arith.xori %iota3A, %xor3A_661 : vector<16xi32>
        %gather3A_663 = tpu.vector_load_idx %arg9[%add3A_551, %xor3A_662] : memref<512x32xf32, #tpu.memory_space<vmem>>[vector<16xi32>, vector<16xi32>], vector<16xf32>,
        %xor3A_664 = arith.constant 13 : i32
        %xor3A_665 = vector.broadcast %xor3A_664 : i32 to vector<16xi32>
        %xor3A_666 = arith.xori %iota3A, %xor3A_665 : vector<16xi32>
        %gather3A_667 = tpu.vector_load_idx %arg9[%add3A_551, %xor3A_666] : memref<512x32xf32, #tpu.memory_space<vmem>>[vector<16xi32>, vector<16xi32>], vector<16xf32>,
        %xor3A_668 = arith.constant 14 : i32
        %xor3A_669 = vector.broadcast %xor3A_668 : i32 to vector<16xi32>
        %xor3A_670 = arith.xori %iota3A, %xor3A_669 : vector<16xi32>
        %gather3A_671 = tpu.vector_load_idx %arg9[%add3A_551, %xor3A_670] : memref<512x32xf32, #tpu.memory_space<vmem>>[vector<16xi32>, vector<16xi32>], vector<16xf32>,
        %xor3A_672 = arith.constant 15 : i32
        %xor3A_673 = vector.broadcast %xor3A_672 : i32 to vector<16xi32>
        %xor3A_674 = arith.xori %iota3A, %xor3A_673 : vector<16xi32>
        %gather3A_675 = tpu.vector_load_idx %arg9[%add3A_551, %xor3A_674] : memref<512x32xf32, #tpu.memory_space<vmem>>[vector<16xi32>, vector<16xi32>], vector<16xf32>,
        %xor3A_676 = arith.constant 4096 : i32
        %xor3A_677 = vector.broadcast %xor3A_676 : i32 to vector<16xi32>
        %xor3A_678 = arith.xori %or3A, %xor3A_677 : vector<16xi32>
        %or3A_679 = arith.ori %add3A_574, %xor3A_678 : vector<16xi32>
        %abs3A_680 = math.absf %gather3A_647 : vector<16xf32>
        tpu.vector_store_idx %arg11[%or3A_679], %abs3A_680 : memref<16384xf32, #tpu.memory_space<vmem>>[vector<16xi32>], vector<16xf32>,
        %xor3A_681 = arith.constant 4224 : i32
        %xor3A_682 = vector.broadcast %xor3A_681 : i32 to vector<16xi32>
        %xor3A_683 = arith.xori %or3A, %xor3A_682 : vector<16xi32>
        %or3A_684 = arith.ori %add3A_574, %xor3A_683 : vector<16xi32>
        %abs3A_685 = math.absf %gather3A_651 : vector<16xf32>
        tpu.vector_store_idx %arg11[%or3A_684], %abs3A_685 : memref<16384xf32, #tpu.memory_space<vmem>>[vector<16xi32>], vector<16xf32>,
        %xor3A_686 = arith.constant 4352 : i32
        %xor3A_687 = vector.broadcast %xor3A_686 : i32 to vector<16xi32>
        %xor3A_688 = arith.xori %or3A, %xor3A_687 : vector<16xi32>
        %or3A_689 = arith.ori %add3A_574, %xor3A_688 : vector<16xi32>
        %abs3A_690 = math.absf %gather3A_655 : vector<16xf32>
        tpu.vector_store_idx %arg11[%or3A_689], %abs3A_690 : memref<16384xf32, #tpu.memory_space<vmem>>[vector<16xi32>], vector<16xf32>,
        %xor3A_691 = arith.constant 4480 : i32
        %xor3A_692 = vector.broadcast %xor3A_691 : i32 to vector<16xi32>
        %xor3A_693 = arith.xori %or3A, %xor3A_692 : vector<16xi32>
        %or3A_694 = arith.ori %add3A_574, %xor3A_693 : vector<16xi32>
        %abs3A_695 = math.absf %gather3A_659 : vector<16xf32>
        tpu.vector_store_idx %arg11[%or3A_694], %abs3A_695 : memref<16384xf32, #tpu.memory_space<vmem>>[vector<16xi32>], vector<16xf32>,
        %xor3A_696 = arith.constant 4608 : i32
        %xor3A_697 = vector.broadcast %xor3A_696 : i32 to vector<16xi32>
        %xor3A_698 = arith.xori %or3A, %xor3A_697 : vector<16xi32>
        %or3A_699 = arith.ori %add3A_574, %xor3A_698 : vector<16xi32>
        %abs3A_700 = math.absf %gather3A_663 : vector<16xf32>
        tpu.vector_store_idx %arg11[%or3A_699], %abs3A_700 : memref<16384xf32, #tpu.memory_space<vmem>>[vector<16xi32>], vector<16xf32>,
        %xor3A_701 = arith.constant 4736 : i32
        %xor3A_702 = vector.broadcast %xor3A_701 : i32 to vector<16xi32>
        %xor3A_703 = arith.xori %or3A, %xor3A_702 : vector<16xi32>
        %or3A_704 = arith.ori %add3A_574, %xor3A_703 : vector<16xi32>
        %abs3A_705 = math.absf %gather3A_667 : vector<16xf32>
        tpu.vector_store_idx %arg11[%or3A_704], %abs3A_705 : memref<16384xf32, #tpu.memory_space<vmem>>[vector<16xi32>], vector<16xf32>,
        %xor3A_706 = arith.constant 4864 : i32
        %xor3A_707 = vector.broadcast %xor3A_706 : i32 to vector<16xi32>
        %xor3A_708 = arith.xori %or3A, %xor3A_707 : vector<16xi32>
        %or3A_709 = arith.ori %add3A_574, %xor3A_708 : vector<16xi32>
        %abs3A_710 = math.absf %gather3A_671 : vector<16xf32>
        tpu.vector_store_idx %arg11[%or3A_709], %abs3A_710 : memref<16384xf32, #tpu.memory_space<vmem>>[vector<16xi32>], vector<16xf32>,
        %xor3A_711 = arith.constant 4992 : i32
        %xor3A_712 = vector.broadcast %xor3A_711 : i32 to vector<16xi32>
        %xor3A_713 = arith.xori %or3A, %xor3A_712 : vector<16xi32>
        %or3A_714 = arith.ori %add3A_574, %xor3A_713 : vector<16xi32>
        %abs3A_715 = math.absf %gather3A_675 : vector<16xf32>
        tpu.vector_store_idx %arg11[%or3A_714], %abs3A_715 : memref<16384xf32, #tpu.memory_space<vmem>>[vector<16xi32>], vector<16xf32>,
        %xor3A_716 = arith.constant 16 : i32
        %xor3A_717 = vector.broadcast %xor3A_716 : i32 to vector<16xi32>
        %xor3A_718 = arith.xori %iota3A, %xor3A_717 : vector<16xi32>
        %gather3A_719 = tpu.vector_load_idx %arg9[%add3A_551, %xor3A_718] : memref<512x32xf32, #tpu.memory_space<vmem>>[vector<16xi32>, vector<16xi32>], vector<16xf32>,
        %xor3A_720 = arith.constant 17 : i32
        %xor3A_721 = vector.broadcast %xor3A_720 : i32 to vector<16xi32>
        %xor3A_722 = arith.xori %iota3A, %xor3A_721 : vector<16xi32>
        %gather3A_723 = tpu.vector_load_idx %arg9[%add3A_551, %xor3A_722] : memref<512x32xf32, #tpu.memory_space<vmem>>[vector<16xi32>, vector<16xi32>], vector<16xf32>,
        %xor3A_724 = arith.constant 18 : i32
        %xor3A_725 = vector.broadcast %xor3A_724 : i32 to vector<16xi32>
        %xor3A_726 = arith.xori %iota3A, %xor3A_725 : vector<16xi32>
        %gather3A_727 = tpu.vector_load_idx %arg9[%add3A_551, %xor3A_726] : memref<512x32xf32, #tpu.memory_space<vmem>>[vector<16xi32>, vector<16xi32>], vector<16xf32>,
        %xor3A_728 = arith.constant 19 : i32
        %xor3A_729 = vector.broadcast %xor3A_728 : i32 to vector<16xi32>
        %xor3A_730 = arith.xori %iota3A, %xor3A_729 : vector<16xi32>
        %gather3A_731 = tpu.vector_load_idx %arg9[%add3A_551, %xor3A_730] : memref<512x32xf32, #tpu.memory_space<vmem>>[vector<16xi32>, vector<16xi32>], vector<16xf32>,
        %xor3A_732 = arith.constant 20 : i32
        %xor3A_733 = vector.broadcast %xor3A_732 : i32 to vector<16xi32>
        %xor3A_734 = arith.xori %iota3A, %xor3A_733 : vector<16xi32>
        %gather3A_735 = tpu.vector_load_idx %arg9[%add3A_551, %xor3A_734] : memref<512x32xf32, #tpu.memory_space<vmem>>[vector<16xi32>, vector<16xi32>], vector<16xf32>,
        %xor3A_736 = arith.constant 21 : i32
        %xor3A_737 = vector.broadcast %xor3A_736 : i32 to vector<16xi32>
        %xor3A_738 = arith.xori %iota3A, %xor3A_737 : vector<16xi32>
        %gather3A_739 = tpu.vector_load_idx %arg9[%add3A_551, %xor3A_738] : memref<512x32xf32, #tpu.memory_space<vmem>>[vector<16xi32>, vector<16xi32>], vector<16xf32>,
        %xor3A_740 = arith.constant 22 : i32
        %xor3A_741 = vector.broadcast %xor3A_740 : i32 to vector<16xi32>
        %xor3A_742 = arith.xori %iota3A, %xor3A_741 : vector<16xi32>
        %gather3A_743 = tpu.vector_load_idx %arg9[%add3A_551, %xor3A_742] : memref<512x32xf32, #tpu.memory_space<vmem>>[vector<16xi32>, vector<16xi32>], vector<16xf32>,
        %xor3A_744 = arith.constant 23 : i32
        %xor3A_745 = vector.broadcast %xor3A_744 : i32 to vector<16xi32>
        %xor3A_746 = arith.xori %iota3A, %xor3A_745 : vector<16xi32>
        %gather3A_747 = tpu.vector_load_idx %arg9[%add3A_551, %xor3A_746] : memref<512x32xf32, #tpu.memory_space<vmem>>[vector<16xi32>, vector<16xi32>], vector<16xf32>,
        %xor3A_748 = arith.constant 8192 : i32
        %xor3A_749 = vector.broadcast %xor3A_748 : i32 to vector<16xi32>
        %xor3A_750 = arith.xori %or3A, %xor3A_749 : vector<16xi32>
        %or3A_751 = arith.ori %add3A_574, %xor3A_750 : vector<16xi32>
        %abs3A_752 = math.absf %gather3A_719 : vector<16xf32>
        tpu.vector_store_idx %arg11[%or3A_751], %abs3A_752 : memref<16384xf32, #tpu.memory_space<vmem>>[vector<16xi32>], vector<16xf32>,
        %xor3A_753 = arith.constant 8320 : i32
        %xor3A_754 = vector.broadcast %xor3A_753 : i32 to vector<16xi32>
        %xor3A_755 = arith.xori %or3A, %xor3A_754 : vector<16xi32>
        %or3A_756 = arith.ori %add3A_574, %xor3A_755 : vector<16xi32>
        %abs3A_757 = math.absf %gather3A_723 : vector<16xf32>
        tpu.vector_store_idx %arg11[%or3A_756], %abs3A_757 : memref<16384xf32, #tpu.memory_space<vmem>>[vector<16xi32>], vector<16xf32>,
        %xor3A_758 = arith.constant 8448 : i32
        %xor3A_759 = vector.broadcast %xor3A_758 : i32 to vector<16xi32>
        %xor3A_760 = arith.xori %or3A, %xor3A_759 : vector<16xi32>
        %or3A_761 = arith.ori %add3A_574, %xor3A_760 : vector<16xi32>
        %abs3A_762 = math.absf %gather3A_727 : vector<16xf32>
        tpu.vector_store_idx %arg11[%or3A_761], %abs3A_762 : memref<16384xf32, #tpu.memory_space<vmem>>[vector<16xi32>], vector<16xf32>,
        %xor3A_763 = arith.constant 8576 : i32
        %xor3A_764 = vector.broadcast %xor3A_763 : i32 to vector<16xi32>
        %xor3A_765 = arith.xori %or3A, %xor3A_764 : vector<16xi32>
        %or3A_766 = arith.ori %add3A_574, %xor3A_765 : vector<16xi32>
        %abs3A_767 = math.absf %gather3A_731 : vector<16xf32>
        tpu.vector_store_idx %arg11[%or3A_766], %abs3A_767 : memref<16384xf32, #tpu.memory_space<vmem>>[vector<16xi32>], vector<16xf32>,
        %xor3A_768 = arith.constant 8704 : i32
        %xor3A_769 = vector.broadcast %xor3A_768 : i32 to vector<16xi32>
        %xor3A_770 = arith.xori %or3A, %xor3A_769 : vector<16xi32>
        %or3A_771 = arith.ori %add3A_574, %xor3A_770 : vector<16xi32>
        %abs3A_772 = math.absf %gather3A_735 : vector<16xf32>
        tpu.vector_store_idx %arg11[%or3A_771], %abs3A_772 : memref<16384xf32, #tpu.memory_space<vmem>>[vector<16xi32>], vector<16xf32>,
        %xor3A_773 = arith.constant 8832 : i32
        %xor3A_774 = vector.broadcast %xor3A_773 : i32 to vector<16xi32>
        %xor3A_775 = arith.xori %or3A, %xor3A_774 : vector<16xi32>
        %or3A_776 = arith.ori %add3A_574, %xor3A_775 : vector<16xi32>
        %abs3A_777 = math.absf %gather3A_739 : vector<16xf32>
        tpu.vector_store_idx %arg11[%or3A_776], %abs3A_777 : memref<16384xf32, #tpu.memory_space<vmem>>[vector<16xi32>], vector<16xf32>,
        %xor3A_778 = arith.constant 8960 : i32
        %xor3A_779 = vector.broadcast %xor3A_778 : i32 to vector<16xi32>
        %xor3A_780 = arith.xori %or3A, %xor3A_779 : vector<16xi32>
        %or3A_781 = arith.ori %add3A_574, %xor3A_780 : vector<16xi32>
        %abs3A_782 = math.absf %gather3A_743 : vector<16xf32>
        tpu.vector_store_idx %arg11[%or3A_781], %abs3A_782 : memref<16384xf32, #tpu.memory_space<vmem>>[vector<16xi32>], vector<16xf32>,
        %xor3A_783 = arith.constant 9088 : i32
        %xor3A_784 = vector.broadcast %xor3A_783 : i32 to vector<16xi32>
        %xor3A_785 = arith.xori %or3A, %xor3A_784 : vector<16xi32>
        %or3A_786 = arith.ori %add3A_574, %xor3A_785 : vector<16xi32>
        %abs3A_787 = math.absf %gather3A_747 : vector<16xf32>
        tpu.vector_store_idx %arg11[%or3A_786], %abs3A_787 : memref<16384xf32, #tpu.memory_space<vmem>>[vector<16xi32>], vector<16xf32>,
        %xor3A_788 = arith.constant 24 : i32
        %xor3A_789 = vector.broadcast %xor3A_788 : i32 to vector<16xi32>
        %xor3A_790 = arith.xori %iota3A, %xor3A_789 : vector<16xi32>
        %gather3A_791 = tpu.vector_load_idx %arg9[%add3A_551, %xor3A_790] : memref<512x32xf32, #tpu.memory_space<vmem>>[vector<16xi32>, vector<16xi32>], vector<16xf32>,
        %xor3A_792 = arith.constant 25 : i32
        %xor3A_793 = vector.broadcast %xor3A_792 : i32 to vector<16xi32>
        %xor3A_794 = arith.xori %iota3A, %xor3A_793 : vector<16xi32>
        %gather3A_795 = tpu.vector_load_idx %arg9[%add3A_551, %xor3A_794] : memref<512x32xf32, #tpu.memory_space<vmem>>[vector<16xi32>, vector<16xi32>], vector<16xf32>,
        %xor3A_796 = arith.constant 26 : i32
        %xor3A_797 = vector.broadcast %xor3A_796 : i32 to vector<16xi32>
        %xor3A_798 = arith.xori %iota3A, %xor3A_797 : vector<16xi32>
        %gather3A_799 = tpu.vector_load_idx %arg9[%add3A_551, %xor3A_798] : memref<512x32xf32, #tpu.memory_space<vmem>>[vector<16xi32>, vector<16xi32>], vector<16xf32>,
        %xor3A_800 = arith.constant 27 : i32
        %xor3A_801 = vector.broadcast %xor3A_800 : i32 to vector<16xi32>
        %xor3A_802 = arith.xori %iota3A, %xor3A_801 : vector<16xi32>
        %gather3A_803 = tpu.vector_load_idx %arg9[%add3A_551, %xor3A_802] : memref<512x32xf32, #tpu.memory_space<vmem>>[vector<16xi32>, vector<16xi32>], vector<16xf32>,
        %xor3A_804 = arith.constant 28 : i32
        %xor3A_805 = vector.broadcast %xor3A_804 : i32 to vector<16xi32>
        %xor3A_806 = arith.xori %iota3A, %xor3A_805 : vector<16xi32>
        %gather3A_807 = tpu.vector_load_idx %arg9[%add3A_551, %xor3A_806] : memref<512x32xf32, #tpu.memory_space<vmem>>[vector<16xi32>, vector<16xi32>], vector<16xf32>,
        %xor3A_808 = arith.constant 29 : i32
        %xor3A_809 = vector.broadcast %xor3A_808 : i32 to vector<16xi32>
        %xor3A_810 = arith.xori %iota3A, %xor3A_809 : vector<16xi32>
        %gather3A_811 = tpu.vector_load_idx %arg9[%add3A_551, %xor3A_810] : memref<512x32xf32, #tpu.memory_space<vmem>>[vector<16xi32>, vector<16xi32>], vector<16xf32>,
        %xor3A_812 = arith.constant 30 : i32
        %xor3A_813 = vector.broadcast %xor3A_812 : i32 to vector<16xi32>
        %xor3A_814 = arith.xori %iota3A, %xor3A_813 : vector<16xi32>
        %gather3A_815 = tpu.vector_load_idx %arg9[%add3A_551, %xor3A_814] : memref<512x32xf32, #tpu.memory_space<vmem>>[vector<16xi32>, vector<16xi32>], vector<16xf32>,
        %xor3A_816 = arith.constant 31 : i32
        %xor3A_817 = vector.broadcast %xor3A_816 : i32 to vector<16xi32>
        %xor3A_818 = arith.xori %iota3A, %xor3A_817 : vector<16xi32>
        %gather3A_819 = tpu.vector_load_idx %arg9[%add3A_551, %xor3A_818] : memref<512x32xf32, #tpu.memory_space<vmem>>[vector<16xi32>, vector<16xi32>], vector<16xf32>,
        %xor3A_820 = arith.constant 12288 : i32
        %xor3A_821 = vector.broadcast %xor3A_820 : i32 to vector<16xi32>
        %xor3A_822 = arith.xori %or3A, %xor3A_821 : vector<16xi32>
        %or3A_823 = arith.ori %add3A_574, %xor3A_822 : vector<16xi32>
        %abs3A_824 = math.absf %gather3A_791 : vector<16xf32>
        tpu.vector_store_idx %arg11[%or3A_823], %abs3A_824 : memref<16384xf32, #tpu.memory_space<vmem>>[vector<16xi32>], vector<16xf32>,
        %xor3A_825 = arith.constant 12416 : i32
        %xor3A_826 = vector.broadcast %xor3A_825 : i32 to vector<16xi32>
        %xor3A_827 = arith.xori %or3A, %xor3A_826 : vector<16xi32>
        %or3A_828 = arith.ori %add3A_574, %xor3A_827 : vector<16xi32>
        %abs3A_829 = math.absf %gather3A_795 : vector<16xf32>
        tpu.vector_store_idx %arg11[%or3A_828], %abs3A_829 : memref<16384xf32, #tpu.memory_space<vmem>>[vector<16xi32>], vector<16xf32>,
        %xor3A_830 = arith.constant 12544 : i32
        %xor3A_831 = vector.broadcast %xor3A_830 : i32 to vector<16xi32>
        %xor3A_832 = arith.xori %or3A, %xor3A_831 : vector<16xi32>
        %or3A_833 = arith.ori %add3A_574, %xor3A_832 : vector<16xi32>
        %abs3A_834 = math.absf %gather3A_799 : vector<16xf32>
        tpu.vector_store_idx %arg11[%or3A_833], %abs3A_834 : memref<16384xf32, #tpu.memory_space<vmem>>[vector<16xi32>], vector<16xf32>,
        %xor3A_835 = arith.constant 12672 : i32
        %xor3A_836 = vector.broadcast %xor3A_835 : i32 to vector<16xi32>
        %xor3A_837 = arith.xori %or3A, %xor3A_836 : vector<16xi32>
        %or3A_838 = arith.ori %add3A_574, %xor3A_837 : vector<16xi32>
        %abs3A_839 = math.absf %gather3A_803 : vector<16xf32>
        tpu.vector_store_idx %arg11[%or3A_838], %abs3A_839 : memref<16384xf32, #tpu.memory_space<vmem>>[vector<16xi32>], vector<16xf32>,
        %xor3A_840 = arith.constant 12800 : i32
        %xor3A_841 = vector.broadcast %xor3A_840 : i32 to vector<16xi32>
        %xor3A_842 = arith.xori %or3A, %xor3A_841 : vector<16xi32>
        %or3A_843 = arith.ori %add3A_574, %xor3A_842 : vector<16xi32>
        %abs3A_844 = math.absf %gather3A_807 : vector<16xf32>
        tpu.vector_store_idx %arg11[%or3A_843], %abs3A_844 : memref<16384xf32, #tpu.memory_space<vmem>>[vector<16xi32>], vector<16xf32>,
        %xor3A_845 = arith.constant 12928 : i32
        %xor3A_846 = vector.broadcast %xor3A_845 : i32 to vector<16xi32>
        %xor3A_847 = arith.xori %or3A, %xor3A_846 : vector<16xi32>
        %or3A_848 = arith.ori %add3A_574, %xor3A_847 : vector<16xi32>
        %abs3A_849 = math.absf %gather3A_811 : vector<16xf32>
        tpu.vector_store_idx %arg11[%or3A_848], %abs3A_849 : memref<16384xf32, #tpu.memory_space<vmem>>[vector<16xi32>], vector<16xf32>,
        %xor3A_850 = arith.constant 13056 : i32
        %xor3A_851 = vector.broadcast %xor3A_850 : i32 to vector<16xi32>
        %xor3A_852 = arith.xori %or3A, %xor3A_851 : vector<16xi32>
        %or3A_853 = arith.ori %add3A_574, %xor3A_852 : vector<16xi32>
        %abs3A_854 = math.absf %gather3A_815 : vector<16xf32>
        tpu.vector_store_idx %arg11[%or3A_853], %abs3A_854 : memref<16384xf32, #tpu.memory_space<vmem>>[vector<16xi32>], vector<16xf32>,
        %xor3A_855 = arith.constant 13184 : i32
        %xor3A_856 = vector.broadcast %xor3A_855 : i32 to vector<16xi32>
        %xor3A_857 = arith.xori %or3A, %xor3A_856 : vector<16xi32>
        %or3A_858 = arith.ori %add3A_574, %xor3A_857 : vector<16xi32>
        %abs3A_859 = math.absf %gather3A_819 : vector<16xf32>
        tpu.vector_store_idx %arg11[%or3A_858], %abs3A_859 : memref<16384xf32, #tpu.memory_space<vmem>>[vector<16xi32>], vector<16xf32>,
      }
      %scan3A_463 = arith.constant 32 : i32
      %add3A_464 = arith.constant 3 : i32
      %add3A_465 = arith.addi %mul3A_118, %add3A_464 : i32
      %mul3A_466 = arith.constant 4 : i32
      %mul3A_467 = arith.muli %add3A_465, %mul3A_466 : i32
      %add3A_468 = arith.constant 0 : i32
      %add3A_469 = arith.addi %mul3A_467, %add3A_468 : i32
      %mul3A_470 = arith.constant 128 : i32
      %mul3A_471 = arith.muli %add3A_469, %mul3A_470 : i32
      %add3A_472 = arith.addi %mul3A_471, %mul3A_4 : i32
      %mul3A_473 = arith.constant 1024 : i32
      %mul3A_474 = arith.muli %add3A_472, %mul3A_473 : i32
      %dma_start3A_475 = arith.constant 0 : i32
      %dma_start3A_476 = tpu.memref_slice %arg11[%dma_start3A_475] : memref<16384xf32, #tpu.memory_space<vmem>> -> memref<4096xf32, #tpu.memory_space<vmem>>
      %dma_start3A_477 = tpu.memref_slice %arg4[%mul3A_474] : memref<52428800xf32, #tpu.memory_space<hbm>> -> memref<4096xf32, #tpu.memory_space<hbm>>
      %dma_start3A_478 = tpu.memref_slice %arg4[%mul3A_474] : memref<52428800xf32, #tpu.memory_space<hbm>> -> memref<4096xf32, #tpu.memory_space<hbm>>
      %dma_start3A_479 = arith.constant 0 : i32
      %dma_start3A_480 = tpu.memref_slice %arg11[%dma_start3A_479] : memref<16384xf32, #tpu.memory_space<vmem>> -> memref<4096xf32, #tpu.memory_space<vmem>>
      tpu.enqueue_dma source(%dma_start3A_480 : memref<4096xf32, #tpu.memory_space<vmem>>) target(%dma_start3A_478 : memref<4096xf32, #tpu.memory_space<hbm>>) target_semaphore(%arg14 : memref<!tpu.dma_semaphore, #tpu.memory_space<semaphore_mem>>)
      %mul3A_481 = arith.constant 4 : i32
      %mul3A_482 = arith.muli %add3A_465, %mul3A_481 : i32
      %add3A_483 = arith.constant 1 : i32
      %add3A_484 = arith.addi %mul3A_482, %add3A_483 : i32
      %mul3A_485 = arith.constant 128 : i32
      %mul3A_486 = arith.muli %add3A_484, %mul3A_485 : i32
      %add3A_487 = arith.addi %mul3A_486, %mul3A_4 : i32
      %mul3A_488 = arith.constant 1024 : i32
      %mul3A_489 = arith.muli %add3A_487, %mul3A_488 : i32
      %dma_start3A_490 = arith.constant 4096 : i32
      %dma_start3A_491 = tpu.memref_slice %arg11[%dma_start3A_490] : memref<16384xf32, #tpu.memory_space<vmem>> -> memref<4096xf32, #tpu.memory_space<vmem>>
      %dma_start3A_492 = tpu.memref_slice %arg4[%mul3A_489] : memref<52428800xf32, #tpu.memory_space<hbm>> -> memref<4096xf32, #tpu.memory_space<hbm>>
      %dma_start3A_493 = tpu.memref_slice %arg4[%mul3A_489] : memref<52428800xf32, #tpu.memory_space<hbm>> -> memref<4096xf32, #tpu.memory_space<hbm>>
      %dma_start3A_494 = arith.constant 4096 : i32
      %dma_start3A_495 = tpu.memref_slice %arg11[%dma_start3A_494] : memref<16384xf32, #tpu.memory_space<vmem>> -> memref<4096xf32, #tpu.memory_space<vmem>>
      tpu.enqueue_dma source(%dma_start3A_495 : memref<4096xf32, #tpu.memory_space<vmem>>) target(%dma_start3A_493 : memref<4096xf32, #tpu.memory_space<hbm>>) target_semaphore(%arg14 : memref<!tpu.dma_semaphore, #tpu.memory_space<semaphore_mem>>)
      %mul3A_496 = arith.constant 4 : i32
      %mul3A_497 = arith.muli %add3A_465, %mul3A_496 : i32
      %add3A_498 = arith.constant 2 : i32
      %add3A_499 = arith.addi %mul3A_497, %add3A_498 : i32
      %mul3A_500 = arith.constant 128 : i32
      %mul3A_501 = arith.muli %add3A_499, %mul3A_500 : i32
      %add3A_502 = arith.addi %mul3A_501, %mul3A_4 : i32
      %mul3A_503 = arith.constant 1024 : i32
      %mul3A_504 = arith.muli %add3A_502, %mul3A_503 : i32
      %dma_start3A_505 = arith.constant 8192 : i32
      %dma_start3A_506 = tpu.memref_slice %arg11[%dma_start3A_505] : memref<16384xf32, #tpu.memory_space<vmem>> -> memref<4096xf32, #tpu.memory_space<vmem>>
      %dma_start3A_507 = tpu.memref_slice %arg4[%mul3A_504] : memref<52428800xf32, #tpu.memory_space<hbm>> -> memref<4096xf32, #tpu.memory_space<hbm>>
      %dma_start3A_508 = tpu.memref_slice %arg4[%mul3A_504] : memref<52428800xf32, #tpu.memory_space<hbm>> -> memref<4096xf32, #tpu.memory_space<hbm>>
      %dma_start3A_509 = arith.constant 8192 : i32
      %dma_start3A_510 = tpu.memref_slice %arg11[%dma_start3A_509] : memref<16384xf32, #tpu.memory_space<vmem>> -> memref<4096xf32, #tpu.memory_space<vmem>>
      tpu.enqueue_dma source(%dma_start3A_510 : memref<4096xf32, #tpu.memory_space<vmem>>) target(%dma_start3A_508 : memref<4096xf32, #tpu.memory_space<hbm>>) target_semaphore(%arg14 : memref<!tpu.dma_semaphore, #tpu.memory_space<semaphore_mem>>)
      %mul3A_511 = arith.constant 4 : i32
      %mul3A_512 = arith.muli %add3A_465, %mul3A_511 : i32
      %add3A_513 = arith.constant 3 : i32
      %add3A_514 = arith.addi %mul3A_512, %add3A_513 : i32
      %mul3A_515 = arith.constant 128 : i32
      %mul3A_516 = arith.muli %add3A_514, %mul3A_515 : i32
      %add3A_517 = arith.addi %mul3A_516, %mul3A_4 : i32
      %mul3A_518 = arith.constant 1024 : i32
      %mul3A_519 = arith.muli %add3A_517, %mul3A_518 : i32
      %dma_start3A_520 = arith.constant 12288 : i32
      %dma_start3A_521 = tpu.memref_slice %arg11[%dma_start3A_520] : memref<16384xf32, #tpu.memory_space<vmem>> -> memref<4096xf32, #tpu.memory_space<vmem>>
      %dma_start3A_522 = tpu.memref_slice %arg4[%mul3A_519] : memref<52428800xf32, #tpu.memory_space<hbm>> -> memref<4096xf32, #tpu.memory_space<hbm>>
      %dma_start3A_523 = tpu.memref_slice %arg4[%mul3A_519] : memref<52428800xf32, #tpu.memory_space<hbm>> -> memref<4096xf32, #tpu.memory_space<hbm>>
      %dma_start3A_524 = arith.constant 12288 : i32
      %dma_start3A_525 = tpu.memref_slice %arg11[%dma_start3A_524] : memref<16384xf32, #tpu.memory_space<vmem>> -> memref<4096xf32, #tpu.memory_space<vmem>>
      tpu.enqueue_dma source(%dma_start3A_525 : memref<4096xf32, #tpu.memory_space<vmem>>) target(%dma_start3A_523 : memref<4096xf32, #tpu.memory_space<hbm>>) target_semaphore(%arg14 : memref<!tpu.dma_semaphore, #tpu.memory_space<semaphore_mem>>)
    }
    %scan3A_42 = arith.constant 25 : i32
    %mul3A_43 = arith.constant 1024 : i32
    %mul3A_44 = arith.muli %mul3A_4, %mul3A_43 : i32
    %dma_wait3A = arith.constant 0 : i32
    %dma_wait3A_45 = tpu.memref_slice %arg10[%dma_wait3A] : memref<16384xf32, #tpu.memory_space<vmem>> -> memref<4096xf32, #tpu.memory_space<vmem>>
    %dma_wait3A_46 = tpu.memref_slice %arg4[%mul3A_44] : memref<52428800xf32, #tpu.memory_space<hbm>> -> memref<4096xf32, #tpu.memory_space<hbm>>
    %dma_wait3A_47 = tpu.memref_slice %arg4[%mul3A_44] : memref<52428800xf32, #tpu.memory_space<hbm>> -> memref<4096xf32, #tpu.memory_space<hbm>>
    %dma_wait3A_48 = arith.constant 0 : i32
    %dma_wait3A_49 = tpu.memref_slice %arg10[%dma_wait3A_48] : memref<16384xf32, #tpu.memory_space<vmem>> -> memref<4096xf32, #tpu.memory_space<vmem>>
    tpu.wait_dma2 semaphore(%arg14 : memref<!tpu.dma_semaphore, #tpu.memory_space<semaphore_mem>>) src(%dma_wait3A_49 : memref<4096xf32, #tpu.memory_space<vmem>>) dst(%dma_wait3A_47 : memref<4096xf32, #tpu.memory_space<hbm>>)
    %mul3A_50 = arith.constant 1024 : i32
    %mul3A_51 = arith.muli %mul3A_4, %mul3A_50 : i32
    %dma_wait3A_52 = arith.constant 4096 : i32
    %dma_wait3A_53 = tpu.memref_slice %arg10[%dma_wait3A_52] : memref<16384xf32, #tpu.memory_space<vmem>> -> memref<4096xf32, #tpu.memory_space<vmem>>
    %dma_wait3A_54 = tpu.memref_slice %arg4[%mul3A_51] : memref<52428800xf32, #tpu.memory_space<hbm>> -> memref<4096xf32, #tpu.memory_space<hbm>>
    %dma_wait3A_55 = tpu.memref_slice %arg4[%mul3A_51] : memref<52428800xf32, #tpu.memory_space<hbm>> -> memref<4096xf32, #tpu.memory_space<hbm>>
    %dma_wait3A_56 = arith.constant 4096 : i32
    %dma_wait3A_57 = tpu.memref_slice %arg10[%dma_wait3A_56] : memref<16384xf32, #tpu.memory_space<vmem>> -> memref<4096xf32, #tpu.memory_space<vmem>>
    tpu.wait_dma2 semaphore(%arg14 : memref<!tpu.dma_semaphore, #tpu.memory_space<semaphore_mem>>) src(%dma_wait3A_57 : memref<4096xf32, #tpu.memory_space<vmem>>) dst(%dma_wait3A_55 : memref<4096xf32, #tpu.memory_space<hbm>>)
    %mul3A_58 = arith.constant 1024 : i32
    %mul3A_59 = arith.muli %mul3A_4, %mul3A_58 : i32
    %dma_wait3A_60 = arith.constant 8192 : i32
    %dma_wait3A_61 = tpu.memref_slice %arg10[%dma_wait3A_60] : memref<16384xf32, #tpu.memory_space<vmem>> -> memref<4096xf32, #tpu.memory_space<vmem>>
    %dma_wait3A_62 = tpu.memref_slice %arg4[%mul3A_59] : memref<52428800xf32, #tpu.memory_space<hbm>> -> memref<4096xf32, #tpu.memory_space<hbm>>
    %dma_wait3A_63 = tpu.memref_slice %arg4[%mul3A_59] : memref<52428800xf32, #tpu.memory_space<hbm>> -> memref<4096xf32, #tpu.memory_space<hbm>>
    %dma_wait3A_64 = arith.constant 8192 : i32
    %dma_wait3A_65 = tpu.memref_slice %arg10[%dma_wait3A_64] : memref<16384xf32, #tpu.memory_space<vmem>> -> memref<4096xf32, #tpu.memory_space<vmem>>
    tpu.wait_dma2 semaphore(%arg14 : memref<!tpu.dma_semaphore, #tpu.memory_space<semaphore_mem>>) src(%dma_wait3A_65 : memref<4096xf32, #tpu.memory_space<vmem>>) dst(%dma_wait3A_63 : memref<4096xf32, #tpu.memory_space<hbm>>)
    %mul3A_66 = arith.constant 1024 : i32
    %mul3A_67 = arith.muli %mul3A_4, %mul3A_66 : i32
    %dma_wait3A_68 = arith.constant 12288 : i32
    %dma_wait3A_69 = tpu.memref_slice %arg10[%dma_wait3A_68] : memref<16384xf32, #tpu.memory_space<vmem>> -> memref<4096xf32, #tpu.memory_space<vmem>>
    %dma_wait3A_70 = tpu.memref_slice %arg4[%mul3A_67] : memref<52428800xf32, #tpu.memory_space<hbm>> -> memref<4096xf32, #tpu.memory_space<hbm>>
    %dma_wait3A_71 = tpu.memref_slice %arg4[%mul3A_67] : memref<52428800xf32, #tpu.memory_space<hbm>> -> memref<4096xf32, #tpu.memory_space<hbm>>
    %dma_wait3A_72 = arith.constant 12288 : i32
    %dma_wait3A_73 = tpu.memref_slice %arg10[%dma_wait3A_72] : memref<16384xf32, #tpu.memory_space<vmem>> -> memref<4096xf32, #tpu.memory_space<vmem>>
    tpu.wait_dma2 semaphore(%arg14 : memref<!tpu.dma_semaphore, #tpu.memory_space<semaphore_mem>>) src(%dma_wait3A_73 : memref<4096xf32, #tpu.memory_space<vmem>>) dst(%dma_wait3A_71 : memref<4096xf32, #tpu.memory_space<hbm>>)
    %mul3A_74 = arith.constant 1024 : i32
    %mul3A_75 = arith.muli %mul3A_4, %mul3A_74 : i32
    %dma_wait3A_76 = arith.constant 0 : i32
    %dma_wait3A_77 = tpu.memref_slice %arg10[%dma_wait3A_76] : memref<16384xf32, #tpu.memory_space<vmem>> -> memref<4096xf32, #tpu.memory_space<vmem>>
    %dma_wait3A_78 = tpu.memref_slice %arg4[%mul3A_75] : memref<52428800xf32, #tpu.memory_space<hbm>> -> memref<4096xf32, #tpu.memory_space<hbm>>
    %dma_wait3A_79 = tpu.memref_slice %arg4[%mul3A_75] : memref<52428800xf32, #tpu.memory_space<hbm>> -> memref<4096xf32, #tpu.memory_space<hbm>>
    %dma_wait3A_80 = arith.constant 0 : i32
    %dma_wait3A_81 = tpu.memref_slice %arg10[%dma_wait3A_80] : memref<16384xf32, #tpu.memory_space<vmem>> -> memref<4096xf32, #tpu.memory_space<vmem>>
    tpu.wait_dma2 semaphore(%arg14 : memref<!tpu.dma_semaphore, #tpu.memory_space<semaphore_mem>>) src(%dma_wait3A_81 : memref<4096xf32, #tpu.memory_space<vmem>>) dst(%dma_wait3A_79 : memref<4096xf32, #tpu.memory_space<hbm>>)
    %mul3A_82 = arith.constant 1024 : i32
    %mul3A_83 = arith.muli %mul3A_4, %mul3A_82 : i32
    %dma_wait3A_84 = arith.constant 4096 : i32
    %dma_wait3A_85 = tpu.memref_slice %arg10[%dma_wait3A_84] : memref<16384xf32, #tpu.memory_space<vmem>> -> memref<4096xf32, #tpu.memory_space<vmem>>
    %dma_wait3A_86 = tpu.memref_slice %arg4[%mul3A_83] : memref<52428800xf32, #tpu.memory_space<hbm>> -> memref<4096xf32, #tpu.memory_space<hbm>>
    %dma_wait3A_87 = tpu.memref_slice %arg4[%mul3A_83] : memref<52428800xf32, #tpu.memory_space<hbm>> -> memref<4096xf32, #tpu.memory_space<hbm>>
    %dma_wait3A_88 = arith.constant 4096 : i32
    %dma_wait3A_89 = tpu.memref_slice %arg10[%dma_wait3A_88] : memref<16384xf32, #tpu.memory_space<vmem>> -> memref<4096xf32, #tpu.memory_space<vmem>>
    tpu.wait_dma2 semaphore(%arg14 : memref<!tpu.dma_semaphore, #tpu.memory_space<semaphore_mem>>) src(%dma_wait3A_89 : memref<4096xf32, #tpu.memory_space<vmem>>) dst(%dma_wait3A_87 : memref<4096xf32, #tpu.memory_space<hbm>>)
    %mul3A_90 = arith.constant 1024 : i32
    %mul3A_91 = arith.muli %mul3A_4, %mul3A_90 : i32
    %dma_wait3A_92 = arith.constant 8192 : i32
    %dma_wait3A_93 = tpu.memref_slice %arg10[%dma_wait3A_92] : memref<16384xf32, #tpu.memory_space<vmem>> -> memref<4096xf32, #tpu.memory_space<vmem>>
    %dma_wait3A_94 = tpu.memref_slice %arg4[%mul3A_91] : memref<52428800xf32, #tpu.memory_space<hbm>> -> memref<4096xf32, #tpu.memory_space<hbm>>
    %dma_wait3A_95 = tpu.memref_slice %arg4[%mul3A_91] : memref<52428800xf32, #tpu.memory_space<hbm>> -> memref<4096xf32, #tpu.memory_space<hbm>>
    %dma_wait3A_96 = arith.constant 8192 : i32
    %dma_wait3A_97 = tpu.memref_slice %arg10[%dma_wait3A_96] : memref<16384xf32, #tpu.memory_space<vmem>> -> memref<4096xf32, #tpu.memory_space<vmem>>
    tpu.wait_dma2 semaphore(%arg14 : memref<!tpu.dma_semaphore, #tpu.memory_space<semaphore_mem>>) src(%dma_wait3A_97 : memref<4096xf32, #tpu.memory_space<vmem>>) dst(%dma_wait3A_95 : memref<4096xf32, #tpu.memory_space<hbm>>)
    %mul3A_98 = arith.constant 1024 : i32
    %mul3A_99 = arith.muli %mul3A_4, %mul3A_98 : i32
    %dma_wait3A_100 = arith.constant 12288 : i32
    %dma_wait3A_101 = tpu.memref_slice %arg10[%dma_wait3A_100] : memref<16384xf32, #tpu.memory_space<vmem>> -> memref<4096xf32, #tpu.memory_space<vmem>>
    %dma_wait3A_102 = tpu.memref_slice %arg4[%mul3A_99] : memref<52428800xf32, #tpu.memory_space<hbm>> -> memref<4096xf32, #tpu.memory_space<hbm>>
    %dma_wait3A_103 = tpu.memref_slice %arg4[%mul3A_99] : memref<52428800xf32, #tpu.memory_space<hbm>> -> memref<4096xf32, #tpu.memory_space<hbm>>
    %dma_wait3A_104 = arith.constant 12288 : i32
    %dma_wait3A_105 = tpu.memref_slice %arg10[%dma_wait3A_104] : memref<16384xf32, #tpu.memory_space<vmem>> -> memref<4096xf32, #tpu.memory_space<vmem>>
    tpu.wait_dma2 semaphore(%arg14 : memref<!tpu.dma_semaphore, #tpu.memory_space<semaphore_mem>>) src(%dma_wait3A_105 : memref<4096xf32, #tpu.memory_space<vmem>>) dst(%dma_wait3A_103 : memref<4096xf32, #tpu.memory_space<hbm>>)
    return
  }
}

</mosaic_0001>

<sc_bundles>
// kernel: kernel.3.cloned.1.call-start
scs
__scs_entry_jumppad:
0x0: {  	(pc) =	sbr.rel $0x88, $3  }
0x1: {  	(tag) =	ssettag $0x0;
	lr =	simm.s32 $0x1  }
0x2: {  	[smem:$0x3F9F] =	sst lr;
	_ =	strace $0xD0000000  }
0x3: {  	_ = 	snop  }
0x4: {  	_ = 	snop  }
0x5: {  	_ = 	snop  }
0x6: {  	_ = 	snop  }
0x7: {  	_ = 	snop  }
__scs_overlays_trampoline_lowered:
0x8: {  	[smem:$0x3FAE] =	sst s0  }
0x9: {  	[smem:$0x3FAF] =	sst s1  }
0xa: {  	[smem:$0x3FB0] =	sst s2  }
0xb: {  	[smem:$0x3FB1] =	sst s3  }
0xc: {  	[smem:$0x3FB2] =	sst s4  }
0xd: {  	[smem:$0x3FB3] =	sst s5  }
0xe: {  	[smem:$0x3FB4] =	sst s6  }
0xf: {  	[smem:$0x3FB5] =	sst s7  }
0x10: {  	[smem:$0x3FB6] =	sst s8  }
0x11: {  	[smem:$0x3FB7] =	sst s9;
	s0 =	simm.s32 @!p0 $0x0  }
0x12: {  	s1 =	sld [smem:$0x3F9D];
	s0 =	simm.s32 @p0 $0x1  }
0x13: {  	[smem:$0x3FB8] =	sst s0;
	s0 =	simm.s32 @!p1 $0x0  }
0x14: {  	s2 =	sld [smem:$0x3F9C];
	s0 =	simm.s32 @p1 $0x1  }
0x15: {  	[smem:$0x3FB9] =	sst s0;
	s0 =	simm.s32 @!p2 $0x0  }
0x16: {  	s3 =	sld [smem:$0x3FDB];
	s0 =	simm.s32 @p2 $0x1  }
0x17: {  	s4 =	simm.s32 $0x1BF5;
	[smem:$0x3FBB] =	sst s0  }
0x18: {  	s0 =	sld [smem:$0x3F9E];
	_ =	swait.ge [sflag:s4], $0x0  }
0x19: {  	s7 =	sld [smem:$0x3F9F]  }
0x1a: {  	s8 =	sadd.s32 $0xFFFFE003, lr  }
0x1b: {  	s9 =	sadd.s32 $0xFFFFFEF7, lr;
	s5 =	simm.s32 $0xFFFFFFFF;
	p2 =	slt.u32 s8, $0xFFFFF086  }
0x1c: {  	p1 =	slt.u32 s9, $0xF7A;
	s5 =	simm.s32 @!p2 $0x0  }
0x1d: {  	s5 =	simm.s32 @p1 $0x1;
	p0 =	seq.s32 s7, s2  }
0x1e: {  	s7 =	smul.u32 @!p0 $0xF7A, s2;
	p2 =	seq.s32 @!p0 s5, $0x0  }
0x1f: {  	s9 =	smul.u32 $0xF7A, s1;
	s8 =	simm.s32 @!p0 $0x1BF5;
	p2 =	por !p2, p0  }
0x20: {  	[sflag:s8] =	ssyncset.s32 @!p0 $0xFFFFF086;
	s6 =	sadd.s32 @!p0 s3, s7;
	s7 =	simm.s32 @!p0 $0x108  }
0x21: {  	s3 =	sadd.s32 s3, s9;
	s6 =	sadd.s32 @!p0 $0x88, s6;
	s7 =	simm.s32 @p2 $0x1082  }
0x22: {  	[simem:s7], [sflag:s8] =	dma.local @!p0 [hbm:s6], $0xF7A  }
0x23: {  	s9 =	sor.u32 $0xD0000000, s2;
	s6 =	simm.s32 $0x108;
	_ =	swait.ge @!p0 [sflag:s8], $0x0  }
0x24: {  	s3 =	sadd.s32 $0x88, s3;
	s6 =	simm.s32 @!p1 $0x1082;
	[sflag:s4] =	ssyncset.s32 $0xFFFFF086  }
0x25: {  	[simem:s6], [sflag:s4] =	dma.local [hbm:s3], $0xF7A  }
0x26: {  	[smem:$0x3F9F] =	sst s1;
	(tag) =	ssettag s2;
	_ =	strace s9  }
0x27: {  	s1 =	sld [smem:$0x3FAF]  }
0x28: {  	s2 =	sld [smem:$0x3FB0]  }
0x29: {  	s4 =	sld [smem:$0x3FB2]  }
0x2a: {  	p0 =	seq.s32 s5, $0x0;
	s5 =	sld [smem:$0x3FB3]  }
0x2b: {  	s6 =	sld [smem:$0x3FB4]  }
0x2c: {  	s7 =	sld [smem:$0x3FB5]  }
0x2d: {  	s3 =	simm.s32 $0x108;
	s8 =	sld [smem:$0x3FB6]  }
0x2e: {  	s3 =	simm.s32 @!p0 $0x1082;
	s9 =	sld [smem:$0x3FB7]  }
0x2f: {  	lr =	sadd.s32 s0, s3;
	s0 =	sld [smem:$0x3FAE]  }
0x30: {  	s3 =	sld [smem:$0x3FB1]  }
0x31: {  	[smem:$0x3FBA] =	sst s10  }
0x32: {  	s10 =	sld [smem:$0x3FB8];
	_ =	sdelay $0x3  }
0x33: {  	p0 =	seq.s32 s10, $0x1;
	s10 =	sld [smem:$0x3FBA];
	_ =	sdelay $0x3  }
0x34: {  	[smem:$0x3FBA] =	sst s10  }
0x35: {  	s10 =	sld [smem:$0x3FB9];
	_ =	sdelay $0x3  }
0x36: {  	p1 =	seq.s32 s10, $0x1;
	s10 =	sld [smem:$0x3FBA];
	_ =	sdelay $0x3  }
0x37: {  	[smem:$0x3FBA] =	sst s10  }
0x38: {  	s10 =	sld [smem:$0x3FBB]  }
0x39: {  	_ = 	snop;
	(pc) =	sbr.ind lr, $3  }
0x3a: {  	_ = 	snop  }
0x3b: {  	_ = 	snop  }
0x3c: {  	p2 =	seq.s32 s10, $0x1;
	s10 =	sld [smem:$0x3FBA]  }
0x3d: {  	_ =	shalt  }
0x3e: {  	_ =	shalt  }
0x3f: {  	_ =	shalt  }
0x40: {  	_ =	shalt  }
0x41: {  	_ =	shalt  }
0x42: {  	_ =	shalt  }
0x43: {  	_ =	shalt  }
0x44: {  	_ =	shalt  }
0x45: {  	_ =	shalt  }
0x46: {  	_ =	shalt  }
0x47: {  	_ =	shalt  }
0x48: {  	_ =	shalt  }
0x49: {  	_ =	shalt  }
0x4a: {  	_ =	shalt  }
0x4b: {  	_ =	shalt  }
0x4c: {  	_ =	shalt  }
0x4d: {  	_ =	shalt  }
0x4e: {  	_ =	shalt  }
0x4f: {  	_ =	shalt  }
0x50: {  	_ =	shalt  }
0x51: {  	_ =	shalt  }
0x52: {  	_ =	shalt  }
0x53: {  	_ =	shalt  }
0x54: {  	_ =	shalt  }
0x55: {  	_ =	shalt  }
0x56: {  	_ =	shalt  }
0x57: {  	_ =	shalt  }
0x58: {  	_ =	shalt  }
0x59: {  	_ =	shalt  }
0x5a: {  	_ =	shalt  }
0x5b: {  	_ =	shalt  }
0x5c: {  	_ =	shalt  }
0x5d: {  	_ =	shalt  }
0x5e: {  	_ =	shalt  }
0x5f: {  	_ =	shalt  }
0x60: {  	_ =	shalt  }
0x61: {  	_ =	shalt  }
0x62: {  	_ =	shalt  }
0x63: {  	_ =	shalt  }
0x64: {  	_ =	shalt  }
0x65: {  	_ =	shalt  }
0x66: {  	_ =	shalt  }
0x67: {  	_ =	shalt  }
0x68: {  	_ =	shalt  }
0x69: {  	_ =	shalt  }
0x6a: {  	_ =	shalt  }
0x6b: {  	_ =	shalt  }
0x6c: {  	_ =	shalt  }
0x6d: {  	_ =	shalt  }
0x6e: {  	_ =	shalt  }
0x6f: {  	_ =	shalt  }
0x70: {  	_ =	shalt  }
0x71: {  	_ =	shalt  }
0x72: {  	_ =	shalt  }
0x73: {  	_ =	shalt  }
0x74: {  	_ =	shalt  }
0x75: {  	_ =	shalt  }
0x76: {  	_ =	shalt  }
0x77: {  	_ =	shalt  }
0x78: {  	_ =	shalt  }
0x79: {  	_ =	shalt  }
0x7a: {  	_ =	shalt  }
0x7b: {  	_ =	shalt  }
0x7c: {  	_ =	shalt  }
0x7d: {  	_ =	shalt  }
0x7e: {  	_ =	shalt  }
0x7f: {  	_ =	shalt  }
0x80: {  	_ =	shalt  }
0x81: {  	_ =	shalt  }
0x82: {  	_ =	shalt  }
0x83: {  	_ =	shalt  }
0x84: {  	_ =	shalt  }
0x85: {  	_ =	shalt  }
0x86: {  	_ =	shalt  }
0x87: {  	_ =	shalt  }
.Lfunc_end0:
.L_simem_size_0:
called_computation_lowered:
.L_overlay_start_0:
0x88: {  	s2 =	sld [smem:$0x3FD9]  }
0x89: {  	s3 =	sld [smem:$0x3FFE];
	_ =	sdelay $0x1  }
0x8a: {  	s1 =	srdreg.scid  }
0x8b: {  	s0 =	sand.u32 $0x1, s1  }
0x8c: {  	s17 =	sshll.u32 s0, $0xA;
	s2 =	sadd.s32 s3, s2  }
0x8d: {  	s2 =	sadd.s32 s2, s17  }
0x8e: {  	[smem:$0x3FC6] =	sst s2  }
0x8f: {  	_ = 	snop  }
0x90: {  	s2 =	sld [smem:$0x3FD0];
	(tm) =	ssettm $0x1  }
0x91: {  	s18 =	sld [smem:$0x3FFB];
	_ =	sdelay $0x3  }
0x92: {  	_ =	strace s18  }
0x93: {  	s3 =	sld [smem:$0x3FFC];
	_ =	sdelay $0x3  }
0x94: {  	_ =	strace s3  }
0x95: {  	s3 =	sld [smem:$0x3FFD];
	_ =	sdelay $0x3  }
0x96: {  	_ =	strace s3  }
0x97: {  	_ =	strace $0x8FFFFFFF  }
0x98: {  	s19 =	sld [smem:$0x3FDB];
	_ =	sdelay $0x1  }
0x99: {  	s4 =	simm.s32 $_scs_section_size  }
0x9a: {  	s5 =	simm.s32 $_size__tile_overlayer_lowered;
	s6 =	simm.s32 $_tile_overlayer_lowered  }
0x9b: {  	s22 =	simm.s32 $0x1BFF;
	s21 =	sshll.u32 s6, $0x1;
	s3 =	sadd.s32 s4, s19  }
0x9c: {  	s7 =	simm.s32 $0x0;
	s20 =	sshll.u32 s5, $0x1;
	s5 =	sadd.s32 s21, s3  }
0x9d: {  	[timem:s7], [sflag:s22] =	dma.local [hbm:s5], s20  }
0x9e: {  	_ =	swait.ge [sflag:s22], s20  }
0x9f: {  	s4 =	ssub.s32 $0x0, s20;
	[sflag:s22] =	ssyncset.done $0x0  }
0xa0: {  	[sflag:s22] =	ssyncadd.s32 s4;
	_ =	sdelay $0x1  }
0xa1: {  	s23 =	simm.s32 $0x1B8B  }
0xa2: {  	_ =	swait.ge [sflag:s23], $0x1  }
0xa3: {  	[sflag:s23] =	ssyncset.done $0x0  }
0xa4: {  	s25 =	simm.s32 $0x1B8E;
	s24 =	sld [smem:$0x3FFE];
	[sflag:s23] =	ssyncadd.s32 $0xFFFFFFFF  }
0xa5: {  	s26 =	simm.s32 $execute0_lowered;
	[smem:$0x3FD2] =	sst s25  }
0xa6: {  	s5 =	sshll.u32 s26, $0x1;
	_ =	strace $0x80000046;
	[dreg:$0x1] =	wrdreg $0xFFFFFFFF  }
0xa7: {  	s28 =	simm.s32 $_size_execute0_lowered;
	s3 =	sadd.s32 s3, s5;
	[dreg:$0x0] =	wrdreg $0x0  }
0xa8: {  	s5 =	sshll.u32 s28, $0x1;
	[dreg:$0x2] =	wrdreg s3  }
0xa9: {  	[dreg:$0x3] =	wrdreg s5  }
0xaa: {  	[dreg:$0x4] =	wrdreg $0xC0  }
0xab: {  	_ =	task [dreg:s7], $0x5FFFF  }
0xac: {  	[dreg:$0x1] =	wrdreg $0xFFFFFFFF  }
0xad: {  	[dreg:$0x0] =	wrdreg $0x60  }
0xae: {  	[dreg:$0x2] =	wrdreg s24  }
0xaf: {  	[dreg:$0x3] =	wrdreg s2  }
0xb0: {  	[dreg:$0x4] =	wrdreg $0x9  }
0xb1: {  	_ =	task.clear_ibuf [dreg:s7], $0x5FFFF;
	_ =	strace $0x90000046  }
0xb2: {  	s29 =	simm.s32 $0x9;
	_ =	strace $0x80000048  }
0xb3: {  	_ =	swait.ge [sflag:s29], $0x1  }
0xb4: {  	[sflag:s29] =	ssyncadd.s32 $0xFFFFFFFF  }
0xb5: {  	_ =	strace $0x90000048  }
0xb6: {  	_ =	sfence  }
0xb7: {  	s30 =	sld [smem:$0x0];
	_ =	sdelay $0x2  }
0xb8: {  	s31 =	sshll.u32 s1, $0xD;
	s1 =	sshrl.u32 s1, $0x2  }
0xb9: {  	s3 =	sand.u32 $0x4000, s31;
	s1 =	sadd.s32 s1, s30  }
0xba: {  	s0 =	sor.u32 s3, s0;
	s1 =	sshll.u32 s1, $0x11  }
0xbb: {  	s0 =	sor.u32 s1, s0  }
0xbc: {  	s0 =	sadd.s32 $0x8F2B, s0  }
0xbd: {  	[sflag:s0] =	ssyncadd.remote.s32 $0x1  }
0xbe: {  	_ =	sfence.sel $0xFFFF  }
0xbf: {  	[dreg:$0x0] =	wrdreg $0xFFFFFFFF;
	(pc) =	sbr.abs _section_cstart, $3  }
0xc0: {  	[dreg:$0x1] =	wrdreg $0xFFFFFFFF  }
0xc1: {  	_ =	task.clear_ibuf [dreg:s7], $0x2FFFF;
	_ =	strace $0x9FFFFFFF  }
0xc2: {  	(tm) =	ssettm $0x7FFFFFFF  }
0xc3: {  	_ =	shalt  }
tec
execute0_lowered:
.L_overlay_start_1:
0x0: {  	(tag) =	ssettag $0x1  }
0x1: {  	v0 =	vimm.s32 $0xEFCDAB89  }
0x2: {  	v1 =	vimm.s32 $0x67452301;
	v2 =	vimm.s32 $0xDCFE98BA;
	v3 =	vimm.s32 $0x54761032  }
0x3: {  	v4 =	vimm.s32 $0xCDEF89AB;
	v0 =	vunpack.c.l.s4.s8 v0;
	v1 =	vunpack.c.l.s4.s8 v1  }
0x4: {  	v5 =	vimm.s32 $0x45670123;
	v2 =	vunpack.c.l.s4.s8 v2;
	v3 =	vunpack.c.l.s4.s8 v3  }
0x5: {  	v4 =	vunpack.c.l.s4.s8 v4;
	v18 =	vunpack.c.0.s8.s32 v0;
	v17 =	vunpack.c.0.s8.s32 v1  }
0x6: {  	v5 =	vunpack.c.l.s4.s8 v5;
	v1 =	vunpack.c.0.s8.s32 v2;
	v0 =	vunpack.c.0.s8.s32 v3  }
0x7: {  	v20 =	vunpack.c.0.s8.s32 v4;
	v2 =	vcombine.low v17, v18  }
0x8: {  	v19 =	vunpack.c.0.s8.s32 v5;
	v4 =	vimm.s32 $0xAB89EFCD;
	v3 =	vcombine.low v0, v1  }
0x9: {  	v4 =	vunpack.c.l.s4.s8 v4;
	v12 =	vand.u32 $0xF, v2;
	v2 =	vimm.s32 $0xBA98FEDC  }
0xa: {  	v9 =	vand.u32 $0xF, v3;
	v3 =	vimm.s32 $0x32107654;
	v2 =	vunpack.c.l.s4.s8 v2  }
0xb: {  	v5 =	vimm.s32 $0x23016745;
	v22 =	vunpack.c.0.s8.s32 v4;
	v3 =	vunpack.c.l.s4.s8 v3  }
0xc: {  	v4 =	vimm.s32 $0x89ABCDEF;
	v24 =	vunpack.c.0.s8.s32 v2;
	v2 =	vunpack.c.l.s4.s8 v5  }
0xd: {  	v23 =	vunpack.c.0.s8.s32 v3;
	v3 =	vimm.s32 $0x98BADCFE;
	v5 =	vimm.s32 $0x1234567  }
0xe: {  	v21 =	vunpack.c.0.s8.s32 v2;
	v2 =	vunpack.c.l.s4.s8 v3;
	v3 =	vimm.s32 $0x10325476  }
0xf: {  	v4 =	vunpack.c.l.s4.s8 v4;
	v5 =	vunpack.c.l.s4.s8 v5;
	v3 =	vunpack.c.l.s4.s8 v3  }
0x10: {  	vm15 =	vcmask $0x300;
	v26 =	vunpack.c.0.s8.s32 v2  }
0x11: {  	v2 =	vunpack.c.0.s8.s32 v4;
	v25 =	vunpack.c.0.s8.s32 v3;
	v3 =	vunpack.c.0.s8.s32 v5  }
0x12: {  	vm14 =	vcmask $0x704;
	vm13 =	vcmask $0xB08;
	vm12 =	vcmask $0xF0C  }
0x13: {  	vm11 =	vcmask $0x1310;
	v2 =	vcombine.low v3, v2;
	v3 =	vimm.s32 $0x138F  }
0x14: {  	vm10 =	vcmask $0x1714;
	vm9 =	vcmask $0x1B18;
	v3 =	vsel vm15, $0x0, v3  }
0x15: {  	v11 =	vand.u32 $0xF, v2;
	v2 =	vsel vm14, $0x81, v3;
	v3 =	vimm.s32 $0x130F  }
0x16: {  	vm8 =	vcmask $0x1F1C;
	v2 =	vsel vm13, $0x102, v2;
	v3 =	vsel vm15, $0x80, v3  }
0x17: {  	vm7 =	vcmask $0x2320;
	v2 =	vsel vm12, $0x183, v2;
	v3 =	vsel vm14, $0x1, v3  }
0x18: {  	vm6 =	vcmask $0x2724;
	v2 =	vsel vm11, $0x204, v2;
	v3 =	vsel vm13, $0x182, v3  }
0x19: {  	vm5 =	vcmask $0x2B28;
	v2 =	vsel vm10, $0x285, v2;
	v3 =	vsel vm12, $0x103, v3  }
0x1a: {  	vm4 =	vcmask $0x2F2C;
	v2 =	vsel vm9, $0x306, v2;
	v3 =	vsel vm11, $0x284, v3  }
0x1b: {  	vm3 =	vcmask $0x3330;
	v2 =	vsel vm8, $0x387, v2;
	v3 =	vsel vm10, $0x205, v3  }
0x1c: {  	vm1 =	vcmask $0x3734;
	v2 =	vsel vm7, $0x1008, v2;
	v3 =	vsel vm9, $0x386, v3  }
0x1d: {  	v4 =	vcombine.low v25, v26;
	v2 =	vsel vm6, $0x1089, v2;
	v3 =	vsel vm8, $0x307, v3  }
0x1e: {  	vm2 =	vcmask $0x3B38;
	v2 =	vsel vm5, $0x110A, v2;
	v3 =	vsel vm7, $0x1088, v3  }
0x1f: {  	v10 =	vand.u32 $0xF, v4;
	v2 =	vsel vm4, $0x118B, v2;
	v3 =	vsel vm6, $0x1009, v3  }
0x20: {  	v4 =	vimm.s32 $0x128F;
	v2 =	vsel vm3, $0x120C, v2;
	v3 =	vsel vm5, $0x118A, v3  }
0x21: {  	v4 =	vsel vm15, $0x100, v4;
	v2 =	vsel vm1, $0x128D, v2;
	v3 =	vsel vm4, $0x110B, v3  }
0x22: {  	v53 =	vsel vm2, $0x130E, v2;
	v2 =	vsel vm3, $0x128C, v3;
	v3 =	vsel vm14, $0x181, v4  }
0x23: {  	v4 =	vimm.s32 $0x120F;
	v2 =	vsel vm1, $0x120D, v2;
	v3 =	vsel vm13, $0x2, v3  }
0x24: {  	v13 =	vsel vm2, $0x138E, v2;
	v2 =	vsel vm12, $0x83, v3;
	v3 =	vsel vm15, $0x180, v4  }
0x25: {  	v4 =	vimm.s32 $0x118F;
	v2 =	vsel vm11, $0x304, v2;
	v3 =	vsel vm14, $0x101, v3  }
0x26: {  	v4 =	vsel vm15, $0x200, v4;
	v2 =	vsel vm10, $0x385, v2;
	v3 =	vsel vm13, $0x82, v3  }
0x27: {  	v4 =	vsel vm14, $0x281, v4;
	v2 =	vsel vm9, $0x206, v2;
	v3 =	vsel vm12, $0x3, v3  }
0x28: {  	v4 =	vsel vm13, $0x302, v4;
	v2 =	vsel vm8, $0x287, v2;
	v3 =	vsel vm11, $0x384, v3  }
0x29: {  	v4 =	vsel vm12, $0x383, v4;
	v2 =	vsel vm7, $0x1108, v2;
	v3 =	vsel vm10, $0x305, v3  }
0x2a: {  	v4 =	vsel vm11, $0x4, v4;
	v2 =	vsel vm6, $0x1189, v2;
	v3 =	vsel vm9, $0x286, v3  }
0x2b: {  	v4 =	vsel vm10, $0x85, v4;
	v2 =	vsel vm5, $0x100A, v2;
	v3 =	vsel vm8, $0x207, v3  }
0x2c: {  	v4 =	vsel vm9, $0x106, v4;
	v2 =	vsel vm4, $0x108B, v2;
	v3 =	vsel vm7, $0x1188, v3  }
0x2d: {  	v4 =	vsel vm8, $0x187, v4;
	v2 =	vsel vm3, $0x130C, v2;
	v3 =	vsel vm6, $0x1109, v3  }
0x2e: {  	v4 =	vsel vm7, $0x1208, v4;
	v2 =	vsel vm1, $0x138D, v2;
	v3 =	vsel vm5, $0x108A, v3  }
0x2f: {  	v14 =	vsel vm2, $0x120E, v2;
	v2 =	vsel vm4, $0x100B, v3;
	v3 =	vsel vm6, $0x1289, v4  }
0x30: {  	v4 =	vimm.s32 $0x110F;
	v2 =	vsel vm3, $0x138C, v2;
	v3 =	vsel vm5, $0x130A, v3  }
0x31: {  	v4 =	vsel vm15, $0x280, v4;
	v2 =	vsel vm1, $0x130D, v2;
	v3 =	vsel vm4, $0x138B, v3  }
0x32: {  	v29 =	vsel vm2, $0x128E, v2;
	v2 =	vsel vm3, $0x100C, v3;
	v3 =	vsel vm14, $0x201, v4  }
0x33: {  	v4 =	vimm.s32 $0x108F;
	v2 =	vsel vm1, $0x108D, v2;
	v3 =	vsel vm13, $0x382, v3  }
0x34: {  	v35 =	vsel vm2, $0x110E, v2;
	v2 =	vsel vm12, $0x303, v3;
	v3 =	vsel vm15, $0x300, v4  }
0x35: {  	v4 =	vimm.s32 $0x100F;
	v2 =	vsel vm11, $0x84, v2;
	v3 =	vsel vm14, $0x381, v3  }
0x36: {  	v4 =	vsel vm15, $0x380, v4;
	v2 =	vsel vm10, $0x5, v2;
	v3 =	vsel vm13, $0x202, v3  }
0x37: {  	v4 =	vsel vm14, $0x301, v4;
	v2 =	vsel vm9, $0x186, v2;
	v3 =	vsel vm12, $0x283, v3  }
0x38: {  	v4 =	vsel vm13, $0x282, v4;
	v2 =	vsel vm8, $0x107, v2;
	v3 =	vsel vm11, $0x104, v3  }
0x39: {  	v4 =	vsel vm12, $0x203, v4;
	v2 =	vsel vm7, $0x1288, v2;
	v3 =	vsel vm10, $0x185, v3  }
0x3a: {  	v4 =	vsel vm11, $0x184, v4;
	v2 =	vsel vm6, $0x1209, v2;
	v3 =	vsel vm9, $0x6, v3  }
0x3b: {  	v4 =	vsel vm10, $0x105, v4;
	v2 =	vsel vm5, $0x138A, v2;
	v3 =	vsel vm8, $0x87, v3  }
0x3c: {  	v4 =	vsel vm9, $0x86, v4;
	v2 =	vsel vm4, $0x130B, v2;
	v3 =	vsel vm7, $0x1308, v3  }
0x3d: {  	v4 =	vsel vm8, $0x7, v4;
	v2 =	vsel vm3, $0x108C, v2;
	v3 =	vsel vm6, $0x1389, v3  }
0x3e: {  	v4 =	vsel vm7, $0x1388, v4;
	v2 =	vsel vm1, $0x100D, v2;
	v3 =	vsel vm5, $0x120A, v3  }
0x3f: {  	v52 =	vsel vm2, $0x118E, v2;
	v2 =	vsel vm4, $0x128B, v3;
	v3 =	vsel vm6, $0x1309, v4  }
0x40: {  	v5 =	vimm.s32 $0x76543210;
	v4 =	vimm.s32 $0xFEDCBA98;
	v3 =	vsel vm5, $0x128A, v3  }
0x41: {  	v2 =	vsel vm3, $0x110C, v2;
	v4 =	vunpack.c.l.s4.s8 v4;
	v3 =	vsel vm4, $0x120B, v3  }
0x42: {  	v5 =	vunpack.c.l.s4.s8 v5;
	v2 =	vsel vm1, $0x118D, v2;
	v3 =	vsel vm3, $0x118C, v3  }
0x43: {  	v59 =	vsel vm2, $0x100E, v2;
	v2 =	vsel vm1, $0x110D, v3;
	v3 =	vunpack.c.0.s8.s32 v4  }
0x44: {  	v4 =	vimm.s32 $0x38F;
	v31 =	vsel vm2, $0x108E, v2;
	v2 =	vunpack.c.0.s8.s32 v5  }
0x45: {  	v4 =	vsel vm15, $0x1000, v4;
	v5 =	vimm.s32 $0x30F;
	v3 =	vand.u32 $0xF, v3  }
0x46: {  	v48 =	vcombine.low v3, v2;
	v2 =	vsel vm14, $0x1081, v4;
	v3 =	vsel vm15, $0x1080, v5  }
0x47: {  	v2 =	vsel vm13, $0x1102, v2;
	v3 =	vsel vm14, $0x1001, v3  }
0x48: {  	v2 =	vsel vm12, $0x1183, v2;
	v3 =	vsel vm13, $0x1182, v3  }
0x49: {  	v1 =	vand.u32 $0xF, v1;
	v2 =	vsel vm11, $0x1204, v2;
	v3 =	vsel vm12, $0x1103, v3  }
0x4a: {  	v50 =	vcombine.low v1, v0;
	v0 =	vsel vm10, $0x1285, v2;
	v1 =	vsel vm11, $0x1284, v3  }
0x4b: {  	v0 =	vsel vm9, $0x1306, v0;
	v1 =	vsel vm10, $0x1205, v1  }
0x4c: {  	v0 =	vsel vm8, $0x1387, v0;
	v1 =	vsel vm9, $0x1386, v1  }
0x4d: {  	v0 =	vsel vm7, $0x8, v0;
	v1 =	vsel vm8, $0x1307, v1  }
0x4e: {  	v2 =	vand.u32 $0xF, v20;
	v0 =	vsel vm6, $0x89, v0;
	v1 =	vsel vm7, $0x88, v1  }
0x4f: {  	v51 =	vcombine.low v2, v19;
	v0 =	vsel vm5, $0x10A, v0;
	v1 =	vsel vm6, $0x9, v1  }
0x50: {  	v2 =	vand.u32 $0xF, v24;
	v0 =	vsel vm4, $0x18B, v0;
	v1 =	vsel vm5, $0x18A, v1  }
0x51: {  	v36 =	vcombine.low v2, v23;
	v0 =	vsel vm3, $0x20C, v0;
	v1 =	vsel vm4, $0x10B, v1  }
0x52: {  	v2 =	vand.u32 $0xF, v22;
	v0 =	vsel vm1, $0x28D, v0;
	v1 =	vsel vm3, $0x28C, v1  }
0x53: {  	v58 =	vcombine.low v2, v21;
	v41 =	vsel vm2, $0x30E, v0;
	v0 =	vsel vm1, $0x20D, v1  }
0x54: {  	v2 =	vand.u32 $0xF, v26;
	v56 =	vsel vm2, $0x38E, v0;
	v0 =	vimm.s32 $0x28F  }
0x55: {  	v46 =	vcombine.low v2, v25;
	v2 =	vimm.s32 $0x18F;
	v0 =	vsel vm15, $0x1100, v0  }
0x56: {  	v2 =	vsel vm15, $0x1200, v2;
	v0 =	vsel vm14, $0x1181, v0  }
0x57: {  	v2 =	vsel vm14, $0x1281, v2;
	v0 =	vsel vm13, $0x1002, v0  }
0x58: {  	v2 =	vsel vm13, $0x1302, v2;
	v0 =	vsel vm12, $0x1083, v0  }
0x59: {  	v2 =	vsel vm12, $0x1383, v2;
	v0 =	vsel vm11, $0x1304, v0  }
0x5a: {  	v2 =	vsel vm11, $0x1004, v2;
	v0 =	vsel vm10, $0x1385, v0  }
0x5b: {  	v2 =	vsel vm10, $0x1085, v2;
	v0 =	vsel vm9, $0x1206, v0  }
0x5c: {  	v2 =	vsel vm9, $0x1106, v2;
	v0 =	vsel vm8, $0x1287, v0  }
0x5d: {  	v2 =	vsel vm8, $0x1187, v2;
	v0 =	vsel vm7, $0x108, v0  }
0x5e: {  	v6 =	vcombine.low v19, v20;
	v2 =	vsel vm7, $0x208, v2;
	v0 =	vsel vm6, $0x189, v0  }
0x5f: {  	v7 =	vcombine.low v23, v24;
	v2 =	vsel vm6, $0x289, v2;
	v0 =	vsel vm5, $0xA, v0  }
0x60: {  	v8 =	vcombine.low v21, v22;
	v2 =	vsel vm5, $0x30A, v2;
	v0 =	vsel vm4, $0x8B, v0  }
0x61: {  	v4 =	vand.u32 $0xF, v18;
	v2 =	vsel vm4, $0x38B, v2;
	v0 =	vsel vm3, $0x30C, v0  }
0x62: {  	v49 =	vcombine.low v4, v17;
	v2 =	vsel vm3, $0xC, v2;
	v0 =	vsel vm1, $0x38D, v0  }
0x63: {  	v1 =	vimm.s32 $0x20F;
	v28 =	vsel vm2, $0x20E, v0;
	v0 =	vsel vm1, $0x8D, v2  }
0x64: {  	v1 =	vsel vm15, $0x1180, v1;
	v34 =	vsel vm2, $0x10E, v0;
	v0 =	vimm.s32 $0x10F  }
0x65: {  	v1 =	vsel vm14, $0x1101, v1;
	v2 =	vimm.s32 $0xF;
	v0 =	vsel vm15, $0x1280, v0  }
0x66: {  	v1 =	vsel vm13, $0x1082, v1;
	v2 =	vsel vm15, $0x1380, v2;
	v0 =	vsel vm14, $0x1201, v0  }
0x67: {  	v1 =	vsel vm12, $0x1003, v1;
	v2 =	vsel vm14, $0x1301, v2;
	v0 =	vsel vm13, $0x1382, v0  }
0x68: {  	v1 =	vsel vm11, $0x1384, v1;
	v2 =	vsel vm13, $0x1282, v2;
	v0 =	vsel vm12, $0x1303, v0  }
0x69: {  	v1 =	vsel vm10, $0x1305, v1;
	v2 =	vsel vm12, $0x1203, v2;
	v0 =	vsel vm11, $0x1084, v0  }
0x6a: {  	v1 =	vsel vm9, $0x1286, v1;
	v2 =	vsel vm11, $0x1184, v2;
	v0 =	vsel vm10, $0x1005, v0  }
0x6b: {  	v1 =	vsel vm8, $0x1207, v1;
	v2 =	vsel vm10, $0x1105, v2;
	v0 =	vsel vm9, $0x1186, v0  }
0x6c: {  	v1 =	vsel vm7, $0x188, v1;
	v2 =	vsel vm9, $0x1086, v2;
	v0 =	vsel vm8, $0x1107, v0  }
0x6d: {  	v1 =	vsel vm6, $0x109, v1;
	v2 =	vsel vm8, $0x1007, v2;
	v0 =	vsel vm7, $0x288, v0  }
0x6e: {  	v1 =	vsel vm5, $0x8A, v1;
	v2 =	vsel vm7, $0x388, v2;
	v0 =	vsel vm6, $0x209, v0  }
0x6f: {  	v1 =	vsel vm4, $0xB, v1;
	v2 =	vsel vm6, $0x309, v2;
	v0 =	vsel vm5, $0x38A, v0  }
0x70: {  	v1 =	vsel vm3, $0x38C, v1;
	v2 =	vsel vm5, $0x28A, v2;
	v0 =	vsel vm4, $0x30B, v0  }
0x71: {  	v1 =	vsel vm1, $0x30D, v1;
	v2 =	vsel vm4, $0x20B, v2;
	v0 =	vsel vm3, $0x8C, v0  }
0x72: {  	v43 =	vsel vm2, $0x28E, v1;
	v2 =	vsel vm3, $0x18C, v2;
	v0 =	vsel vm1, $0xD, v0  }
0x73: {  	v1 =	vimm.s32 $0x8F;
	v62 =	vsel vm2, $0x18E, v0;
	v0 =	vsel vm1, $0x10D, v2  }
0x74: {  	v1 =	vsel vm15, $0x1300, v1;
	v55 =	vsel vm2, $0x8E, v0;
	v0 =	vimm.s32 $0x1A1B1819  }
0x75: {  	v1 =	vsel vm14, $0x1381, v1;
	v4 =	vunpack.c.0.s8.s32 v0;
	v0 =	vimm.s32 $0x1E1F1C1D  }
0x76: {  	v1 =	vsel vm13, $0x1202, v1;
	v5 =	vunpack.c.0.s8.s32 v0;
	v0 =	vimm.s32 $0x12131011  }
0x77: {  	v1 =	vsel vm12, $0x1283, v1;
	v17 =	vunpack.c.0.s8.s32 v0;
	v0 =	vimm.s32 $0x16171415  }
0x78: {  	v1 =	vsel vm11, $0x1104, v1;
	v40 =	vunpack.c.0.s8.s32 v0;
	v0 =	vimm.s32 $0x19181B1A  }
0x79: {  	v1 =	vsel vm10, $0x1185, v1;
	v19 =	vunpack.c.0.s8.s32 v0;
	v0 =	vimm.s32 $0x1D1C1F1E  }
0x7a: {  	v1 =	vsel vm9, $0x1006, v1;
	v20 =	vunpack.c.0.s8.s32 v0;
	v0 =	vimm.s32 $0x11101312  }
0x7b: {  	v1 =	vsel vm8, $0x1087, v1;
	v21 =	vunpack.c.0.s8.s32 v0;
	v0 =	vimm.s32 $0x15141716  }
0x7c: {  	v1 =	vsel vm7, $0x308, v1;
	v22 =	vunpack.c.0.s8.s32 v0;
	v0 =	vimm.s32 $0x18191A1B  }
0x7d: {  	v1 =	vsel vm6, $0x389, v1;
	v24 =	vunpack.c.0.s8.s32 v0;
	v0 =	vimm.s32 $0x1C1D1E1F  }
0x7e: {  	v1 =	vsel vm5, $0x20A, v1;
	v25 =	vunpack.c.0.s8.s32 v0;
	v0 =	vimm.s32 $0x10111213  }
0x7f: {  	v1 =	vsel vm4, $0x28B, v1;
	v0 =	vunpack.c.0.s8.s32 v0  }
0x80: {  	v1 =	vsel vm3, $0x10C, v1  }
0x81: {  	v1 =	vsel vm1, $0x18D, v1;
	[tilespmem:$0x1FB70] =	vst v0;
	v0 =	vimm.s32 $0x14151617  }
0x82: {  	v57 =	vsel vm2, $0xE, v1;
	v1 =	vimm.s32 $0x338F;
	v0 =	vunpack.c.0.s8.s32 v0  }
0x83: {  	v1 =	vsel vm15, $0x2000, v1  }
0x84: {  	v1 =	vsel vm14, $0x2081, v1;
	[tilespmem:$0x1FB80] =	vst v0;
	v0 =	vimm.s32 $0x1F1E1D1C  }
0x85: {  	v1 =	vsel vm13, $0x2102, v1;
	v0 =	vunpack.c.0.s8.s32 v0  }
0x86: {  	v1 =	vsel vm12, $0x2183, v1  }
0x87: {  	v1 =	vsel vm11, $0x2204, v1;
	[tilespmem:$0x1FB90] =	vst v0;
	v0 =	vimm.s32 $0x1B1A1918  }
0x88: {  	v1 =	vsel vm10, $0x2285, v1;
	v0 =	vunpack.c.0.s8.s32 v0  }
0x89: {  	v1 =	vsel vm9, $0x2306, v1  }
0x8a: {  	v1 =	vsel vm8, $0x2387, v1;
	[tilespmem:$0x1FBA0] =	vst v0;
	v0 =	vimm.s32 $0x17161514  }
0x8b: {  	v1 =	vsel vm7, $0x3008, v1;
	v0 =	vunpack.c.0.s8.s32 v0  }
0x8c: {  	v1 =	vsel vm6, $0x3089, v1  }
0x8d: {  	v1 =	vsel vm5, $0x310A, v1;
	[tilespmem:$0x1FBB0] =	vst v0;
	v0 =	vimm.s32 $0x13121110  }
0x8e: {  	v1 =	vsel vm4, $0x318B, v1;
	v0 =	vunpack.c.0.s8.s32 v0  }
0x8f: {  	v1 =	vsel vm3, $0x320C, v1  }
0x90: {  	v1 =	vsel vm1, $0x328D, v1;
	[tilespmem:$0x1FBC0] =	vst v0;
	v0 =	vimm.s32 $0x330F  }
0x91: {  	v63 =	vsel vm2, $0x330E, v1;
	v1 =	vimm.s32 $0x328F;
	v0 =	vsel vm15, $0x2080, v0  }
0x92: {  	v2 =	vimm.s32 $0x320F;
	v1 =	vsel vm15, $0x2100, v1;
	v0 =	vsel vm14, $0x2001, v0  }
0x93: {  	v2 =	vsel vm15, $0x2180, v2;
	v1 =	vsel vm14, $0x2181, v1;
	v0 =	vsel vm13, $0x2182, v0  }
0x94: {  	v2 =	vsel vm14, $0x2101, v2;
	v1 =	vsel vm13, $0x2002, v1;
	v0 =	vsel vm12, $0x2103, v0  }
0x95: {  	v2 =	vsel vm13, $0x2082, v2;
	v1 =	vsel vm12, $0x2083, v1;
	v0 =	vsel vm11, $0x2284, v0  }
0x96: {  	v2 =	vsel vm12, $0x2003, v2;
	v1 =	vsel vm11, $0x2304, v1;
	v0 =	vsel vm10, $0x2205, v0  }
0x97: {  	v2 =	vsel vm11, $0x2384, v2;
	v1 =	vsel vm10, $0x2385, v1;
	v0 =	vsel vm9, $0x2386, v0  }
0x98: {  	v2 =	vsel vm10, $0x2305, v2;
	v1 =	vsel vm9, $0x2206, v1;
	v0 =	vsel vm8, $0x2307, v0  }
0x99: {  	v2 =	vsel vm9, $0x2286, v2;
	v1 =	vsel vm8, $0x2287, v1;
	v0 =	vsel vm7, $0x3088, v0  }
0x9a: {  	v2 =	vsel vm8, $0x2207, v2;
	v1 =	vsel vm7, $0x3108, v1;
	v0 =	vsel vm6, $0x3009, v0  }
0x9b: {  	v2 =	vsel vm7, $0x3188, v2;
	v1 =	vsel vm6, $0x3189, v1;
	v0 =	vsel vm5, $0x318A, v0  }
0x9c: {  	v2 =	vsel vm6, $0x3109, v2;
	v1 =	vsel vm5, $0x300A, v1;
	v0 =	vsel vm4, $0x310B, v0  }
0x9d: {  	v2 =	vsel vm5, $0x308A, v2;
	v1 =	vsel vm4, $0x308B, v1;
	v0 =	vsel vm3, $0x328C, v0  }
0x9e: {  	v2 =	vsel vm4, $0x300B, v2;
	v1 =	vsel vm3, $0x330C, v1;
	v0 =	vsel vm1, $0x320D, v0  }
0x9f: {  	v2 =	vsel vm3, $0x338C, v2;
	v23 =	vsel vm2, $0x338E, v0;
	v0 =	vsel vm1, $0x338D, v1  }
0xa0: {  	v1 =	vsel vm1, $0x330D, v2;
	v32 =	vsel vm2, $0x320E, v0;
	v0 =	vimm.s32 $0x318F  }
0xa1: {  	v33 =	vsel vm2, $0x328E, v1;
	v1 =	vimm.s32 $0x310F;
	v0 =	vsel vm15, $0x2200, v0  }
0xa2: {  	v1 =	vsel vm15, $0x2280, v1;
	v0 =	vsel vm14, $0x2281, v0  }
0xa3: {  	v2 =	vimm.s32 $0x308F;
	v1 =	vsel vm14, $0x2201, v1;
	v0 =	vsel vm13, $0x2302, v0  }
0xa4: {  	v2 =	vsel vm15, $0x2300, v2;
	v1 =	vsel vm13, $0x2382, v1;
	v0 =	vsel vm12, $0x2383, v0  }
0xa5: {  	v2 =	vsel vm14, $0x2381, v2;
	v1 =	vsel vm12, $0x2303, v1;
	v0 =	vsel vm11, $0x2004, v0  }
0xa6: {  	v2 =	vsel vm13, $0x2202, v2;
	v1 =	vsel vm11, $0x2084, v1;
	v0 =	vsel vm10, $0x2085, v0  }
0xa7: {  	v2 =	vsel vm12, $0x2283, v2;
	v1 =	vsel vm10, $0x2005, v1;
	v0 =	vsel vm9, $0x2106, v0  }
0xa8: {  	v2 =	vsel vm11, $0x2104, v2;
	v1 =	vsel vm9, $0x2186, v1;
	v0 =	vsel vm8, $0x2187, v0  }
0xa9: {  	v2 =	vsel vm10, $0x2185, v2;
	v1 =	vsel vm8, $0x2107, v1;
	v0 =	vsel vm7, $0x3208, v0  }
0xaa: {  	v2 =	vsel vm9, $0x2006, v2;
	v1 =	vsel vm7, $0x3288, v1;
	v0 =	vsel vm6, $0x3289, v0  }
0xab: {  	v2 =	vsel vm8, $0x2087, v2;
	v1 =	vsel vm6, $0x3209, v1;
	v0 =	vsel vm5, $0x330A, v0  }
0xac: {  	v2 =	vsel vm7, $0x3308, v2;
	v1 =	vsel vm5, $0x338A, v1;
	v0 =	vsel vm4, $0x338B, v0  }
0xad: {  	v2 =	vsel vm6, $0x3389, v2;
	v1 =	vsel vm4, $0x330B, v1;
	v0 =	vsel vm3, $0x300C, v0  }
0xae: {  	v2 =	vsel vm5, $0x320A, v2;
	v1 =	vsel vm3, $0x308C, v1;
	v0 =	vsel vm1, $0x308D, v0  }
0xaf: {  	v2 =	vsel vm4, $0x328B, v2;
	v38 =	vsel vm2, $0x310E, v0;
	v0 =	vsel vm1, $0x300D, v1  }
0xb0: {  	v2 =	vsel vm3, $0x310C, v2;
	v39 =	vsel vm2, $0x318E, v0;
	v0 =	vimm.s32 $0x300F  }
0xb1: {  	v1 =	vsel vm1, $0x318D, v2;
	v2 =	vimm.s32 $0x230F;
	v0 =	vsel vm15, $0x2380, v0  }
0xb2: {  	v18 =	vsel vm2, $0x300E, v1;
	v1 =	vimm.s32 $0x238F;
	v0 =	vsel vm14, $0x2301, v0  }
0xb3: {  	v2 =	vsel vm15, $0x3080, v2;
	v1 =	vsel vm15, $0x3000, v1;
	v0 =	vsel vm13, $0x2282, v0  }
0xb4: {  	v2 =	vsel vm14, $0x3001, v2;
	v1 =	vsel vm14, $0x3081, v1;
	v0 =	vsel vm12, $0x2203, v0  }
0xb5: {  	v2 =	vsel vm13, $0x3182, v2;
	v1 =	vsel vm13, $0x3102, v1;
	v0 =	vsel vm11, $0x2184, v0  }
0xb6: {  	v2 =	vsel vm12, $0x3103, v2;
	v1 =	vsel vm12, $0x3183, v1;
	v0 =	vsel vm10, $0x2105, v0  }
0xb7: {  	v2 =	vsel vm11, $0x3284, v2;
	v1 =	vsel vm11, $0x3204, v1;
	v0 =	vsel vm9, $0x2086, v0  }
0xb8: {  	v2 =	vsel vm10, $0x3205, v2;
	v1 =	vsel vm10, $0x3285, v1;
	v0 =	vsel vm8, $0x2007, v0  }
0xb9: {  	v2 =	vsel vm9, $0x3386, v2;
	v1 =	vsel vm9, $0x3306, v1;
	v0 =	vsel vm7, $0x3388, v0  }
0xba: {  	v2 =	vsel vm8, $0x3307, v2;
	v1 =	vsel vm8, $0x3387, v1;
	v0 =	vsel vm6, $0x3309, v0  }
0xbb: {  	v2 =	vsel vm7, $0x2088, v2;
	v1 =	vsel vm7, $0x2008, v1;
	v0 =	vsel vm5, $0x328A, v0  }
0xbc: {  	v2 =	vsel vm6, $0x2009, v2;
	v1 =	vsel vm6, $0x2089, v1;
	v0 =	vsel vm4, $0x320B, v0  }
0xbd: {  	v2 =	vsel vm5, $0x218A, v2;
	v1 =	vsel vm5, $0x210A, v1;
	v0 =	vsel vm3, $0x318C, v0  }
0xbe: {  	v2 =	vsel vm4, $0x210B, v2;
	v1 =	vsel vm4, $0x218B, v1;
	v0 =	vsel vm1, $0x310D, v0  }
0xbf: {  	v2 =	vsel vm3, $0x228C, v2;
	v1 =	vsel vm3, $0x220C, v1;
	v0 =	vsel vm2, $0x308E, v0  }
0xc0: {  	[tilespmem:$0x1FBD0] =	vst v0;
	v0 =	vsel vm1, $0x228D, v1;
	v1 =	vsel vm1, $0x220D, v2  }
0xc1: {  	v45 =	vsel vm2, $0x230E, v0;
	v0 =	vsel vm2, $0x238E, v1  }
0xc2: {  	[tilespmem:$0x1FBE0] =	vst v0;
	v0 =	vimm.s32 $0x228F  }
0xc3: {  	v1 =	vimm.s32 $0x220F;
	v0 =	vsel vm15, $0x3100, v0  }
0xc4: {  	v1 =	vsel vm15, $0x3180, v1;
	v0 =	vsel vm14, $0x3181, v0  }
0xc5: {  	v1 =	vsel vm14, $0x3101, v1;
	v0 =	vsel vm13, $0x3002, v0  }
0xc6: {  	v1 =	vsel vm13, $0x3082, v1;
	v0 =	vsel vm12, $0x3083, v0  }
0xc7: {  	v1 =	vsel vm12, $0x3003, v1;
	v0 =	vsel vm11, $0x3304, v0  }
0xc8: {  	v1 =	vsel vm11, $0x3384, v1;
	v0 =	vsel vm10, $0x3385, v0  }
0xc9: {  	v1 =	vsel vm10, $0x3305, v1;
	v0 =	vsel vm9, $0x3206, v0  }
0xca: {  	v1 =	vsel vm9, $0x3286, v1;
	v0 =	vsel vm8, $0x3287, v0  }
0xcb: {  	v1 =	vsel vm8, $0x3207, v1;
	v0 =	vsel vm7, $0x2108, v0  }
0xcc: {  	v1 =	vsel vm7, $0x2188, v1;
	v0 =	vsel vm6, $0x2189, v0  }
0xcd: {  	v1 =	vsel vm6, $0x2109, v1;
	v0 =	vsel vm5, $0x200A, v0  }
0xce: {  	v1 =	vsel vm5, $0x208A, v1;
	v0 =	vsel vm4, $0x208B, v0  }
0xcf: {  	v1 =	vsel vm4, $0x200B, v1;
	v0 =	vsel vm3, $0x230C, v0  }
0xd0: {  	v1 =	vsel vm3, $0x238C, v1;
	v0 =	vsel vm1, $0x238D, v0  }
0xd1: {  	v15 =	vlaneseq.u32;
	v26 =	vsel vm2, $0x220E, v0;
	v0 =	vsel vm1, $0x230D, v1  }
0xd2: {  	s0 =	rddreg [dreg:$0x0];
	s3 =	simm.s32 $0x0;
	v3 =	vmul.u32 $0xFFFFFFFF, v15;
	v0 =	vsel vm2, $0x228E, v0  }
0xd3: {  	[smem:$0x7FF] =	sst s3;
	[tilespmem:$0x1FBF0] =	vst v0  }
0xd4: {  	s7 =	rddreg [dreg:$0x1];
	_ =	strace $0x80000047;
	[tilespmem:$0x1FC20] =	vst v3  }
0xd5: {  	[tilespmem:$0x1FC30] =	vst v4  }
0xd6: {  	[tilespmem:$0x1FC40] =	vst v5  }
0xd7: {  	[tilespmem:$0x1FC50] =	vst v17  }
0xd8: {  	[tilespmem:$0x1FC60] =	vst v40  }
0xd9: {  	[tilespmem:$0x1FC70] =	vst v19  }
0xda: {  	[tilespmem:$0x1FC80] =	vst v20  }
0xdb: {  	[tilespmem:$0x1FC90] =	vst v21  }
0xdc: {  	[tilespmem:$0x1FCA0] =	vst v22  }
0xdd: {  	[tilespmem:$0x1FD00] =	vst v24  }
0xde: {  	[tilespmem:$0x1FD10] =	vst v25  }
0xdf: {  	[tilespmem:$0x1FD30] =	vst v36  }
0xe0: {  	[tilespmem:$0x1FD40] =	vst v58  }
0xe1: {  	[tilespmem:$0x1FD50] =	vst v46  }
0xe2: {  	[tilespmem:$0x1FD60] =	vst v41  }
0xe3: {  	[tilespmem:$0x1FD70] =	vst v56  }
0xe4: {  	[tilespmem:$0x1FD80] =	vst v28  }
0xe5: {  	[tilespmem:$0x1FD90] =	vst v43  }
0xe6: {  	[tilespmem:$0x1FDA0] =	vst v34  }
0xe7: {  	[tilespmem:$0x1FDB0] =	vst v62  }
0xe8: {  	[tilespmem:$0x1FDC0] =	vst v57  }
0xe9: {  	[tilespmem:$0x1FDD0] =	vst v55  }
0xea: {  	[tilespmem:$0x1FDE0] =	vst v12  }
0xeb: {  	v6 =	vand.u32 $0xF, v6;
	[tilespmem:$0x1FDF0] =	vst v9  }
0xec: {  	v7 =	vand.u32 $0xF, v7;
	[tilespmem:$0x1FE00] =	vst v6  }
0xed: {  	v8 =	vand.u32 $0xF, v8;
	v2 =	vimm.s32 $0x218F;
	[tilespmem:$0x1FE10] =	vst v7  }
0xee: {  	v2 =	vsel vm15, $0x3200, v2;
	[tilespmem:$0x1FE20] =	vst v8  }
0xef: {  	v2 =	vsel vm14, $0x3281, v2;
	[tilespmem:$0x1FE30] =	vst v10  }
0xf0: {  	v2 =	vsel vm13, $0x3302, v2;
	[tilespmem:$0x1FE40] =	vst v11  }
0xf1: {  	v2 =	vsel vm12, $0x3383, v2;
	[tilespmem:$0x1FE50] =	vst v53  }
0xf2: {  	v2 =	vsel vm11, $0x3004, v2;
	[tilespmem:$0x1FE60] =	vst v29  }
0xf3: {  	v2 =	vsel vm10, $0x3085, v2;
	[tilespmem:$0x1FE70] =	vst v35  }
0xf4: {  	v2 =	vsel vm9, $0x3106, v2;
	[tilespmem:$0x1FE80] =	vst v52  }
0xf5: {  	v2 =	vsel vm8, $0x3187, v2;
	[tilespmem:$0x1FE90] =	vst v59  }
0xf6: {  	v2 =	vsel vm7, $0x2208, v2;
	[tilespmem:$0x1FEA0] =	vst v31  }
0xf7: {  	v2 =	vsel vm6, $0x2289, v2;
	[tilespmem:$0x1FEB0] =	vst v48  }
0xf8: {  	v2 =	vsel vm5, $0x230A, v2;
	[tilespmem:$0x1FEC0] =	vst v49  }
0xf9: {  	vm0 =	vcmask $0x1F10;
	v2 =	vsel vm4, $0x238B, v2;
	[tilespmem:$0x1FED0] =	vst v50  }
0xfa: {  	v37 =	vmul.u32 $0x20, v15;
	v16 =	vor.u32 $0x10, v15;
	v2 =	vsel vm3, $0x200C, v2;
	[tilespmem:$0x1FEE0] =	vst v51  }
0xfb: {  	v30 =	vadd.s32 $0xF, v3;
	v1 =	vsel vm1, $0x208D, v2;
	v0 =	vimm.s32 $0x210F;
	[tilespmem:$0x1FEF0] =	vst v63  }
0xfc: {  	v2 =	vimm.s32 $0x200F;
	v42 =	vsel vm2, $0x210E, v1;
	v0 =	vsel vm15, $0x3280, v0;
	[tilespmem:$0x1FF00] =	vst v23  }
0xfd: {  	v1 =	vimm.s32 $0x208F;
	v2 =	vsel vm15, $0x3380, v2;
	[tilespmem:$0x1FF10] =	vst v32;
	v0 =	vsel vm14, $0x3201, v0  }
0xfe: {  	v1 =	vsel vm15, $0x3300, v1;
	v2 =	vsel vm14, $0x3301, v2;
	[tilespmem:$0x1FF20] =	vst v33;
	v0 =	vsel vm13, $0x3382, v0  }
0xff: {  	v1 =	vsel vm14, $0x3381, v1;
	v2 =	vsel vm13, $0x3282, v2;
	[tilespmem:$0x1FF30] =	vst v38;
	v0 =	vsel vm12, $0x3303, v0  }
0x100: {  	s1 =	srdreg.scid;
	s2 =	stileid.u32;
	v3 =	vsel vm0, v22, v21;
	[tilespmem:$0x1FF40] =	vst v39;
	v1 =	vsel vm13, $0x3202, v1;
	v0 =	vsel vm11, $0x3084, v0  }
0x101: {  	s1 =	sand.u32 $0x1, s1;
	s2 =	sshll.u32 s2, $0x1;
	[tilespmem:$0x1FF50] =	vst v37;
	v2 =	vsel vm12, $0x3203, v2;
	v1 =	vsel vm12, $0x3283, v1;
	v0 =	vsel vm10, $0x3005, v0  }
0x102: {  	s28 =	simm.s32 $0x5000;
	s30 =	simm.s32 $0x9000;
	s2 =	sor.u32 s1, s2;
	[tilespmem:$0x1FF60] =	vst v42;
	v2 =	vsel vm11, $0x3184, v2;
	v1 =	vsel vm11, $0x3104, v1;
	v0 =	vsel vm9, $0x3186, v0  }
0x103: {  	s31 =	simm.s32 $0x2;
	s29 =	simm.s32 $0x13000;
	s14 =	sshll.u32 s2, $0x9;
	[tilespmem:$0x1FF70] =	vst v30;
	v2 =	vsel vm10, $0x3105, v2;
	v1 =	vsel vm10, $0x3185, v1;
	v0 =	vsel vm8, $0x3107, v0  }
0x104: {  	s9 =	simm.s32 $0x0;
	s15 =	sadd.s32 $0x4000, s7;
	[dreg:$0x3] =	wrdreg s14;
	[tilespmem:$0x1FF80] =	vst v26;
	v2 =	vsel vm9, $0x3086, v2;
	v1 =	vsel vm9, $0x3006, v1;
	v0 =	vsel vm7, $0x2288, v0  }
0x105: {  	s16 =	sadd.s32 $0x8000, s7;
	s17 =	sadd.s32 $0xC000, s7;
	[dreg:$0x4] =	wrdreg s15;
	[tilespmem:$0x1FFA0] =	vst v45;
	v2 =	vsel vm8, $0x3007, v2;
	v1 =	vsel vm8, $0x3087, v1;
	v0 =	vsel vm6, $0x2209, v0  }
0x106: {  	s18 =	sadd.s32 $0x10000, s7;
	s19 =	sadd.s32 $0x14000, s7;
	[dreg:$0x5] =	wrdreg s16;
	[tilespmem:$0x1FFB0] =	vst v16;
	v2 =	vsel vm7, $0x2388, v2;
	v1 =	vsel vm7, $0x2308, v1;
	v0 =	vsel vm5, $0x238A, v0  }
0x107: {  	s20 =	sadd.s32 $0x18000, s7;
	s21 =	sadd.s32 $0x1C000, s7;
	[dreg:$0x6] =	wrdreg s17;
	[tilespmem:$0x1FFC0] =	vst v18;
	v2 =	vsel vm6, $0x2309, v2;
	v1 =	vsel vm6, $0x2389, v1;
	v0 =	vsel vm4, $0x230B, v0  }
0x108: {  	s22 =	sadd.s32 $0x20000, s7;
	s23 =	sadd.s32 $0x24000, s7;
	[dreg:$0x7] =	wrdreg s18;
	[tilespmem:$0x1FFD0] =	vst v13;
	v2 =	vsel vm5, $0x228A, v2;
	v1 =	vsel vm5, $0x220A, v1;
	v0 =	vsel vm3, $0x208C, v0  }
0x109: {  	s24 =	sadd.s32 $0x28000, s7;
	s25 =	sadd.s32 $0x2C000, s7;
	[dreg:$0x8] =	wrdreg s19;
	[tilespmem:$0x1FFE0] =	vst v14;
	v2 =	vsel vm4, $0x220B, v2;
	v1 =	vsel vm4, $0x228B, v1;
	v0 =	vsel vm1, $0x200D, v0  }
0x10a: {  	s26 =	sadd.s32 $0x30000, s7;
	s1 =	ssub.s32 $0x2, s1;
	[dreg:$0x9] =	wrdreg s20;
	[tilespmem:$0x1FCE0] =	vst v3;
	v2 =	vsel vm3, $0x218C, v2;
	v1 =	vsel vm3, $0x210C, v1;
	v0 =	vsel vm2, $0x218E, v0  }
0x10b: {  	s4 =	sshll.u32 s2, $0x6;
	s13 =	sshrl.u32 s1, $0x1;
	[dreg:$0xa] =	wrdreg s21;
	[tilespmem:$0x1FC00] =	vst v0;
	v0 =	vsel vm1, $0x218D, v1;
	v1 =	vsel vm1, $0x210D, v2;
	v2 =	vsel vm0, v20, v19  }
0x10c: {  	s2 =	simm.s32 $0x11000;
	s5 =	sadd.s32 s4, s0;
	[dreg:$0xb] =	wrdreg s22;
	v44 =	vsel vm2, $0x200E, v0;
	v0 =	vsel vm2, $0x208E, v1;
	[tilespmem:$0x1FCD0] =	vst v2  }
0x10d: {  	s4 =	sadd.s32 $0xF42A00, s0;
	s0 =	ssub.s32 s1, s13;
	[dreg:$0xc] =	wrdreg s23;
	v1 =	vsel vm0, v40, v17;
	[tilespmem:$0x1FC10] =	vst v0;
	v0 =	vsel vm0, v5, v4  }
0x10e: {  	s1 =	simm.s32 $0x15000;
	s6 =	sadd.s32 $0x600, s5;
	[dreg:$0xd] =	wrdreg s24;
	[tilespmem:$0x1FCB0] =	vst v0;
	v47 =	vcombine.low v1, v0;
	v0 =	vcombine.low v3, v2  }
0x10f: {  	s0 =	smax.u32 s0, $0x1;
	s5 =	simm.s32 $0x17000;
	[dreg:$0xe] =	wrdreg s25;
	[tilespmem:$0x1FCC0] =	vst v1  }
0x110: {  	[dreg:$0xf] =	wrdreg s26;
	s19 =	sadd.s32 $0x34000, s7;
	s20 =	sadd.s32 $0x38000, s7;
	[tilespmem:$0x1FCF0] =	vst v0;
	v0 =	vsel vm0, v25, v24  }
0x111: {  	s21 =	sadd.s32 $0x3C000, s7;
	[dreg:$0x10] =	wrdreg s0;
	s26 =	simm.s32 $0x1000;
	[tilespmem:$0x1FF90] =	vst v44  }
0x112: {  	s0 =	simm.s32 $0xD000;
	s24 =	simm.s32 $0x12000;
	s22 =	simm.s32 $0x14000;
	[tilespmem:$0x1FFF0] =	vst v47  }
0x113: {  	v60 =	vmovc v36;
	v61 =	vmov v41;
	s25 =	simm.s32 $0x3;
	s23 =	simm.s32 $0x16000;
	s7 =	simm.s32 $0x18000;
	v25 =	vmov v28;
	[tilespmem:$0x1FD20] =	vst v0;
	v0 =	vmov v34  }
.LBB2_1:
0x114: {  	[dreg:$0x11] =	wrdreg s9  }
0x115: {  	s8 =	simm.s32 $0x200;
	s16 =	simm.s32 $0x4000;
	s17 =	simm.s32 $0x4  }
0x116: {  	[tilespmem:s3], [sflag:$0x4] =	stream.strided.gather [hbm4b:s6+s8], $0x800, s16, s8, $0x38;
	[tilespmem:$0x19000] =	vst v63  }
0x117: {  	_ =	swait.ge [sflag:s17], $0x800  }
0x118: {  	[sflag:s17] =	ssyncset.done $0x0  }
0x119: {  	[sflag:s17] =	ssyncadd.s32 $0xFFFFF800  }
0x11a: {  	[tilespmem:s26], [sflag:$0x2] =	stream.indirect.gather [hbm4b:s4+s8], $0x20, s3, s8, $0xb8;
	[tilespmem:$0x19000] =	vst v63  }
0x11b: {  	_ = 	snop  }
0x11c: {  	[tilespmem:s28], [sflag:$0x2] =	stream.indirect.gather [hbm4b:s4+s8], $0x20, s8, s8, $0xb8;
	[tilespmem:$0x19000] =	vst v63  }
0x11d: {  	s18 =	simm.s32 $0x400  }
0x11e: {  	[tilespmem:s30], [sflag:$0x2] =	stream.indirect.gather [hbm4b:s4+s8], $0x20, s18, s8, $0xb8;
	[tilespmem:$0x19000] =	vst v63  }
0x11f: {  	s8 =	simm.s32 $0x0  }
.LBB2_2:
0x120: {  	s10 =	sand.u32 $0x1, s8;
	p0 =	seq.s32 s8, $0x18;
	s11 =	sadd.s32 $0x1, s8  }
0x121: {  	s9 =	sshll.u32 @!p0 s10, $0xB;
	s12 =	sshll.u32 @!p0 s11, $0xD;
	s14 =	simm.s32 @!p0 $0x200  }
0x122: {  	s15 =	simm.s32 @!p0 $0x4000;
	s13 =	sxor.u32 @!p0 $0x800, s9;
	s12 =	sadd.s32 @!p0 s12, s6  }
0x123: {  	[tilespmem:s13], [sflag:$0x1] =	stream.strided.gather @!p0 [hbm4b:s12+s14], $0x800, s15, s14, $0x38;
	[tilespmem:$0x19000] =	vst v63  }
0x124: {  	_ =	swait.ge [sflag:s31], $0x4000  }
0x125: {  	s16 =	simm.s32 $0x200;
	s12 =	sshll.u32 s10, $0xB;
	[sflag:s31] =	ssyncset.done $0x0  }
0x126: {  	p1 =	seq.s32 s8, $0x0;
	s10 =	sor.u32 $0x600, s12;
	[sflag:s31] =	ssyncadd.s32 $0xFFFFC000  }
0x127: {  	[tilespmem:s0], [sflag:$0x2] =	stream.indirect.gather [hbm4b:s4+s16], $0x20, s10, s16, $0xb8;
	[tilespmem:$0x19000] =	vst v63  }
0x128: {  	s10 =	simm.s32 @!p1 $0x3  }
0x129: {  	_ =	swait.ge @!p1 [sflag:s10], $0x1000  }
0x12a: {  	[sflag:s10] =	ssyncset.done @!p1 $0x0  }
0x12b: {  	[sflag:s10] =	ssyncadd.s32 @!p1 $0xFFFFF000  }
0x12c: {  	s17 =	simm.s32 $0x0;
	_ =	swait.ge @!p1 [sflag:s10], $0x1000  }
0x12d: {  	v22 =	vmov v0;
	v0 =	vmov s17;
	[sflag:s10] =	ssyncset.done @!p1 $0x0  }
0x12e: {  	v0 =	vshll.u32 v0, $0x5;
	[sflag:s10] =	ssyncadd.s32 @!p1 $0xFFFFF000  }
0x12f: {  	v1 =	vor.u32 v37, v0;
	_ =	swait.ge @!p1 [sflag:s10], $0x1000  }
0x130: {  	v0 =	vor.u32 v15, v1;
	[sflag:s10] =	ssyncset.done @!p1 $0x0  }
0x131: {  	v2 =	vor.u32 v12, v1;
	[sflag:s10] =	ssyncadd.s32 @!p1 $0xFFFFF000  }
0x132: {  	v3 =	vor.u32 v9, v1;
	v19 =	vld [tilespmem:$0x1FFB0];
	_ =	swait.ge @!p1 [sflag:s10], $0x1000  }
0x133: {  	v4 =	vor.u32 v6, v1;
	[sflag:s10] =	ssyncset.done @!p1 $0x0  }
0x134: {  	v5 =	vor.u32 v7, v1;
	[sflag:s10] =	ssyncadd.s32 @!p1 $0xFFFFF000  }
0x135: {  	s18 =	sand.u32 $0xC00, s17;
	s13 =	sand.u32 $0x70, s17;
	v6 =	vor.u32 v8, v1;
	v0 =	vld.idx.msk [tilespmem:v0+s26+$0x0], $0xffff  }
0x136: {  	v34 =	vmov v7;
	v7 =	vor.u32 v10, v1;
	s10 =	sor.u32 s13, s18;
	v2 =	vld.idx.msk [tilespmem:v2+s26+$0x0], $0xffff  }
0x137: {  	v17 =	vmov v9;
	v8 =	vor.u32 v11, v1;
	v3 =	vld.idx.msk [tilespmem:v3+s26+$0x0], $0xffff;
	v9 =	vor.u32 s10, v53  }
0x138: {  	v4 =	vld.idx.msk [tilespmem:v4+s26+$0x0], $0xffff;
	v10 =	vor.u32 s10, v13  }
0x139: {  	v5 =	vld.idx.msk [tilespmem:v5+s26+$0x0], $0xffff;
	v11 =	vor.u32 s10, v14  }
0x13a: {  	v16 =	vmov v12;
	v6 =	vld.idx.msk [tilespmem:v6+s26+$0x0], $0xffff;
	v12 =	vor.u32 s10, v29  }
0x13b: {  	v7 =	vld.idx.msk [tilespmem:v7+s26+$0x0], $0xffff;
	v24 =	vor.u32 s10, v35;
	v0 =	vand.u32 $0x7FFFFFFF, v0  }
0x13c: {  	v45 =	vmov v18;
	v8 =	vld.idx.msk [tilespmem:v8+s26+$0x0], $0xffff;
	v18 =	vor.u32 s10, v52;
	v2 =	vand.u32 $0x7FFFFFFF, v2;
	[tilespmem:v9+s2+$0x0] =	vst.idx.msk $0xffff, v0  }
0x13d: {  	v0 =	vand.u32 $0x7FFFFFFF, v3;
	v3 =	vor.u32 s10, v59;
	[tilespmem:v10+s2+$0x0] =	vst.idx.msk $0xffff, v2  }
0x13e: {  	v2 =	vand.u32 $0x7FFFFFFF, v4;
	[tilespmem:v11+s2+$0x0] =	vst.idx.msk $0xffff, v0  }
0x13f: {  	v0 =	vand.u32 $0x7FFFFFFF, v5;
	[tilespmem:v12+s2+$0x0] =	vst.idx.msk $0xffff, v2  }
0x140: {  	v5 =	vand.u32 $0x7FFFFFFF, v6;
	[tilespmem:v24+s2+$0x0] =	vst.idx.msk $0xffff, v0  }
0x141: {  	v4 =	vor.u32 s10, v31;
	v6 =	vand.u32 $0x7FFFFFFF, v7;
	[tilespmem:v18+s2+$0x0] =	vst.idx.msk $0xffff, v5  }
0x142: {  	[tilespmem:v3+s2+$0x0] =	vst.idx.msk $0xffff, v6;
	v3 =	vor.u32 v51, v1;
	_ =	sdelay $0x2  }
0x143: {  	v7 =	vand.u32 $0x7FFFFFFF, v8  }
0x144: {  	v24 =	vld [tilespmem:$0x1FC50];
	[tilespmem:v4+s2+$0x0] =	vst.idx.msk $0xffff, v7  }
0x145: {  	v11 =	vld.idx.msk [tilespmem:v3+s26+$0x0], $0xffff  }
0x146: {  	v3 =	vor.u32 s10, v25;
	v25 =	vld [tilespmem:$0x1FC60];
	_ =	sdelay $0x4  }
0x147: {  	v36 =	vsel vm0, v24, v25;
	v24 =	vld [tilespmem:$0x1FD00]  }
0x148: {  	v25 =	vld [tilespmem:$0x1FD10];
	_ =	sdelay $0x1  }
0x149: {  	v20 =	vmov v30;
	v2 =	vor.u32 v50, v1  }
0x14a: {  	v8 =	vor.u32 v20, v1  }
0x14b: {  	v0 =	vor.u32 v48, v1  }
0x14c: {  	v5 =	vor.u32 v49, v1;
	v52 =	vsel vm0, v24, v25;
	v24 =	vld [tilespmem:$0x1FC70]  }
0x14d: {  	v25 =	vld [tilespmem:$0x1FC80]  }
0x14e: {  	v2 =	vld.idx.msk [tilespmem:v2+s26+$0x0], $0xffff  }
0x14f: {  	v6 =	vor.u32 v58, v1;
	v8 =	vld.idx.msk [tilespmem:v8+s26+$0x0], $0xffff  }
0x150: {  	v4 =	vor.u32 v60, v1;
	v0 =	vld.idx.msk [tilespmem:v0+s26+$0x0], $0xffff  }
0x151: {  	v7 =	vor.u32 v46, v1;
	v5 =	vld.idx.msk [tilespmem:v5+s26+$0x0], $0xffff  }
0x152: {  	v9 =	vor.u32 s10, v61;
	v35 =	vsel vm0, v24, v25;
	v24 =	vld [tilespmem:$0x1FC90]  }
0x153: {  	v25 =	vld [tilespmem:$0x1FCA0]  }
0x154: {  	v6 =	vld.idx.msk [tilespmem:v6+s26+$0x0], $0xffff  }
0x155: {  	v4 =	vld.idx.msk [tilespmem:v4+s26+$0x0], $0xffff  }
0x156: {  	v10 =	vor.u32 s10, v56;
	v7 =	vld.idx.msk [tilespmem:v7+s26+$0x0], $0xffff;
	v0 =	vand.u32 $0x7FFFFFFF, v0  }
0x157: {  	[tilespmem:v9+s2+$0x0] =	vst.idx.msk $0xffff, v0;
	v9 =	vld [tilespmem:$0x1FC30]  }
0x158: {  	v37 =	vor.u32 s10, v43;
	v40 =	vsel vm0, v24, v25;
	v24 =	vld [tilespmem:$0x1FC40]  }
0x159: {  	v26 =	vld [tilespmem:$0x1FB70];
	v25 =	vor.u32 s10, v22  }
0x15a: {  	v54 =	vld [tilespmem:$0x1FBB0];
	v0 =	vand.u32 $0x7FFFFFFF, v5  }
0x15b: {  	v12 =	vld [tilespmem:$0x1FBC0];
	[tilespmem:v10+s2+$0x0] =	vst.idx.msk $0xffff, v0;
	v0 =	vand.u32 $0x7FFFFFFF, v2  }
0x15c: {  	v18 =	vld [tilespmem:$0x1FB80];
	[tilespmem:v3+s2+$0x0] =	vst.idx.msk $0xffff, v0;
	v0 =	vand.u32 $0x7FFFFFFF, v11  }
0x15d: {  	v30 =	vmov v59;
	[tilespmem:v37+s2+$0x0] =	vst.idx.msk $0xffff, v0;
	v0 =	vand.u32 $0x7FFFFFFF, v4;
	v59 =	vsel vm0, v9, v24;
	v24 =	vld [tilespmem:$0x1FB90]  }
0x15e: {  	[tilespmem:v25+s2+$0x0] =	vst.idx.msk $0xffff, v0;
	v25 =	vld [tilespmem:$0x1FBA0]  }
0x15f: {  	v5 =	vor.u32 s10, v62;
	v10 =	vld [tilespmem:$0x1FD20]  }
0x160: {  	v2 =	vor.u32 s10, v57;
	v9 =	vld [tilespmem:$0x1FCF0]  }
0x161: {  	v3 =	vor.u32 s10, v55  }
0x162: {  	v58 =	vsel vm0, v12, v54;
	v53 =	vsel vm0, v26, v18;
	v57 =	vsel vm0, v18, v26  }
0x163: {  	v4 =	vor.u32 v19, v1;
	v0 =	vand.u32 $0x7FFFFFFF, v6;
	v55 =	vsel vm0, v25, v24  }
0x164: {  	[tilespmem:v5+s2+$0x0] =	vst.idx.msk $0xffff, v0;
	v0 =	vand.u32 $0x7FFFFFFF, v7;
	v5 =	vor.u32 v47, v1;
	v7 =	vcombine.low v58, v55  }
0x165: {  	v6 =	vcombine.low v57, v10;
	[tilespmem:v2+s2+$0x0] =	vst.idx.msk $0xffff, v0;
	v0 =	vand.u32 $0x7FFFFFFF, v8;
	v9 =	vor.u32 v9, v1  }
0x166: {  	v8 =	vcombine.low v40, v35;
	[tilespmem:v3+s2+$0x0] =	vst.idx.msk $0xffff, v0;
	v0 =	vor.u32 v7, v1  }
0x167: {  	v37 =	vmov v19;
	v2 =	vor.u32 v6, v1;
	v3 =	vcombine.low v53, v52  }
0x168: {  	v18 =	vmovc v6;
	v6 =	vcombine.low v36, v59;
	v4 =	vld.idx.msk [tilespmem:v4+s26+$0x0], $0xffff;
	v19 =	vmov v8;
	v8 =	vor.u32 v8, v1  }
0x169: {  	v27 =	vmov v63;
	v11 =	vor.u32 v3, v1;
	v5 =	vld.idx.msk [tilespmem:v5+s26+$0x0], $0xffff  }
0x16a: {  	v29 =	vmovc v32;
	v52 =	vor.u32 s10, v27;
	v32 =	vmov v7;
	v7 =	vor.u32 v6, v1;
	v9 =	vld.idx.msk [tilespmem:v9+s26+$0x0], $0xffff  }
0x16b: {  	v26 =	vld.idx.msk [tilespmem:v0+s26+$0x0], $0xffff;
	v0 =	vor.u32 s10, v23  }
0x16c: {  	v20 =	vmov v3;
	v3 =	vld.idx.msk [tilespmem:v2+s26+$0x0], $0xffff;
	v2 =	vor.u32 s10, v29  }
0x16d: {  	v8 =	vld.idx.msk [tilespmem:v8+s26+$0x0], $0xffff  }
0x16e: {  	v63 =	vmov v33;
	v33 =	vmov v60;
	v4 =	vand.u32 $0x7FFFFFFF, v4;
	v11 =	vld.idx.msk [tilespmem:v11+s26+$0x0], $0xffff  }
0x16f: {  	v62 =	vmov v33;
	v33 =	vld.idx.msk [tilespmem:v7+s26+$0x0], $0xffff;
	[tilespmem:v52+s2+$0x0] =	vst.idx.msk $0xffff, v4;
	v4 =	vand.u32 $0x7FFFFFFF, v5  }
0x170: {  	v41 =	vld [tilespmem:$0x1FCE0];
	[tilespmem:v0+s2+$0x0] =	vst.idx.msk $0xffff, v4;
	v4 =	vand.u32 $0x7FFFFFFF, v9  }
0x171: {  	v60 =	vmov v42;
	[tilespmem:v2+s2+$0x0] =	vst.idx.msk $0xffff, v4;
	v2 =	vld [tilespmem:$0x1FBD0]  }
0x172: {  	v46 =	vmovc v63;
	v42 =	vmovc v6;
	v6 =	vor.u32 s10, v63;
	v63 =	vmov v38;
	v7 =	vor.u32 s10, v38;
	v38 =	vld [tilespmem:$0x1FCD0];
	_ =	sdelay $0x1  }
0x173: {  	v5 =	vor.u32 s10, v39  }
0x174: {  	v24 =	vsel vm0, v24, v25;
	v9 =	vor.u32 s10, v45  }
0x175: {  	v28 =	vmovc v27;
	v27 =	vmovc v23;
	v3 =	vand.u32 $0x7FFFFFFF, v3;
	v0 =	vsel vm0, v54, v12;
	v12 =	vld [tilespmem:$0x1FCB0];
	v4 =	vor.u32 s10, v2  }
0x176: {  	v23 =	vcombine.low v38, v41;
	[tilespmem:v6+s2+$0x0] =	vst.idx.msk $0xffff, v3;
	v2 =	vcombine.low v24, v0;
	v24 =	vld [tilespmem:$0x1FCC0];
	v0 =	vand.u32 $0x7FFFFFFF, v26  }
0x177: {  	[tilespmem:v7+s2+$0x0] =	vst.idx.msk $0xffff, v0;
	v0 =	vand.u32 $0x7FFFFFFF, v33  }
0x178: {  	v3 =	vor.u32 v23, v1;
	v7 =	vcombine.low v55, v58;
	[tilespmem:v5+s2+$0x0] =	vst.idx.msk $0xffff, v0;
	v0 =	vand.u32 $0x7FFFFFFF, v8  }
0x179: {  	v21 =	vmov v2;
	v2 =	vor.u32 v2, v1;
	[tilespmem:v9+s2+$0x0] =	vst.idx.msk $0xffff, v0;
	v0 =	vand.u32 $0x7FFFFFFF, v11  }
0x17a: {  	[tilespmem:v4+s2+$0x0] =	vst.idx.msk $0xffff, v0;
	v4 =	vor.u32 v7, v1;
	v0 =	vld [tilespmem:$0x1FC20]  }
0x17b: {  	v56 =	vld [tilespmem:$0x1FD70];
	v12 =	vcombine.low v12, v24  }
0x17c: {  	v61 =	vmov v44;
	v53 =	vld [tilespmem:$0x1FD40]  }
0x17d: {  	v41 =	vmovc v45;
	v45 =	vcombine.low v10, v57;
	v22 =	vmov v12;
	v6 =	vor.u32 v12, v1;
	v12 =	vld.idx.msk [tilespmem:v3+s26+$0x0], $0xffff  }
0x17e: {  	v44 =	vmovc v47;
	v8 =	vcombine.low v59, v36;
	v9 =	vcombine.low v35, v40;
	v47 =	vmov v7;
	v7 =	vld.idx.msk [tilespmem:v2+s26+$0x0], $0xffff  }
0x17f: {  	v5 =	vor.u32 v45, v1;
	v0 =	vadd.s32 $0x1F, v0;
	v25 =	vld.idx.msk [tilespmem:v4+s26+$0x0], $0xffff  }
0x180: {  	v3 =	vor.u32 v8, v1;
	v2 =	vor.u32 v9, v1;
	[tilespmem:$0x1FB60] =	vst v0;
	v1 =	vor.u32 v0, v1;
	v0 =	vld [tilespmem:$0x1FFA0]  }
0x181: {  	v4 =	vld [tilespmem:$0x1FBE0]  }
0x182: {  	v52 =	vmov v62;
	v62 =	vld [tilespmem:$0x1FDD0]  }
0x183: {  	v54 =	vld [tilespmem:$0x1FD50]  }
0x184: {  	v57 =	vld [tilespmem:$0x1FD80]  }
0x185: {  	v35 =	vmov v0;
	v11 =	vor.u32 s10, v0;
	v0 =	vld [tilespmem:$0x1FF80]  }
0x186: {  	v40 =	vmov v9;
	v9 =	vor.u32 s10, v4;
	v4 =	vld.idx.msk [tilespmem:v2+s26+$0x0], $0xffff  }
0x187: {  	v2 =	vld [tilespmem:$0x1FBF0]  }
0x188: {  	v36 =	vmov v8;
	v8 =	vld.idx.msk [tilespmem:v6+s26+$0x0], $0xffff  }
0x189: {  	v55 =	vld [tilespmem:$0x1FD60]  }
0x18a: {  	v24 =	vld.idx.msk [tilespmem:v5+s26+$0x0], $0xffff;
	v10 =	vor.u32 s10, v0  }
0x18b: {  	v5 =	vld.idx.msk [tilespmem:v3+s26+$0x0], $0xffff  }
0x18c: {  	v6 =	vor.u32 s10, v2;
	v2 =	vld.idx.msk [tilespmem:v1+s26+$0x0], $0xffff;
	v1 =	vand.u32 $0x7FFFFFFF, v7  }
0x18d: {  	v3 =	vld [tilespmem:$0x1FC10];
	[tilespmem:v11+s2+$0x0] =	vst.idx.msk $0xffff, v1;
	v11 =	vand.u32 $0x7FFFFFFF, v8  }
0x18e: {  	v8 =	vld [tilespmem:$0x1FC00];
	[tilespmem:v9+s2+$0x0] =	vst.idx.msk $0xffff, v11;
	v11 =	vand.u32 $0x7FFFFFFF, v12  }
0x18f: {  	[tilespmem:v10+s2+$0x0] =	vst.idx.msk $0xffff, v11;
	v10 =	vld [tilespmem:$0x1FF50]  }
0x190: {  	v58 =	vld [tilespmem:$0x1FD90]  }
0x191: {  	s13 =	simm.s32 $0x10;
	v43 =	vmov v29;
	v59 =	vld [tilespmem:$0x1FDA0]  }
0x192: {  	v29 =	vmovc v23;
	v23 =	vmovc v60;
	v3 =	vor.u32 s10, v3;
	v7 =	vor.u32 s10, v60;
	v60 =	vld [tilespmem:$0x1FDB0];
	v1 =	vmov s13  }
0x193: {  	v33 =	vmovc v61;
	v1 =	vshll.u32 v1, $0x5;
	v9 =	vor.u32 s10, v61;
	v61 =	vld [tilespmem:$0x1FDC0];
	v8 =	vor.u32 s10, v8  }
0x194: {  	s14 =	simm.s32 $0x80;
	s15 =	simm.s32 $0x100;
	v38 =	vmovc v0;
	s10 =	sshll.u32 s8, $0x12;
	v11 =	vand.u32 $0x7FFFFFFF, v24;
	v24 =	vld [tilespmem:$0x1FE50];
	v0 =	vmovc v10;
	v1 =	vor.u32 v10, v1;
	v10 =	vand.u32 $0x7FFFFFFF, v25  }
.LBB2_3:
0x195: {  	_ =	sdelay $0x1  }
0x196: {  	[tilespmem:v6+s2+$0x0] =	vst.idx.msk $0xffff, v11  }
0x197: {  	v12 =	vor.u32 v15, v1;
	v5 =	vand.u32 $0x7FFFFFFF, v5;
	v15 =	vld [tilespmem:$0x1FE80];
	[tilespmem:v7+s2+$0x0] =	vst.idx.msk $0xffff, v10  }
0x198: {  	v4 =	vand.u32 $0x7FFFFFFF, v4;
	[tilespmem:v8+s2+$0x0] =	vst.idx.msk $0xffff, v5;
	v5 =	vld [tilespmem:$0x1FE00]  }
0x199: {  	v6 =	vor.u32 v16, v1;
	v2 =	vand.u32 $0x7FFFFFFF, v2;
	v8 =	vld [tilespmem:$0x1FE30];
	[tilespmem:v9+s2+$0x0] =	vst.idx.msk $0xffff, v4  }
0x19a: {  	s17 =	sand.u32 $0xC00, s14;
	s18 =	sand.u32 $0x70, s13;
	[tilespmem:v3+s2+$0x0] =	vst.idx.msk $0xffff, v2;
	v3 =	vld [tilespmem:$0x1FE20]  }
0x19b: {  	v7 =	vor.u32 v17, v1;
	s18 =	sor.u32 s18, s17;
	v9 =	vld [tilespmem:$0x1FE40]  }
0x19c: {  	v25 =	vmov v13;
	v11 =	vor.u32 s18, v13;
	v13 =	vld [tilespmem:$0x1FE60];
	v4 =	vor.u32 v34, v1  }
0x19d: {  	v2 =	vld.idx.msk [tilespmem:v12+s26+$0x0], $0xffff;
	v5 =	vor.u32 v5, v1  }
0x19e: {  	v6 =	vld.idx.msk [tilespmem:v6+s26+$0x0], $0xffff;
	v8 =	vor.u32 v8, v1  }
0x19f: {  	v26 =	vmov v14;
	v12 =	vor.u32 s18, v14;
	v14 =	vld [tilespmem:$0x1FE70];
	v3 =	vor.u32 v3, v1  }
0x1a0: {  	v10 =	vor.u32 s18, v24;
	v7 =	vld.idx.msk [tilespmem:v7+s26+$0x0], $0xffff;
	v9 =	vor.u32 v9, v1  }
0x1a1: {  	v4 =	vld.idx.msk [tilespmem:v4+s26+$0x0], $0xffff  }
0x1a2: {  	v5 =	vld.idx.msk [tilespmem:v5+s26+$0x0], $0xffff  }
0x1a3: {  	v13 =	vor.u32 s18, v13;
	v8 =	vld.idx.msk [tilespmem:v8+s26+$0x0], $0xffff  }
0x1a4: {  	v2 =	vand.u32 $0x7FFFFFFF, v2;
	v14 =	vor.u32 s18, v14;
	v3 =	vld.idx.msk [tilespmem:v3+s26+$0x0], $0xffff  }
0x1a5: {  	v15 =	vor.u32 s18, v15;
	v6 =	vand.u32 $0x7FFFFFFF, v6;
	v9 =	vld.idx.msk [tilespmem:v9+s26+$0x0], $0xffff;
	[tilespmem:v10+s2+$0x0] =	vst.idx.msk $0xffff, v2  }
0x1a6: {  	v2 =	vand.u32 $0x7FFFFFFF, v7;
	v7 =	vor.u32 s18, v30;
	[tilespmem:v11+s2+$0x0] =	vst.idx.msk $0xffff, v6  }
0x1a7: {  	v6 =	vor.u32 s18, v31;
	[tilespmem:v12+s2+$0x0] =	vst.idx.msk $0xffff, v2;
	v5 =	vand.u32 $0x7FFFFFFF, v5  }
0x1a8: {  	v2 =	vand.u32 $0x7FFFFFFF, v4;
	v4 =	vor.u32 v50, v1;
	[tilespmem:v13+s2+$0x0] =	vst.idx.msk $0xffff, v5  }
0x1a9: {  	v5 =	vor.u32 v48, v1;
	v3 =	vand.u32 $0x7FFFFFFF, v3;
	[tilespmem:v14+s2+$0x0] =	vst.idx.msk $0xffff, v2  }
0x1aa: {  	v2 =	vand.u32 $0x7FFFFFFF, v8;
	v8 =	vor.u32 v49, v1;
	[tilespmem:v15+s2+$0x0] =	vst.idx.msk $0xffff, v3;
	v3 =	vand.u32 $0x7FFFFFFF, v9;
	v9 =	vld [tilespmem:$0x1FF70]  }
0x1ab: {  	[tilespmem:v7+s2+$0x0] =	vst.idx.msk $0xffff, v2;
	v2 =	vor.u32 v51, v1  }
0x1ac: {  	v7 =	vor.u32 v54, v1;
	[tilespmem:v6+s2+$0x0] =	vst.idx.msk $0xffff, v3  }
0x1ad: {  	v3 =	vor.u32 v52, v1;
	v4 =	vld.idx.msk [tilespmem:v4+s26+$0x0], $0xffff  }
0x1ae: {  	v6 =	vor.u32 v53, v1;
	v5 =	vld.idx.msk [tilespmem:v5+s26+$0x0], $0xffff  }
0x1af: {  	v8 =	vld.idx.msk [tilespmem:v8+s26+$0x0], $0xffff;
	v9 =	vor.u32 v9, v1  }
0x1b0: {  	v10 =	vor.u32 s18, v55;
	v2 =	vld.idx.msk [tilespmem:v2+s26+$0x0], $0xffff  }
0x1b1: {  	v11 =	vor.u32 s18, v56;
	v7 =	vld.idx.msk [tilespmem:v7+s26+$0x0], $0xffff  }
0x1b2: {  	v12 =	vor.u32 s18, v57;
	v3 =	vld.idx.msk [tilespmem:v3+s26+$0x0], $0xffff  }
0x1b3: {  	v13 =	vor.u32 s18, v58;
	v6 =	vld.idx.msk [tilespmem:v6+s26+$0x0], $0xffff  }
0x1b4: {  	v14 =	vor.u32 s18, v59;
	v5 =	vand.u32 $0x7FFFFFFF, v5;
	v9 =	vld.idx.msk [tilespmem:v9+s26+$0x0], $0xffff  }
0x1b5: {  	[tilespmem:v10+s2+$0x0] =	vst.idx.msk $0xffff, v5;
	v5 =	vand.u32 $0x7FFFFFFF, v8;
	v8 =	vor.u32 s18, v60;
	v10 =	vld [tilespmem:$0x1FCF0]  }
0x1b6: {  	v4 =	vand.u32 $0x7FFFFFFF, v4;
	[tilespmem:v11+s2+$0x0] =	vst.idx.msk $0xffff, v5;
	v5 =	vor.u32 s18, v61  }
0x1b7: {  	v2 =	vand.u32 $0x7FFFFFFF, v2;
	[tilespmem:v12+s2+$0x0] =	vst.idx.msk $0xffff, v4;
	v4 =	vor.u32 s18, v62  }
0x1b8: {  	[tilespmem:v13+s2+$0x0] =	vst.idx.msk $0xffff, v2;
	v2 =	vand.u32 $0x7FFFFFFF, v3;
	v3 =	vor.u32 v37, v1  }
0x1b9: {  	[tilespmem:v14+s2+$0x0] =	vst.idx.msk $0xffff, v2;
	v2 =	vand.u32 $0x7FFFFFFF, v6;
	v6 =	vor.u32 v44, v1  }
0x1ba: {  	v10 =	vor.u32 v10, v1;
	[tilespmem:v8+s2+$0x0] =	vst.idx.msk $0xffff, v2;
	v2 =	vand.u32 $0x7FFFFFFF, v7  }
0x1bb: {  	v7 =	vor.u32 v42, v1;
	[tilespmem:v5+s2+$0x0] =	vst.idx.msk $0xffff, v2;
	v2 =	vand.u32 $0x7FFFFFFF, v9  }
0x1bc: {  	v5 =	vor.u32 v18, v1;
	[tilespmem:v4+s2+$0x0] =	vst.idx.msk $0xffff, v2  }
0x1bd: {  	v8 =	vor.u32 v19, v1;
	v3 =	vld.idx.msk [tilespmem:v3+s26+$0x0], $0xffff  }
0x1be: {  	v9 =	vor.u32 v20, v1;
	v6 =	vld.idx.msk [tilespmem:v6+s26+$0x0], $0xffff  }
0x1bf: {  	v2 =	vor.u32 v32, v1;
	v4 =	vld.idx.msk [tilespmem:v10+s26+$0x0], $0xffff;
	v10 =	vor.u32 s18, v28  }
0x1c0: {  	v11 =	vor.u32 s18, v27;
	v7 =	vld.idx.msk [tilespmem:v7+s26+$0x0], $0xffff  }
0x1c1: {  	v12 =	vor.u32 s18, v43;
	v5 =	vld.idx.msk [tilespmem:v5+s26+$0x0], $0xffff  }
0x1c2: {  	v8 =	vld.idx.msk [tilespmem:v8+s26+$0x0], $0xffff  }
0x1c3: {  	v9 =	vld.idx.msk [tilespmem:v9+s26+$0x0], $0xffff;
	v3 =	vand.u32 $0x7FFFFFFF, v3  }
0x1c4: {  	v2 =	vld.idx.msk [tilespmem:v2+s26+$0x0], $0xffff;
	[tilespmem:v10+s2+$0x0] =	vst.idx.msk $0xffff, v3;
	v3 =	vand.u32 $0x7FFFFFFF, v6  }
0x1c5: {  	[tilespmem:v11+s2+$0x0] =	vst.idx.msk $0xffff, v3;
	v3 =	vand.u32 $0x7FFFFFFF, v4  }
0x1c6: {  	[tilespmem:v12+s2+$0x0] =	vst.idx.msk $0xffff, v3;
	v3 =	vand.u32 $0x7FFFFFFF, v5;
	v5 =	vld [tilespmem:$0x1FBD0]  }
0x1c7: {  	v13 =	vor.u32 s18, v46  }
0x1c8: {  	v14 =	vor.u32 s18, v63  }
0x1c9: {  	v6 =	vor.u32 s18, v39  }
0x1ca: {  	v4 =	vor.u32 s18, v41  }
0x1cb: {  	v5 =	vor.u32 s18, v5  }
0x1cc: {  	v2 =	vand.u32 $0x7FFFFFFF, v2;
	[tilespmem:v13+s2+$0x0] =	vst.idx.msk $0xffff, v3  }
0x1cd: {  	[tilespmem:v14+s2+$0x0] =	vst.idx.msk $0xffff, v2;
	v2 =	vand.u32 $0x7FFFFFFF, v7  }
0x1ce: {  	[tilespmem:v6+s2+$0x0] =	vst.idx.msk $0xffff, v2;
	v2 =	vand.u32 $0x7FFFFFFF, v8  }
0x1cf: {  	[tilespmem:v4+s2+$0x0] =	vst.idx.msk $0xffff, v2;
	v2 =	vand.u32 $0x7FFFFFFF, v9  }
0x1d0: {  	[tilespmem:v5+s2+$0x0] =	vst.idx.msk $0xffff, v2;
	v2 =	vor.u32 v47, v1;
	_ =	sdelay $0x2  }
0x1d1: {  	v3 =	vor.u32 v29, v1  }
0x1d2: {  	v7 =	vor.u32 v21, v1;
	v5 =	vld [tilespmem:$0x1FB60]  }
0x1d3: {  	v10 =	vor.u32 v22, v1;
	v12 =	vld.idx.msk [tilespmem:v2+s26+$0x0], $0xffff  }
0x1d4: {  	v2 =	vld [tilespmem:$0x1FBE0]  }
0x1d5: {  	v4 =	vor.u32 v45, v1  }
0x1d6: {  	v6 =	vor.u32 v40, v1;
	v9 =	vld.idx.msk [tilespmem:v3+s26+$0x0], $0xffff  }
0x1d7: {  	v3 =	vor.u32 v36, v1;
	v7 =	vld.idx.msk [tilespmem:v7+s26+$0x0], $0xffff  }
0x1d8: {  	v8 =	vld.idx.msk [tilespmem:v10+s26+$0x0], $0xffff  }
0x1d9: {  	v1 =	vor.u32 v5, v1;
	v13 =	vor.u32 s18, v2;
	v2 =	vld [tilespmem:$0x1FBF0]  }
0x1da: {  	v11 =	vor.u32 s18, v35;
	v10 =	vld.idx.msk [tilespmem:v4+s26+$0x0], $0xffff  }
0x1db: {  	v4 =	vld.idx.msk [tilespmem:v6+s26+$0x0], $0xffff  }
0x1dc: {  	v5 =	vld.idx.msk [tilespmem:v3+s26+$0x0], $0xffff  }
0x1dd: {  	v3 =	vld [tilespmem:$0x1FC10]  }
0x1de: {  	v6 =	vor.u32 s18, v2;
	v2 =	vld.idx.msk [tilespmem:v1+s26+$0x0], $0xffff;
	v1 =	vand.u32 $0x7FFFFFFF, v7  }
0x1df: {  	p2 =	sne.s32 s15, $0xF80;
	v14 =	vor.u32 s18, v38;
	[tilespmem:v11+s2+$0x0] =	vst.idx.msk $0xffff, v1;
	v1 =	vand.u32 $0x7FFFFFFF, v8;
	v8 =	vld [tilespmem:$0x1FC00]  }
.Ltmp0:
0x1e0: {  	s13 =	sadd.s32 $0x10, s13;
	(pc) =	sbr.rel @p2 .LBB2_3-.Ltmp0, $4  }
0x1e1: {  	v15 =	vmov s13;
	[tilespmem:v13+s2+$0x0] =	vst.idx.msk $0xffff, v1;
	v13 =	vand.u32 $0x7FFFFFFF, v9  }
0x1e2: {  	v3 =	vor.u32 s18, v3;
	v7 =	vor.u32 s18, v23;
	v11 =	vshll.u32 v15, $0x5  }
0x1e3: {  	s16 =	smov.u32 s15;
	v15 =	vlaneseq.u32;
	v9 =	vor.u32 s18, v33;
	v1 =	vor.u32 v0, v11  }
0x1e4: {  	s15 =	sadd.s32 $0x80, s15;
	s14 =	smov.u32 s16;
	v11 =	vand.u32 $0x7FFFFFFF, v10;
	v10 =	vand.u32 $0x7FFFFFFF, v12;
	[tilespmem:v14+s2+$0x0] =	vst.idx.msk $0xffff, v13;
	v14 =	vmovc v26;
	v13 =	vmovc v25;
	v8 =	vor.u32 s18, v8  }
0x1e5: {  	_ =	sdelay $0x3  }
0x1e6: {  	[tilespmem:v6+s2+$0x0] =	vst.idx.msk $0xffff, v11;
	v11 =	vor.u32 v16, v1  }
0x1e7: {  	v5 =	vand.u32 $0x7FFFFFFF, v5;
	[tilespmem:v7+s2+$0x0] =	vst.idx.msk $0xffff, v10  }
0x1e8: {  	v4 =	vand.u32 $0x7FFFFFFF, v4;
	v0 =	vld [tilespmem:$0x1FE00];
	[tilespmem:v8+s2+$0x0] =	vst.idx.msk $0xffff, v5  }
0x1e9: {  	v12 =	vor.u32 v15, v1;
	v2 =	vand.u32 $0x7FFFFFFF, v2;
	v10 =	vld [tilespmem:$0x1FE30];
	[tilespmem:v9+s2+$0x0] =	vst.idx.msk $0xffff, v4  }
0x1ea: {  	v9 =	vld [tilespmem:$0x1FE20];
	[tilespmem:v3+s2+$0x0] =	vst.idx.msk $0xffff, v2  }
0x1eb: {  	v7 =	vor.u32 v17, v1;
	v6 =	vld.idx.msk [tilespmem:v11+s26+$0x0], $0xffff  }
0x1ec: {  	v4 =	vor.u32 v34, v1;
	v11 =	vld [tilespmem:$0x1FE40]  }
0x1ed: {  	s14 =	sand.u32 $0xC00, s14;
	s13 =	sand.u32 $0x70, s13;
	v5 =	vor.u32 v0, v1  }
0x1ee: {  	s13 =	sor.u32 s13, s14;
	v2 =	vld.idx.msk [tilespmem:v12+s26+$0x0], $0xffff  }
0x1ef: {  	v12 =	vor.u32 s13, v14;
	v14 =	vld [tilespmem:$0x1FE70];
	v8 =	vor.u32 v10, v1  }
0x1f0: {  	v7 =	vld.idx.msk [tilespmem:v7+s26+$0x0], $0xffff;
	v3 =	vor.u32 v9, v1  }
0x1f1: {  	v4 =	vld.idx.msk [tilespmem:v4+s26+$0x0], $0xffff;
	v9 =	vor.u32 v11, v1  }
0x1f2: {  	v34 =	vor.u32 s13, v24;
	v5 =	vld.idx.msk [tilespmem:v5+s26+$0x0], $0xffff  }
0x1f3: {  	v11 =	vor.u32 s13, v13;
	v13 =	vld [tilespmem:$0x1FE60]  }
0x1f4: {  	v8 =	vld.idx.msk [tilespmem:v8+s26+$0x0], $0xffff  }
0x1f5: {  	v3 =	vld.idx.msk [tilespmem:v3+s26+$0x0], $0xffff  }
0x1f6: {  	v2 =	vand.u32 $0x7FFFFFFF, v2;
	v9 =	vld.idx.msk [tilespmem:v9+s26+$0x0], $0xffff  }
0x1f7: {  	[tilespmem:v34+s2+$0x0] =	vst.idx.msk $0xffff, v2;
	v34 =	vld [tilespmem:$0x1FE80];
	_ =	sdelay $0x2  }
0x1f8: {  	v13 =	vor.u32 s13, v13  }
0x1f9: {  	v14 =	vor.u32 s13, v14  }
0x1fa: {  	v6 =	vand.u32 $0x7FFFFFFF, v6;
	v2 =	vor.u32 s13, v34  }
0x1fb: {  	v10 =	vor.u32 s13, v30;
	v7 =	vand.u32 $0x7FFFFFFF, v7;
	[tilespmem:v11+s2+$0x0] =	vst.idx.msk $0xffff, v6  }
0x1fc: {  	v5 =	vand.u32 $0x7FFFFFFF, v5;
	v6 =	vor.u32 s13, v31;
	[tilespmem:v12+s2+$0x0] =	vst.idx.msk $0xffff, v7  }
0x1fd: {  	v50 =	vor.u32 v50, v1;
	v4 =	vand.u32 $0x7FFFFFFF, v4;
	[tilespmem:v13+s2+$0x0] =	vst.idx.msk $0xffff, v5  }
0x1fe: {  	v3 =	vand.u32 $0x7FFFFFFF, v3;
	[tilespmem:v14+s2+$0x0] =	vst.idx.msk $0xffff, v4;
	v4 =	vor.u32 v48, v1  }
0x1ff: {  	v11 =	vand.u32 $0x7FFFFFFF, v8;
	[tilespmem:v2+s2+$0x0] =	vst.idx.msk $0xffff, v3;
	v2 =	vor.u32 v49, v1;
	v49 =	vor.u32 v52, v1;
	v52 =	vld [tilespmem:$0x1FF70]  }
0x200: {  	v34 =	vand.u32 $0x7FFFFFFF, v9;
	v48 =	vor.u32 v51, v1;
	[tilespmem:v10+s2+$0x0] =	vst.idx.msk $0xffff, v11  }
0x201: {  	v12 =	vor.u32 s13, v57;
	v57 =	vor.u32 s13, v61;
	v61 =	vld [tilespmem:$0x1FCF0];
	v51 =	vor.u32 v54, v1;
	[tilespmem:v6+s2+$0x0] =	vst.idx.msk $0xffff, v34  }
0x202: {  	v5 =	vld.idx.msk [tilespmem:v50+s26+$0x0], $0xffff  }
0x203: {  	v50 =	vor.u32 v53, v1;
	v4 =	vld.idx.msk [tilespmem:v4+s26+$0x0], $0xffff  }
0x204: {  	v53 =	vor.u32 s13, v55;
	v2 =	vld.idx.msk [tilespmem:v2+s26+$0x0], $0xffff;
	v9 =	vor.u32 v52, v1  }
0x205: {  	v54 =	vor.u32 s13, v56;
	v7 =	vld.idx.msk [tilespmem:v48+s26+$0x0], $0xffff  }
0x206: {  	v8 =	vld.idx.msk [tilespmem:v51+s26+$0x0], $0xffff  }
0x207: {  	v13 =	vor.u32 s13, v58;
	v3 =	vld.idx.msk [tilespmem:v49+s26+$0x0], $0xffff  }
0x208: {  	v14 =	vor.u32 s13, v59;
	v6 =	vld.idx.msk [tilespmem:v50+s26+$0x0], $0xffff;
	v4 =	vand.u32 $0x7FFFFFFF, v4  }
0x209: {  	v55 =	vor.u32 s13, v60;
	v9 =	vld.idx.msk [tilespmem:v9+s26+$0x0], $0xffff;
	[tilespmem:v53+s2+$0x0] =	vst.idx.msk $0xffff, v4;
	v2 =	vand.u32 $0x7FFFFFFF, v2  }
0x20a: {  	v56 =	vand.u32 $0x7FFFFFFF, v5;
	[tilespmem:v54+s2+$0x0] =	vst.idx.msk $0xffff, v2  }
0x20b: {  	v59 =	vor.u32 s13, v62;
	v58 =	vand.u32 $0x7FFFFFFF, v7;
	[tilespmem:v12+s2+$0x0] =	vst.idx.msk $0xffff, v56  }
0x20c: {  	v60 =	vand.u32 $0x7FFFFFFF, v3;
	v3 =	vor.u32 v61, v1;
	[tilespmem:v13+s2+$0x0] =	vst.idx.msk $0xffff, v58  }
0x20d: {  	v62 =	vor.u32 v37, v1;
	v6 =	vand.u32 $0x7FFFFFFF, v6;
	[tilespmem:v14+s2+$0x0] =	vst.idx.msk $0xffff, v60  }
0x20e: {  	v34 =	vor.u32 v44, v1;
	v11 =	vand.u32 $0x7FFFFFFF, v8;
	[tilespmem:v55+s2+$0x0] =	vst.idx.msk $0xffff, v6  }
0x20f: {  	v48 =	vor.u32 v18, v1;
	v54 =	vmov v44;
	v44 =	vand.u32 $0x7FFFFFFF, v9;
	[tilespmem:v57+s2+$0x0] =	vst.idx.msk $0xffff, v11  }
0x210: {  	v49 =	vor.u32 v32, v1;
	v55 =	vor.u32 s13, v27;
	v27 =	vld [tilespmem:$0x1FBD0];
	[tilespmem:v59+s2+$0x0] =	vst.idx.msk $0xffff, v44  }
0x211: {  	v50 =	vor.u32 v42, v1;
	v3 =	vld.idx.msk [tilespmem:v3+s26+$0x0], $0xffff  }
0x212: {  	v51 =	vor.u32 v19, v1;
	v7 =	vld.idx.msk [tilespmem:v62+s26+$0x0], $0xffff  }
0x213: {  	v52 =	vor.u32 v20, v1;
	v53 =	vor.u32 s13, v28;
	v4 =	vld.idx.msk [tilespmem:v34+s26+$0x0], $0xffff  }
0x214: {  	v5 =	vld.idx.msk [tilespmem:v48+s26+$0x0], $0xffff  }
0x215: {  	v12 =	vor.u32 s13, v43;
	v2 =	vld.idx.msk [tilespmem:v49+s26+$0x0], $0xffff  }
0x216: {  	v13 =	vor.u32 s13, v46;
	v6 =	vld.idx.msk [tilespmem:v50+s26+$0x0], $0xffff  }
0x217: {  	v14 =	vor.u32 s13, v63;
	v8 =	vld.idx.msk [tilespmem:v51+s26+$0x0], $0xffff;
	v7 =	vand.u32 $0x7FFFFFFF, v7  }
0x218: {  	v56 =	vor.u32 s13, v39;
	v9 =	vld.idx.msk [tilespmem:v52+s26+$0x0], $0xffff;
	v4 =	vand.u32 $0x7FFFFFFF, v4;
	[tilespmem:v53+s2+$0x0] =	vst.idx.msk $0xffff, v7  }
0x219: {  	v57 =	vor.u32 s13, v41;
	v3 =	vand.u32 $0x7FFFFFFF, v3;
	[tilespmem:v55+s2+$0x0] =	vst.idx.msk $0xffff, v4  }
0x21a: {  	v59 =	vor.u32 s13, v27;
	v58 =	vand.u32 $0x7FFFFFFF, v5;
	[tilespmem:v12+s2+$0x0] =	vst.idx.msk $0xffff, v3  }
0x21b: {  	v16 =	vld [tilespmem:$0x1FBF0];
	v60 =	vor.u32 v29, v1;
	v2 =	vand.u32 $0x7FFFFFFF, v2;
	[tilespmem:v13+s2+$0x0] =	vst.idx.msk $0xffff, v58  }
0x21c: {  	v28 =	vld [tilespmem:$0x1FC10];
	v62 =	vor.u32 v21, v1;
	v61 =	vand.u32 $0x7FFFFFFF, v6;
	[tilespmem:v14+s2+$0x0] =	vst.idx.msk $0xffff, v2  }
0x21d: {  	v46 =	vld [tilespmem:$0x1FB60];
	v63 =	vor.u32 v22, v1;
	v11 =	vand.u32 $0x7FFFFFFF, v8;
	[tilespmem:v56+s2+$0x0] =	vst.idx.msk $0xffff, v61  }
0x21e: {  	v39 =	vor.u32 v45, v1;
	v34 =	vand.u32 $0x7FFFFFFF, v9;
	v14 =	vld [tilespmem:$0x1FBE0];
	[tilespmem:v57+s2+$0x0] =	vst.idx.msk $0xffff, v11  }
0x21f: {  	v41 =	vor.u32 v47, v1;
	v57 =	vld [tilespmem:$0x1FC00];
	[tilespmem:v59+s2+$0x0] =	vst.idx.msk $0xffff, v34  }
0x220: {  	v43 =	vor.u32 v36, v1;
	v3 =	vld.idx.msk [tilespmem:v60+s26+$0x0], $0xffff  }
0x221: {  	v44 =	vor.u32 v40, v1;
	v6 =	vld.idx.msk [tilespmem:v62+s26+$0x0], $0xffff  }
0x222: {  	[tilespmem:$0x1FB40] =	vst v45;
	v24 =	vmov v47;
	v47 =	vor.u32 v46, v1;
	v48 =	vor.u32 s13, v35;
	v45 =	vld.idx.msk [tilespmem:v63+s26+$0x0], $0xffff  }
0x223: {  	v4 =	vld.idx.msk [tilespmem:v39+s26+$0x0], $0xffff;
	v49 =	vor.u32 s13, v14  }
0x224: {  	v50 =	vor.u32 s13, v38;
	v2 =	vld.idx.msk [tilespmem:v41+s26+$0x0], $0xffff  }
0x225: {  	v12 =	vor.u32 s13, v16;
	v5 =	vld.idx.msk [tilespmem:v43+s26+$0x0], $0xffff  }
0x226: {  	v13 =	vor.u32 s13, v23;
	v7 =	vld.idx.msk [tilespmem:v44+s26+$0x0], $0xffff;
	v6 =	vand.u32 $0x7FFFFFFF, v6  }
0x227: {  	v1 =	vld.idx.msk [tilespmem:v47+s26+$0x0], $0xffff;
	v58 =	vor.u32 s13, v57;
	v56 =	vand.u32 $0x7FFFFFFF, v45;
	[tilespmem:v48+s2+$0x0] =	vst.idx.msk $0xffff, v6  }
0x228: {  	v59 =	vor.u32 s13, v33;
	v3 =	vand.u32 $0x7FFFFFFF, v3;
	[tilespmem:v49+s2+$0x0] =	vst.idx.msk $0xffff, v56  }
0x229: {  	v60 =	vor.u32 s13, v28;
	v4 =	vand.u32 $0x7FFFFFFF, v4;
	[tilespmem:v50+s2+$0x0] =	vst.idx.msk $0xffff, v3  }
0x22a: {  	v2 =	vand.u32 $0x7FFFFFFF, v2;
	[tilespmem:v12+s2+$0x0] =	vst.idx.msk $0xffff, v4  }
0x22b: {  	v61 =	vand.u32 $0x7FFFFFFF, v5;
	[tilespmem:v13+s2+$0x0] =	vst.idx.msk $0xffff, v2  }
0x22c: {  	s14 =	rddreg [dreg:$0x3];
	v62 =	vand.u32 $0x7FFFFFFF, v7;
	[tilespmem:v58+s2+$0x0] =	vst.idx.msk $0xffff, v61  }
0x22d: {  	s15 =	rddreg [dreg:$0x1];
	s10 =	sor.u32 s14, s10;
	v1 =	vand.u32 $0x7FFFFFFF, v1;
	[tilespmem:v59+s2+$0x0] =	vst.idx.msk $0xffff, v62  }
0x22e: {  	s16 =	rddreg [dreg:$0x4];
	s13 =	sadd.s32 s15, s10;
	[tilespmem:v60+s2+$0x0] =	vst.idx.msk $0xffff, v1  }
0x22f: {  	[hbm4b:s13+s3] =	stream.linear.scatter [tilespmem:s2], [sflag:$0x3], $0x1000, $0x38;
	[tilespmem:$0x19000] =	vst v63  }
0x230: {  	p2 =	sne.s32 s8, $0x18;
	s13 =	sadd.s32 s10, s16  }
0x231: {  	[hbm4b:s13+s3] =	stream.linear.scatter [tilespmem:s24], [sflag:$0x3], $0x1000, $0x38;
	[tilespmem:$0x19000] =	vst v63  }
.Ltmp1:
0x232: {  	s17 =	rddreg [dreg:$0x5];
	(pc) =	sbr.rel @p2 .LBB2_6-.Ltmp1, $4  }
0x233: {  	s18 =	rddreg [dreg:$0x6];
	s13 =	sadd.s32 s10, s17  }
0x234: {  	v17 =	vmov v37;
	[hbm4b:s13+s3] =	stream.linear.scatter [tilespmem:s29], [sflag:$0x3], $0x1000, $0x38;
	[tilespmem:$0x19000] =	vst v63  }
0x235: {  	[tilespmem:$0x1FB50] =	vst v40;
	v16 =	vmovc v20;
	v20 =	vmovc v24;
	v47 =	vmov v18;
	v63 =	vmov v19;
	v18 =	vmov v22;
	s13 =	sadd.s32 s10, s18  }
0x236: {  	v33 =	vmovc v32;
	v22 =	vmovc v36;
	v19 =	vmov v21;
	v40 =	vmov v18;
	v37 =	vmov v63;
	[hbm4b:s13+s3] =	stream.linear.scatter [tilespmem:s22], [sflag:$0x3], $0x1000, $0x38;
	[tilespmem:$0x19000] =	vst v63  }
.Ltmp2:
0x237: {  	(pc) =	sbr.rel .LBB2_7-.Ltmp2, $4  }
0x238: {  	_ = 	snop  }
0x239: {  	_ =	swait.ge [sflag:s31], $0x4000  }
0x23a: {  	[sflag:s31] =	ssyncset.done $0x0  }
0x23b: {  	[sflag:s31] =	ssyncadd.s32 $0xFFFFC000  }
.LBB2_6:
0x23c: {  	s8 =	simm.s32 $0x1  }
0x23d: {  	_ =	swait.ge [sflag:s8], $0x800  }
0x23e: {  	[sflag:s8] =	ssyncset.done $0x0  }
.Ltmp3:
0x23f: {  	[sflag:s8] =	ssyncadd.s32 $0xFFFFF800;
	(pc) =	sbr.rel @p1 .LBB2_8-.Ltmp3, $4  }
0x240: {  	_ =	swait.ge [sflag:s31], $0x4000  }
0x241: {  	[sflag:s31] =	ssyncset.done $0x0  }
0x242: {  	s17 =	sxor.u32 $0x800, s12;
	s18 =	simm.s32 $0x200;
	[sflag:s31] =	ssyncadd.s32 $0xFFFFC000  }
0x243: {  	[tilespmem:s26], [sflag:$0x2] =	stream.indirect.gather [hbm4b:s4+s18], $0x20, s17, s18, $0xb8;
	[tilespmem:$0x19000] =	vst v63  }
.LBB2_7:
0x244: {  	_ =	swait.ge [sflag:s25], $0x1000  }
0x245: {  	[sflag:s25] =	ssyncset.done $0x0  }
0x246: {  	[sflag:s25] =	ssyncadd.s32 $0xFFFFF000  }
0x247: {  	_ =	swait.ge [sflag:s25], $0x1000  }
0x248: {  	[sflag:s25] =	ssyncset.done $0x0  }
0x249: {  	[sflag:s25] =	ssyncadd.s32 $0xFFFFF000  }
0x24a: {  	_ =	swait.ge [sflag:s25], $0x1000  }
0x24b: {  	[sflag:s25] =	ssyncset.done $0x0  }
0x24c: {  	[sflag:s25] =	ssyncadd.s32 $0xFFFFF000  }
0x24d: {  	_ =	swait.ge [sflag:s25], $0x1000  }
0x24e: {  	[sflag:s25] =	ssyncset.done $0x0  }
0x24f: {  	[sflag:s25] =	ssyncadd.s32 $0xFFFFF000  }
.LBB2_8:
0x250: {  	v0 =	vld [tilespmem:$0x1FF50]  }
0x251: {  	v3 =	vld [tilespmem:$0x1FDE0]  }
0x252: {  	s8 =	simm.s32 $0x0;
	v4 =	vld [tilespmem:$0x1FDF0]  }
0x253: {  	v5 =	vld [tilespmem:$0x1FE00];
	v1 =	vmov s8  }
0x254: {  	v6 =	vld [tilespmem:$0x1FE10];
	v1 =	vshll.u32 v1, $0x5  }
0x255: {  	v7 =	vld [tilespmem:$0x1FE20];
	v1 =	vor.u32 v0, v1  }
0x256: {  	v8 =	vld [tilespmem:$0x1FE30];
	v2 =	vor.u32 v15, v1  }
0x257: {  	v9 =	vld [tilespmem:$0x1FE40];
	v31 =	vmov v3;
	v3 =	vor.u32 v3, v1  }
0x258: {  	v10 =	vld [tilespmem:$0x1FE50];
	v50 =	vmov v4;
	v4 =	vor.u32 v4, v1  }
0x259: {  	v13 =	vld [tilespmem:$0x1FE60];
	v48 =	vmov v5;
	v5 =	vor.u32 v5, v1  }
0x25a: {  	v14 =	vld [tilespmem:$0x1FE70];
	v49 =	vmov v6;
	v6 =	vor.u32 v6, v1  }
0x25b: {  	v51 =	vmov v7;
	v7 =	vor.u32 v7, v1;
	v2 =	vld.idx.msk [tilespmem:v2+s28+$0x0], $0xffff  }
0x25c: {  	s12 =	sand.u32 $0xC00, s8;
	s8 =	sand.u32 $0x70, s8;
	v30 =	vmov v8;
	v8 =	vor.u32 v8, v1;
	v3 =	vld.idx.msk [tilespmem:v3+s28+$0x0], $0xffff  }
0x25d: {  	s12 =	sor.u32 s8, s12;
	v46 =	vmov v9;
	v9 =	vor.u32 v9, v1;
	v4 =	vld.idx.msk [tilespmem:v4+s28+$0x0], $0xffff  }
0x25e: {  	v53 =	vmov v10;
	v10 =	vor.u32 s12, v10;
	v5 =	vld.idx.msk [tilespmem:v5+s28+$0x0], $0xffff  }
0x25f: {  	v6 =	vld.idx.msk [tilespmem:v6+s28+$0x0], $0xffff  }
0x260: {  	v7 =	vld.idx.msk [tilespmem:v7+s28+$0x0], $0xffff  }
0x261: {  	v11 =	vor.u32 s12, v25;
	v8 =	vld.idx.msk [tilespmem:v8+s28+$0x0], $0xffff  }
0x262: {  	v12 =	vor.u32 s12, v26;
	v9 =	vld.idx.msk [tilespmem:v9+s28+$0x0], $0xffff;
	v2 =	vand.u32 $0x7FFFFFFF, v2  }
0x263: {  	[tilespmem:v10+s1+$0x0] =	vst.idx.msk $0xffff, v2;
	v2 =	vld [tilespmem:$0x1FE80];
	_ =	sdelay $0x1  }
0x264: {  	v56 =	vmov v13;
	v13 =	vor.u32 s12, v13;
	v3 =	vand.u32 $0x7FFFFFFF, v3;
	v10 =	vld [tilespmem:$0x1FE90]  }
0x265: {  	v4 =	vand.u32 $0x7FFFFFFF, v4;
	[tilespmem:v11+s1+$0x0] =	vst.idx.msk $0xffff, v3;
	v3 =	vand.u32 $0x7FFFFFFF, v5;
	v5 =	vld [tilespmem:$0x1FEA0]  }
0x266: {  	v58 =	vmov v14;
	v14 =	vor.u32 s12, v14;
	v11 =	vld [tilespmem:$0x1FD70];
	[tilespmem:v12+s1+$0x0] =	vst.idx.msk $0xffff, v4;
	v4 =	vand.u32 $0x7FFFFFFF, v6  }
0x267: {  	v6 =	vand.u32 $0x7FFFFFFF, v7;
	v7 =	vand.u32 $0x7FFFFFFF, v8;
	v8 =	vld [tilespmem:$0x1FD50];
	v24 =	vmovc v2;
	v2 =	vor.u32 s12, v2  }
0x268: {  	v12 =	vld [tilespmem:$0x1FD80]  }
0x269: {  	[tilespmem:v13+s1+$0x0] =	vst.idx.msk $0xffff, v3;
	v3 =	vld [tilespmem:$0x1FED0];
	v59 =	vmov v10;
	v10 =	vor.u32 s12, v10  }
0x26a: {  	v13 =	vld [tilespmem:$0x1FD90];
	v21 =	vmov v5;
	v5 =	vor.u32 s12, v5  }
0x26b: {  	[tilespmem:v14+s1+$0x0] =	vst.idx.msk $0xffff, v4;
	v4 =	vld [tilespmem:$0x1FEB0]  }
0x26c: {  	[tilespmem:v2+s1+$0x0] =	vst.idx.msk $0xffff, v6;
	v2 =	vld [tilespmem:$0x1FEC0]  }
0x26d: {  	v6 =	vand.u32 $0x7FFFFFFF, v9;
	v9 =	vld [tilespmem:$0x1FF70]  }
0x26e: {  	v60 =	vmov v3;
	v3 =	vor.u32 v3, v1;
	[tilespmem:v10+s1+$0x0] =	vst.idx.msk $0xffff, v7;
	v7 =	vld [tilespmem:$0x1FEE0]  }
0x26f: {  	v23 =	vmov v8;
	v8 =	vor.u32 v8, v1;
	[tilespmem:v5+s1+$0x0] =	vst.idx.msk $0xffff, v6;
	v5 =	vld [tilespmem:$0x1FD30]  }
0x270: {  	v44 =	vmov v4;
	v4 =	vor.u32 v4, v1;
	v6 =	vld [tilespmem:$0x1FD40]  }
0x271: {  	v10 =	vld [tilespmem:$0x1FD60];
	v61 =	vmov v2;
	v2 =	vor.u32 v2, v1  }
0x272: {  	v14 =	vld [tilespmem:$0x1FDA0];
	v45 =	vmov v9;
	v9 =	vor.u32 v9, v1  }
0x273: {  	v3 =	vld.idx.msk [tilespmem:v3+s28+$0x0], $0xffff;
	v35 =	vmov v7;
	v7 =	vor.u32 v7, v1  }
0x274: {  	v8 =	vld.idx.msk [tilespmem:v8+s28+$0x0], $0xffff;
	v63 =	vmov v5;
	v5 =	vor.u32 v5, v1  }
0x275: {  	v4 =	vld.idx.msk [tilespmem:v4+s28+$0x0], $0xffff;
	v43 =	vmov v6;
	v6 =	vor.u32 v6, v1  }
0x276: {  	v32 =	vmov v10;
	v10 =	vor.u32 s12, v10;
	v2 =	vld.idx.msk [tilespmem:v2+s28+$0x0], $0xffff  }
0x277: {  	v28 =	vmov v11;
	v11 =	vor.u32 s12, v11;
	v9 =	vld.idx.msk [tilespmem:v9+s28+$0x0], $0xffff  }
0x278: {  	v12 =	vor.u32 s12, v12;
	v7 =	vld.idx.msk [tilespmem:v7+s28+$0x0], $0xffff  }
0x279: {  	v5 =	vld.idx.msk [tilespmem:v5+s28+$0x0], $0xffff  }
0x27a: {  	v4 =	vand.u32 $0x7FFFFFFF, v4;
	v6 =	vld.idx.msk [tilespmem:v6+s28+$0x0], $0xffff  }
0x27b: {  	[tilespmem:v10+s1+$0x0] =	vst.idx.msk $0xffff, v4;
	v4 =	vld [tilespmem:$0x1FDB0];
	v2 =	vand.u32 $0x7FFFFFFF, v2  }
0x27c: {  	[tilespmem:v11+s1+$0x0] =	vst.idx.msk $0xffff, v2;
	v2 =	vand.u32 $0x7FFFFFFF, v3;
	v3 =	vld [tilespmem:$0x1FDC0]  }
0x27d: {  	v13 =	vor.u32 s12, v13;
	[tilespmem:v12+s1+$0x0] =	vst.idx.msk $0xffff, v2;
	v2 =	vand.u32 $0x7FFFFFFF, v7;
	v7 =	vld [tilespmem:$0x1FDD0];
	_ =	sdelay $0x1  }
0x27e: {  	v14 =	vor.u32 s12, v14  }
0x27f: {  	v62 =	vmov v4;
	v4 =	vor.u32 s12, v4  }
0x280: {  	v34 =	vmov v3;
	v3 =	vor.u32 s12, v3  }
0x281: {  	[tilespmem:v13+s1+$0x0] =	vst.idx.msk $0xffff, v2;
	v2 =	vand.u32 $0x7FFFFFFF, v5;
	v5 =	vld [tilespmem:$0x1FCF0];
	v55 =	vmov v7;
	v7 =	vor.u32 s12, v7  }
0x282: {  	v10 =	vor.u32 v17, v1  }
0x283: {  	[tilespmem:v14+s1+$0x0] =	vst.idx.msk $0xffff, v2;
	v2 =	vand.u32 $0x7FFFFFFF, v6  }
0x284: {  	[tilespmem:v4+s1+$0x0] =	vst.idx.msk $0xffff, v2;
	v2 =	vand.u32 $0x7FFFFFFF, v8  }
0x285: {  	v11 =	vld [tilespmem:$0x1FF00];
	[tilespmem:v3+s1+$0x0] =	vst.idx.msk $0xffff, v2;
	v2 =	vand.u32 $0x7FFFFFFF, v9  }
0x286: {  	v12 =	vld [tilespmem:$0x1FF10];
	v41 =	vmov v5;
	v5 =	vor.u32 v5, v1;
	[tilespmem:v7+s1+$0x0] =	vst.idx.msk $0xffff, v2  }
0x287: {  	v4 =	vor.u32 v54, v1;
	v7 =	vld.idx.msk [tilespmem:v10+s28+$0x0], $0xffff  }
0x288: {  	v6 =	vor.u32 v42, v1;
	v10 =	vld [tilespmem:$0x1FEF0]  }
0x289: {  	v13 =	vld [tilespmem:$0x1FF20];
	v8 =	vor.u32 v37, v1  }
0x28a: {  	v14 =	vld [tilespmem:$0x1FF30];
	v3 =	vor.u32 v47, v1  }
0x28b: {  	v9 =	vor.u32 v16, v1;
	v5 =	vld.idx.msk [tilespmem:v5+s28+$0x0], $0xffff  }
0x28c: {  	v2 =	vor.u32 v33, v1;
	v4 =	vld.idx.msk [tilespmem:v4+s28+$0x0], $0xffff  }
0x28d: {  	v38 =	vmov v16;
	v6 =	vld.idx.msk [tilespmem:v6+s28+$0x0], $0xffff;
	v16 =	vmov v10;
	v10 =	vor.u32 s12, v10  }
0x28e: {  	v57 =	vmov v11;
	v11 =	vor.u32 s12, v11;
	v8 =	vld.idx.msk [tilespmem:v8+s28+$0x0], $0xffff  }
0x28f: {  	v3 =	vld.idx.msk [tilespmem:v3+s28+$0x0], $0xffff  }
0x290: {  	v9 =	vld.idx.msk [tilespmem:v9+s28+$0x0], $0xffff  }
0x291: {  	v2 =	vld.idx.msk [tilespmem:v2+s28+$0x0], $0xffff;
	v7 =	vand.u32 $0x7FFFFFFF, v7  }
0x292: {  	v4 =	vand.u32 $0x7FFFFFFF, v4;
	[tilespmem:v10+s1+$0x0] =	vst.idx.msk $0xffff, v7;
	v7 =	vld [tilespmem:$0x1FF40]  }
0x293: {  	[tilespmem:v11+s1+$0x0] =	vst.idx.msk $0xffff, v4;
	v4 =	vand.u32 $0x7FFFFFFF, v5;
	v5 =	vld [tilespmem:$0x1FFC0]  }
0x294: {  	v36 =	vmov v12;
	v12 =	vor.u32 s12, v12  }
0x295: {  	v17 =	vmov v33;
	v33 =	vmov v13;
	v13 =	vor.u32 s12, v13  }
0x296: {  	v39 =	vmov v14;
	v14 =	vor.u32 s12, v14  }
0x297: {  	v18 =	vmov v7;
	v7 =	vor.u32 s12, v7  }
0x298: {  	v52 =	vmov v5;
	v5 =	vor.u32 s12, v5  }
0x299: {  	v3 =	vand.u32 $0x7FFFFFFF, v3;
	[tilespmem:v12+s1+$0x0] =	vst.idx.msk $0xffff, v4;
	v4 =	vor.u32 s12, v27  }
0x29a: {  	v2 =	vand.u32 $0x7FFFFFFF, v2;
	[tilespmem:v13+s1+$0x0] =	vst.idx.msk $0xffff, v3  }
0x29b: {  	[tilespmem:v14+s1+$0x0] =	vst.idx.msk $0xffff, v2;
	v2 =	vand.u32 $0x7FFFFFFF, v6  }
0x29c: {  	[tilespmem:v7+s1+$0x0] =	vst.idx.msk $0xffff, v2;
	v2 =	vand.u32 $0x7FFFFFFF, v8  }
0x29d: {  	v0 =	vld [tilespmem:$0x1FB40];
	[tilespmem:v5+s1+$0x0] =	vst.idx.msk $0xffff, v2;
	v2 =	vand.u32 $0x7FFFFFFF, v9  }
0x29e: {  	[tilespmem:v4+s1+$0x0] =	vst.idx.msk $0xffff, v2;
	v2 =	vor.u32 v20, v1;
	_ =	sdelay $0x1  }
0x29f: {  	v3 =	vor.u32 v29, v1  }
0x2a0: {  	[tilespmem:$0x1FB30] =	vst v40;
	v10 =	vor.u32 v40, v1;
	v40 =	vld [tilespmem:$0x1FB50]  }
0x2a1: {  	v5 =	vor.u32 v0, v1;
	v0 =	vld [tilespmem:$0x1FB60]  }
0x2a2: {  	v12 =	vld.idx.msk [tilespmem:v2+s28+$0x0], $0xffff  }
0x2a3: {  	v2 =	vld [tilespmem:$0x1FBE0]  }
0x2a4: {  	v9 =	vld.idx.msk [tilespmem:v3+s28+$0x0], $0xffff  }
0x2a5: {  	v8 =	vld.idx.msk [tilespmem:v10+s28+$0x0], $0xffff  }
0x2a6: {  	v6 =	vor.u32 v19, v1;
	v10 =	vld.idx.msk [tilespmem:v5+s28+$0x0], $0xffff  }
0x2a7: {  	v3 =	vor.u32 v22, v1;
	v5 =	vld [tilespmem:$0x1FFA0]  }
0x2a8: {  	v13 =	vor.u32 s12, v2;
	v2 =	vld [tilespmem:$0x1FF80];
	_ =	sdelay $0x2  }
0x2a9: {  	v7 =	vld.idx.msk [tilespmem:v6+s28+$0x0], $0xffff  }
0x2aa: {  	v4 =	vor.u32 v40, v1;
	v11 =	vor.u32 s12, v5;
	v5 =	vld.idx.msk [tilespmem:v3+s28+$0x0], $0xffff  }
0x2ab: {  	v1 =	vor.u32 v0, v1;
	v14 =	vor.u32 s12, v2;
	v2 =	vld [tilespmem:$0x1FBF0]  }
0x2ac: {  	v3 =	vld [tilespmem:$0x1FF60];
	_ =	sdelay $0x2  }
0x2ad: {  	v4 =	vld.idx.msk [tilespmem:v4+s28+$0x0], $0xffff  }
0x2ae: {  	v6 =	vor.u32 s12, v2;
	v2 =	vld.idx.msk [tilespmem:v1+s28+$0x0], $0xffff  }
0x2af: {  	v1 =	vand.u32 $0x7FFFFFFF, v7;
	v7 =	vor.u32 s12, v3;
	v3 =	vld [tilespmem:$0x1FC10]  }
0x2b0: {  	[tilespmem:v11+s1+$0x0] =	vst.idx.msk $0xffff, v1;
	v11 =	vand.u32 $0x7FFFFFFF, v8;
	v8 =	vld [tilespmem:$0x1FC00]  }
0x2b1: {  	[tilespmem:v13+s1+$0x0] =	vst.idx.msk $0xffff, v11;
	v11 =	vand.u32 $0x7FFFFFFF, v9;
	v9 =	vld [tilespmem:$0x1FF90]  }
0x2b2: {  	[tilespmem:v14+s1+$0x0] =	vst.idx.msk $0xffff, v11;
	v11 =	vld [tilespmem:$0x1FF50];
	_ =	sdelay $0x1  }
0x2b3: {  	s8 =	simm.s32 $0x10  }
0x2b4: {  	v1 =	vmov s8;
	v0 =	vmov v8;
	v8 =	vor.u32 s12, v8  }
0x2b5: {  	v1 =	vshll.u32 v1, $0x5;
	v3 =	vor.u32 s12, v3;
	v27 =	vmovc v9;
	v9 =	vor.u32 s12, v9  }
0x2b6: {  	s13 =	simm.s32 $0x100;
	s12 =	simm.s32 $0x80;
	v1 =	vor.u32 v11, v1;
	v11 =	vand.u32 $0x7FFFFFFF, v10;
	v10 =	vand.u32 $0x7FFFFFFF, v12  }
.LBB2_9:
0x2b7: {  	v12 =	vor.u32 v15, v1;
	[tilespmem:v6+s1+$0x0] =	vst.idx.msk $0xffff, v11  }
0x2b8: {  	v6 =	vor.u32 v31, v1;
	v5 =	vand.u32 $0x7FFFFFFF, v5;
	[tilespmem:v7+s1+$0x0] =	vst.idx.msk $0xffff, v10  }
0x2b9: {  	v4 =	vand.u32 $0x7FFFFFFF, v4;
	v7 =	vor.u32 v50, v1;
	[tilespmem:v8+s1+$0x0] =	vst.idx.msk $0xffff, v5  }
0x2ba: {  	v2 =	vand.u32 $0x7FFFFFFF, v2;
	v5 =	vor.u32 v48, v1;
	[tilespmem:v9+s1+$0x0] =	vst.idx.msk $0xffff, v4  }
0x2bb: {  	v8 =	vor.u32 v30, v1;
	[tilespmem:v3+s1+$0x0] =	vst.idx.msk $0xffff, v2  }
0x2bc: {  	s15 =	sand.u32 $0xC00, s12;
	s16 =	sand.u32 $0x70, s8;
	v4 =	vor.u32 v49, v1;
	v2 =	vld.idx.msk [tilespmem:v12+s28+$0x0], $0xffff  }
0x2bd: {  	s18 =	sor.u32 s16, s15;
	v3 =	vor.u32 v51, v1;
	v6 =	vld.idx.msk [tilespmem:v6+s28+$0x0], $0xffff  }
0x2be: {  	v10 =	vor.u32 s18, v53;
	v9 =	vor.u32 v46, v1;
	v7 =	vld.idx.msk [tilespmem:v7+s28+$0x0], $0xffff  }
0x2bf: {  	v11 =	vor.u32 s18, v25;
	v5 =	vld.idx.msk [tilespmem:v5+s28+$0x0], $0xffff  }
0x2c0: {  	v12 =	vor.u32 s18, v26;
	v8 =	vld.idx.msk [tilespmem:v8+s28+$0x0], $0xffff  }
0x2c1: {  	v13 =	vor.u32 s18, v56;
	v4 =	vld.idx.msk [tilespmem:v4+s28+$0x0], $0xffff  }
0x2c2: {  	v14 =	vor.u32 s18, v58;
	v3 =	vld.idx.msk [tilespmem:v3+s28+$0x0], $0xffff;
	v2 =	vand.u32 $0x7FFFFFFF, v2  }
0x2c3: {  	v15 =	vor.u32 s18, v24;
	v9 =	vld.idx.msk [tilespmem:v9+s28+$0x0], $0xffff;
	v6 =	vand.u32 $0x7FFFFFFF, v6;
	[tilespmem:v10+s1+$0x0] =	vst.idx.msk $0xffff, v2  }
0x2c4: {  	v2 =	vand.u32 $0x7FFFFFFF, v7;
	v7 =	vor.u32 s18, v59;
	[tilespmem:v11+s1+$0x0] =	vst.idx.msk $0xffff, v6  }
0x2c5: {  	v5 =	vand.u32 $0x7FFFFFFF, v5;
	v6 =	vor.u32 s18, v21;
	[tilespmem:v12+s1+$0x0] =	vst.idx.msk $0xffff, v2  }
0x2c6: {  	v2 =	vand.u32 $0x7FFFFFFF, v4;
	v4 =	vor.u32 v60, v1;
	[tilespmem:v13+s1+$0x0] =	vst.idx.msk $0xffff, v5  }
0x2c7: {  	v3 =	vand.u32 $0x7FFFFFFF, v3;
	v5 =	vor.u32 v44, v1;
	[tilespmem:v14+s1+$0x0] =	vst.idx.msk $0xffff, v2  }
0x2c8: {  	v12 =	vld [tilespmem:$0x1FD80];
	v2 =	vand.u32 $0x7FFFFFFF, v8;
	v8 =	vor.u32 v61, v1;
	[tilespmem:v15+s1+$0x0] =	vst.idx.msk $0xffff, v3  }
0x2c9: {  	v13 =	vld [tilespmem:$0x1FD90];
	v3 =	vand.u32 $0x7FFFFFFF, v9;
	v9 =	vor.u32 v45, v1;
	[tilespmem:v7+s1+$0x0] =	vst.idx.msk $0xffff, v2  }
0x2ca: {  	v14 =	vld [tilespmem:$0x1FDA0];
	v2 =	vor.u32 v35, v1;
	[tilespmem:v6+s1+$0x0] =	vst.idx.msk $0xffff, v3  }
0x2cb: {  	v3 =	vor.u32 v63, v1;
	v4 =	vld.idx.msk [tilespmem:v4+s28+$0x0], $0xffff  }
0x2cc: {  	v7 =	vor.u32 v23, v1;
	v5 =	vld.idx.msk [tilespmem:v5+s28+$0x0], $0xffff  }
0x2cd: {  	v10 =	vor.u32 s18, v32;
	v6 =	vor.u32 v43, v1;
	v8 =	vld.idx.msk [tilespmem:v8+s28+$0x0], $0xffff  }
0x2ce: {  	v11 =	vor.u32 s18, v28;
	v9 =	vld.idx.msk [tilespmem:v9+s28+$0x0], $0xffff  }
0x2cf: {  	v12 =	vor.u32 s18, v12;
	v2 =	vld.idx.msk [tilespmem:v2+s28+$0x0], $0xffff  }
0x2d0: {  	v13 =	vor.u32 s18, v13;
	v3 =	vld.idx.msk [tilespmem:v3+s28+$0x0], $0xffff  }
0x2d1: {  	v7 =	vld.idx.msk [tilespmem:v7+s28+$0x0], $0xffff;
	v5 =	vand.u32 $0x7FFFFFFF, v5  }
0x2d2: {  	v6 =	vld.idx.msk [tilespmem:v6+s28+$0x0], $0xffff;
	[tilespmem:v10+s1+$0x0] =	vst.idx.msk $0xffff, v5;
	v5 =	vand.u32 $0x7FFFFFFF, v8  }
0x2d3: {  	v4 =	vand.u32 $0x7FFFFFFF, v4;
	[tilespmem:v11+s1+$0x0] =	vst.idx.msk $0xffff, v5  }
0x2d4: {  	[tilespmem:v12+s1+$0x0] =	vst.idx.msk $0xffff, v4;
	v2 =	vand.u32 $0x7FFFFFFF, v2  }
0x2d5: {  	v14 =	vor.u32 s18, v14;
	[tilespmem:v13+s1+$0x0] =	vst.idx.msk $0xffff, v2;
	v2 =	vand.u32 $0x7FFFFFFF, v3;
	v3 =	vld [tilespmem:$0x1FFB0]  }
0x2d6: {  	v8 =	vor.u32 s18, v62  }
0x2d7: {  	v5 =	vor.u32 s18, v34  }
0x2d8: {  	v4 =	vor.u32 s18, v55  }
0x2d9: {  	v10 =	vor.u32 v41, v1  }
0x2da: {  	[tilespmem:v14+s1+$0x0] =	vst.idx.msk $0xffff, v2;
	v2 =	vand.u32 $0x7FFFFFFF, v6;
	v3 =	vor.u32 v3, v1  }
0x2db: {  	v6 =	vor.u32 v54, v1;
	[tilespmem:v8+s1+$0x0] =	vst.idx.msk $0xffff, v2;
	v2 =	vand.u32 $0x7FFFFFFF, v7  }
0x2dc: {  	v7 =	vor.u32 v42, v1;
	[tilespmem:v5+s1+$0x0] =	vst.idx.msk $0xffff, v2;
	v2 =	vand.u32 $0x7FFFFFFF, v9  }
0x2dd: {  	v5 =	vor.u32 v47, v1;
	[tilespmem:v4+s1+$0x0] =	vst.idx.msk $0xffff, v2  }
0x2de: {  	v8 =	vor.u32 v37, v1;
	v4 =	vld.idx.msk [tilespmem:v10+s28+$0x0], $0xffff  }
0x2df: {  	v9 =	vor.u32 v38, v1;
	v3 =	vld.idx.msk [tilespmem:v3+s28+$0x0], $0xffff  }
0x2e0: {  	v2 =	vor.u32 v17, v1;
	v10 =	vor.u32 s18, v16;
	v6 =	vld.idx.msk [tilespmem:v6+s28+$0x0], $0xffff  }
0x2e1: {  	v11 =	vor.u32 s18, v57;
	v7 =	vld.idx.msk [tilespmem:v7+s28+$0x0], $0xffff  }
0x2e2: {  	v12 =	vor.u32 s18, v36;
	v5 =	vld.idx.msk [tilespmem:v5+s28+$0x0], $0xffff  }
0x2e3: {  	v8 =	vld.idx.msk [tilespmem:v8+s28+$0x0], $0xffff  }
0x2e4: {  	v9 =	vld.idx.msk [tilespmem:v9+s28+$0x0], $0xffff;
	v3 =	vand.u32 $0x7FFFFFFF, v3  }
0x2e5: {  	v2 =	vld.idx.msk [tilespmem:v2+s28+$0x0], $0xffff;
	[tilespmem:v10+s1+$0x0] =	vst.idx.msk $0xffff, v3;
	v3 =	vand.u32 $0x7FFFFFFF, v6  }
0x2e6: {  	[tilespmem:v11+s1+$0x0] =	vst.idx.msk $0xffff, v3;
	v3 =	vand.u32 $0x7FFFFFFF, v4  }
0x2e7: {  	[tilespmem:v12+s1+$0x0] =	vst.idx.msk $0xffff, v3;
	v3 =	vand.u32 $0x7FFFFFFF, v5;
	v5 =	vld [tilespmem:$0x1FBD0]  }
0x2e8: {  	v13 =	vor.u32 s18, v33  }
0x2e9: {  	v14 =	vor.u32 s18, v39  }
0x2ea: {  	v6 =	vor.u32 s18, v18  }
0x2eb: {  	v4 =	vor.u32 s18, v52  }
0x2ec: {  	v5 =	vor.u32 s18, v5  }
0x2ed: {  	v2 =	vand.u32 $0x7FFFFFFF, v2;
	[tilespmem:v13+s1+$0x0] =	vst.idx.msk $0xffff, v3  }
0x2ee: {  	[tilespmem:v14+s1+$0x0] =	vst.idx.msk $0xffff, v2;
	v2 =	vand.u32 $0x7FFFFFFF, v7  }
0x2ef: {  	[tilespmem:v6+s1+$0x0] =	vst.idx.msk $0xffff, v2;
	v2 =	vand.u32 $0x7FFFFFFF, v8  }
0x2f0: {  	v10 =	vld [tilespmem:$0x1FB30];
	[tilespmem:v4+s1+$0x0] =	vst.idx.msk $0xffff, v2;
	v2 =	vand.u32 $0x7FFFFFFF, v9  }
0x2f1: {  	v4 =	vld [tilespmem:$0x1FB40];
	[tilespmem:v5+s1+$0x0] =	vst.idx.msk $0xffff, v2;
	v2 =	vor.u32 v20, v1;
	_ =	sdelay $0x2  }
0x2f2: {  	v3 =	vor.u32 v29, v1  }
0x2f3: {  	v10 =	vor.u32 v10, v1  }
0x2f4: {  	v4 =	vor.u32 v4, v1;
	v12 =	vld.idx.msk [tilespmem:v2+s28+$0x0], $0xffff  }
0x2f5: {  	v2 =	vld [tilespmem:$0x1FBE0]  }
0x2f6: {  	v5 =	vld [tilespmem:$0x1FB60]  }
0x2f7: {  	v9 =	vld.idx.msk [tilespmem:v3+s28+$0x0], $0xffff  }
0x2f8: {  	v7 =	vor.u32 v19, v1;
	v8 =	vld.idx.msk [tilespmem:v10+s28+$0x0], $0xffff  }
0x2f9: {  	v3 =	vor.u32 v22, v1;
	v10 =	vld.idx.msk [tilespmem:v4+s28+$0x0], $0xffff  }
0x2fa: {  	v13 =	vor.u32 s18, v2;
	v2 =	vld [tilespmem:$0x1FF80]  }
0x2fb: {  	v4 =	vld [tilespmem:$0x1FFA0];
	_ =	sdelay $0x1  }
0x2fc: {  	v7 =	vld.idx.msk [tilespmem:v7+s28+$0x0], $0xffff  }
0x2fd: {  	v6 =	vor.u32 v40, v1;
	v1 =	vor.u32 v5, v1;
	v5 =	vld.idx.msk [tilespmem:v3+s28+$0x0], $0xffff  }
0x2fe: {  	v14 =	vor.u32 s18, v2;
	v2 =	vld [tilespmem:$0x1FBF0]  }
0x2ff: {  	v3 =	vld [tilespmem:$0x1FF60];
	v11 =	vor.u32 s18, v4;
	_ =	sdelay $0x2  }
0x300: {  	v4 =	vld.idx.msk [tilespmem:v6+s28+$0x0], $0xffff  }
0x301: {  	v6 =	vor.u32 s18, v2;
	v2 =	vld.idx.msk [tilespmem:v1+s28+$0x0], $0xffff;
	v1 =	vand.u32 $0x7FFFFFFF, v7  }
0x302: {  	v7 =	vor.u32 s18, v3;
	v3 =	vld [tilespmem:$0x1FC10];
	[tilespmem:v11+s1+$0x0] =	vst.idx.msk $0xffff, v1;
	v1 =	vand.u32 $0x7FFFFFFF, v8  }
0x303: {  	p1 =	sne.s32 s13, $0xF80;
	[tilespmem:v13+s1+$0x0] =	vst.idx.msk $0xffff, v1;
	v1 =	vld [tilespmem:$0x1FF50]  }
.Ltmp4:
0x304: {  	s8 =	sadd.s32 $0x10, s8;
	(pc) =	sbr.rel @p1 .LBB2_9-.Ltmp4, $4  }
0x305: {  	v15 =	vmov s8  }
0x306: {  	v8 =	vor.u32 s18, v0;
	v11 =	vshll.u32 v15, $0x5;
	v15 =	vlaneseq.u32  }
0x307: {  	s14 =	smov.u32 s13;
	v13 =	vand.u32 $0x7FFFFFFF, v9;
	v9 =	vor.u32 s18, v27;
	v3 =	vor.u32 s18, v3  }
0x308: {  	s13 =	sadd.s32 $0x80, s13;
	s12 =	smov.u32 s14;
	[tilespmem:v14+s1+$0x0] =	vst.idx.msk $0xffff, v13;
	v1 =	vor.u32 v1, v11;
	v11 =	vand.u32 $0x7FFFFFFF, v10;
	v10 =	vand.u32 $0x7FFFFFFF, v12  }
0x309: {  	_ =	sdelay $0x3  }
0x30a: {  	[tilespmem:v6+s1+$0x0] =	vst.idx.msk $0xffff, v11  }
0x30b: {  	v5 =	vand.u32 $0x7FFFFFFF, v5;
	[tilespmem:v7+s1+$0x0] =	vst.idx.msk $0xffff, v10  }
0x30c: {  	v12 =	vor.u32 v15, v1;
	v4 =	vand.u32 $0x7FFFFFFF, v4;
	[tilespmem:v8+s1+$0x0] =	vst.idx.msk $0xffff, v5  }
0x30d: {  	v6 =	vor.u32 v31, v1;
	v2 =	vand.u32 $0x7FFFFFFF, v2;
	[tilespmem:v9+s1+$0x0] =	vst.idx.msk $0xffff, v4  }
0x30e: {  	[tilespmem:v3+s1+$0x0] =	vst.idx.msk $0xffff, v2;
	v3 =	vor.u32 v51, v1  }
0x30f: {  	v7 =	vor.u32 v50, v1  }
0x310: {  	v5 =	vor.u32 v48, v1  }
0x311: {  	v8 =	vor.u32 v30, v1;
	v2 =	vld.idx.msk [tilespmem:v12+s28+$0x0], $0xffff  }
0x312: {  	s12 =	sand.u32 $0xC00, s12;
	s8 =	sand.u32 $0x70, s8;
	v4 =	vor.u32 v49, v1;
	v6 =	vld.idx.msk [tilespmem:v6+s28+$0x0], $0xffff  }
0x313: {  	s8 =	sor.u32 s8, s12;
	v9 =	vor.u32 v46, v1;
	v3 =	vld.idx.msk [tilespmem:v3+s28+$0x0], $0xffff  }
0x314: {  	v10 =	vor.u32 s8, v53;
	v7 =	vld.idx.msk [tilespmem:v7+s28+$0x0], $0xffff  }
0x315: {  	v5 =	vld.idx.msk [tilespmem:v5+s28+$0x0], $0xffff  }
0x316: {  	v11 =	vor.u32 s8, v25;
	v8 =	vld.idx.msk [tilespmem:v8+s28+$0x0], $0xffff  }
0x317: {  	v12 =	vor.u32 s8, v26;
	v4 =	vld.idx.msk [tilespmem:v4+s28+$0x0], $0xffff  }
0x318: {  	v13 =	vor.u32 s8, v56;
	v9 =	vld.idx.msk [tilespmem:v9+s28+$0x0], $0xffff;
	[tilespmem:$0x1FAD0] =	vst v3;
	v3 =	vand.u32 $0x7FFFFFFF, v2  }
0x319: {  	v14 =	vor.u32 s8, v58;
	[tilespmem:v10+s1+$0x0] =	vst.idx.msk $0xffff, v3;
	v3 =	vld [tilespmem:$0x1FAD0]  }
0x31a: {  	v6 =	vand.u32 $0x7FFFFFFF, v6;
	v2 =	vor.u32 s8, v24  }
0x31b: {  	v7 =	vand.u32 $0x7FFFFFFF, v7;
	v10 =	vor.u32 s8, v59;
	[tilespmem:v11+s1+$0x0] =	vst.idx.msk $0xffff, v6  }
0x31c: {  	v5 =	vand.u32 $0x7FFFFFFF, v5;
	v6 =	vor.u32 s8, v21;
	[tilespmem:v12+s1+$0x0] =	vst.idx.msk $0xffff, v7  }
0x31d: {  	v4 =	vand.u32 $0x7FFFFFFF, v4;
	[tilespmem:v13+s1+$0x0] =	vst.idx.msk $0xffff, v5;
	v5 =	vor.u32 v60, v1  }
0x31e: {  	[tilespmem:v14+s1+$0x0] =	vst.idx.msk $0xffff, v4;
	v3 =	vand.u32 $0x7FFFFFFF, v3  }
0x31f: {  	v7 =	vand.u32 $0x7FFFFFFF, v8;
	[tilespmem:v2+s1+$0x0] =	vst.idx.msk $0xffff, v3  }
0x320: {  	v3 =	vand.u32 $0x7FFFFFFF, v9;
	[tilespmem:v10+s1+$0x0] =	vst.idx.msk $0xffff, v7  }
0x321: {  	[tilespmem:v6+s1+$0x0] =	vst.idx.msk $0xffff, v3  }
0x322: {  	v2 =	vor.u32 v61, v1;
	v5 =	vld.idx.msk [tilespmem:v5+s28+$0x0], $0xffff;
	_ =	sdelay $0x4  }
0x323: {  	[tilespmem:$0x1FAE0] =	vst v5;
	v5 =	vld.idx.msk [tilespmem:v2+s28+$0x0], $0xffff  }
0x324: {  	v2 =	vld [tilespmem:$0x1FD80];
	_ =	sdelay $0x3  }
0x325: {  	v4 =	vor.u32 v44, v1  }
0x326: {  	v12 =	vor.u32 s8, v2;
	v2 =	vld [tilespmem:$0x1FD90]  }
0x327: {  	v8 =	vor.u32 v23, v1  }
0x328: {  	v9 =	vor.u32 v45, v1  }
0x329: {  	v7 =	vor.u32 v35, v1  }
0x32a: {  	v3 =	vor.u32 v63, v1;
	v4 =	vld.idx.msk [tilespmem:v4+s28+$0x0], $0xffff  }
0x32b: {  	v10 =	vor.u32 s8, v32;
	v6 =	vor.u32 v43, v1;
	v13 =	vor.u32 s8, v2;
	v2 =	vld [tilespmem:$0x1FDA0]  }
0x32c: {  	v11 =	vor.u32 s8, v28;
	v8 =	vld.idx.msk [tilespmem:v8+s28+$0x0], $0xffff  }
0x32d: {  	v9 =	vld.idx.msk [tilespmem:v9+s28+$0x0], $0xffff  }
0x32e: {  	v7 =	vld.idx.msk [tilespmem:v7+s28+$0x0], $0xffff  }
0x32f: {  	v3 =	vld.idx.msk [tilespmem:v3+s28+$0x0], $0xffff;
	v4 =	vand.u32 $0x7FFFFFFF, v4  }
0x330: {  	v6 =	vld.idx.msk [tilespmem:v6+s28+$0x0], $0xffff;
	[tilespmem:v10+s1+$0x0] =	vst.idx.msk $0xffff, v4;
	v14 =	vor.u32 s8, v2;
	v2 =	vand.u32 $0x7FFFFFFF, v5  }
0x331: {  	[tilespmem:v11+s1+$0x0] =	vst.idx.msk $0xffff, v2;
	v2 =	vld [tilespmem:$0x1FAE0];
	_ =	sdelay $0x3  }
0x332: {  	v4 =	vor.u32 s8, v62  }
0x333: {  	v5 =	vor.u32 s8, v34;
	v2 =	vand.u32 $0x7FFFFFFF, v2  }
0x334: {  	[tilespmem:v12+s1+$0x0] =	vst.idx.msk $0xffff, v2;
	v2 =	vand.u32 $0x7FFFFFFF, v7;
	v7 =	vor.u32 s8, v55  }
0x335: {  	[tilespmem:v13+s1+$0x0] =	vst.idx.msk $0xffff, v2;
	v2 =	vand.u32 $0x7FFFFFFF, v3  }
0x336: {  	v10 =	vld [tilespmem:$0x1FFB0];
	[tilespmem:v14+s1+$0x0] =	vst.idx.msk $0xffff, v2;
	v2 =	vand.u32 $0x7FFFFFFF, v6  }
0x337: {  	[tilespmem:v4+s1+$0x0] =	vst.idx.msk $0xffff, v2;
	v2 =	vand.u32 $0x7FFFFFFF, v8  }
0x338: {  	[tilespmem:v5+s1+$0x0] =	vst.idx.msk $0xffff, v2;
	v2 =	vand.u32 $0x7FFFFFFF, v9  }
0x339: {  	[tilespmem:v7+s1+$0x0] =	vst.idx.msk $0xffff, v2;
	v2 =	vor.u32 v17, v1  }
0x33a: {  	v3 =	vor.u32 v41, v1  }
0x33b: {  	v10 =	vor.u32 v10, v1  }
0x33c: {  	v4 =	vor.u32 v54, v1  }
0x33d: {  	v5 =	vor.u32 v47, v1  }
0x33e: {  	v2 =	vld.idx.msk [tilespmem:v2+s28+$0x0], $0xffff  }
0x33f: {  	v6 =	vor.u32 v42, v1;
	v3 =	vld.idx.msk [tilespmem:v3+s28+$0x0], $0xffff  }
0x340: {  	v8 =	vor.u32 v37, v1;
	v7 =	vld.idx.msk [tilespmem:v10+s28+$0x0], $0xffff  }
0x341: {  	v9 =	vor.u32 v38, v1;
	v10 =	vor.u32 s8, v16;
	v4 =	vld.idx.msk [tilespmem:v4+s28+$0x0], $0xffff  }
0x342: {  	v11 =	vor.u32 s8, v57;
	v5 =	vld.idx.msk [tilespmem:v5+s28+$0x0], $0xffff  }
0x343: {  	v12 =	vor.u32 s8, v36;
	[tilespmem:$0x1FAF0] =	vst v2;
	v2 =	vld [tilespmem:$0x1FBD0]  }
0x344: {  	v6 =	vld.idx.msk [tilespmem:v6+s28+$0x0], $0xffff  }
0x345: {  	v8 =	vld.idx.msk [tilespmem:v8+s28+$0x0], $0xffff;
	v7 =	vand.u32 $0x7FFFFFFF, v7  }
0x346: {  	v9 =	vld.idx.msk [tilespmem:v9+s28+$0x0], $0xffff;
	[tilespmem:v10+s1+$0x0] =	vst.idx.msk $0xffff, v7;
	v4 =	vand.u32 $0x7FFFFFFF, v4  }
0x347: {  	v3 =	vand.u32 $0x7FFFFFFF, v3;
	[tilespmem:v11+s1+$0x0] =	vst.idx.msk $0xffff, v4  }
0x348: {  	v13 =	vor.u32 s8, v33;
	[tilespmem:v12+s1+$0x0] =	vst.idx.msk $0xffff, v3;
	v3 =	vand.u32 $0x7FFFFFFF, v5;
	v5 =	vor.u32 s8, v2;
	v2 =	vld [tilespmem:$0x1FAF0]  }
0x349: {  	v14 =	vor.u32 s8, v39  }
0x34a: {  	v7 =	vor.u32 s8, v18  }
0x34b: {  	v4 =	vor.u32 s8, v52;
	_ =	sdelay $0x1  }
0x34c: {  	[tilespmem:v13+s1+$0x0] =	vst.idx.msk $0xffff, v3;
	v2 =	vand.u32 $0x7FFFFFFF, v2  }
0x34d: {  	v10 =	vld [tilespmem:$0x1FB30];
	[tilespmem:v14+s1+$0x0] =	vst.idx.msk $0xffff, v2;
	v2 =	vand.u32 $0x7FFFFFFF, v6  }
0x34e: {  	[tilespmem:v7+s1+$0x0] =	vst.idx.msk $0xffff, v2;
	v2 =	vand.u32 $0x7FFFFFFF, v8  }
0x34f: {  	[tilespmem:v4+s1+$0x0] =	vst.idx.msk $0xffff, v2;
	v4 =	vld [tilespmem:$0x1FB40]  }
0x350: {  	v2 =	vand.u32 $0x7FFFFFFF, v9;
	v9 =	vld [tilespmem:$0x1FB60]  }
0x351: {  	v3 =	vor.u32 v29, v1  }
0x352: {  	v11 =	vld [tilespmem:$0x1FF80];
	v10 =	vor.u32 v10, v1  }
0x353: {  	v12 =	vld [tilespmem:$0x1FBF0];
	v6 =	vor.u32 v19, v1  }
0x354: {  	v13 =	vld [tilespmem:$0x1FF60];
	v7 =	vor.u32 v40, v1;
	[tilespmem:v5+s1+$0x0] =	vst.idx.msk $0xffff, v2;
	v2 =	vor.u32 v20, v1  }
0x355: {  	v5 =	vor.u32 v22, v1;
	v4 =	vor.u32 v4, v1;
	v1 =	vor.u32 v9, v1;
	v9 =	vld [tilespmem:$0x1FFA0]  }
0x356: {  	v3 =	vld.idx.msk [tilespmem:v3+s28+$0x0], $0xffff  }
0x357: {  	v8 =	vld.idx.msk [tilespmem:v10+s28+$0x0], $0xffff  }
0x358: {  	v10 =	vld [tilespmem:$0x1FBE0]  }
0x359: {  	v6 =	vld.idx.msk [tilespmem:v6+s28+$0x0], $0xffff  }
0x35a: {  	v7 =	vld.idx.msk [tilespmem:v7+s28+$0x0], $0xffff;
	v9 =	vor.u32 s8, v9  }
0x35b: {  	v2 =	vld.idx.msk [tilespmem:v2+s28+$0x0], $0xffff  }
0x35c: {  	v5 =	vld.idx.msk [tilespmem:v5+s28+$0x0], $0xffff  }
0x35d: {  	v4 =	vld.idx.msk [tilespmem:v4+s28+$0x0], $0xffff  }
0x35e: {  	v10 =	vor.u32 s8, v10;
	v6 =	vand.u32 $0x7FFFFFFF, v6;
	v1 =	vld.idx.msk [tilespmem:v1+s28+$0x0], $0xffff  }
0x35f: {  	v11 =	vor.u32 s8, v11;
	[tilespmem:v9+s1+$0x0] =	vst.idx.msk $0xffff, v6;
	v9 =	vld [tilespmem:$0x1FC10]  }
0x360: {  	v12 =	vor.u32 s8, v12  }
0x361: {  	v13 =	vor.u32 s8, v13  }
0x362: {  	v6 =	vand.u32 $0x7FFFFFFF, v8;
	v8 =	vor.u32 s8, v0  }
0x363: {  	v3 =	vand.u32 $0x7FFFFFFF, v3;
	[tilespmem:v10+s1+$0x0] =	vst.idx.msk $0xffff, v6;
	v6 =	vor.u32 s8, v27  }
0x364: {  	[tilespmem:v11+s1+$0x0] =	vst.idx.msk $0xffff, v3;
	v3 =	vand.u32 $0x7FFFFFFF, v4;
	v9 =	vor.u32 s8, v9  }
0x365: {  	v2 =	vand.u32 $0x7FFFFFFF, v2;
	[tilespmem:v12+s1+$0x0] =	vst.idx.msk $0xffff, v3  }
0x366: {  	[tilespmem:v13+s1+$0x0] =	vst.idx.msk $0xffff, v2;
	v2 =	vand.u32 $0x7FFFFFFF, v5  }
0x367: {  	[tilespmem:v8+s1+$0x0] =	vst.idx.msk $0xffff, v2;
	v2 =	vand.u32 $0x7FFFFFFF, v7  }
0x368: {  	s13 =	rddreg [dreg:$0x7];
	v1 =	vand.u32 $0x7FFFFFFF, v1;
	[tilespmem:v6+s1+$0x0] =	vst.idx.msk $0xffff, v2  }
0x369: {  	s14 =	rddreg [dreg:$0x8];
	s8 =	sadd.s32 s10, s13;
	[tilespmem:v9+s1+$0x0] =	vst.idx.msk $0xffff, v1  }
0x36a: {  	[hbm4b:s8+s3] =	stream.linear.scatter [tilespmem:s1], [sflag:$0x3], $0x1000, $0x38;
	[tilespmem:$0x19000] =	vst v63  }
0x36b: {  	[tilespmem:$0x1FB00] =	vst v42;
	s15 =	rddreg [dreg:$0x9];
	s8 =	sadd.s32 s10, s14  }
0x36c: {  	[hbm4b:s8+s3] =	stream.linear.scatter [tilespmem:s23], [sflag:$0x3], $0x1000, $0x38;
	[tilespmem:$0x19000] =	vst v63  }
0x36d: {  	[tilespmem:$0x1FB10] =	vst v37;
	s16 =	rddreg [dreg:$0xa];
	s8 =	sadd.s32 s10, s15  }
0x36e: {  	[hbm4b:s8+s3] =	stream.linear.scatter [tilespmem:s5], [sflag:$0x3], $0x1000, $0x38;
	[tilespmem:$0x19000] =	vst v63  }
0x36f: {  	[tilespmem:$0x1FB20] =	vst v38;
	s8 =	sadd.s32 s10, s16  }
0x370: {  	[hbm4b:s8+s3] =	stream.linear.scatter [tilespmem:s7], [sflag:$0x3], $0x1000, $0x38;
	[tilespmem:$0x19000] =	vst v63  }
0x371: {  	_ =	swait.ge [sflag:s31], $0x4000  }
0x372: {  	s12 =	simm.s32 @!p0 $0x200;
	[sflag:s31] =	ssyncset.done $0x0  }
0x373: {  	s13 =	simm.s32 @!p0 $0x5000;
	s8 =	sxor.u32 @!p0 $0xA00, s9;
	[sflag:s31] =	ssyncadd.s32 $0xFFFFC000  }
0x374: {  	[tilespmem:s13], [sflag:$0x2] =	stream.indirect.gather @!p0 [hbm4b:s4+s12], $0x20, s8, s12, $0xb8;
	[tilespmem:$0x19000] =	vst v63  }
0x375: {  	_ =	swait.ge [sflag:s25], $0x1000  }
0x376: {  	[sflag:s25] =	ssyncset.done $0x0  }
0x377: {  	[sflag:s25] =	ssyncadd.s32 $0xFFFFF000  }
0x378: {  	_ =	swait.ge [sflag:s25], $0x1000  }
0x379: {  	[sflag:s25] =	ssyncset.done $0x0  }
0x37a: {  	[sflag:s25] =	ssyncadd.s32 $0xFFFFF000  }
0x37b: {  	_ =	swait.ge [sflag:s25], $0x1000  }
0x37c: {  	[sflag:s25] =	ssyncset.done $0x0  }
0x37d: {  	v2 =	vld [tilespmem:$0x1FF50];
	[sflag:s25] =	ssyncadd.s32 $0xFFFFF000  }
0x37e: {  	v3 =	vld [tilespmem:$0x1FDE0];
	_ =	swait.ge [sflag:s25], $0x1000  }
0x37f: {  	v4 =	vld [tilespmem:$0x1FDF0]  }
0x380: {  	v5 =	vld [tilespmem:$0x1FE00]  }
0x381: {  	s17 =	simm.s32 $0x0;
	v6 =	vld [tilespmem:$0x1FE10]  }
0x382: {  	v1 =	vmov s17;
	v7 =	vld [tilespmem:$0x1FE20]  }
0x383: {  	v1 =	vshll.u32 v1, $0x5;
	v8 =	vld [tilespmem:$0x1FE30]  }
0x384: {  	v9 =	vld [tilespmem:$0x1FE40];
	v1 =	vor.u32 v2, v1  }
0x385: {  	v10 =	vld [tilespmem:$0x1FE50];
	v2 =	vor.u32 v15, v1  }
0x386: {  	v11 =	vld [tilespmem:$0x1FFD0];
	v3 =	vor.u32 v3, v1  }
0x387: {  	v12 =	vld [tilespmem:$0x1FFE0];
	v4 =	vor.u32 v4, v1  }
0x388: {  	[sflag:s25] =	ssyncset.done $0x0;
	v13 =	vld [tilespmem:$0x1FE60];
	v5 =	vor.u32 v5, v1  }
0x389: {  	v14 =	vld [tilespmem:$0x1FE70];
	[sflag:s25] =	ssyncadd.s32 $0xFFFFF000;
	v6 =	vor.u32 v6, v1  }
0x38a: {  	v7 =	vor.u32 v7, v1;
	v2 =	vld.idx.msk [tilespmem:v2+s30+$0x0], $0xffff  }
0x38b: {  	s18 =	sand.u32 $0xC00, s17;
	s8 =	sand.u32 $0x70, s17;
	v8 =	vor.u32 v8, v1;
	v3 =	vld.idx.msk [tilespmem:v3+s30+$0x0], $0xffff  }
0x38c: {  	s12 =	sor.u32 s8, s18;
	v9 =	vor.u32 v9, v1;
	v4 =	vld.idx.msk [tilespmem:v4+s30+$0x0], $0xffff  }
0x38d: {  	v10 =	vor.u32 s12, v10;
	v5 =	vld.idx.msk [tilespmem:v5+s30+$0x0], $0xffff  }
0x38e: {  	v6 =	vld.idx.msk [tilespmem:v6+s30+$0x0], $0xffff  }
0x38f: {  	v7 =	vld.idx.msk [tilespmem:v7+s30+$0x0], $0xffff  }
0x390: {  	v11 =	vor.u32 s12, v11;
	v8 =	vld.idx.msk [tilespmem:v8+s30+$0x0], $0xffff  }
0x391: {  	v12 =	vor.u32 s12, v12;
	v9 =	vld.idx.msk [tilespmem:v9+s30+$0x0], $0xffff;
	v2 =	vand.u32 $0x7FFFFFFF, v2  }
0x392: {  	[tilespmem:v10+s2+$0x0] =	vst.idx.msk $0xffff, v2;
	v2 =	vld [tilespmem:$0x1FE80];
	_ =	sdelay $0x1  }
0x393: {  	v13 =	vor.u32 s12, v13;
	v3 =	vand.u32 $0x7FFFFFFF, v3;
	v10 =	vld [tilespmem:$0x1FE90]  }
0x394: {  	v4 =	vand.u32 $0x7FFFFFFF, v4;
	[tilespmem:v11+s2+$0x0] =	vst.idx.msk $0xffff, v3;
	v3 =	vand.u32 $0x7FFFFFFF, v5;
	v5 =	vld [tilespmem:$0x1FEA0]  }
0x395: {  	v14 =	vor.u32 s12, v14;
	v11 =	vld [tilespmem:$0x1FD70];
	[tilespmem:v12+s2+$0x0] =	vst.idx.msk $0xffff, v4;
	v4 =	vand.u32 $0x7FFFFFFF, v6  }
0x396: {  	v6 =	vand.u32 $0x7FFFFFFF, v7;
	v7 =	vand.u32 $0x7FFFFFFF, v8;
	v8 =	vld [tilespmem:$0x1FD50];
	v2 =	vor.u32 s12, v2  }
0x397: {  	v12 =	vld [tilespmem:$0x1FD80]  }
0x398: {  	[tilespmem:v13+s2+$0x0] =	vst.idx.msk $0xffff, v3;
	v3 =	vld [tilespmem:$0x1FED0];
	v10 =	vor.u32 s12, v10  }
0x399: {  	v13 =	vld [tilespmem:$0x1FD90];
	v5 =	vor.u32 s12, v5  }
0x39a: {  	[tilespmem:v14+s2+$0x0] =	vst.idx.msk $0xffff, v4;
	v4 =	vld [tilespmem:$0x1FEB0]  }
0x39b: {  	[tilespmem:v2+s2+$0x0] =	vst.idx.msk $0xffff, v6;
	v2 =	vld [tilespmem:$0x1FEC0]  }
0x39c: {  	v6 =	vand.u32 $0x7FFFFFFF, v9;
	v9 =	vld [tilespmem:$0x1FF70]  }
0x39d: {  	v3 =	vor.u32 v3, v1;
	[tilespmem:v10+s2+$0x0] =	vst.idx.msk $0xffff, v7;
	v7 =	vld [tilespmem:$0x1FEE0]  }
0x39e: {  	v8 =	vor.u32 v8, v1;
	[tilespmem:v5+s2+$0x0] =	vst.idx.msk $0xffff, v6;
	v5 =	vld [tilespmem:$0x1FD30]  }
0x39f: {  	v4 =	vor.u32 v4, v1;
	v6 =	vld [tilespmem:$0x1FD40]  }
0x3a0: {  	v10 =	vld [tilespmem:$0x1FD60];
	v2 =	vor.u32 v2, v1  }
0x3a1: {  	v14 =	vld [tilespmem:$0x1FDA0];
	v9 =	vor.u32 v9, v1  }
0x3a2: {  	v3 =	vld.idx.msk [tilespmem:v3+s30+$0x0], $0xffff;
	v7 =	vor.u32 v7, v1  }
0x3a3: {  	v8 =	vld.idx.msk [tilespmem:v8+s30+$0x0], $0xffff;
	v5 =	vor.u32 v5, v1  }
0x3a4: {  	v4 =	vld.idx.msk [tilespmem:v4+s30+$0x0], $0xffff;
	v6 =	vor.u32 v6, v1  }
0x3a5: {  	v10 =	vor.u32 s12, v10;
	v2 =	vld.idx.msk [tilespmem:v2+s30+$0x0], $0xffff  }
0x3a6: {  	v9 =	vld.idx.msk [tilespmem:v9+s30+$0x0], $0xffff  }
0x3a7: {  	v11 =	vor.u32 s12, v11;
	v7 =	vld.idx.msk [tilespmem:v7+s30+$0x0], $0xffff  }
0x3a8: {  	v12 =	vor.u32 s12, v12;
	v5 =	vld.idx.msk [tilespmem:v5+s30+$0x0], $0xffff  }
0x3a9: {  	v4 =	vand.u32 $0x7FFFFFFF, v4;
	v6 =	vld.idx.msk [tilespmem:v6+s30+$0x0], $0xffff  }
0x3aa: {  	[tilespmem:v10+s2+$0x0] =	vst.idx.msk $0xffff, v4;
	v4 =	vld [tilespmem:$0x1FDB0]  }
0x3ab: {  	v2 =	vand.u32 $0x7FFFFFFF, v2  }
0x3ac: {  	[tilespmem:v11+s2+$0x0] =	vst.idx.msk $0xffff, v2;
	v2 =	vand.u32 $0x7FFFFFFF, v3;
	v3 =	vld [tilespmem:$0x1FDC0]  }
0x3ad: {  	v13 =	vor.u32 s12, v13;
	[tilespmem:v12+s2+$0x0] =	vst.idx.msk $0xffff, v2;
	v2 =	vand.u32 $0x7FFFFFFF, v7;
	v7 =	vld [tilespmem:$0x1FDD0]  }
0x3ae: {  	v14 =	vor.u32 s12, v14;
	v10 =	vld [tilespmem:$0x1FFB0]  }
0x3af: {  	v4 =	vor.u32 s12, v4;
	_ =	sdelay $0x1  }
0x3b0: {  	v11 =	vld [tilespmem:$0x1FF00];
	v3 =	vor.u32 s12, v3  }
0x3b1: {  	[tilespmem:v13+s2+$0x0] =	vst.idx.msk $0xffff, v2;
	v2 =	vand.u32 $0x7FFFFFFF, v5;
	v5 =	vld [tilespmem:$0x1FCF0];
	v7 =	vor.u32 s12, v7  }
0x3b2: {  	v10 =	vor.u32 v10, v1;
	[tilespmem:v14+s2+$0x0] =	vst.idx.msk $0xffff, v2;
	v2 =	vand.u32 $0x7FFFFFFF, v6;
	v6 =	vld [tilespmem:$0x1FB00]  }
0x3b3: {  	[tilespmem:v4+s2+$0x0] =	vst.idx.msk $0xffff, v2;
	v4 =	vld [tilespmem:$0x1FFF0]  }
0x3b4: {  	v12 =	vld [tilespmem:$0x1FF10];
	v2 =	vand.u32 $0x7FFFFFFF, v8  }
0x3b5: {  	v8 =	vld [tilespmem:$0x1FB10];
	[tilespmem:v3+s2+$0x0] =	vst.idx.msk $0xffff, v2;
	v2 =	vand.u32 $0x7FFFFFFF, v9  }
0x3b6: {  	v5 =	vor.u32 v5, v1;
	v9 =	vld [tilespmem:$0x1FB20];
	[tilespmem:v7+s2+$0x0] =	vst.idx.msk $0xffff, v2  }
0x3b7: {  	v6 =	vor.u32 v6, v1;
	v7 =	vld.idx.msk [tilespmem:v10+s30+$0x0], $0xffff  }
0x3b8: {  	v4 =	vor.u32 v4, v1;
	v10 =	vld [tilespmem:$0x1FEF0]  }
0x3b9: {  	v13 =	vld [tilespmem:$0x1FF20];
	v3 =	vor.u32 v47, v1  }
0x3ba: {  	v14 =	vld [tilespmem:$0x1FF30];
	v2 =	vor.u32 v17, v1  }
0x3bb: {  	v8 =	vor.u32 v8, v1;
	v5 =	vld.idx.msk [tilespmem:v5+s30+$0x0], $0xffff  }
0x3bc: {  	v6 =	vld.idx.msk [tilespmem:v6+s30+$0x0], $0xffff;
	v9 =	vor.u32 v9, v1  }
0x3bd: {  	v4 =	vld.idx.msk [tilespmem:v4+s30+$0x0], $0xffff;
	v10 =	vor.u32 s12, v10  }
0x3be: {  	v11 =	vor.u32 s12, v11;
	v3 =	vld.idx.msk [tilespmem:v3+s30+$0x0], $0xffff  }
0x3bf: {  	v12 =	vor.u32 s12, v12;
	v2 =	vld.idx.msk [tilespmem:v2+s30+$0x0], $0xffff  }
0x3c0: {  	v8 =	vld.idx.msk [tilespmem:v8+s30+$0x0], $0xffff  }
0x3c1: {  	v7 =	vand.u32 $0x7FFFFFFF, v7;
	v9 =	vld.idx.msk [tilespmem:v9+s30+$0x0], $0xffff  }
0x3c2: {  	v4 =	vand.u32 $0x7FFFFFFF, v4;
	[tilespmem:v10+s2+$0x0] =	vst.idx.msk $0xffff, v7;
	v7 =	vld [tilespmem:$0x1FF40]  }
0x3c3: {  	[tilespmem:v11+s2+$0x0] =	vst.idx.msk $0xffff, v4;
	v4 =	vand.u32 $0x7FFFFFFF, v5;
	v5 =	vld [tilespmem:$0x1FFC0]  }
0x3c4: {  	[tilespmem:v12+s2+$0x0] =	vst.idx.msk $0xffff, v4;
	v4 =	vld [tilespmem:$0x1FBD0]  }
0x3c5: {  	v13 =	vor.u32 s12, v13  }
0x3c6: {  	v14 =	vor.u32 s12, v14  }
0x3c7: {  	v7 =	vor.u32 s12, v7  }
0x3c8: {  	v5 =	vor.u32 s12, v5  }
0x3c9: {  	v3 =	vand.u32 $0x7FFFFFFF, v3;
	v4 =	vor.u32 s12, v4  }
0x3ca: {  	v2 =	vand.u32 $0x7FFFFFFF, v2;
	[tilespmem:v13+s2+$0x0] =	vst.idx.msk $0xffff, v3  }
0x3cb: {  	v10 =	vld [tilespmem:$0x1FB30];
	[tilespmem:v14+s2+$0x0] =	vst.idx.msk $0xffff, v2;
	v2 =	vand.u32 $0x7FFFFFFF, v6  }
0x3cc: {  	v3 =	vor.u32 v29, v1;
	[tilespmem:v7+s2+$0x0] =	vst.idx.msk $0xffff, v2;
	v2 =	vand.u32 $0x7FFFFFFF, v8  }
0x3cd: {  	v6 =	vor.u32 v19, v1;
	[tilespmem:v5+s2+$0x0] =	vst.idx.msk $0xffff, v2;
	v2 =	vand.u32 $0x7FFFFFFF, v9;
	v5 =	vld [tilespmem:$0x1FB40]  }
0x3ce: {  	[tilespmem:v4+s2+$0x0] =	vst.idx.msk $0xffff, v2;
	v2 =	vor.u32 v20, v1;
	_ =	sdelay $0x1  }
0x3cf: {  	v10 =	vor.u32 v10, v1  }
0x3d0: {  	v9 =	vld.idx.msk [tilespmem:v3+s30+$0x0], $0xffff  }
0x3d1: {  	v7 =	vld.idx.msk [tilespmem:v6+s30+$0x0], $0xffff;
	v5 =	vor.u32 v5, v1  }
0x3d2: {  	v12 =	vld.idx.msk [tilespmem:v2+s30+$0x0], $0xffff  }
0x3d3: {  	v2 =	vld [tilespmem:$0x1FBE0]  }
0x3d4: {  	v8 =	vld.idx.msk [tilespmem:v10+s30+$0x0], $0xffff  }
0x3d5: {  	v6 =	vld [tilespmem:$0x1FB60]  }
0x3d6: {  	v10 =	vld.idx.msk [tilespmem:v5+s30+$0x0], $0xffff  }
0x3d7: {  	v3 =	vor.u32 v22, v1;
	v5 =	vld [tilespmem:$0x1FFA0]  }
0x3d8: {  	v13 =	vor.u32 s12, v2;
	v2 =	vld [tilespmem:$0x1FF80];
	_ =	sdelay $0x3  }
0x3d9: {  	v4 =	vor.u32 v40, v1;
	v11 =	vor.u32 s12, v5;
	v5 =	vld.idx.msk [tilespmem:v3+s30+$0x0], $0xffff  }
0x3da: {  	v1 =	vor.u32 v6, v1;
	v14 =	vor.u32 s12, v2;
	v2 =	vld [tilespmem:$0x1FBF0]  }
0x3db: {  	v3 =	vld [tilespmem:$0x1FF60];
	_ =	sdelay $0x2  }
0x3dc: {  	v4 =	vld.idx.msk [tilespmem:v4+s30+$0x0], $0xffff  }
0x3dd: {  	v6 =	vor.u32 s12, v2;
	v2 =	vld.idx.msk [tilespmem:v1+s30+$0x0], $0xffff  }
0x3de: {  	v1 =	vand.u32 $0x7FFFFFFF, v7;
	v7 =	vor.u32 s12, v3;
	v3 =	vld [tilespmem:$0x1FC10]  }
0x3df: {  	[tilespmem:v11+s2+$0x0] =	vst.idx.msk $0xffff, v1;
	v11 =	vand.u32 $0x7FFFFFFF, v8;
	v8 =	vld [tilespmem:$0x1FC00]  }
0x3e0: {  	[tilespmem:v13+s2+$0x0] =	vst.idx.msk $0xffff, v11;
	v11 =	vand.u32 $0x7FFFFFFF, v9;
	v9 =	vld [tilespmem:$0x1FF90]  }
0x3e1: {  	[tilespmem:v14+s2+$0x0] =	vst.idx.msk $0xffff, v11;
	v11 =	vld [tilespmem:$0x1FF50];
	_ =	sdelay $0x1  }
0x3e2: {  	s8 =	simm.s32 $0x10  }
0x3e3: {  	v1 =	vmov s8;
	v8 =	vor.u32 s12, v8  }
0x3e4: {  	v1 =	vshll.u32 v1, $0x5;
	v3 =	vor.u32 s12, v3;
	v9 =	vor.u32 s12, v9  }
0x3e5: {  	s13 =	simm.s32 $0x100;
	s12 =	simm.s32 $0x80;
	v1 =	vor.u32 v11, v1;
	v11 =	vand.u32 $0x7FFFFFFF, v10;
	v10 =	vand.u32 $0x7FFFFFFF, v12  }
.LBB2_11:
0x3e6: {  	v12 =	vor.u32 v15, v1;
	[tilespmem:v6+s2+$0x0] =	vst.idx.msk $0xffff, v11  }
0x3e7: {  	v6 =	vor.u32 v31, v1;
	v5 =	vand.u32 $0x7FFFFFFF, v5;
	[tilespmem:v7+s2+$0x0] =	vst.idx.msk $0xffff, v10  }
0x3e8: {  	v4 =	vand.u32 $0x7FFFFFFF, v4;
	v7 =	vor.u32 v50, v1;
	[tilespmem:v8+s2+$0x0] =	vst.idx.msk $0xffff, v5  }
0x3e9: {  	v2 =	vand.u32 $0x7FFFFFFF, v2;
	v5 =	vor.u32 v48, v1;
	[tilespmem:v9+s2+$0x0] =	vst.idx.msk $0xffff, v4  }
0x3ea: {  	v8 =	vor.u32 v30, v1;
	[tilespmem:v3+s2+$0x0] =	vst.idx.msk $0xffff, v2  }
0x3eb: {  	s15 =	sand.u32 $0xC00, s12;
	s16 =	sand.u32 $0x70, s8;
	v4 =	vor.u32 v49, v1;
	v2 =	vld.idx.msk [tilespmem:v12+s30+$0x0], $0xffff  }
0x3ec: {  	s18 =	sor.u32 s16, s15;
	v3 =	vor.u32 v51, v1;
	v6 =	vld.idx.msk [tilespmem:v6+s30+$0x0], $0xffff  }
0x3ed: {  	v10 =	vor.u32 s18, v53;
	v9 =	vor.u32 v46, v1;
	v7 =	vld.idx.msk [tilespmem:v7+s30+$0x0], $0xffff  }
0x3ee: {  	v11 =	vor.u32 s18, v25;
	v5 =	vld.idx.msk [tilespmem:v5+s30+$0x0], $0xffff  }
0x3ef: {  	v12 =	vor.u32 s18, v26;
	v8 =	vld.idx.msk [tilespmem:v8+s30+$0x0], $0xffff  }
0x3f0: {  	v13 =	vor.u32 s18, v56;
	v4 =	vld.idx.msk [tilespmem:v4+s30+$0x0], $0xffff  }
0x3f1: {  	v14 =	vor.u32 s18, v58;
	v3 =	vld.idx.msk [tilespmem:v3+s30+$0x0], $0xffff;
	v2 =	vand.u32 $0x7FFFFFFF, v2  }
0x3f2: {  	v15 =	vor.u32 s18, v24;
	v9 =	vld.idx.msk [tilespmem:v9+s30+$0x0], $0xffff;
	v6 =	vand.u32 $0x7FFFFFFF, v6;
	[tilespmem:v10+s2+$0x0] =	vst.idx.msk $0xffff, v2  }
0x3f3: {  	v2 =	vand.u32 $0x7FFFFFFF, v7;
	v7 =	vor.u32 s18, v59;
	[tilespmem:v11+s2+$0x0] =	vst.idx.msk $0xffff, v6  }
0x3f4: {  	v5 =	vand.u32 $0x7FFFFFFF, v5;
	v6 =	vor.u32 s18, v21;
	[tilespmem:v12+s2+$0x0] =	vst.idx.msk $0xffff, v2  }
0x3f5: {  	v2 =	vand.u32 $0x7FFFFFFF, v4;
	v4 =	vor.u32 v60, v1;
	[tilespmem:v13+s2+$0x0] =	vst.idx.msk $0xffff, v5  }
0x3f6: {  	v3 =	vand.u32 $0x7FFFFFFF, v3;
	v5 =	vor.u32 v44, v1;
	[tilespmem:v14+s2+$0x0] =	vst.idx.msk $0xffff, v2  }
0x3f7: {  	v12 =	vld [tilespmem:$0x1FD80];
	v2 =	vand.u32 $0x7FFFFFFF, v8;
	v8 =	vor.u32 v61, v1;
	[tilespmem:v15+s2+$0x0] =	vst.idx.msk $0xffff, v3  }
0x3f8: {  	v13 =	vld [tilespmem:$0x1FD90];
	v3 =	vand.u32 $0x7FFFFFFF, v9;
	v9 =	vor.u32 v45, v1;
	[tilespmem:v7+s2+$0x0] =	vst.idx.msk $0xffff, v2  }
0x3f9: {  	v14 =	vld [tilespmem:$0x1FDA0];
	v2 =	vor.u32 v35, v1;
	[tilespmem:v6+s2+$0x0] =	vst.idx.msk $0xffff, v3  }
0x3fa: {  	v3 =	vor.u32 v63, v1;
	v4 =	vld.idx.msk [tilespmem:v4+s30+$0x0], $0xffff  }
0x3fb: {  	v7 =	vor.u32 v23, v1;
	v5 =	vld.idx.msk [tilespmem:v5+s30+$0x0], $0xffff  }
0x3fc: {  	v10 =	vor.u32 s18, v32;
	v6 =	vor.u32 v43, v1;
	v8 =	vld.idx.msk [tilespmem:v8+s30+$0x0], $0xffff  }
0x3fd: {  	v11 =	vor.u32 s18, v28;
	v9 =	vld.idx.msk [tilespmem:v9+s30+$0x0], $0xffff  }
0x3fe: {  	v12 =	vor.u32 s18, v12;
	v2 =	vld.idx.msk [tilespmem:v2+s30+$0x0], $0xffff  }
0x3ff: {  	v13 =	vor.u32 s18, v13;
	v3 =	vld.idx.msk [tilespmem:v3+s30+$0x0], $0xffff  }
0x400: {  	v7 =	vld.idx.msk [tilespmem:v7+s30+$0x0], $0xffff;
	v5 =	vand.u32 $0x7FFFFFFF, v5  }
0x401: {  	v6 =	vld.idx.msk [tilespmem:v6+s30+$0x0], $0xffff;
	[tilespmem:v10+s2+$0x0] =	vst.idx.msk $0xffff, v5;
	v5 =	vand.u32 $0x7FFFFFFF, v8  }
0x402: {  	v4 =	vand.u32 $0x7FFFFFFF, v4;
	[tilespmem:v11+s2+$0x0] =	vst.idx.msk $0xffff, v5  }
0x403: {  	[tilespmem:v12+s2+$0x0] =	vst.idx.msk $0xffff, v4;
	v2 =	vand.u32 $0x7FFFFFFF, v2  }
0x404: {  	v14 =	vor.u32 s18, v14;
	[tilespmem:v13+s2+$0x0] =	vst.idx.msk $0xffff, v2;
	v2 =	vand.u32 $0x7FFFFFFF, v3;
	v3 =	vld [tilespmem:$0x1FFB0]  }
0x405: {  	v8 =	vor.u32 s18, v62  }
0x406: {  	v5 =	vor.u32 s18, v34  }
0x407: {  	v4 =	vor.u32 s18, v55  }
0x408: {  	v10 =	vor.u32 v41, v1  }
0x409: {  	[tilespmem:v14+s2+$0x0] =	vst.idx.msk $0xffff, v2;
	v2 =	vand.u32 $0x7FFFFFFF, v6;
	v3 =	vor.u32 v3, v1  }
0x40a: {  	v6 =	vor.u32 v54, v1;
	[tilespmem:v8+s2+$0x0] =	vst.idx.msk $0xffff, v2;
	v2 =	vand.u32 $0x7FFFFFFF, v7  }
0x40b: {  	v7 =	vor.u32 v42, v1;
	[tilespmem:v5+s2+$0x0] =	vst.idx.msk $0xffff, v2;
	v2 =	vand.u32 $0x7FFFFFFF, v9  }
0x40c: {  	v5 =	vor.u32 v47, v1;
	[tilespmem:v4+s2+$0x0] =	vst.idx.msk $0xffff, v2  }
0x40d: {  	v8 =	vor.u32 v37, v1;
	v4 =	vld.idx.msk [tilespmem:v10+s30+$0x0], $0xffff  }
0x40e: {  	v9 =	vor.u32 v38, v1;
	v3 =	vld.idx.msk [tilespmem:v3+s30+$0x0], $0xffff  }
0x40f: {  	v2 =	vor.u32 v17, v1;
	v10 =	vor.u32 s18, v16;
	v6 =	vld.idx.msk [tilespmem:v6+s30+$0x0], $0xffff  }
0x410: {  	v11 =	vor.u32 s18, v57;
	v7 =	vld.idx.msk [tilespmem:v7+s30+$0x0], $0xffff  }
0x411: {  	v12 =	vor.u32 s18, v36;
	v5 =	vld.idx.msk [tilespmem:v5+s30+$0x0], $0xffff  }
0x412: {  	v8 =	vld.idx.msk [tilespmem:v8+s30+$0x0], $0xffff  }
0x413: {  	v9 =	vld.idx.msk [tilespmem:v9+s30+$0x0], $0xffff;
	v3 =	vand.u32 $0x7FFFFFFF, v3  }
0x414: {  	v2 =	vld.idx.msk [tilespmem:v2+s30+$0x0], $0xffff;
	[tilespmem:v10+s2+$0x0] =	vst.idx.msk $0xffff, v3;
	v3 =	vand.u32 $0x7FFFFFFF, v6  }
0x415: {  	[tilespmem:v11+s2+$0x0] =	vst.idx.msk $0xffff, v3;
	v3 =	vand.u32 $0x7FFFFFFF, v4  }
0x416: {  	[tilespmem:v12+s2+$0x0] =	vst.idx.msk $0xffff, v3;
	v3 =	vand.u32 $0x7FFFFFFF, v5;
	v5 =	vld [tilespmem:$0x1FBD0]  }
0x417: {  	v13 =	vor.u32 s18, v33  }
0x418: {  	v14 =	vor.u32 s18, v39  }
0x419: {  	v6 =	vor.u32 s18, v18  }
0x41a: {  	v4 =	vor.u32 s18, v52  }
0x41b: {  	v5 =	vor.u32 s18, v5  }
0x41c: {  	v2 =	vand.u32 $0x7FFFFFFF, v2;
	[tilespmem:v13+s2+$0x0] =	vst.idx.msk $0xffff, v3  }
0x41d: {  	[tilespmem:v14+s2+$0x0] =	vst.idx.msk $0xffff, v2;
	v2 =	vand.u32 $0x7FFFFFFF, v7  }
0x41e: {  	[tilespmem:v6+s2+$0x0] =	vst.idx.msk $0xffff, v2;
	v2 =	vand.u32 $0x7FFFFFFF, v8  }
0x41f: {  	v10 =	vld [tilespmem:$0x1FB30];
	[tilespmem:v4+s2+$0x0] =	vst.idx.msk $0xffff, v2;
	v2 =	vand.u32 $0x7FFFFFFF, v9  }
0x420: {  	v4 =	vld [tilespmem:$0x1FB40];
	[tilespmem:v5+s2+$0x0] =	vst.idx.msk $0xffff, v2;
	v2 =	vor.u32 v20, v1;
	_ =	sdelay $0x2  }
0x421: {  	v3 =	vor.u32 v29, v1  }
0x422: {  	v10 =	vor.u32 v10, v1  }
0x423: {  	v4 =	vor.u32 v4, v1;
	v12 =	vld.idx.msk [tilespmem:v2+s30+$0x0], $0xffff  }
0x424: {  	v2 =	vld [tilespmem:$0x1FBE0]  }
0x425: {  	v5 =	vld [tilespmem:$0x1FB60]  }
0x426: {  	v9 =	vld.idx.msk [tilespmem:v3+s30+$0x0], $0xffff  }
0x427: {  	v7 =	vor.u32 v19, v1;
	v8 =	vld.idx.msk [tilespmem:v10+s30+$0x0], $0xffff  }
0x428: {  	v3 =	vor.u32 v22, v1;
	v10 =	vld.idx.msk [tilespmem:v4+s30+$0x0], $0xffff  }
0x429: {  	v13 =	vor.u32 s18, v2;
	v2 =	vld [tilespmem:$0x1FF80]  }
0x42a: {  	v4 =	vld [tilespmem:$0x1FFA0];
	_ =	sdelay $0x1  }
0x42b: {  	v7 =	vld.idx.msk [tilespmem:v7+s30+$0x0], $0xffff  }
0x42c: {  	v6 =	vor.u32 v40, v1;
	v1 =	vor.u32 v5, v1;
	v5 =	vld.idx.msk [tilespmem:v3+s30+$0x0], $0xffff  }
0x42d: {  	v14 =	vor.u32 s18, v2;
	v2 =	vld [tilespmem:$0x1FBF0]  }
0x42e: {  	v3 =	vld [tilespmem:$0x1FF60];
	v11 =	vor.u32 s18, v4;
	_ =	sdelay $0x2  }
0x42f: {  	v4 =	vld.idx.msk [tilespmem:v6+s30+$0x0], $0xffff  }
0x430: {  	v6 =	vor.u32 s18, v2;
	v2 =	vld.idx.msk [tilespmem:v1+s30+$0x0], $0xffff;
	v1 =	vand.u32 $0x7FFFFFFF, v7  }
0x431: {  	v7 =	vor.u32 s18, v3;
	v3 =	vld [tilespmem:$0x1FC10];
	[tilespmem:v11+s2+$0x0] =	vst.idx.msk $0xffff, v1;
	v1 =	vand.u32 $0x7FFFFFFF, v8  }
0x432: {  	p1 =	sne.s32 s13, $0xF80;
	[tilespmem:v13+s2+$0x0] =	vst.idx.msk $0xffff, v1;
	v1 =	vld [tilespmem:$0x1FF50]  }
.Ltmp5:
0x433: {  	s8 =	sadd.s32 $0x10, s8;
	(pc) =	sbr.rel @p1 .LBB2_11-.Ltmp5, $4  }
0x434: {  	v15 =	vmov s8  }
0x435: {  	v8 =	vor.u32 s18, v0;
	v11 =	vshll.u32 v15, $0x5;
	v15 =	vlaneseq.u32  }
0x436: {  	s14 =	smov.u32 s13;
	v13 =	vand.u32 $0x7FFFFFFF, v9;
	v9 =	vor.u32 s18, v27;
	v3 =	vor.u32 s18, v3  }
0x437: {  	s13 =	sadd.s32 $0x80, s13;
	s12 =	smov.u32 s14;
	[tilespmem:v14+s2+$0x0] =	vst.idx.msk $0xffff, v13;
	v1 =	vor.u32 v1, v11;
	v11 =	vand.u32 $0x7FFFFFFF, v10;
	v10 =	vand.u32 $0x7FFFFFFF, v12  }
0x438: {  	_ =	sdelay $0x3  }
0x439: {  	[tilespmem:v6+s2+$0x0] =	vst.idx.msk $0xffff, v11  }
0x43a: {  	v5 =	vand.u32 $0x7FFFFFFF, v5;
	[tilespmem:v7+s2+$0x0] =	vst.idx.msk $0xffff, v10  }
0x43b: {  	v12 =	vor.u32 v15, v1;
	v4 =	vand.u32 $0x7FFFFFFF, v4;
	[tilespmem:v8+s2+$0x0] =	vst.idx.msk $0xffff, v5  }
0x43c: {  	v6 =	vor.u32 v31, v1;
	v2 =	vand.u32 $0x7FFFFFFF, v2;
	[tilespmem:v9+s2+$0x0] =	vst.idx.msk $0xffff, v4  }
0x43d: {  	[tilespmem:v3+s2+$0x0] =	vst.idx.msk $0xffff, v2;
	v3 =	vor.u32 v51, v1  }
0x43e: {  	v7 =	vor.u32 v50, v1  }
0x43f: {  	v5 =	vor.u32 v48, v1  }
0x440: {  	v8 =	vor.u32 v30, v1;
	v2 =	vld.idx.msk [tilespmem:v12+s30+$0x0], $0xffff  }
0x441: {  	s12 =	sand.u32 $0xC00, s12;
	s8 =	sand.u32 $0x70, s8;
	v4 =	vor.u32 v49, v1;
	v6 =	vld.idx.msk [tilespmem:v6+s30+$0x0], $0xffff  }
0x442: {  	s8 =	sor.u32 s8, s12;
	v9 =	vor.u32 v46, v1;
	v3 =	vld.idx.msk [tilespmem:v3+s30+$0x0], $0xffff  }
0x443: {  	v10 =	vor.u32 s8, v53;
	v7 =	vld.idx.msk [tilespmem:v7+s30+$0x0], $0xffff  }
0x444: {  	v5 =	vld.idx.msk [tilespmem:v5+s30+$0x0], $0xffff  }
0x445: {  	v11 =	vor.u32 s8, v25;
	v8 =	vld.idx.msk [tilespmem:v8+s30+$0x0], $0xffff  }
0x446: {  	v12 =	vor.u32 s8, v26;
	v4 =	vld.idx.msk [tilespmem:v4+s30+$0x0], $0xffff  }
0x447: {  	v13 =	vor.u32 s8, v56;
	v9 =	vld.idx.msk [tilespmem:v9+s30+$0x0], $0xffff;
	[tilespmem:$0x1FAA0] =	vst v3;
	v3 =	vand.u32 $0x7FFFFFFF, v2  }
0x448: {  	v14 =	vor.u32 s8, v58;
	[tilespmem:v10+s2+$0x0] =	vst.idx.msk $0xffff, v3;
	v3 =	vld [tilespmem:$0x1FAA0]  }
0x449: {  	v6 =	vand.u32 $0x7FFFFFFF, v6;
	v2 =	vor.u32 s8, v24  }
0x44a: {  	v7 =	vand.u32 $0x7FFFFFFF, v7;
	v10 =	vor.u32 s8, v59;
	[tilespmem:v11+s2+$0x0] =	vst.idx.msk $0xffff, v6  }
0x44b: {  	v5 =	vand.u32 $0x7FFFFFFF, v5;
	v6 =	vor.u32 s8, v21;
	[tilespmem:v12+s2+$0x0] =	vst.idx.msk $0xffff, v7  }
0x44c: {  	v4 =	vand.u32 $0x7FFFFFFF, v4;
	[tilespmem:v13+s2+$0x0] =	vst.idx.msk $0xffff, v5;
	v5 =	vor.u32 v60, v1  }
0x44d: {  	[tilespmem:v14+s2+$0x0] =	vst.idx.msk $0xffff, v4;
	v3 =	vand.u32 $0x7FFFFFFF, v3  }
0x44e: {  	v7 =	vand.u32 $0x7FFFFFFF, v8;
	[tilespmem:v2+s2+$0x0] =	vst.idx.msk $0xffff, v3  }
0x44f: {  	v3 =	vand.u32 $0x7FFFFFFF, v9;
	[tilespmem:v10+s2+$0x0] =	vst.idx.msk $0xffff, v7  }
0x450: {  	[tilespmem:v6+s2+$0x0] =	vst.idx.msk $0xffff, v3  }
0x451: {  	v2 =	vor.u32 v61, v1;
	v5 =	vld.idx.msk [tilespmem:v5+s30+$0x0], $0xffff;
	_ =	sdelay $0x4  }
0x452: {  	[tilespmem:$0x1FAB0] =	vst v5;
	v5 =	vld.idx.msk [tilespmem:v2+s30+$0x0], $0xffff  }
0x453: {  	v2 =	vld [tilespmem:$0x1FD80];
	_ =	sdelay $0x3  }
0x454: {  	v4 =	vor.u32 v44, v1  }
0x455: {  	v12 =	vor.u32 s8, v2;
	v2 =	vld [tilespmem:$0x1FD90]  }
0x456: {  	v8 =	vor.u32 v23, v1  }
0x457: {  	v9 =	vor.u32 v45, v1  }
0x458: {  	v7 =	vor.u32 v35, v1  }
0x459: {  	v3 =	vor.u32 v63, v1;
	v4 =	vld.idx.msk [tilespmem:v4+s30+$0x0], $0xffff  }
0x45a: {  	v10 =	vor.u32 s8, v32;
	v6 =	vor.u32 v43, v1;
	v13 =	vor.u32 s8, v2;
	v2 =	vld [tilespmem:$0x1FDA0]  }
0x45b: {  	v11 =	vor.u32 s8, v28;
	v8 =	vld.idx.msk [tilespmem:v8+s30+$0x0], $0xffff  }
0x45c: {  	v9 =	vld.idx.msk [tilespmem:v9+s30+$0x0], $0xffff  }
0x45d: {  	v7 =	vld.idx.msk [tilespmem:v7+s30+$0x0], $0xffff  }
0x45e: {  	v3 =	vld.idx.msk [tilespmem:v3+s30+$0x0], $0xffff;
	v4 =	vand.u32 $0x7FFFFFFF, v4  }
0x45f: {  	v6 =	vld.idx.msk [tilespmem:v6+s30+$0x0], $0xffff;
	[tilespmem:v10+s2+$0x0] =	vst.idx.msk $0xffff, v4;
	v14 =	vor.u32 s8, v2;
	v2 =	vand.u32 $0x7FFFFFFF, v5  }
0x460: {  	[tilespmem:v11+s2+$0x0] =	vst.idx.msk $0xffff, v2;
	v2 =	vld [tilespmem:$0x1FAB0];
	_ =	sdelay $0x3  }
0x461: {  	v4 =	vor.u32 s8, v62  }
0x462: {  	v5 =	vor.u32 s8, v34;
	v2 =	vand.u32 $0x7FFFFFFF, v2  }
0x463: {  	[tilespmem:v12+s2+$0x0] =	vst.idx.msk $0xffff, v2;
	v2 =	vand.u32 $0x7FFFFFFF, v7;
	v7 =	vor.u32 s8, v55  }
0x464: {  	[tilespmem:v13+s2+$0x0] =	vst.idx.msk $0xffff, v2;
	v2 =	vand.u32 $0x7FFFFFFF, v3  }
0x465: {  	v10 =	vld [tilespmem:$0x1FFB0];
	[tilespmem:v14+s2+$0x0] =	vst.idx.msk $0xffff, v2;
	v2 =	vand.u32 $0x7FFFFFFF, v6  }
0x466: {  	[tilespmem:v4+s2+$0x0] =	vst.idx.msk $0xffff, v2;
	v2 =	vand.u32 $0x7FFFFFFF, v8  }
0x467: {  	[tilespmem:v5+s2+$0x0] =	vst.idx.msk $0xffff, v2;
	v2 =	vand.u32 $0x7FFFFFFF, v9  }
0x468: {  	[tilespmem:v7+s2+$0x0] =	vst.idx.msk $0xffff, v2;
	v2 =	vor.u32 v17, v1  }
0x469: {  	v3 =	vor.u32 v41, v1  }
0x46a: {  	v10 =	vor.u32 v10, v1  }
0x46b: {  	v4 =	vor.u32 v54, v1  }
0x46c: {  	v5 =	vor.u32 v47, v1  }
0x46d: {  	v2 =	vld.idx.msk [tilespmem:v2+s30+$0x0], $0xffff  }
0x46e: {  	v6 =	vor.u32 v42, v1;
	v3 =	vld.idx.msk [tilespmem:v3+s30+$0x0], $0xffff  }
0x46f: {  	v8 =	vor.u32 v37, v1;
	v7 =	vld.idx.msk [tilespmem:v10+s30+$0x0], $0xffff  }
0x470: {  	v9 =	vor.u32 v38, v1;
	v10 =	vor.u32 s8, v16;
	v4 =	vld.idx.msk [tilespmem:v4+s30+$0x0], $0xffff  }
0x471: {  	v11 =	vor.u32 s8, v57;
	v5 =	vld.idx.msk [tilespmem:v5+s30+$0x0], $0xffff  }
0x472: {  	v12 =	vor.u32 s8, v36;
	[tilespmem:$0x1FAC0] =	vst v2;
	v2 =	vld [tilespmem:$0x1FBD0]  }
0x473: {  	v6 =	vld.idx.msk [tilespmem:v6+s30+$0x0], $0xffff  }
0x474: {  	v8 =	vld.idx.msk [tilespmem:v8+s30+$0x0], $0xffff;
	v7 =	vand.u32 $0x7FFFFFFF, v7  }
0x475: {  	v9 =	vld.idx.msk [tilespmem:v9+s30+$0x0], $0xffff;
	[tilespmem:v10+s2+$0x0] =	vst.idx.msk $0xffff, v7;
	v4 =	vand.u32 $0x7FFFFFFF, v4  }
0x476: {  	v3 =	vand.u32 $0x7FFFFFFF, v3;
	[tilespmem:v11+s2+$0x0] =	vst.idx.msk $0xffff, v4  }
0x477: {  	v13 =	vor.u32 s8, v33;
	[tilespmem:v12+s2+$0x0] =	vst.idx.msk $0xffff, v3;
	v3 =	vand.u32 $0x7FFFFFFF, v5;
	v5 =	vor.u32 s8, v2;
	v2 =	vld [tilespmem:$0x1FAC0]  }
0x478: {  	v14 =	vor.u32 s8, v39  }
0x479: {  	v7 =	vor.u32 s8, v18  }
0x47a: {  	v4 =	vor.u32 s8, v52;
	_ =	sdelay $0x1  }
0x47b: {  	[tilespmem:v13+s2+$0x0] =	vst.idx.msk $0xffff, v3;
	v2 =	vand.u32 $0x7FFFFFFF, v2  }
0x47c: {  	v10 =	vld [tilespmem:$0x1FB30];
	[tilespmem:v14+s2+$0x0] =	vst.idx.msk $0xffff, v2;
	v2 =	vand.u32 $0x7FFFFFFF, v6  }
0x47d: {  	[tilespmem:v7+s2+$0x0] =	vst.idx.msk $0xffff, v2;
	v2 =	vand.u32 $0x7FFFFFFF, v8  }
0x47e: {  	[tilespmem:v4+s2+$0x0] =	vst.idx.msk $0xffff, v2;
	v4 =	vld [tilespmem:$0x1FB40]  }
0x47f: {  	v2 =	vand.u32 $0x7FFFFFFF, v9;
	v9 =	vld [tilespmem:$0x1FB60]  }
0x480: {  	v3 =	vor.u32 v29, v1  }
0x481: {  	v11 =	vld [tilespmem:$0x1FF80];
	v10 =	vor.u32 v10, v1  }
0x482: {  	v12 =	vld [tilespmem:$0x1FBF0];
	v6 =	vor.u32 v19, v1  }
0x483: {  	v13 =	vld [tilespmem:$0x1FF60];
	v7 =	vor.u32 v40, v1;
	[tilespmem:v5+s2+$0x0] =	vst.idx.msk $0xffff, v2;
	v2 =	vor.u32 v20, v1  }
0x484: {  	v5 =	vor.u32 v22, v1;
	v4 =	vor.u32 v4, v1;
	v1 =	vor.u32 v9, v1;
	v9 =	vld [tilespmem:$0x1FFA0]  }
0x485: {  	v3 =	vld.idx.msk [tilespmem:v3+s30+$0x0], $0xffff  }
0x486: {  	v8 =	vld.idx.msk [tilespmem:v10+s30+$0x0], $0xffff  }
0x487: {  	v10 =	vld [tilespmem:$0x1FBE0]  }
0x488: {  	v6 =	vld.idx.msk [tilespmem:v6+s30+$0x0], $0xffff  }
0x489: {  	v7 =	vld.idx.msk [tilespmem:v7+s30+$0x0], $0xffff;
	v9 =	vor.u32 s8, v9  }
0x48a: {  	v2 =	vld.idx.msk [tilespmem:v2+s30+$0x0], $0xffff  }
0x48b: {  	v5 =	vld.idx.msk [tilespmem:v5+s30+$0x0], $0xffff  }
0x48c: {  	v4 =	vld.idx.msk [tilespmem:v4+s30+$0x0], $0xffff  }
0x48d: {  	v10 =	vor.u32 s8, v10;
	v6 =	vand.u32 $0x7FFFFFFF, v6;
	v1 =	vld.idx.msk [tilespmem:v1+s30+$0x0], $0xffff  }
0x48e: {  	v11 =	vor.u32 s8, v11;
	[tilespmem:v9+s2+$0x0] =	vst.idx.msk $0xffff, v6;
	v9 =	vld [tilespmem:$0x1FC10]  }
0x48f: {  	v12 =	vor.u32 s8, v12  }
0x490: {  	v13 =	vor.u32 s8, v13  }
0x491: {  	v6 =	vand.u32 $0x7FFFFFFF, v8;
	v8 =	vor.u32 s8, v0  }
0x492: {  	v3 =	vand.u32 $0x7FFFFFFF, v3;
	[tilespmem:v10+s2+$0x0] =	vst.idx.msk $0xffff, v6;
	v6 =	vor.u32 s8, v27  }
0x493: {  	[tilespmem:v11+s2+$0x0] =	vst.idx.msk $0xffff, v3;
	v3 =	vand.u32 $0x7FFFFFFF, v4;
	v9 =	vor.u32 s8, v9  }
0x494: {  	v2 =	vand.u32 $0x7FFFFFFF, v2;
	[tilespmem:v12+s2+$0x0] =	vst.idx.msk $0xffff, v3  }
0x495: {  	[tilespmem:v13+s2+$0x0] =	vst.idx.msk $0xffff, v2;
	v2 =	vand.u32 $0x7FFFFFFF, v5  }
0x496: {  	[tilespmem:v8+s2+$0x0] =	vst.idx.msk $0xffff, v2;
	v2 =	vand.u32 $0x7FFFFFFF, v7  }
0x497: {  	s13 =	rddreg [dreg:$0xb];
	v1 =	vand.u32 $0x7FFFFFFF, v1;
	[tilespmem:v6+s2+$0x0] =	vst.idx.msk $0xffff, v2  }
0x498: {  	s14 =	rddreg [dreg:$0xc];
	s8 =	sadd.s32 s10, s13;
	[tilespmem:v9+s2+$0x0] =	vst.idx.msk $0xffff, v1  }
0x499: {  	[hbm4b:s8+s3] =	stream.linear.scatter [tilespmem:s2], [sflag:$0x3], $0x1000, $0x38;
	[tilespmem:$0x19000] =	vst v63  }
0x49a: {  	s15 =	rddreg [dreg:$0xd];
	s8 =	sadd.s32 s10, s14  }
0x49b: {  	[hbm4b:s8+s3] =	stream.linear.scatter [tilespmem:s24], [sflag:$0x3], $0x1000, $0x38;
	[tilespmem:$0x19000] =	vst v63  }
0x49c: {  	s16 =	rddreg [dreg:$0xe];
	s8 =	sadd.s32 s10, s15  }
0x49d: {  	[hbm4b:s8+s3] =	stream.linear.scatter [tilespmem:s29], [sflag:$0x3], $0x1000, $0x38;
	[tilespmem:$0x19000] =	vst v63  }
0x49e: {  	s8 =	sadd.s32 s10, s16  }
0x49f: {  	[hbm4b:s8+s3] =	stream.linear.scatter [tilespmem:s22], [sflag:$0x3], $0x1000, $0x38;
	[tilespmem:$0x19000] =	vst v63  }
0x4a0: {  	_ =	swait.ge [sflag:s31], $0x4000  }
0x4a1: {  	s12 =	simm.s32 @!p0 $0x9000;
	[sflag:s31] =	ssyncset.done $0x0  }
0x4a2: {  	s8 =	sxor.u32 @!p0 $0xC00, s9;
	s9 =	simm.s32 @!p0 $0x200;
	[sflag:s31] =	ssyncadd.s32 $0xFFFFC000  }
0x4a3: {  	[tilespmem:s12], [sflag:$0x2] =	stream.indirect.gather @!p0 [hbm4b:s4+s9], $0x20, s8, s9, $0xb8;
	[tilespmem:$0x19000] =	vst v63  }
0x4a4: {  	_ =	swait.ge [sflag:s25], $0x1000  }
0x4a5: {  	[sflag:s25] =	ssyncset.done $0x0  }
0x4a6: {  	[sflag:s25] =	ssyncadd.s32 $0xFFFFF000  }
0x4a7: {  	_ =	swait.ge [sflag:s25], $0x1000  }
0x4a8: {  	[sflag:s25] =	ssyncset.done $0x0  }
0x4a9: {  	[sflag:s25] =	ssyncadd.s32 $0xFFFFF000  }
0x4aa: {  	_ =	swait.ge [sflag:s25], $0x1000  }
0x4ab: {  	[sflag:s25] =	ssyncset.done $0x0  }
0x4ac: {  	v2 =	vld [tilespmem:$0x1FF50];
	[sflag:s25] =	ssyncadd.s32 $0xFFFFF000  }
0x4ad: {  	v3 =	vld [tilespmem:$0x1FDE0];
	_ =	swait.ge [sflag:s25], $0x1000  }
0x4ae: {  	v4 =	vld [tilespmem:$0x1FDF0]  }
0x4af: {  	v5 =	vld [tilespmem:$0x1FE00]  }
0x4b0: {  	s17 =	simm.s32 $0x0;
	v6 =	vld [tilespmem:$0x1FE10]  }
0x4b1: {  	v1 =	vmov s17;
	v7 =	vld [tilespmem:$0x1FE20]  }
0x4b2: {  	v1 =	vshll.u32 v1, $0x5;
	v8 =	vld [tilespmem:$0x1FE30]  }
0x4b3: {  	v9 =	vld [tilespmem:$0x1FE40];
	v1 =	vor.u32 v2, v1  }
0x4b4: {  	v10 =	vld [tilespmem:$0x1FE50];
	v2 =	vor.u32 v15, v1  }
0x4b5: {  	v11 =	vld [tilespmem:$0x1FFD0];
	v3 =	vor.u32 v3, v1  }
0x4b6: {  	v12 =	vld [tilespmem:$0x1FFE0];
	v4 =	vor.u32 v4, v1  }
0x4b7: {  	[sflag:s25] =	ssyncset.done $0x0;
	v13 =	vld [tilespmem:$0x1FE60];
	v5 =	vor.u32 v5, v1  }
0x4b8: {  	v14 =	vld [tilespmem:$0x1FE70];
	[sflag:s25] =	ssyncadd.s32 $0xFFFFF000;
	v6 =	vor.u32 v6, v1  }
0x4b9: {  	v7 =	vor.u32 v7, v1;
	v2 =	vld.idx.msk [tilespmem:v2+s0+$0x0], $0xffff  }
0x4ba: {  	s18 =	sand.u32 $0xC00, s17;
	s8 =	sand.u32 $0x70, s17;
	v8 =	vor.u32 v8, v1;
	v3 =	vld.idx.msk [tilespmem:v3+s0+$0x0], $0xffff  }
0x4bb: {  	s9 =	sor.u32 s8, s18;
	v9 =	vor.u32 v9, v1;
	v4 =	vld.idx.msk [tilespmem:v4+s0+$0x0], $0xffff  }
0x4bc: {  	v10 =	vor.u32 s9, v10;
	v5 =	vld.idx.msk [tilespmem:v5+s0+$0x0], $0xffff  }
0x4bd: {  	v6 =	vld.idx.msk [tilespmem:v6+s0+$0x0], $0xffff  }
0x4be: {  	v7 =	vld.idx.msk [tilespmem:v7+s0+$0x0], $0xffff  }
0x4bf: {  	v11 =	vor.u32 s9, v11;
	v8 =	vld.idx.msk [tilespmem:v8+s0+$0x0], $0xffff  }
0x4c0: {  	v12 =	vor.u32 s9, v12;
	v9 =	vld.idx.msk [tilespmem:v9+s0+$0x0], $0xffff;
	v2 =	vand.u32 $0x7FFFFFFF, v2  }
0x4c1: {  	[tilespmem:v10+s1+$0x0] =	vst.idx.msk $0xffff, v2;
	v2 =	vld [tilespmem:$0x1FE80];
	_ =	sdelay $0x1  }
0x4c2: {  	v13 =	vor.u32 s9, v13;
	v3 =	vand.u32 $0x7FFFFFFF, v3;
	v10 =	vld [tilespmem:$0x1FE90]  }
0x4c3: {  	v4 =	vand.u32 $0x7FFFFFFF, v4;
	[tilespmem:v11+s1+$0x0] =	vst.idx.msk $0xffff, v3;
	v3 =	vand.u32 $0x7FFFFFFF, v5;
	v5 =	vld [tilespmem:$0x1FEA0]  }
0x4c4: {  	v14 =	vor.u32 s9, v14;
	v11 =	vld [tilespmem:$0x1FD70];
	[tilespmem:v12+s1+$0x0] =	vst.idx.msk $0xffff, v4;
	v4 =	vand.u32 $0x7FFFFFFF, v6  }
0x4c5: {  	v6 =	vand.u32 $0x7FFFFFFF, v7;
	v7 =	vand.u32 $0x7FFFFFFF, v8;
	v8 =	vld [tilespmem:$0x1FD50];
	v2 =	vor.u32 s9, v2  }
0x4c6: {  	v12 =	vld [tilespmem:$0x1FD80]  }
0x4c7: {  	[tilespmem:v13+s1+$0x0] =	vst.idx.msk $0xffff, v3;
	v3 =	vld [tilespmem:$0x1FED0];
	v10 =	vor.u32 s9, v10  }
0x4c8: {  	v13 =	vld [tilespmem:$0x1FD90];
	v5 =	vor.u32 s9, v5  }
0x4c9: {  	[tilespmem:v14+s1+$0x0] =	vst.idx.msk $0xffff, v4;
	v4 =	vld [tilespmem:$0x1FEB0]  }
0x4ca: {  	[tilespmem:v2+s1+$0x0] =	vst.idx.msk $0xffff, v6;
	v2 =	vld [tilespmem:$0x1FEC0]  }
0x4cb: {  	v6 =	vand.u32 $0x7FFFFFFF, v9;
	v9 =	vld [tilespmem:$0x1FF70]  }
0x4cc: {  	v3 =	vor.u32 v3, v1;
	[tilespmem:v10+s1+$0x0] =	vst.idx.msk $0xffff, v7;
	v7 =	vld [tilespmem:$0x1FEE0]  }
0x4cd: {  	v8 =	vor.u32 v8, v1;
	[tilespmem:v5+s1+$0x0] =	vst.idx.msk $0xffff, v6;
	v5 =	vld [tilespmem:$0x1FD30]  }
0x4ce: {  	v4 =	vor.u32 v4, v1;
	v6 =	vld [tilespmem:$0x1FD40]  }
0x4cf: {  	v10 =	vld [tilespmem:$0x1FD60];
	v2 =	vor.u32 v2, v1  }
0x4d0: {  	v14 =	vld [tilespmem:$0x1FDA0];
	v9 =	vor.u32 v9, v1  }
0x4d1: {  	v3 =	vld.idx.msk [tilespmem:v3+s0+$0x0], $0xffff;
	v7 =	vor.u32 v7, v1  }
0x4d2: {  	v8 =	vld.idx.msk [tilespmem:v8+s0+$0x0], $0xffff;
	v5 =	vor.u32 v5, v1  }
0x4d3: {  	v4 =	vld.idx.msk [tilespmem:v4+s0+$0x0], $0xffff;
	v6 =	vor.u32 v6, v1  }
0x4d4: {  	v10 =	vor.u32 s9, v10;
	v2 =	vld.idx.msk [tilespmem:v2+s0+$0x0], $0xffff  }
0x4d5: {  	v9 =	vld.idx.msk [tilespmem:v9+s0+$0x0], $0xffff  }
0x4d6: {  	v11 =	vor.u32 s9, v11;
	v7 =	vld.idx.msk [tilespmem:v7+s0+$0x0], $0xffff  }
0x4d7: {  	v12 =	vor.u32 s9, v12;
	v5 =	vld.idx.msk [tilespmem:v5+s0+$0x0], $0xffff  }
0x4d8: {  	v4 =	vand.u32 $0x7FFFFFFF, v4;
	v6 =	vld.idx.msk [tilespmem:v6+s0+$0x0], $0xffff  }
0x4d9: {  	[tilespmem:v10+s1+$0x0] =	vst.idx.msk $0xffff, v4;
	v4 =	vld [tilespmem:$0x1FDB0]  }
0x4da: {  	v2 =	vand.u32 $0x7FFFFFFF, v2  }
0x4db: {  	[tilespmem:v11+s1+$0x0] =	vst.idx.msk $0xffff, v2;
	v2 =	vand.u32 $0x7FFFFFFF, v3;
	v3 =	vld [tilespmem:$0x1FDC0]  }
0x4dc: {  	v13 =	vor.u32 s9, v13;
	[tilespmem:v12+s1+$0x0] =	vst.idx.msk $0xffff, v2;
	v2 =	vand.u32 $0x7FFFFFFF, v7;
	v7 =	vld [tilespmem:$0x1FDD0]  }
0x4dd: {  	v14 =	vor.u32 s9, v14;
	v10 =	vld [tilespmem:$0x1FFB0]  }
0x4de: {  	v4 =	vor.u32 s9, v4;
	_ =	sdelay $0x1  }
0x4df: {  	v11 =	vld [tilespmem:$0x1FF00];
	v3 =	vor.u32 s9, v3  }
0x4e0: {  	[tilespmem:v13+s1+$0x0] =	vst.idx.msk $0xffff, v2;
	v2 =	vand.u32 $0x7FFFFFFF, v5;
	v5 =	vld [tilespmem:$0x1FCF0];
	v7 =	vor.u32 s9, v7  }
0x4e1: {  	v10 =	vor.u32 v10, v1;
	[tilespmem:v14+s1+$0x0] =	vst.idx.msk $0xffff, v2;
	v2 =	vand.u32 $0x7FFFFFFF, v6;
	v6 =	vld [tilespmem:$0x1FB00]  }
0x4e2: {  	[tilespmem:v4+s1+$0x0] =	vst.idx.msk $0xffff, v2;
	v4 =	vld [tilespmem:$0x1FFF0]  }
0x4e3: {  	v12 =	vld [tilespmem:$0x1FF10];
	v2 =	vand.u32 $0x7FFFFFFF, v8  }
0x4e4: {  	v8 =	vld [tilespmem:$0x1FB10];
	[tilespmem:v3+s1+$0x0] =	vst.idx.msk $0xffff, v2;
	v2 =	vand.u32 $0x7FFFFFFF, v9  }
0x4e5: {  	v5 =	vor.u32 v5, v1;
	v9 =	vld [tilespmem:$0x1FB20];
	[tilespmem:v7+s1+$0x0] =	vst.idx.msk $0xffff, v2  }
0x4e6: {  	v6 =	vor.u32 v6, v1;
	v7 =	vld.idx.msk [tilespmem:v10+s0+$0x0], $0xffff  }
0x4e7: {  	v4 =	vor.u32 v4, v1;
	v10 =	vld [tilespmem:$0x1FEF0]  }
0x4e8: {  	v13 =	vld [tilespmem:$0x1FF20];
	v3 =	vor.u32 v47, v1  }
0x4e9: {  	v14 =	vld [tilespmem:$0x1FF30];
	v2 =	vor.u32 v17, v1  }
0x4ea: {  	v8 =	vor.u32 v8, v1;
	v5 =	vld.idx.msk [tilespmem:v5+s0+$0x0], $0xffff  }
0x4eb: {  	v6 =	vld.idx.msk [tilespmem:v6+s0+$0x0], $0xffff;
	v9 =	vor.u32 v9, v1  }
0x4ec: {  	v4 =	vld.idx.msk [tilespmem:v4+s0+$0x0], $0xffff;
	v10 =	vor.u32 s9, v10  }
0x4ed: {  	v11 =	vor.u32 s9, v11;
	v3 =	vld.idx.msk [tilespmem:v3+s0+$0x0], $0xffff  }
0x4ee: {  	v12 =	vor.u32 s9, v12;
	v2 =	vld.idx.msk [tilespmem:v2+s0+$0x0], $0xffff  }
0x4ef: {  	v8 =	vld.idx.msk [tilespmem:v8+s0+$0x0], $0xffff  }
0x4f0: {  	v7 =	vand.u32 $0x7FFFFFFF, v7;
	v9 =	vld.idx.msk [tilespmem:v9+s0+$0x0], $0xffff  }
0x4f1: {  	v4 =	vand.u32 $0x7FFFFFFF, v4;
	[tilespmem:v10+s1+$0x0] =	vst.idx.msk $0xffff, v7;
	v7 =	vld [tilespmem:$0x1FF40]  }
0x4f2: {  	[tilespmem:v11+s1+$0x0] =	vst.idx.msk $0xffff, v4;
	v4 =	vand.u32 $0x7FFFFFFF, v5;
	v5 =	vld [tilespmem:$0x1FFC0]  }
0x4f3: {  	[tilespmem:v12+s1+$0x0] =	vst.idx.msk $0xffff, v4;
	v4 =	vld [tilespmem:$0x1FBD0]  }
0x4f4: {  	v13 =	vor.u32 s9, v13  }
0x4f5: {  	v14 =	vor.u32 s9, v14  }
0x4f6: {  	v7 =	vor.u32 s9, v7  }
0x4f7: {  	v5 =	vor.u32 s9, v5  }
0x4f8: {  	v3 =	vand.u32 $0x7FFFFFFF, v3;
	v4 =	vor.u32 s9, v4  }
0x4f9: {  	v2 =	vand.u32 $0x7FFFFFFF, v2;
	[tilespmem:v13+s1+$0x0] =	vst.idx.msk $0xffff, v3  }
0x4fa: {  	v10 =	vld [tilespmem:$0x1FB30];
	[tilespmem:v14+s1+$0x0] =	vst.idx.msk $0xffff, v2;
	v2 =	vand.u32 $0x7FFFFFFF, v6  }
0x4fb: {  	v3 =	vor.u32 v29, v1;
	[tilespmem:v7+s1+$0x0] =	vst.idx.msk $0xffff, v2;
	v2 =	vand.u32 $0x7FFFFFFF, v8  }
0x4fc: {  	v6 =	vor.u32 v19, v1;
	[tilespmem:v5+s1+$0x0] =	vst.idx.msk $0xffff, v2;
	v2 =	vand.u32 $0x7FFFFFFF, v9;
	v5 =	vld [tilespmem:$0x1FB40]  }
0x4fd: {  	[tilespmem:v4+s1+$0x0] =	vst.idx.msk $0xffff, v2;
	v2 =	vor.u32 v20, v1;
	_ =	sdelay $0x1  }
0x4fe: {  	v10 =	vor.u32 v10, v1  }
0x4ff: {  	v9 =	vld.idx.msk [tilespmem:v3+s0+$0x0], $0xffff  }
0x500: {  	v7 =	vld.idx.msk [tilespmem:v6+s0+$0x0], $0xffff;
	v5 =	vor.u32 v5, v1  }
0x501: {  	v12 =	vld.idx.msk [tilespmem:v2+s0+$0x0], $0xffff  }
0x502: {  	v2 =	vld [tilespmem:$0x1FBE0]  }
0x503: {  	v8 =	vld.idx.msk [tilespmem:v10+s0+$0x0], $0xffff  }
0x504: {  	v6 =	vld [tilespmem:$0x1FB60]  }
0x505: {  	v10 =	vld.idx.msk [tilespmem:v5+s0+$0x0], $0xffff  }
0x506: {  	v3 =	vor.u32 v22, v1;
	v5 =	vld [tilespmem:$0x1FFA0]  }
0x507: {  	v13 =	vor.u32 s9, v2;
	v2 =	vld [tilespmem:$0x1FF80];
	_ =	sdelay $0x3  }
0x508: {  	v4 =	vor.u32 v40, v1;
	v11 =	vor.u32 s9, v5;
	v5 =	vld.idx.msk [tilespmem:v3+s0+$0x0], $0xffff  }
0x509: {  	v1 =	vor.u32 v6, v1;
	v14 =	vor.u32 s9, v2;
	v2 =	vld [tilespmem:$0x1FBF0]  }
0x50a: {  	v3 =	vld [tilespmem:$0x1FF60];
	_ =	sdelay $0x2  }
0x50b: {  	v4 =	vld.idx.msk [tilespmem:v4+s0+$0x0], $0xffff  }
0x50c: {  	v6 =	vor.u32 s9, v2;
	v2 =	vld.idx.msk [tilespmem:v1+s0+$0x0], $0xffff  }
0x50d: {  	v1 =	vand.u32 $0x7FFFFFFF, v7;
	v7 =	vor.u32 s9, v3;
	v3 =	vld [tilespmem:$0x1FC10]  }
0x50e: {  	[tilespmem:v11+s1+$0x0] =	vst.idx.msk $0xffff, v1;
	v11 =	vand.u32 $0x7FFFFFFF, v8;
	v8 =	vld [tilespmem:$0x1FC00]  }
0x50f: {  	[tilespmem:v13+s1+$0x0] =	vst.idx.msk $0xffff, v11;
	v11 =	vand.u32 $0x7FFFFFFF, v9;
	v9 =	vld [tilespmem:$0x1FF90]  }
0x510: {  	[tilespmem:v14+s1+$0x0] =	vst.idx.msk $0xffff, v11;
	v11 =	vld [tilespmem:$0x1FF50];
	_ =	sdelay $0x1  }
0x511: {  	s8 =	simm.s32 $0x10  }
0x512: {  	v1 =	vmov s8;
	v8 =	vor.u32 s9, v8  }
0x513: {  	v1 =	vshll.u32 v1, $0x5;
	v3 =	vor.u32 s9, v3;
	v9 =	vor.u32 s9, v9  }
0x514: {  	s12 =	simm.s32 $0x100;
	s9 =	simm.s32 $0x80;
	v1 =	vor.u32 v11, v1;
	v11 =	vand.u32 $0x7FFFFFFF, v10;
	v10 =	vand.u32 $0x7FFFFFFF, v12  }
.LBB2_13:
0x515: {  	v12 =	vor.u32 v15, v1;
	[tilespmem:v6+s1+$0x0] =	vst.idx.msk $0xffff, v11  }
0x516: {  	v6 =	vor.u32 v31, v1;
	v5 =	vand.u32 $0x7FFFFFFF, v5;
	[tilespmem:v7+s1+$0x0] =	vst.idx.msk $0xffff, v10  }
0x517: {  	v4 =	vand.u32 $0x7FFFFFFF, v4;
	v7 =	vor.u32 v50, v1;
	[tilespmem:v8+s1+$0x0] =	vst.idx.msk $0xffff, v5  }
0x518: {  	v2 =	vand.u32 $0x7FFFFFFF, v2;
	v5 =	vor.u32 v48, v1;
	[tilespmem:v9+s1+$0x0] =	vst.idx.msk $0xffff, v4  }
0x519: {  	v8 =	vor.u32 v30, v1;
	[tilespmem:v3+s1+$0x0] =	vst.idx.msk $0xffff, v2  }
0x51a: {  	s14 =	sand.u32 $0xC00, s9;
	s15 =	sand.u32 $0x70, s8;
	v4 =	vor.u32 v49, v1;
	v2 =	vld.idx.msk [tilespmem:v12+s0+$0x0], $0xffff  }
0x51b: {  	s18 =	sor.u32 s15, s14;
	v3 =	vor.u32 v51, v1;
	v6 =	vld.idx.msk [tilespmem:v6+s0+$0x0], $0xffff  }
0x51c: {  	v10 =	vor.u32 s18, v53;
	v9 =	vor.u32 v46, v1;
	v7 =	vld.idx.msk [tilespmem:v7+s0+$0x0], $0xffff  }
0x51d: {  	v11 =	vor.u32 s18, v25;
	v5 =	vld.idx.msk [tilespmem:v5+s0+$0x0], $0xffff  }
0x51e: {  	v12 =	vor.u32 s18, v26;
	v8 =	vld.idx.msk [tilespmem:v8+s0+$0x0], $0xffff  }
0x51f: {  	v13 =	vor.u32 s18, v56;
	v4 =	vld.idx.msk [tilespmem:v4+s0+$0x0], $0xffff  }
0x520: {  	v14 =	vor.u32 s18, v58;
	v3 =	vld.idx.msk [tilespmem:v3+s0+$0x0], $0xffff;
	v2 =	vand.u32 $0x7FFFFFFF, v2  }
0x521: {  	v15 =	vor.u32 s18, v24;
	v9 =	vld.idx.msk [tilespmem:v9+s0+$0x0], $0xffff;
	v6 =	vand.u32 $0x7FFFFFFF, v6;
	[tilespmem:v10+s1+$0x0] =	vst.idx.msk $0xffff, v2  }
0x522: {  	v2 =	vand.u32 $0x7FFFFFFF, v7;
	v7 =	vor.u32 s18, v59;
	[tilespmem:v11+s1+$0x0] =	vst.idx.msk $0xffff, v6  }
0x523: {  	v5 =	vand.u32 $0x7FFFFFFF, v5;
	v6 =	vor.u32 s18, v21;
	[tilespmem:v12+s1+$0x0] =	vst.idx.msk $0xffff, v2  }
0x524: {  	v2 =	vand.u32 $0x7FFFFFFF, v4;
	v4 =	vor.u32 v60, v1;
	[tilespmem:v13+s1+$0x0] =	vst.idx.msk $0xffff, v5  }
0x525: {  	v3 =	vand.u32 $0x7FFFFFFF, v3;
	v5 =	vor.u32 v44, v1;
	[tilespmem:v14+s1+$0x0] =	vst.idx.msk $0xffff, v2  }
0x526: {  	v12 =	vld [tilespmem:$0x1FD80];
	v2 =	vand.u32 $0x7FFFFFFF, v8;
	v8 =	vor.u32 v61, v1;
	[tilespmem:v15+s1+$0x0] =	vst.idx.msk $0xffff, v3  }
0x527: {  	v13 =	vld [tilespmem:$0x1FD90];
	v3 =	vand.u32 $0x7FFFFFFF, v9;
	v9 =	vor.u32 v45, v1;
	[tilespmem:v7+s1+$0x0] =	vst.idx.msk $0xffff, v2  }
0x528: {  	v14 =	vld [tilespmem:$0x1FDA0];
	v2 =	vor.u32 v35, v1;
	[tilespmem:v6+s1+$0x0] =	vst.idx.msk $0xffff, v3  }
0x529: {  	v3 =	vor.u32 v63, v1;
	v4 =	vld.idx.msk [tilespmem:v4+s0+$0x0], $0xffff  }
0x52a: {  	v7 =	vor.u32 v23, v1;
	v5 =	vld.idx.msk [tilespmem:v5+s0+$0x0], $0xffff  }
0x52b: {  	v10 =	vor.u32 s18, v32;
	v6 =	vor.u32 v43, v1;
	v8 =	vld.idx.msk [tilespmem:v8+s0+$0x0], $0xffff  }
0x52c: {  	v11 =	vor.u32 s18, v28;
	v9 =	vld.idx.msk [tilespmem:v9+s0+$0x0], $0xffff  }
0x52d: {  	v12 =	vor.u32 s18, v12;
	v2 =	vld.idx.msk [tilespmem:v2+s0+$0x0], $0xffff  }
0x52e: {  	v13 =	vor.u32 s18, v13;
	v3 =	vld.idx.msk [tilespmem:v3+s0+$0x0], $0xffff  }
0x52f: {  	v7 =	vld.idx.msk [tilespmem:v7+s0+$0x0], $0xffff;
	v5 =	vand.u32 $0x7FFFFFFF, v5  }
0x530: {  	v6 =	vld.idx.msk [tilespmem:v6+s0+$0x0], $0xffff;
	[tilespmem:v10+s1+$0x0] =	vst.idx.msk $0xffff, v5;
	v5 =	vand.u32 $0x7FFFFFFF, v8  }
0x531: {  	v4 =	vand.u32 $0x7FFFFFFF, v4;
	[tilespmem:v11+s1+$0x0] =	vst.idx.msk $0xffff, v5  }
0x532: {  	[tilespmem:v12+s1+$0x0] =	vst.idx.msk $0xffff, v4;
	v2 =	vand.u32 $0x7FFFFFFF, v2  }
0x533: {  	v14 =	vor.u32 s18, v14;
	[tilespmem:v13+s1+$0x0] =	vst.idx.msk $0xffff, v2;
	v2 =	vand.u32 $0x7FFFFFFF, v3;
	v3 =	vld [tilespmem:$0x1FFB0]  }
0x534: {  	v8 =	vor.u32 s18, v62  }
0x535: {  	v5 =	vor.u32 s18, v34  }
0x536: {  	v4 =	vor.u32 s18, v55  }
0x537: {  	v10 =	vor.u32 v41, v1  }
0x538: {  	[tilespmem:v14+s1+$0x0] =	vst.idx.msk $0xffff, v2;
	v2 =	vand.u32 $0x7FFFFFFF, v6;
	v3 =	vor.u32 v3, v1  }
0x539: {  	v6 =	vor.u32 v54, v1;
	[tilespmem:v8+s1+$0x0] =	vst.idx.msk $0xffff, v2;
	v2 =	vand.u32 $0x7FFFFFFF, v7  }
0x53a: {  	v7 =	vor.u32 v42, v1;
	[tilespmem:v5+s1+$0x0] =	vst.idx.msk $0xffff, v2;
	v2 =	vand.u32 $0x7FFFFFFF, v9  }
0x53b: {  	v5 =	vor.u32 v47, v1;
	[tilespmem:v4+s1+$0x0] =	vst.idx.msk $0xffff, v2  }
0x53c: {  	v8 =	vor.u32 v37, v1;
	v4 =	vld.idx.msk [tilespmem:v10+s0+$0x0], $0xffff  }
0x53d: {  	v9 =	vor.u32 v38, v1;
	v3 =	vld.idx.msk [tilespmem:v3+s0+$0x0], $0xffff  }
0x53e: {  	v2 =	vor.u32 v17, v1;
	v10 =	vor.u32 s18, v16;
	v6 =	vld.idx.msk [tilespmem:v6+s0+$0x0], $0xffff  }
0x53f: {  	v11 =	vor.u32 s18, v57;
	v7 =	vld.idx.msk [tilespmem:v7+s0+$0x0], $0xffff  }
0x540: {  	v12 =	vor.u32 s18, v36;
	v5 =	vld.idx.msk [tilespmem:v5+s0+$0x0], $0xffff  }
0x541: {  	v8 =	vld.idx.msk [tilespmem:v8+s0+$0x0], $0xffff  }
0x542: {  	v9 =	vld.idx.msk [tilespmem:v9+s0+$0x0], $0xffff;
	v3 =	vand.u32 $0x7FFFFFFF, v3  }
0x543: {  	v2 =	vld.idx.msk [tilespmem:v2+s0+$0x0], $0xffff;
	[tilespmem:v10+s1+$0x0] =	vst.idx.msk $0xffff, v3;
	v3 =	vand.u32 $0x7FFFFFFF, v6  }
0x544: {  	[tilespmem:v11+s1+$0x0] =	vst.idx.msk $0xffff, v3;
	v3 =	vand.u32 $0x7FFFFFFF, v4  }
0x545: {  	[tilespmem:v12+s1+$0x0] =	vst.idx.msk $0xffff, v3;
	v3 =	vand.u32 $0x7FFFFFFF, v5;
	v5 =	vld [tilespmem:$0x1FBD0]  }
0x546: {  	v13 =	vor.u32 s18, v33  }
0x547: {  	v14 =	vor.u32 s18, v39  }
0x548: {  	v6 =	vor.u32 s18, v18  }
0x549: {  	v4 =	vor.u32 s18, v52  }
0x54a: {  	v5 =	vor.u32 s18, v5  }
0x54b: {  	v2 =	vand.u32 $0x7FFFFFFF, v2;
	[tilespmem:v13+s1+$0x0] =	vst.idx.msk $0xffff, v3  }
0x54c: {  	[tilespmem:v14+s1+$0x0] =	vst.idx.msk $0xffff, v2;
	v2 =	vand.u32 $0x7FFFFFFF, v7  }
0x54d: {  	[tilespmem:v6+s1+$0x0] =	vst.idx.msk $0xffff, v2;
	v2 =	vand.u32 $0x7FFFFFFF, v8  }
0x54e: {  	v10 =	vld [tilespmem:$0x1FB30];
	[tilespmem:v4+s1+$0x0] =	vst.idx.msk $0xffff, v2;
	v2 =	vand.u32 $0x7FFFFFFF, v9  }
0x54f: {  	v4 =	vld [tilespmem:$0x1FB40];
	[tilespmem:v5+s1+$0x0] =	vst.idx.msk $0xffff, v2;
	v2 =	vor.u32 v20, v1;
	_ =	sdelay $0x2  }
0x550: {  	v3 =	vor.u32 v29, v1  }
0x551: {  	v10 =	vor.u32 v10, v1  }
0x552: {  	v4 =	vor.u32 v4, v1;
	v12 =	vld.idx.msk [tilespmem:v2+s0+$0x0], $0xffff  }
0x553: {  	v2 =	vld [tilespmem:$0x1FBE0]  }
0x554: {  	v5 =	vld [tilespmem:$0x1FB60]  }
0x555: {  	v9 =	vld.idx.msk [tilespmem:v3+s0+$0x0], $0xffff  }
0x556: {  	v7 =	vor.u32 v19, v1;
	v8 =	vld.idx.msk [tilespmem:v10+s0+$0x0], $0xffff  }
0x557: {  	v3 =	vor.u32 v22, v1;
	v10 =	vld.idx.msk [tilespmem:v4+s0+$0x0], $0xffff  }
0x558: {  	v13 =	vor.u32 s18, v2;
	v2 =	vld [tilespmem:$0x1FF80]  }
0x559: {  	v4 =	vld [tilespmem:$0x1FFA0];
	_ =	sdelay $0x1  }
0x55a: {  	v7 =	vld.idx.msk [tilespmem:v7+s0+$0x0], $0xffff  }
0x55b: {  	v6 =	vor.u32 v40, v1;
	v1 =	vor.u32 v5, v1;
	v5 =	vld.idx.msk [tilespmem:v3+s0+$0x0], $0xffff  }
0x55c: {  	v14 =	vor.u32 s18, v2;
	v2 =	vld [tilespmem:$0x1FBF0]  }
0x55d: {  	v3 =	vld [tilespmem:$0x1FF60];
	v11 =	vor.u32 s18, v4;
	_ =	sdelay $0x2  }
0x55e: {  	v4 =	vld.idx.msk [tilespmem:v6+s0+$0x0], $0xffff  }
0x55f: {  	v6 =	vor.u32 s18, v2;
	v2 =	vld.idx.msk [tilespmem:v1+s0+$0x0], $0xffff;
	v1 =	vand.u32 $0x7FFFFFFF, v7  }
0x560: {  	v7 =	vor.u32 s18, v3;
	v3 =	vld [tilespmem:$0x1FC10];
	[tilespmem:v11+s1+$0x0] =	vst.idx.msk $0xffff, v1;
	v1 =	vand.u32 $0x7FFFFFFF, v8  }
0x561: {  	p0 =	sne.s32 s12, $0xF80;
	[tilespmem:v13+s1+$0x0] =	vst.idx.msk $0xffff, v1;
	v1 =	vld [tilespmem:$0x1FF50]  }
.Ltmp6:
0x562: {  	s8 =	sadd.s32 $0x10, s8;
	(pc) =	sbr.rel @p0 .LBB2_13-.Ltmp6, $4  }
0x563: {  	v15 =	vmov s8  }
0x564: {  	v8 =	vor.u32 s18, v0;
	v11 =	vshll.u32 v15, $0x5;
	v15 =	vlaneseq.u32  }
0x565: {  	s13 =	smov.u32 s12;
	v13 =	vand.u32 $0x7FFFFFFF, v9;
	v9 =	vor.u32 s18, v27;
	v3 =	vor.u32 s18, v3  }
0x566: {  	s12 =	sadd.s32 $0x80, s12;
	s9 =	smov.u32 s13;
	[tilespmem:v14+s1+$0x0] =	vst.idx.msk $0xffff, v13;
	v1 =	vor.u32 v1, v11;
	v11 =	vand.u32 $0x7FFFFFFF, v10;
	v10 =	vand.u32 $0x7FFFFFFF, v12  }
0x567: {  	_ =	sdelay $0x3  }
0x568: {  	v12 =	vor.u32 v15, v1;
	[tilespmem:v6+s1+$0x0] =	vst.idx.msk $0xffff, v11  }
0x569: {  	v6 =	vor.u32 v31, v1;
	v5 =	vand.u32 $0x7FFFFFFF, v5;
	[tilespmem:v7+s1+$0x0] =	vst.idx.msk $0xffff, v10  }
0x56a: {  	v4 =	vand.u32 $0x7FFFFFFF, v4;
	v7 =	vor.u32 v50, v1;
	[tilespmem:v8+s1+$0x0] =	vst.idx.msk $0xffff, v5  }
0x56b: {  	v2 =	vand.u32 $0x7FFFFFFF, v2;
	v5 =	vor.u32 v48, v1;
	[tilespmem:v9+s1+$0x0] =	vst.idx.msk $0xffff, v4  }
0x56c: {  	v8 =	vor.u32 v30, v1;
	[tilespmem:v3+s1+$0x0] =	vst.idx.msk $0xffff, v2  }
0x56d: {  	s9 =	sand.u32 $0xC00, s9;
	s8 =	sand.u32 $0x70, s8;
	v4 =	vor.u32 v49, v1;
	v2 =	vld.idx.msk [tilespmem:v12+s0+$0x0], $0xffff  }
0x56e: {  	s8 =	sor.u32 s8, s9;
	v3 =	vor.u32 v51, v1;
	v6 =	vld.idx.msk [tilespmem:v6+s0+$0x0], $0xffff  }
0x56f: {  	v10 =	vor.u32 s8, v53;
	v9 =	vor.u32 v46, v1;
	v7 =	vld.idx.msk [tilespmem:v7+s0+$0x0], $0xffff  }
0x570: {  	v11 =	vor.u32 s8, v25;
	v5 =	vld.idx.msk [tilespmem:v5+s0+$0x0], $0xffff  }
0x571: {  	v12 =	vor.u32 s8, v26;
	v8 =	vld.idx.msk [tilespmem:v8+s0+$0x0], $0xffff  }
0x572: {  	v13 =	vor.u32 s8, v56;
	v4 =	vld.idx.msk [tilespmem:v4+s0+$0x0], $0xffff  }
0x573: {  	v14 =	vor.u32 s8, v58;
	v3 =	vld.idx.msk [tilespmem:v3+s0+$0x0], $0xffff;
	v2 =	vand.u32 $0x7FFFFFFF, v2  }
0x574: {  	v9 =	vld.idx.msk [tilespmem:v9+s0+$0x0], $0xffff;
	v6 =	vand.u32 $0x7FFFFFFF, v6;
	[tilespmem:v10+s1+$0x0] =	vst.idx.msk $0xffff, v2;
	v2 =	vor.u32 s8, v24  }
0x575: {  	v7 =	vand.u32 $0x7FFFFFFF, v7;
	v10 =	vor.u32 s8, v59;
	[tilespmem:v11+s1+$0x0] =	vst.idx.msk $0xffff, v6  }
0x576: {  	v5 =	vand.u32 $0x7FFFFFFF, v5;
	v6 =	vor.u32 s8, v21;
	[tilespmem:v12+s1+$0x0] =	vst.idx.msk $0xffff, v7  }
0x577: {  	v4 =	vand.u32 $0x7FFFFFFF, v4;
	[tilespmem:v13+s1+$0x0] =	vst.idx.msk $0xffff, v5;
	v5 =	vor.u32 v60, v1  }
0x578: {  	v48 =	vmovc v25;
	v49 =	vmov v46;
	v3 =	vand.u32 $0x7FFFFFFF, v3;
	[tilespmem:v14+s1+$0x0] =	vst.idx.msk $0xffff, v4;
	v4 =	vor.u32 v44, v1  }
0x579: {  	v46 =	vmovc v26;
	v26 =	vmov v21;
	v21 =	vld [tilespmem:$0x1FD90];
	v7 =	vand.u32 $0x7FFFFFFF, v8;
	[tilespmem:v2+s1+$0x0] =	vst.idx.msk $0xffff, v3;
	v2 =	vor.u32 v61, v1  }
0x57a: {  	v25 =	vmovc v23;
	v51 =	vmov v30;
	v8 =	vor.u32 v23, v1;
	v23 =	vld [tilespmem:$0x1FD80];
	v3 =	vand.u32 $0x7FFFFFFF, v9;
	[tilespmem:v10+s1+$0x0] =	vst.idx.msk $0xffff, v7  }
0x57b: {  	v30 =	vmov v45;
	v9 =	vor.u32 v45, v1;
	v45 =	vld [tilespmem:$0x1FDA0];
	v7 =	vor.u32 v35, v1;
	[tilespmem:v6+s1+$0x0] =	vst.idx.msk $0xffff, v3  }
0x57c: {  	v3 =	vor.u32 v63, v1;
	v5 =	vld.idx.msk [tilespmem:v5+s0+$0x0], $0xffff  }
0x57d: {  	v4 =	vld.idx.msk [tilespmem:v4+s0+$0x0], $0xffff  }
0x57e: {  	v10 =	vor.u32 s8, v32;
	v6 =	vor.u32 v43, v1;
	v2 =	vld.idx.msk [tilespmem:v2+s0+$0x0], $0xffff  }
0x57f: {  	v11 =	vor.u32 s8, v28;
	v8 =	vld.idx.msk [tilespmem:v8+s0+$0x0], $0xffff  }
0x580: {  	v12 =	vor.u32 s8, v23;
	v7 =	vld.idx.msk [tilespmem:v7+s0+$0x0], $0xffff  }
0x581: {  	v13 =	vor.u32 s8, v21;
	v3 =	vld.idx.msk [tilespmem:v3+s0+$0x0], $0xffff  }
0x582: {  	v9 =	vld.idx.msk [tilespmem:v9+s0+$0x0], $0xffff;
	v14 =	vor.u32 s8, v45;
	v4 =	vand.u32 $0x7FFFFFFF, v4  }
0x583: {  	v6 =	vld.idx.msk [tilespmem:v6+s0+$0x0], $0xffff;
	[tilespmem:v10+s1+$0x0] =	vst.idx.msk $0xffff, v4;
	v2 =	vand.u32 $0x7FFFFFFF, v2  }
0x584: {  	[tilespmem:v11+s1+$0x0] =	vst.idx.msk $0xffff, v2;
	v2 =	vand.u32 $0x7FFFFFFF, v5  }
0x585: {  	[tilespmem:v12+s1+$0x0] =	vst.idx.msk $0xffff, v2;
	v2 =	vand.u32 $0x7FFFFFFF, v7  }
0x586: {  	[tilespmem:v13+s1+$0x0] =	vst.idx.msk $0xffff, v2;
	v2 =	vand.u32 $0x7FFFFFFF, v3  }
0x587: {  	[tilespmem:v14+s1+$0x0] =	vst.idx.msk $0xffff, v2;
	v2 =	vld [tilespmem:$0x1FFB0]  }
0x588: {  	v4 =	vor.u32 s8, v62  }
0x589: {  	v5 =	vor.u32 s8, v34  }
0x58a: {  	v7 =	vor.u32 s8, v55  }
0x58b: {  	v3 =	vor.u32 v41, v1  }
0x58c: {  	v6 =	vand.u32 $0x7FFFFFFF, v6;
	v2 =	vor.u32 v2, v1  }
0x58d: {  	[tilespmem:v4+s1+$0x0] =	vst.idx.msk $0xffff, v6;
	v4 =	vand.u32 $0x7FFFFFFF, v8;
	v6 =	vor.u32 v54, v1  }
0x58e: {  	v8 =	vor.u32 v37, v1;
	[tilespmem:v5+s1+$0x0] =	vst.idx.msk $0xffff, v4;
	v4 =	vand.u32 $0x7FFFFFFF, v9  }
0x58f: {  	v5 =	vor.u32 v47, v1;
	[tilespmem:v7+s1+$0x0] =	vst.idx.msk $0xffff, v4  }
0x590: {  	v4 =	vor.u32 v17, v1;
	v3 =	vld.idx.msk [tilespmem:v3+s0+$0x0], $0xffff  }
0x591: {  	v7 =	vor.u32 v42, v1;
	v2 =	vld.idx.msk [tilespmem:v2+s0+$0x0], $0xffff  }
0x592: {  	v10 =	vor.u32 s8, v16;
	v9 =	vor.u32 v38, v1;
	v6 =	vld.idx.msk [tilespmem:v6+s0+$0x0], $0xffff  }
0x593: {  	v11 =	vor.u32 s8, v57;
	v8 =	vld.idx.msk [tilespmem:v8+s0+$0x0], $0xffff  }
0x594: {  	v12 =	vor.u32 s8, v36;
	v5 =	vld.idx.msk [tilespmem:v5+s0+$0x0], $0xffff  }
0x595: {  	v13 =	vor.u32 s8, v33;
	v4 =	vld.idx.msk [tilespmem:v4+s0+$0x0], $0xffff  }
0x596: {  	v14 =	vor.u32 s8, v39;
	v7 =	vld.idx.msk [tilespmem:v7+s0+$0x0], $0xffff;
	v2 =	vand.u32 $0x7FFFFFFF, v2  }
0x597: {  	v9 =	vld.idx.msk [tilespmem:v9+s0+$0x0], $0xffff;
	[tilespmem:v10+s1+$0x0] =	vst.idx.msk $0xffff, v2;
	v2 =	vand.u32 $0x7FFFFFFF, v6;
	v6 =	vor.u32 s8, v18  }
0x598: {  	[tilespmem:v11+s1+$0x0] =	vst.idx.msk $0xffff, v2;
	v2 =	vand.u32 $0x7FFFFFFF, v3;
	v3 =	vor.u32 s8, v52  }
0x599: {  	[tilespmem:v12+s1+$0x0] =	vst.idx.msk $0xffff, v2;
	v2 =	vand.u32 $0x7FFFFFFF, v5  }
0x59a: {  	v5 =	vld [tilespmem:$0x1FBD0];
	[tilespmem:v13+s1+$0x0] =	vst.idx.msk $0xffff, v2;
	v2 =	vand.u32 $0x7FFFFFFF, v4  }
0x59b: {  	[tilespmem:v14+s1+$0x0] =	vst.idx.msk $0xffff, v2;
	v2 =	vand.u32 $0x7FFFFFFF, v7  }
0x59c: {  	[tilespmem:v6+s1+$0x0] =	vst.idx.msk $0xffff, v2;
	v6 =	vand.u32 $0x7FFFFFFF, v8  }
0x59d: {  	[tilespmem:v3+s1+$0x0] =	vst.idx.msk $0xffff, v6;
	v6 =	vld [tilespmem:$0x1FB40]  }
0x59e: {  	v3 =	vand.u32 $0x7FFFFFFF, v9;
	v9 =	vld [tilespmem:$0x1FB60]  }
0x59f: {  	v2 =	vld [tilespmem:$0x1FB30];
	v5 =	vor.u32 s8, v5  }
0x5a0: {  	v31 =	vmov v24;
	v24 =	vmov v28;
	v28 =	vld [tilespmem:$0x1FF60];
	v4 =	vor.u32 v29, v1  }
0x5a1: {  	v11 =	vld [tilespmem:$0x1FBF0];
	v7 =	vor.u32 v19, v1  }
0x5a2: {  	v19 =	vld [tilespmem:$0x1FFA0];
	v8 =	vor.u32 v40, v1  }
0x5a3: {  	v6 =	vor.u32 v6, v1;
	v12 =	vor.u32 v9, v1;
	v9 =	vld [tilespmem:$0x1FBE0]  }
0x5a4: {  	v2 =	vor.u32 v2, v1;
	[tilespmem:v5+s1+$0x0] =	vst.idx.msk $0xffff, v3;
	v3 =	vor.u32 v20, v1;
	v20 =	vld [tilespmem:$0x1FF80]  }
0x5a5: {  	v4 =	vld.idx.msk [tilespmem:v4+s0+$0x0], $0xffff  }
0x5a6: {  	v7 =	vld.idx.msk [tilespmem:v7+s0+$0x0], $0xffff  }
0x5a7: {  	v5 =	vor.u32 v22, v1;
	v8 =	vld.idx.msk [tilespmem:v8+s0+$0x0], $0xffff  }
0x5a8: {  	v1 =	vld.idx.msk [tilespmem:v6+s0+$0x0], $0xffff;
	v6 =	vor.u32 s8, v19  }
0x5a9: {  	v2 =	vld.idx.msk [tilespmem:v2+s0+$0x0], $0xffff  }
0x5aa: {  	v13 =	vld.idx.msk [tilespmem:v12+s0+$0x0], $0xffff  }
0x5ab: {  	v3 =	vld.idx.msk [tilespmem:v3+s0+$0x0], $0xffff  }
0x5ac: {  	v9 =	vor.u32 s8, v9;
	v5 =	vld.idx.msk [tilespmem:v5+s0+$0x0], $0xffff;
	v7 =	vand.u32 $0x7FFFFFFF, v7  }
0x5ad: {  	v10 =	vor.u32 s8, v20;
	[tilespmem:v6+s1+$0x0] =	vst.idx.msk $0xffff, v7;
	v6 =	vor.u32 s8, v0;
	v0 =	vld [tilespmem:$0x1FC10]  }
0x5ae: {  	v11 =	vor.u32 s8, v11  }
0x5af: {  	v12 =	vor.u32 s8, v28  }
0x5b0: {  	v2 =	vand.u32 $0x7FFFFFFF, v2  }
0x5b1: {  	[tilespmem:v9+s1+$0x0] =	vst.idx.msk $0xffff, v2;
	v2 =	vand.u32 $0x7FFFFFFF, v4;
	v4 =	vor.u32 s8, v27  }
0x5b2: {  	v1 =	vand.u32 $0x7FFFFFFF, v1;
	[tilespmem:v10+s1+$0x0] =	vst.idx.msk $0xffff, v2;
	v2 =	vor.u32 s8, v0  }
0x5b3: {  	[tilespmem:v11+s1+$0x0] =	vst.idx.msk $0xffff, v1;
	v1 =	vand.u32 $0x7FFFFFFF, v3  }
0x5b4: {  	[tilespmem:v12+s1+$0x0] =	vst.idx.msk $0xffff, v1;
	v1 =	vand.u32 $0x7FFFFFFF, v5  }
0x5b5: {  	[tilespmem:v6+s1+$0x0] =	vst.idx.msk $0xffff, v1;
	v1 =	vand.u32 $0x7FFFFFFF, v8  }
0x5b6: {  	s15 =	rddreg [dreg:$0xf];
	v0 =	vand.u32 $0x7FFFFFFF, v13;
	[tilespmem:v4+s1+$0x0] =	vst.idx.msk $0xffff, v1  }
0x5b7: {  	s8 =	sadd.s32 s10, s15;
	[tilespmem:v2+s1+$0x0] =	vst.idx.msk $0xffff, v0  }
0x5b8: {  	v42 =	vmov v52;
	[hbm4b:s8+s3] =	stream.linear.scatter [tilespmem:s1], [sflag:$0x3], $0x1000, $0x38;
	[tilespmem:$0x19000] =	vst v63  }
0x5b9: {  	s16 =	sadd.s32 s10, s19;
	p0 =	sne.s32 s11, $0x19;
	v50 =	vmovc v60;
	v60 =	vmov v44;
	v44 =	vmov v61;
	v61 =	vmov v32  }
0x5ba: {  	v32 =	vmovc v36;
	v37 =	vld [tilespmem:$0x1FF50];
	v38 =	vmovc v39;
	v39 =	vmov v18;
	v47 =	vmov v54;
	v17 =	vmov v57;
	[hbm4b:s16+s3] =	stream.linear.scatter [tilespmem:s23], [sflag:$0x3], $0x1000, $0x38  }
.Ltmp7:
0x5bb: {  	v57 =	vmovc v34;
	v18 =	vmovc v42;
	v42 =	vmov v28;
	v52 =	vmov v31;
	v31 =	vmov v26;
	v7 =	vld [tilespmem:$0x1FE10];
	(pc) =	sbr.rel @p0 .LBB2_2-.Ltmp7, $4  }
0x5bc: {  	s17 =	sadd.s32 s10, s20;
	v29 =	vmovc v56;
	v56 =	vmovc v24;
	v14 =	vmov v46;
	v46 =	vmov v25;
	v25 =	vmov v23;
	v9 =	vld [tilespmem:$0x1FDF0]  }
0x5bd: {  	v23 =	vmovc v17;
	v10 =	vmovc v51;
	v51 =	vmov v35;
	v11 =	vmov v49;
	v49 =	vmov v44;
	v12 =	vld [tilespmem:$0x1FDE0];
	[hbm4b:s17+s3] =	stream.linear.scatter [tilespmem:s5], [sflag:$0x3], $0x1000, $0x38  }
0x5be: {  	s18 =	sadd.s32 s10, s21;
	v44 =	vmovc v27;
	v6 =	vld [tilespmem:$0x1FE00];
	v13 =	vmovc v48;
	v48 =	vmov v60;
	v60 =	vmov v63;
	v2 =	vmov v58;
	s8 =	smov.u32 s11  }
0x5bf: {  	v8 =	vld [tilespmem:$0x1FE20];
	v63 =	vmovc v16;
	v58 =	vmovc v43;
	v43 =	vmov v21;
	v0 =	vmov v45;
	v35 =	vmov v2;
	[hbm4b:s18+s3] =	stream.linear.scatter [tilespmem:s7], [sflag:$0x3], $0x1000, $0x38  }
0x5c0: {  	_ =	swait.ge [sflag:s25], $0x1000  }
0x5c1: {  	[sflag:s25] =	ssyncset.done $0x0  }
0x5c2: {  	[sflag:s25] =	ssyncadd.s32 $0xFFFFF000  }
0x5c3: {  	_ =	swait.ge [sflag:s25], $0x1000  }
0x5c4: {  	[sflag:s25] =	ssyncset.done $0x0  }
0x5c5: {  	[sflag:s25] =	ssyncadd.s32 $0xFFFFF000  }
0x5c6: {  	_ =	swait.ge [sflag:s25], $0x1000  }
0x5c7: {  	[sflag:s25] =	ssyncset.done $0x0  }
0x5c8: {  	[sflag:s25] =	ssyncadd.s32 $0xFFFFF000  }
0x5c9: {  	_ =	swait.ge [sflag:s25], $0x1000  }
0x5ca: {  	[sflag:s25] =	ssyncset.done $0x0  }
0x5cb: {  	[sflag:s25] =	ssyncadd.s32 $0xFFFFF000  }
0x5cc: {  	_ =	swait.ge [sflag:s25], $0x1000  }
0x5cd: {  	[sflag:s25] =	ssyncset.done $0x0  }
0x5ce: {  	[sflag:s25] =	ssyncadd.s32 $0xFFFFF000  }
0x5cf: {  	_ =	swait.ge [sflag:s25], $0x1000  }
0x5d0: {  	[sflag:s25] =	ssyncset.done $0x0  }
0x5d1: {  	[sflag:s25] =	ssyncadd.s32 $0xFFFFF000  }
0x5d2: {  	_ =	swait.ge [sflag:s25], $0x1000  }
0x5d3: {  	[sflag:s25] =	ssyncset.done $0x0  }
0x5d4: {  	[sflag:s25] =	ssyncadd.s32 $0xFFFFF000  }
0x5d5: {  	_ =	swait.ge [sflag:s25], $0x1000  }
0x5d6: {  	s9 =	rddreg [dreg:$0x11]  }
0x5d7: {  	s8 =	rddreg [dreg:$0x10];
	s9 =	sadd.s32 $0x1, s9  }
0x5d8: {  	p0 =	sne.s32 s9, s8  }
.Ltmp8:
0x5d9: {  	_ = 	snop;
	(pc) =	sbr.rel @p0 .LBB2_1-.Ltmp8, $3  }
0x5da: {  	_ =	sdelay $0x1  }
0x5db: {  	[sflag:s25] =	ssyncset.done $0x0  }
0x5dc: {  	[sflag:s25] =	ssyncadd.s32 $0xFFFFF000  }
0x5dd: {  	_ =	sfence.sel $0x180000  }
0x5de: {  	[bflag:$0x0] =	sbarrier.arrive $0xFFFF  }
0x5df: {  	_ =	strace $0x90000047  }
0x5e0: {  	s0 =	stileid.u32;
	[bflag:$0x2] =	sbarrier.arrive $0xFFFF  }
0x5e1: {  	p0 =	sne.s32 s0, $0x0;
	s0 =	rddreg [dreg:$0x2]  }
0x5e2: {  	s0 =	sadd.s32 @!p0 $0x100000, s0  }
0x5e3: {  	[sflag:s0] =	ssyncadd.tile.s32 @!p0 $0x1;
	_ =	shalt  }
.Lfunc_end2:
_tile_overlayer_lowered:
.L_overlay_start_2:
0x5e4: {  	(tag) =	ssettag $0x2  }
0x5e5: {  	s0 =	rddreg [dreg:$0x0];
	s2 =	stileid.u32  }
0x5e6: {  	s1 =	rddreg [dreg:$0x1];
	p0 =	sne.s32 s2, $0x0  }
0x5e7: {  	s3 =	rddreg [dreg:$0x2];
	[bflag:$0x3] =	sbarrier.arrive $0xFFFF;
	s2 =	simm.s32 @!p0 $0x1C04  }
0x5e8: {  	[timem:s3], [sflag:s2] =	dma.local @!p0 [hbm:s0], s1  }
0x5e9: {  	s0 =	simm.s32 @!p0 $0x4  }
0x5ea: {  	_ =	swait.ge @!p0 [sflag:s0], s1  }
0x5eb: {  	s1 =	ssub.s32 @!p0 $0x0, s1;
	[sflag:s0] =	ssyncset.done @!p0 $0x0  }
0x5ec: {  	[sflag:s0] =	ssyncadd.s32 @!p0 s1  }
0x5ed: {  	[bflag:$0x3] =	sbarrier.arrive $0xFFFF  }
0x5ee: {  	_ =	shalt  }

</sc_bundles>
